<compile_context>
chip_gen: v7x
topology: tpu7x:2x2x1
jax: 0.10.2.dev20260603
libtpu: 0.0.44.dev20260713+nightly
codegen_flags: <defaults>
</compile_context>

<pallas_src>
import functools

import jax
import jax.numpy as jnp
from jax import lax
from jax.experimental import pallas as pl
from jax.experimental.pallas import tpu as pltpu
from jax.experimental.pallas import tpu_sc as plsc

_NC = 2
_NS = 16
_NW = _NC * _NS
_C = 80
_MB = 512


def _sc_mesh():
    return plsc.VectorSubcoreMesh(core_axis_name="c", subcore_axis_name="s")


def _sub_slice(s, rps):
    return pl.ds(pl.multiple_of(s * rps, 8), rps)


_NB = 2


def _pipelined_edge_pass(table_hbm, src_v, dst_v, row_v, gsems, acc,
                         w_chunks, c_w):
    def src_sl(jj):
        return src_v.at[pl.ds(pl.multiple_of(jj * c_w, 8), c_w)]

    def start(jj, sub):
        pltpu.async_copy(table_hbm.at[src_sl(jj)], row_v.at[sub],
                         gsems[sub])

    def wait(jj, sub):
        pltpu.make_async_copy(table_hbm.at[src_sl(jj)], row_v.at[sub],
                              gsems[sub]).wait()

    for sub in range(_NB):
        start(sub, sub)

    main = (w_chunks // _NB) * _NB

    @pl.loop(0, main, step=_NB)
    def _(j):
        for sub in range(_NB):
            jj = j + sub
            wait(jj, sub)
            pltpu.sync_copy(row_v.at[sub], acc.at[dst_v.at[jj]], add=True)

            @pl.when(jj + _NB < w_chunks)
            def _():
                start(jj + _NB, sub)

    for sub in range(w_chunks - main):
        jj = main + sub
        wait(jj, sub)
        pltpu.sync_copy(row_v.at[sub], acc.at[dst_v.at[jj]], add=True)


def _sc_agg_first(x, src_flat, dst3d, zeros_x, ones_c):
    n, f = x.shape
    _, w_chunks, c_w = dst3d.shape
    ew = w_chunks * c_w
    rps = n // _NS

    @functools.partial(
        pl.kernel,
        out_type=[jax.ShapeDtypeStruct((_NC, n, f), jnp.float32),
                  jax.ShapeDtypeStruct((_NC, n, f), jnp.float32)],
        mesh=_sc_mesh(),
        scratch_types=[
            pltpu.VMEM_SHARED((n, f), jnp.float32),
            pltpu.VMEM((ew,), jnp.int32),
            pltpu.VMEM((w_chunks, c_w), jnp.int32),
            pltpu.VMEM((_NB, c_w, f), jnp.float32),
        ] + [pltpu.SemaphoreType.DMA] * _NB,
    )
    def k(x_hbm, src_hbm, dst_hbm, zx_hbm, ones_hbm,
          aggp_hbm, cntp_hbm, acc_x, src_v, dst_v, row_v, *gsems):
        c = lax.axis_index("c")
        s = lax.axis_index("s")
        wid = c * _NS + s
        sl = _sub_slice(s, rps)
        pltpu.sync_copy(zx_hbm, acc_x.at[sl])
        pltpu.sync_copy(
            src_hbm.at[pl.ds(pl.multiple_of(wid * ew, 8), ew)], src_v)
        pltpu.sync_copy(dst_hbm.at[wid], dst_v)
        plsc.subcore_barrier()

        _pipelined_edge_pass(x_hbm, src_v, dst_v, row_v, gsems, acc_x,
                             w_chunks, c_w)

        plsc.subcore_barrier()
        pltpu.sync_copy(acc_x.at[sl], aggp_hbm.at[c].at[sl])
        plsc.subcore_barrier()

        pltpu.sync_copy(zx_hbm, acc_x.at[sl])
        pltpu.sync_copy(ones_hbm, row_v.at[0])
        plsc.subcore_barrier()

        @pl.loop(0, w_chunks)
        def _(j):
            pltpu.sync_copy(row_v.at[0], acc_x.at[dst_v.at[j]], add=True)

        plsc.subcore_barrier()
        pltpu.sync_copy(acc_x.at[sl], cntp_hbm.at[c].at[sl])

    return k(x, src_flat, dst3d, zeros_x, ones_c)


def _sc_agg_second(p8, src_flat, dst3d, zeros_x):
    ncj, n, f = p8.shape
    _, w_chunks, c_w = dst3d.shape
    ew = w_chunks * c_w
    rps = n // _NS

    @functools.partial(
        pl.kernel,
        out_type=jax.ShapeDtypeStruct((_NC, ncj, n, f), jnp.float32),
        mesh=_sc_mesh(),
        scratch_types=[
            pltpu.VMEM_SHARED((n, f), jnp.float32),
            pltpu.VMEM((ew,), jnp.int32),
            pltpu.VMEM((w_chunks, c_w), jnp.int32),
            pltpu.VMEM((_NB, c_w, f), jnp.float32),
        ] + [pltpu.SemaphoreType.DMA] * _NB,
    )
    def k(p8_hbm, src_hbm, dst_hbm, zx_hbm, out_hbm,
          acc, src_v, dst_v, row_v, *gsems):
        c = lax.axis_index("c")
        s = lax.axis_index("s")
        wid = c * _NS + s
        sl = _sub_slice(s, rps)
        pltpu.sync_copy(
            src_hbm.at[pl.ds(pl.multiple_of(wid * ew, 8), ew)], src_v)
        pltpu.sync_copy(dst_hbm.at[wid], dst_v)
        for cj in range(ncj):
            pltpu.sync_copy(zx_hbm, acc.at[sl])
            plsc.subcore_barrier()

            _pipelined_edge_pass(p8_hbm.at[cj], src_v, dst_v, row_v,
                                 gsems, acc, w_chunks, c_w)

            plsc.subcore_barrier()
            pltpu.sync_copy(acc.at[sl], out_hbm.at[c].at[cj].at[sl])
            plsc.subcore_barrier()

    return k(p8, src_flat, dst3d, zeros_x)


def _tc_layer1_project(x, aggp, cntp, w1l, b1, w1r, w2l):
    n, f = x.shape
    h1d = w1l.shape[1]
    h2d = w2l.shape[1]
    ncj = h2d // 128
    grid = (n // _MB,)

    def body(x_ref, aggp_ref, cntp_ref, w1l_ref, b1_ref, w1r_ref,
             w2l_ref, p8_ref, h1_ref):
        cnt = cntp_ref[0, :, 0:1] + cntp_ref[1, :, 0:1]
        inv = 1.0 / jnp.maximum(cnt, 1.0)
        mean1 = (aggp_ref[0] + aggp_ref[1]) * inv
        h1 = jnp.maximum(
            jnp.dot(mean1, w1l_ref[...], preferred_element_type=jnp.float32)
            + jnp.dot(x_ref[...], w1r_ref[...], preferred_element_type=jnp.float32)
            + b1_ref[...], 0.0)
        h1_ref[...] = h1
        p = jnp.dot(h1, w2l_ref[...], preferred_element_type=jnp.float32)
        for cj in range(ncj):
            p8_ref[cj] = p[:, cj * 128:(cj + 1) * 128]

    return pl.pallas_call(
        body,
        grid=grid,
        in_specs=[
            pl.BlockSpec((_MB, f), lambda m: (m, 0)),
            pl.BlockSpec((_NC, _MB, f), lambda m: (0, m, 0)),
            pl.BlockSpec((_NC, _MB, 128), lambda m: (0, m, 0)),
            pl.BlockSpec((f, h1d), lambda m: (0, 0)),
            pl.BlockSpec((1, h1d), lambda m: (0, 0)),
            pl.BlockSpec((f, h1d), lambda m: (0, 0)),
            pl.BlockSpec((h1d, h2d), lambda m: (0, 0)),
        ],
        out_specs=[
            pl.BlockSpec((ncj, _MB, 128), lambda m: (0, m, 0)),
            pl.BlockSpec((_MB, h1d), lambda m: (m, 0)),
        ],
        out_shape=[
            jax.ShapeDtypeStruct((ncj, n, 128), jnp.float32),
            jax.ShapeDtypeStruct((n, h1d), jnp.float32),
        ],
    )(x, aggp, cntp, w1l, b1, w1r, w2l)


def _tc_q(h1, w2r):
    n, h1d = h1.shape
    h2d = w2r.shape[1]
    grid = (n // _MB,)

    def body(h1_ref, w2r_ref, q_ref):
        q_ref[...] = jnp.dot(h1_ref[...], w2r_ref[...],
                             preferred_element_type=jnp.float32)

    return pl.pallas_call(
        body,
        grid=grid,
        in_specs=[
            pl.BlockSpec((_MB, h1d), lambda m: (m, 0)),
            pl.BlockSpec((h1d, h2d), lambda m: (0, 0)),
        ],
        out_specs=pl.BlockSpec((_MB, h2d), lambda m: (m, 0)),
        out_shape=jax.ShapeDtypeStruct((n, h2d), jnp.float32),
    )(h1, w2r)


def _tc_finalize(agg2p, cntp, q, b2):
    _, ncj, n, f = agg2p.shape
    h2d = ncj * 128
    grid = (n // _MB,)

    def body(aggp_ref, cntp_ref, q_ref, b2_ref, o_ref):
        cnt = cntp_ref[0, :, 0:1] + cntp_ref[1, :, 0:1]
        inv = 1.0 / jnp.maximum(cnt, 1.0)
        agg = jnp.concatenate(
            [aggp_ref[0, cj] + aggp_ref[1, cj] for cj in range(ncj)], axis=1)
        h = jnp.maximum(agg * inv + q_ref[...] + b2_ref[...], 0.0)
        nrm = jnp.sqrt(jnp.sum(h * h, axis=1, keepdims=True))
        o_ref[...] = h / jnp.maximum(nrm, 1e-12)

    return pl.pallas_call(
        body,
        grid=grid,
        in_specs=[
            pl.BlockSpec((_NC, ncj, _MB, 128), lambda m: (0, 0, m, 0)),
            pl.BlockSpec((_NC, _MB, 128), lambda m: (0, m, 0)),
            pl.BlockSpec((_MB, h2d), lambda m: (m, 0)),
            pl.BlockSpec((1, h2d), lambda m: (0, 0)),
        ],
        out_specs=pl.BlockSpec((_MB, h2d), lambda m: (m, 0)),
        out_shape=jax.ShapeDtypeStruct((n, h2d), jnp.float32),
    )(agg2p, cntp, q, b2)


def kernel(x, unused, edge_index, W1l, b1, W1r, W2l, b2, W2r):
    n, f = x.shape
    e = edge_index.shape[1]
    n_pad = ((n + 2 * _MB - 1) // (2 * _MB)) * (2 * _MB)
    x_p = jnp.pad(x, ((0, n_pad - n), (0, 0)))
    src_flat = edge_index[0]
    dst3d = edge_index[1].reshape(_NW, e // (_NW * _C), _C)
    rps = n_pad // _NS
    zeros_x = jnp.zeros((rps, f), jnp.float32)
    ones_c = jnp.ones((_C, 128), jnp.float32)

    aggp, cntp = _sc_agg_first(x_p, src_flat, dst3d, zeros_x, ones_c)
    p8, h1 = _tc_layer1_project(x_p, aggp, cntp, W1l, b1.reshape(1, -1),
                                W1r, W2l)
    q = _tc_q(h1, W2r)
    agg2p = _sc_agg_second(p8, src_flat, dst3d, zeros_x)
    return _tc_finalize(agg2p, cntp, q, b2.reshape(1, -1))[:n]

# --- scband reference (transcript-rebuilt; emitter-appended) ---
"""Pipeline reference for scband-gnn-graph-sage-43095701848157 (READ-ONLY COPY).

The authoritative reference and input builder live on the scoring server;
editing this copy changes nothing except your own understanding.
"""

import jax, jax.numpy as jnp
import numpy as np

N = 10000
E = 320000
F_IN = 128
H1 = 2048
H2 = 1024


def setup_inputs(seed: int = 0) -> dict:
    key = jax.random.key(seed)
    ks = jax.random.split(key, 8)
    x = jax.random.normal(ks[0], (N, F_IN), dtype=jnp.float32)
    unused = jnp.zeros((1,), dtype=jnp.float32)
    edge_index = jax.random.randint(ks[1], (2, E), 0, N, dtype=jnp.int32)
    W1l = jax.random.normal(ks[2], (F_IN, H1), dtype=jnp.float32) * 0.02
    b1 = jnp.zeros((H1,), dtype=jnp.float32)
    W1r = jax.random.normal(ks[3], (F_IN, H1), dtype=jnp.float32) * 0.02
    W2l = jax.random.normal(ks[4], (H1, H2), dtype=jnp.float32) * 0.02
    b2 = jnp.zeros((H2,), dtype=jnp.float32)
    W2r = jax.random.normal(ks[5], (H1, H2), dtype=jnp.float32) * 0.02
    return {"x": x, "unused": unused, "edge_index": edge_index,
            "W1l": W1l, "b1": b1, "W1r": W1r,
            "W2l": W2l, "b2": b2, "W2r": W2r}


def _sage_conv(x, edge_index, Wl, b, Wr):
    # PyG SAGEConv with aggr='mean': out = lin_l(mean_{j in N(i)} x_j) + lin_r(x_i)
    src = edge_index[0]
    dst = edge_index[1]
    n = x.shape[0]
    msgs = jnp.take(x, src, axis=0)                       # gather (SparseCore)
    agg = jax.ops.segment_sum(msgs, dst, num_segments=n)  # scatter-add
    cnt = jax.ops.segment_sum(jnp.ones((src.shape[0],), dtype=x.dtype), dst, num_segments=n)
    mean = agg / jnp.maximum(cnt, 1.0)[:, None]
    return mean @ Wl + b + x @ Wr


def reference(x, unused, edge_index, W1l, b1, W1r, W2l, b2, W2r):
    h = jax.nn.relu(_sage_conv(x, edge_index, W1l, b1, W1r))
    h = jax.nn.relu(_sage_conv(h, edge_index, W2l, b2, W2r))
    # F.normalize(x, dim=1): x / max(||x||_2, eps)
    norm = jnp.linalg.norm(h, axis=1, keepdims=True)
    return h / jnp.maximum(norm, 1e-12)

if __name__ == "__main__":
    import jax
    _d = setup_inputs()
    print(jax.jit(kernel)(*tuple(_d.values())))

</pallas_src>

<mosaic_0001>
#map = affine_map<(d0, d1) -> (0, 0)>
#map1 = affine_map<(d0, d1) -> (0)>
#map2 = affine_map<(d0, d1) -> (0, 0, 0)>
module attributes {stable_mosaic.version = 14 : i64} {
  func.func @k(%arg0: i32, %arg1: i32, %arg2: memref<10240x128xf32, #tpu.memory_space<hbm>>, %arg3: memref<320000xi32, #tpu.memory_space<hbm>>, %arg4: memref<32x125x80xi32, #tpu.memory_space<hbm>>, %arg5: memref<640x128xf32, #tpu.memory_space<hbm>>, %arg6: memref<80x128xf32, #tpu.memory_space<hbm>>, %arg7: memref<2x10240x128xf32, #tpu.memory_space<hbm>>, %arg8: memref<2x10240x128xf32, #tpu.memory_space<hbm>>, %arg9: memref<10240x128xf32, #tpu.memory_space<vmem_shared>>, %arg10: memref<10000xi32, #tpu.memory_space<vmem>>, %arg11: memref<125x80xi32, #tpu.memory_space<vmem>>, %arg12: memref<2x80x128xf32, #tpu.memory_space<vmem>>, %arg13: memref<!tpu.dma_semaphore, #tpu.memory_space<semaphore_mem>>, %arg14: memref<!tpu.dma_semaphore, #tpu.memory_space<semaphore_mem>>) attributes {dimension_semantics = [#tpu.dimension_semantics<core_parallel>, #tpu.dimension_semantics<subcore_parallel>], iteration_bounds = array<i64: 2, 16>, scalar_prefetch = 0 : i64, scratch_operands = 6 : i64, tpu.core_type = #tpu.core_type<sc_vector_subcore>, window_params = [{transform_indices = #map}, {transform_indices = #map1}, {transform_indices = #map2}, {transform_indices = #map}, {transform_indices = #map}, {transform_indices = #map2}, {transform_indices = #map2}]} {
    %mul3A = arith.constant 16 : i32
    %mul3A_0 = arith.muli %arg0, %mul3A : i32
    %add3A = arith.addi %mul3A_0, %arg1 : i32
    %mul3A_1 = arith.constant 640 : i32
    %mul3A_2 = arith.muli %arg1, %mul3A_1 : i32
    %multiple_of3A = tpu.assume_multiple %mul3A_2, 8 : i32
    "tpu.region"() ({
      %run_scoped3A_52 = tpu.sem_alloc : memref<!tpu.dma_semaphore, #tpu.memory_space<semaphore_mem>>
      %dma_start3A_53 = arith.constant 0 : i32
      %dma_start3A_54 = tpu.memref_slice %arg9[%multiple_of3A, %dma_start3A_53] : memref<10240x128xf32, #tpu.memory_space<vmem_shared>> -> memref<640x128xf32, #tpu.memory_space<vmem_shared>>
      tpu.enqueue_dma source(%arg5 : memref<640x128xf32, #tpu.memory_space<hbm>>) target(%dma_start3A_54 : memref<640x128xf32, #tpu.memory_space<vmem_shared>>) target_semaphore(%run_scoped3A_52 : memref<!tpu.dma_semaphore, #tpu.memory_space<semaphore_mem>>)
      %dma_wait3A_55 = arith.constant 0 : i32
      %dma_wait3A_56 = tpu.memref_slice %arg9[%multiple_of3A, %dma_wait3A_55] : memref<10240x128xf32, #tpu.memory_space<vmem_shared>> -> memref<640x128xf32, #tpu.memory_space<vmem_shared>>
      tpu.wait_dma2 semaphore(%run_scoped3A_52 : memref<!tpu.dma_semaphore, #tpu.memory_space<semaphore_mem>>) src(%arg5 : memref<640x128xf32, #tpu.memory_space<hbm>>) dst(%dma_wait3A_56 : memref<640x128xf32, #tpu.memory_space<vmem_shared>>)
      tpu.yield
    }) : () -> ()
    %mul3A_3 = arith.constant 10000 : i32
    %mul3A_4 = arith.muli %add3A, %mul3A_3 : i32
    %multiple_of3A_5 = tpu.assume_multiple %mul3A_4, 8 : i32
    "tpu.region"() ({
      %run_scoped3A_52 = tpu.sem_alloc : memref<!tpu.dma_semaphore, #tpu.memory_space<semaphore_mem>>
      %dma_start3A_53 = tpu.memref_slice %arg3[%multiple_of3A_5] : memref<320000xi32, #tpu.memory_space<hbm>> -> memref<10000xi32, #tpu.memory_space<hbm>>
      %dma_start3A_54 = tpu.memref_slice %arg3[%multiple_of3A_5] : memref<320000xi32, #tpu.memory_space<hbm>> -> memref<10000xi32, #tpu.memory_space<hbm>>
      tpu.enqueue_dma source(%dma_start3A_54 : memref<10000xi32, #tpu.memory_space<hbm>>) target(%arg10 : memref<10000xi32, #tpu.memory_space<vmem>>) target_semaphore(%run_scoped3A_52 : memref<!tpu.dma_semaphore, #tpu.memory_space<semaphore_mem>>)
      %dma_wait3A_55 = tpu.memref_slice %arg3[%multiple_of3A_5] : memref<320000xi32, #tpu.memory_space<hbm>> -> memref<10000xi32, #tpu.memory_space<hbm>>
      %dma_wait3A_56 = tpu.memref_slice %arg3[%multiple_of3A_5] : memref<320000xi32, #tpu.memory_space<hbm>> -> memref<10000xi32, #tpu.memory_space<hbm>>
      tpu.wait_dma2 semaphore(%run_scoped3A_52 : memref<!tpu.dma_semaphore, #tpu.memory_space<semaphore_mem>>) src(%dma_wait3A_56 : memref<10000xi32, #tpu.memory_space<hbm>>) dst(%arg10 : memref<10000xi32, #tpu.memory_space<vmem>>)
      tpu.yield
    }) : () -> ()
    "tpu.region"() ({
      %run_scoped3A_52 = tpu.sem_alloc : memref<!tpu.dma_semaphore, #tpu.memory_space<semaphore_mem>>
      %dma_start3A_53 = arith.constant 0 : i32
      %dma_start3A_54 = arith.constant 0 : i32
      %dma_start3A_55 = tpu.memref_slice %arg4[%add3A, %dma_start3A_53, %dma_start3A_54] : memref<32x125x80xi32, #tpu.memory_space<hbm>> -> memref<1x125x80xi32, #tpu.memory_space<hbm>>
      %dma_start3A_56 = tpu.memref_squeeze %dma_start3A_55 : memref<1x125x80xi32, #tpu.memory_space<hbm>> -> memref<125x80xi32, #tpu.memory_space<hbm>>
      %dma_start3A_57 = arith.constant 0 : i32
      %dma_start3A_58 = arith.constant 0 : i32
      %dma_start3A_59 = tpu.memref_slice %arg4[%add3A, %dma_start3A_57, %dma_start3A_58] : memref<32x125x80xi32, #tpu.memory_space<hbm>> -> memref<1x125x80xi32, #tpu.memory_space<hbm>>
      %dma_start3A_60 = tpu.memref_squeeze %dma_start3A_59 : memref<1x125x80xi32, #tpu.memory_space<hbm>> -> memref<125x80xi32, #tpu.memory_space<hbm>>
      tpu.enqueue_dma source(%dma_start3A_60 : memref<125x80xi32, #tpu.memory_space<hbm>>) target(%arg11 : memref<125x80xi32, #tpu.memory_space<vmem>>) target_semaphore(%run_scoped3A_52 : memref<!tpu.dma_semaphore, #tpu.memory_space<semaphore_mem>>)
      %dma_wait3A_61 = arith.constant 0 : i32
      %dma_wait3A_62 = arith.constant 0 : i32
      %dma_wait3A_63 = tpu.memref_slice %arg4[%add3A, %dma_wait3A_61, %dma_wait3A_62] : memref<32x125x80xi32, #tpu.memory_space<hbm>> -> memref<1x125x80xi32, #tpu.memory_space<hbm>>
      %dma_wait3A_64 = tpu.memref_squeeze %dma_wait3A_63 : memref<1x125x80xi32, #tpu.memory_space<hbm>> -> memref<125x80xi32, #tpu.memory_space<hbm>>
      %dma_wait3A_65 = arith.constant 0 : i32
      %dma_wait3A_66 = arith.constant 0 : i32
      %dma_wait3A_67 = tpu.memref_slice %arg4[%add3A, %dma_wait3A_65, %dma_wait3A_66] : memref<32x125x80xi32, #tpu.memory_space<hbm>> -> memref<1x125x80xi32, #tpu.memory_space<hbm>>
      %dma_wait3A_68 = tpu.memref_squeeze %dma_wait3A_67 : memref<1x125x80xi32, #tpu.memory_space<hbm>> -> memref<125x80xi32, #tpu.memory_space<hbm>>
      tpu.wait_dma2 semaphore(%run_scoped3A_52 : memref<!tpu.dma_semaphore, #tpu.memory_space<semaphore_mem>>) src(%dma_wait3A_68 : memref<125x80xi32, #tpu.memory_space<hbm>>) dst(%arg11 : memref<125x80xi32, #tpu.memory_space<vmem>>)
      tpu.yield
    }) : () -> ()
    %barrier3A = arith.constant 0 : index
    tpu.barrier barrier_id(%barrier3A)
    %multiple_of3A_6 = arith.constant 0 : i32
    %multiple_of3A_7 = tpu.assume_multiple %multiple_of3A_6, 8 : i32
    %dma_start3A = arith.constant 0 : i32
    %dma_start3A_8 = arith.constant 0 : i32
    %dma_start3A_9 = arith.constant 0 : i32
    %dma_start3A_10 = tpu.memref_slice %arg12[%dma_start3A, %dma_start3A_8, %dma_start3A_9] : memref<2x80x128xf32, #tpu.memory_space<vmem>> -> memref<1x80x128xf32, #tpu.memory_space<vmem>>
    %dma_start3A_11 = tpu.memref_squeeze %dma_start3A_10 : memref<1x80x128xf32, #tpu.memory_space<vmem>> -> memref<80x128xf32, #tpu.memory_space<vmem>>
    %dma_start3A_12 = tpu.memref_slice %arg10[%multiple_of3A_7] : memref<10000xi32, #tpu.memory_space<vmem>> -> memref<80xi32, #tpu.memory_space<vmem>>
    %dma_start3A_13 = arith.constant 0 : i32
    %dma_start3A_14 = arith.constant 0 : i32
    %dma_start3A_15 = tpu.memref_slice %arg2[%dma_start3A_13, %dma_start3A_14] : memref<10240x128xf32, #tpu.memory_space<hbm>> -> memref<10240x128xf32, #tpu.memory_space<hbm>>
    tpu.enqueue_indirect_dma source(%dma_start3A_15 : memref<10240x128xf32, #tpu.memory_space<hbm>>) target(%dma_start3A_11 : memref<80x128xf32, #tpu.memory_space<vmem>>) offsets(%dma_start3A_12 : memref<80xi32, #tpu.memory_space<vmem>>) semaphore(%arg13 : memref<!tpu.dma_semaphore, #tpu.memory_space<semaphore_mem>>)
    %multiple_of3A_16 = arith.constant 80 : i32
    %multiple_of3A_17 = tpu.assume_multiple %multiple_of3A_16, 8 : i32
    %dma_start3A_18 = arith.constant 1 : i32
    %dma_start3A_19 = arith.constant 0 : i32
    %dma_start3A_20 = arith.constant 0 : i32
    %dma_start3A_21 = tpu.memref_slice %arg12[%dma_start3A_18, %dma_start3A_19, %dma_start3A_20] : memref<2x80x128xf32, #tpu.memory_space<vmem>> -> memref<1x80x128xf32, #tpu.memory_space<vmem>>
    %dma_start3A_22 = tpu.memref_squeeze %dma_start3A_21 : memref<1x80x128xf32, #tpu.memory_space<vmem>> -> memref<80x128xf32, #tpu.memory_space<vmem>>
    %dma_start3A_23 = tpu.memref_slice %arg10[%multiple_of3A_17] : memref<10000xi32, #tpu.memory_space<vmem>> -> memref<80xi32, #tpu.memory_space<vmem>>
    %dma_start3A_24 = arith.constant 0 : i32
    %dma_start3A_25 = arith.constant 0 : i32
    %dma_start3A_26 = tpu.memref_slice %arg2[%dma_start3A_24, %dma_start3A_25] : memref<10240x128xf32, #tpu.memory_space<hbm>> -> memref<10240x128xf32, #tpu.memory_space<hbm>>
    tpu.enqueue_indirect_dma source(%dma_start3A_26 : memref<10240x128xf32, #tpu.memory_space<hbm>>) target(%dma_start3A_22 : memref<80x128xf32, #tpu.memory_space<vmem>>) offsets(%dma_start3A_23 : memref<80xi32, #tpu.memory_space<vmem>>) semaphore(%arg14 : memref<!tpu.dma_semaphore, #tpu.memory_space<semaphore_mem>>)
    %scan3A = arith.constant 0 : i32
    %scan3A_27 = arith.constant 62 : i32
    %scan3A_28 = arith.addi %scan3A, %scan3A_27 : i32
    %scan3A_29 = arith.constant 1 : i32
    scf.for %scan3A_52 = %scan3A to %scan3A_28 step %scan3A_29  : i32 {
      %mul3A_53 = arith.constant 2 : i32
      %mul3A_54 = arith.muli %scan3A_52, %mul3A_53 : i32
      %add3A_55 = arith.constant 0 : i32
      %add3A_56 = arith.addi %add3A_55, %mul3A_54 : i32
      %add3A_57 = arith.constant 0 : i32
      %add3A_58 = arith.addi %add3A_56, %add3A_57 : i32
      %mul3A_59 = arith.constant 80 : i32
      %mul3A_60 = arith.muli %add3A_58, %mul3A_59 : i32
      %multiple_of3A_61 = tpu.assume_multiple %mul3A_60, 8 : i32
      %dma_wait3A_62 = arith.constant 0 : i32
      %dma_wait3A_63 = arith.constant 0 : i32
      %dma_wait3A_64 = arith.constant 0 : i32
      %dma_wait3A_65 = tpu.memref_slice %arg12[%dma_wait3A_62, %dma_wait3A_63, %dma_wait3A_64] : memref<2x80x128xf32, #tpu.memory_space<vmem>> -> memref<1x80x128xf32, #tpu.memory_space<vmem>>
      %dma_wait3A_66 = tpu.memref_squeeze %dma_wait3A_65 : memref<1x80x128xf32, #tpu.memory_space<vmem>> -> memref<80x128xf32, #tpu.memory_space<vmem>>
      %dma_wait3A_67 = tpu.memref_slice %arg10[%multiple_of3A_61] : memref<10000xi32, #tpu.memory_space<vmem>> -> memref<80xi32, #tpu.memory_space<vmem>>
      %dma_wait3A_68 = arith.constant 0 : i32
      %dma_wait3A_69 = arith.constant 0 : i32
      %dma_wait3A_70 = tpu.memref_slice %arg2[%dma_wait3A_68, %dma_wait3A_69] : memref<10240x128xf32, #tpu.memory_space<hbm>> -> memref<10240x128xf32, #tpu.memory_space<hbm>>
      tpu.wait_indirect_dma semaphore(%arg13 : memref<!tpu.dma_semaphore, #tpu.memory_space<semaphore_mem>>) src(%dma_wait3A_70 : memref<10240x128xf32, #tpu.memory_space<hbm>>) dst(%dma_wait3A_66 : memref<80x128xf32, #tpu.memory_space<vmem>>)
      %run_scoped3A_71 = arith.constant 0 : i32
      "tpu.region"() ({
        %run_scoped3A_98 = tpu.sem_alloc : memref<!tpu.dma_semaphore, #tpu.memory_space<semaphore_mem>>
        %dma_start3A_99 = arith.constant 0 : i32
        %dma_start3A_100 = arith.constant 0 : i32
        %dma_start3A_101 = tpu.memref_slice %arg12[%run_scoped3A_71, %dma_start3A_99, %dma_start3A_100] : memref<2x80x128xf32, #tpu.memory_space<vmem>> -> memref<1x80x128xf32, #tpu.memory_space<vmem>>
        %dma_start3A_102 = tpu.memref_squeeze %dma_start3A_101 : memref<1x80x128xf32, #tpu.memory_space<vmem>> -> memref<80x128xf32, #tpu.memory_space<vmem>>
        %dma_start3A_103 = arith.constant 0 : i32
        %dma_start3A_104 = tpu.memref_slice %arg11[%add3A_58, %dma_start3A_103] : memref<125x80xi32, #tpu.memory_space<vmem>> -> memref<1x80xi32, #tpu.memory_space<vmem>>
        %dma_start3A_105 = tpu.memref_squeeze %dma_start3A_104 : memref<1x80xi32, #tpu.memory_space<vmem>> -> memref<80xi32, #tpu.memory_space<vmem>>
        %dma_start3A_106 = arith.constant 0 : i32
        %dma_start3A_107 = arith.constant 0 : i32
        %dma_start3A_108 = tpu.memref_slice %arg9[%dma_start3A_106, %dma_start3A_107] : memref<10240x128xf32, #tpu.memory_space<vmem_shared>> -> memref<10240x128xf32, #tpu.memory_space<vmem_shared>>
        tpu.enqueue_indirect_dma source(%dma_start3A_102 : memref<80x128xf32, #tpu.memory_space<vmem>>) target(%dma_start3A_108 : memref<10240x128xf32, #tpu.memory_space<vmem_shared>>) offsets(%dma_start3A_105 : memref<80xi32, #tpu.memory_space<vmem>>) semaphore(%run_scoped3A_98 : memref<!tpu.dma_semaphore, #tpu.memory_space<semaphore_mem>>) {add = true}
        %dma_wait3A_109 = arith.constant 0 : i32
        %dma_wait3A_110 = arith.constant 0 : i32
        %dma_wait3A_111 = tpu.memref_slice %arg12[%run_scoped3A_71, %dma_wait3A_109, %dma_wait3A_110] : memref<2x80x128xf32, #tpu.memory_space<vmem>> -> memref<1x80x128xf32, #tpu.memory_space<vmem>>
        %dma_wait3A_112 = tpu.memref_squeeze %dma_wait3A_111 : memref<1x80x128xf32, #tpu.memory_space<vmem>> -> memref<80x128xf32, #tpu.memory_space<vmem>>
        %dma_wait3A_113 = arith.constant 0 : i32
        %dma_wait3A_114 = tpu.memref_slice %arg11[%add3A_58, %dma_wait3A_113] : memref<125x80xi32, #tpu.memory_space<vmem>> -> memref<1x80xi32, #tpu.memory_space<vmem>>
        %dma_wait3A_115 = tpu.memref_squeeze %dma_wait3A_114 : memref<1x80xi32, #tpu.memory_space<vmem>> -> memref<80xi32, #tpu.memory_space<vmem>>
        %dma_wait3A_116 = arith.constant 0 : i32
        %dma_wait3A_117 = arith.constant 0 : i32
        %dma_wait3A_118 = tpu.memref_slice %arg9[%dma_wait3A_116, %dma_wait3A_117] : memref<10240x128xf32, #tpu.memory_space<vmem_shared>> -> memref<10240x128xf32, #tpu.memory_space<vmem_shared>>
        tpu.wait_indirect_dma semaphore(%run_scoped3A_98 : memref<!tpu.dma_semaphore, #tpu.memory_space<semaphore_mem>>) src(%dma_wait3A_112 : memref<80x128xf32, #tpu.memory_space<vmem>>) dst(%dma_wait3A_118 : memref<10240x128xf32, #tpu.memory_space<vmem_shared>>)
        tpu.yield
      }) : () -> ()
      %add3A_72 = arith.constant 2 : i32
      %add3A_73 = arith.addi %add3A_58, %add3A_72 : i32
      %lt3A = arith.constant 125 : i32
      %lt3A_74 = arith.cmpi slt, %add3A_73, %lt3A : i32
      %convert_element_type3A = arith.extui %lt3A_74 : i1 to i32
      %cond3A = arith.constant 0 : i32
      %cond3A_75 = arith.cmpi ne, %convert_element_type3A, %cond3A : i32
      scf.if %cond3A_75 {
        %add3A_98 = arith.constant 2 : i32
        %add3A_99 = arith.addi %add3A_58, %add3A_98 : i32
        %mul3A_100 = arith.constant 80 : i32
        %mul3A_101 = arith.muli %add3A_99, %mul3A_100 : i32
        %multiple_of3A_102 = tpu.assume_multiple %mul3A_101, 8 : i32
        %dma_start3A_103 = arith.constant 0 : i32
        %dma_start3A_104 = arith.constant 0 : i32
        %dma_start3A_105 = arith.constant 0 : i32
        %dma_start3A_106 = tpu.memref_slice %arg12[%dma_start3A_103, %dma_start3A_104, %dma_start3A_105] : memref<2x80x128xf32, #tpu.memory_space<vmem>> -> memref<1x80x128xf32, #tpu.memory_space<vmem>>
        %dma_start3A_107 = tpu.memref_squeeze %dma_start3A_106 : memref<1x80x128xf32, #tpu.memory_space<vmem>> -> memref<80x128xf32, #tpu.memory_space<vmem>>
        %dma_start3A_108 = tpu.memref_slice %arg10[%multiple_of3A_102] : memref<10000xi32, #tpu.memory_space<vmem>> -> memref<80xi32, #tpu.memory_space<vmem>>
        %dma_start3A_109 = arith.constant 0 : i32
        %dma_start3A_110 = arith.constant 0 : i32
        %dma_start3A_111 = tpu.memref_slice %arg2[%dma_start3A_109, %dma_start3A_110] : memref<10240x128xf32, #tpu.memory_space<hbm>> -> memref<10240x128xf32, #tpu.memory_space<hbm>>
        tpu.enqueue_indirect_dma source(%dma_start3A_111 : memref<10240x128xf32, #tpu.memory_space<hbm>>) target(%dma_start3A_107 : memref<80x128xf32, #tpu.memory_space<vmem>>) offsets(%dma_start3A_108 : memref<80xi32, #tpu.memory_space<vmem>>) semaphore(%arg13 : memref<!tpu.dma_semaphore, #tpu.memory_space<semaphore_mem>>)
      } else {
      }
      %add3A_76 = arith.constant 1 : i32
      %add3A_77 = arith.addi %add3A_56, %add3A_76 : i32
      %mul3A_78 = arith.constant 80 : i32
      %mul3A_79 = arith.muli %add3A_77, %mul3A_78 : i32
      %multiple_of3A_80 = tpu.assume_multiple %mul3A_79, 8 : i32
      %dma_wait3A_81 = arith.constant 1 : i32
      %dma_wait3A_82 = arith.constant 0 : i32
      %dma_wait3A_83 = arith.constant 0 : i32
      %dma_wait3A_84 = tpu.memref_slice %arg12[%dma_wait3A_81, %dma_wait3A_82, %dma_wait3A_83] : memref<2x80x128xf32, #tpu.memory_space<vmem>> -> memref<1x80x128xf32, #tpu.memory_space<vmem>>
      %dma_wait3A_85 = tpu.memref_squeeze %dma_wait3A_84 : memref<1x80x128xf32, #tpu.memory_space<vmem>> -> memref<80x128xf32, #tpu.memory_space<vmem>>
      %dma_wait3A_86 = tpu.memref_slice %arg10[%multiple_of3A_80] : memref<10000xi32, #tpu.memory_space<vmem>> -> memref<80xi32, #tpu.memory_space<vmem>>
      %dma_wait3A_87 = arith.constant 0 : i32
      %dma_wait3A_88 = arith.constant 0 : i32
      %dma_wait3A_89 = tpu.memref_slice %arg2[%dma_wait3A_87, %dma_wait3A_88] : memref<10240x128xf32, #tpu.memory_space<hbm>> -> memref<10240x128xf32, #tpu.memory_space<hbm>>
      tpu.wait_indirect_dma semaphore(%arg14 : memref<!tpu.dma_semaphore, #tpu.memory_space<semaphore_mem>>) src(%dma_wait3A_89 : memref<10240x128xf32, #tpu.memory_space<hbm>>) dst(%dma_wait3A_85 : memref<80x128xf32, #tpu.memory_space<vmem>>)
      %run_scoped3A_90 = arith.constant 1 : i32
      "tpu.region"() ({
        %run_scoped3A_98 = tpu.sem_alloc : memref<!tpu.dma_semaphore, #tpu.memory_space<semaphore_mem>>
        %dma_start3A_99 = arith.constant 0 : i32
        %dma_start3A_100 = arith.constant 0 : i32
        %dma_start3A_101 = tpu.memref_slice %arg12[%run_scoped3A_90, %dma_start3A_99, %dma_start3A_100] : memref<2x80x128xf32, #tpu.memory_space<vmem>> -> memref<1x80x128xf32, #tpu.memory_space<vmem>>
        %dma_start3A_102 = tpu.memref_squeeze %dma_start3A_101 : memref<1x80x128xf32, #tpu.memory_space<vmem>> -> memref<80x128xf32, #tpu.memory_space<vmem>>
        %dma_start3A_103 = arith.constant 0 : i32
        %dma_start3A_104 = tpu.memref_slice %arg11[%add3A_77, %dma_start3A_103] : memref<125x80xi32, #tpu.memory_space<vmem>> -> memref<1x80xi32, #tpu.memory_space<vmem>>
        %dma_start3A_105 = tpu.memref_squeeze %dma_start3A_104 : memref<1x80xi32, #tpu.memory_space<vmem>> -> memref<80xi32, #tpu.memory_space<vmem>>
        %dma_start3A_106 = arith.constant 0 : i32
        %dma_start3A_107 = arith.constant 0 : i32
        %dma_start3A_108 = tpu.memref_slice %arg9[%dma_start3A_106, %dma_start3A_107] : memref<10240x128xf32, #tpu.memory_space<vmem_shared>> -> memref<10240x128xf32, #tpu.memory_space<vmem_shared>>
        tpu.enqueue_indirect_dma source(%dma_start3A_102 : memref<80x128xf32, #tpu.memory_space<vmem>>) target(%dma_start3A_108 : memref<10240x128xf32, #tpu.memory_space<vmem_shared>>) offsets(%dma_start3A_105 : memref<80xi32, #tpu.memory_space<vmem>>) semaphore(%run_scoped3A_98 : memref<!tpu.dma_semaphore, #tpu.memory_space<semaphore_mem>>) {add = true}
        %dma_wait3A_109 = arith.constant 0 : i32
        %dma_wait3A_110 = arith.constant 0 : i32
        %dma_wait3A_111 = tpu.memref_slice %arg12[%run_scoped3A_90, %dma_wait3A_109, %dma_wait3A_110] : memref<2x80x128xf32, #tpu.memory_space<vmem>> -> memref<1x80x128xf32, #tpu.memory_space<vmem>>
        %dma_wait3A_112 = tpu.memref_squeeze %dma_wait3A_111 : memref<1x80x128xf32, #tpu.memory_space<vmem>> -> memref<80x128xf32, #tpu.memory_space<vmem>>
        %dma_wait3A_113 = arith.constant 0 : i32
        %dma_wait3A_114 = tpu.memref_slice %arg11[%add3A_77, %dma_wait3A_113] : memref<125x80xi32, #tpu.memory_space<vmem>> -> memref<1x80xi32, #tpu.memory_space<vmem>>
        %dma_wait3A_115 = tpu.memref_squeeze %dma_wait3A_114 : memref<1x80xi32, #tpu.memory_space<vmem>> -> memref<80xi32, #tpu.memory_space<vmem>>
        %dma_wait3A_116 = arith.constant 0 : i32
        %dma_wait3A_117 = arith.constant 0 : i32
        %dma_wait3A_118 = tpu.memref_slice %arg9[%dma_wait3A_116, %dma_wait3A_117] : memref<10240x128xf32, #tpu.memory_space<vmem_shared>> -> memref<10240x128xf32, #tpu.memory_space<vmem_shared>>
        tpu.wait_indirect_dma semaphore(%run_scoped3A_98 : memref<!tpu.dma_semaphore, #tpu.memory_space<semaphore_mem>>) src(%dma_wait3A_112 : memref<80x128xf32, #tpu.memory_space<vmem>>) dst(%dma_wait3A_118 : memref<10240x128xf32, #tpu.memory_space<vmem_shared>>)
        tpu.yield
      }) : () -> ()
      %add3A_91 = arith.constant 2 : i32
      %add3A_92 = arith.addi %add3A_77, %add3A_91 : i32
      %lt3A_93 = arith.constant 125 : i32
      %lt3A_94 = arith.cmpi slt, %add3A_92, %lt3A_93 : i32
      %convert_element_type3A_95 = arith.extui %lt3A_94 : i1 to i32
      %cond3A_96 = arith.constant 0 : i32
      %cond3A_97 = arith.cmpi ne, %convert_element_type3A_95, %cond3A_96 : i32
      scf.if %cond3A_97 {
        %add3A_98 = arith.constant 2 : i32
        %add3A_99 = arith.addi %add3A_77, %add3A_98 : i32
        %mul3A_100 = arith.constant 80 : i32
        %mul3A_101 = arith.muli %add3A_99, %mul3A_100 : i32
        %multiple_of3A_102 = tpu.assume_multiple %mul3A_101, 8 : i32
        %dma_start3A_103 = arith.constant 1 : i32
        %dma_start3A_104 = arith.constant 0 : i32
        %dma_start3A_105 = arith.constant 0 : i32
        %dma_start3A_106 = tpu.memref_slice %arg12[%dma_start3A_103, %dma_start3A_104, %dma_start3A_105] : memref<2x80x128xf32, #tpu.memory_space<vmem>> -> memref<1x80x128xf32, #tpu.memory_space<vmem>>
        %dma_start3A_107 = tpu.memref_squeeze %dma_start3A_106 : memref<1x80x128xf32, #tpu.memory_space<vmem>> -> memref<80x128xf32, #tpu.memory_space<vmem>>
        %dma_start3A_108 = tpu.memref_slice %arg10[%multiple_of3A_102] : memref<10000xi32, #tpu.memory_space<vmem>> -> memref<80xi32, #tpu.memory_space<vmem>>
        %dma_start3A_109 = arith.constant 0 : i32
        %dma_start3A_110 = arith.constant 0 : i32
        %dma_start3A_111 = tpu.memref_slice %arg2[%dma_start3A_109, %dma_start3A_110] : memref<10240x128xf32, #tpu.memory_space<hbm>> -> memref<10240x128xf32, #tpu.memory_space<hbm>>
        tpu.enqueue_indirect_dma source(%dma_start3A_111 : memref<10240x128xf32, #tpu.memory_space<hbm>>) target(%dma_start3A_107 : memref<80x128xf32, #tpu.memory_space<vmem>>) offsets(%dma_start3A_108 : memref<80xi32, #tpu.memory_space<vmem>>) semaphore(%arg14 : memref<!tpu.dma_semaphore, #tpu.memory_space<semaphore_mem>>)
      } else {
      }
    }
    %scan3A_30 = arith.constant 62 : i32
    %multiple_of3A_31 = arith.constant 9920 : i32
    %multiple_of3A_32 = tpu.assume_multiple %multiple_of3A_31, 8 : i32
    %dma_wait3A = arith.constant 0 : i32
    %dma_wait3A_33 = arith.constant 0 : i32
    %dma_wait3A_34 = arith.constant 0 : i32
    %dma_wait3A_35 = tpu.memref_slice %arg12[%dma_wait3A, %dma_wait3A_33, %dma_wait3A_34] : memref<2x80x128xf32, #tpu.memory_space<vmem>> -> memref<1x80x128xf32, #tpu.memory_space<vmem>>
    %dma_wait3A_36 = tpu.memref_squeeze %dma_wait3A_35 : memref<1x80x128xf32, #tpu.memory_space<vmem>> -> memref<80x128xf32, #tpu.memory_space<vmem>>
    %dma_wait3A_37 = tpu.memref_slice %arg10[%multiple_of3A_32] : memref<10000xi32, #tpu.memory_space<vmem>> -> memref<80xi32, #tpu.memory_space<vmem>>
    %dma_wait3A_38 = arith.constant 0 : i32
    %dma_wait3A_39 = arith.constant 0 : i32
    %dma_wait3A_40 = tpu.memref_slice %arg2[%dma_wait3A_38, %dma_wait3A_39] : memref<10240x128xf32, #tpu.memory_space<hbm>> -> memref<10240x128xf32, #tpu.memory_space<hbm>>
    tpu.wait_indirect_dma semaphore(%arg13 : memref<!tpu.dma_semaphore, #tpu.memory_space<semaphore_mem>>) src(%dma_wait3A_40 : memref<10240x128xf32, #tpu.memory_space<hbm>>) dst(%dma_wait3A_36 : memref<80x128xf32, #tpu.memory_space<vmem>>)
    %run_scoped3A = arith.constant 0 : i32
    %run_scoped3A_41 = arith.constant 124 : i32
    "tpu.region"() ({
      %run_scoped3A_52 = tpu.sem_alloc : memref<!tpu.dma_semaphore, #tpu.memory_space<semaphore_mem>>
      %dma_start3A_53 = arith.constant 0 : i32
      %dma_start3A_54 = arith.constant 0 : i32
      %dma_start3A_55 = tpu.memref_slice %arg12[%run_scoped3A, %dma_start3A_53, %dma_start3A_54] : memref<2x80x128xf32, #tpu.memory_space<vmem>> -> memref<1x80x128xf32, #tpu.memory_space<vmem>>
      %dma_start3A_56 = tpu.memref_squeeze %dma_start3A_55 : memref<1x80x128xf32, #tpu.memory_space<vmem>> -> memref<80x128xf32, #tpu.memory_space<vmem>>
      %dma_start3A_57 = arith.constant 0 : i32
      %dma_start3A_58 = tpu.memref_slice %arg11[%run_scoped3A_41, %dma_start3A_57] : memref<125x80xi32, #tpu.memory_space<vmem>> -> memref<1x80xi32, #tpu.memory_space<vmem>>
      %dma_start3A_59 = tpu.memref_squeeze %dma_start3A_58 : memref<1x80xi32, #tpu.memory_space<vmem>> -> memref<80xi32, #tpu.memory_space<vmem>>
      %dma_start3A_60 = arith.constant 0 : i32
      %dma_start3A_61 = arith.constant 0 : i32
      %dma_start3A_62 = tpu.memref_slice %arg9[%dma_start3A_60, %dma_start3A_61] : memref<10240x128xf32, #tpu.memory_space<vmem_shared>> -> memref<10240x128xf32, #tpu.memory_space<vmem_shared>>
      tpu.enqueue_indirect_dma source(%dma_start3A_56 : memref<80x128xf32, #tpu.memory_space<vmem>>) target(%dma_start3A_62 : memref<10240x128xf32, #tpu.memory_space<vmem_shared>>) offsets(%dma_start3A_59 : memref<80xi32, #tpu.memory_space<vmem>>) semaphore(%run_scoped3A_52 : memref<!tpu.dma_semaphore, #tpu.memory_space<semaphore_mem>>) {add = true}
      %dma_wait3A_63 = arith.constant 0 : i32
      %dma_wait3A_64 = arith.constant 0 : i32
      %dma_wait3A_65 = tpu.memref_slice %arg12[%run_scoped3A, %dma_wait3A_63, %dma_wait3A_64] : memref<2x80x128xf32, #tpu.memory_space<vmem>> -> memref<1x80x128xf32, #tpu.memory_space<vmem>>
      %dma_wait3A_66 = tpu.memref_squeeze %dma_wait3A_65 : memref<1x80x128xf32, #tpu.memory_space<vmem>> -> memref<80x128xf32, #tpu.memory_space<vmem>>
      %dma_wait3A_67 = arith.constant 0 : i32
      %dma_wait3A_68 = tpu.memref_slice %arg11[%run_scoped3A_41, %dma_wait3A_67] : memref<125x80xi32, #tpu.memory_space<vmem>> -> memref<1x80xi32, #tpu.memory_space<vmem>>
      %dma_wait3A_69 = tpu.memref_squeeze %dma_wait3A_68 : memref<1x80xi32, #tpu.memory_space<vmem>> -> memref<80xi32, #tpu.memory_space<vmem>>
      %dma_wait3A_70 = arith.constant 0 : i32
      %dma_wait3A_71 = arith.constant 0 : i32
      %dma_wait3A_72 = tpu.memref_slice %arg9[%dma_wait3A_70, %dma_wait3A_71] : memref<10240x128xf32, #tpu.memory_space<vmem_shared>> -> memref<10240x128xf32, #tpu.memory_space<vmem_shared>>
      tpu.wait_indirect_dma semaphore(%run_scoped3A_52 : memref<!tpu.dma_semaphore, #tpu.memory_space<semaphore_mem>>) src(%dma_wait3A_66 : memref<80x128xf32, #tpu.memory_space<vmem>>) dst(%dma_wait3A_72 : memref<10240x128xf32, #tpu.memory_space<vmem_shared>>)
      tpu.yield
    }) : () -> ()
    %barrier3A_42 = arith.constant 0 : index
    tpu.barrier barrier_id(%barrier3A_42)
    "tpu.region"() ({
      %run_scoped3A_52 = tpu.sem_alloc : memref<!tpu.dma_semaphore, #tpu.memory_space<semaphore_mem>>
      %dma_start3A_53 = arith.constant 0 : i32
      %dma_start3A_54 = arith.constant 0 : i32
      %dma_start3A_55 = tpu.memref_slice %arg7[%arg0, %dma_start3A_53, %dma_start3A_54] : memref<2x10240x128xf32, #tpu.memory_space<hbm>> -> memref<1x10240x128xf32, #tpu.memory_space<hbm>>
      %dma_start3A_56 = tpu.memref_squeeze %dma_start3A_55 : memref<1x10240x128xf32, #tpu.memory_space<hbm>> -> memref<10240x128xf32, #tpu.memory_space<hbm>>
      %dma_start3A_57 = arith.constant 0 : i32
      %dma_start3A_58 = tpu.memref_slice %dma_start3A_56[%multiple_of3A, %dma_start3A_57] : memref<10240x128xf32, #tpu.memory_space<hbm>> -> memref<640x128xf32, #tpu.memory_space<hbm>>
      %dma_start3A_59 = arith.constant 0 : i32
      %dma_start3A_60 = tpu.memref_slice %arg9[%multiple_of3A, %dma_start3A_59] : memref<10240x128xf32, #tpu.memory_space<vmem_shared>> -> memref<640x128xf32, #tpu.memory_space<vmem_shared>>
      tpu.enqueue_dma source(%dma_start3A_60 : memref<640x128xf32, #tpu.memory_space<vmem_shared>>) target(%dma_start3A_58 : memref<640x128xf32, #tpu.memory_space<hbm>>) target_semaphore(%run_scoped3A_52 : memref<!tpu.dma_semaphore, #tpu.memory_space<semaphore_mem>>)
      %dma_wait3A_61 = arith.constant 0 : i32
      %dma_wait3A_62 = arith.constant 0 : i32
      %dma_wait3A_63 = tpu.memref_slice %arg7[%arg0, %dma_wait3A_61, %dma_wait3A_62] : memref<2x10240x128xf32, #tpu.memory_space<hbm>> -> memref<1x10240x128xf32, #tpu.memory_space<hbm>>
      %dma_wait3A_64 = tpu.memref_squeeze %dma_wait3A_63 : memref<1x10240x128xf32, #tpu.memory_space<hbm>> -> memref<10240x128xf32, #tpu.memory_space<hbm>>
      %dma_wait3A_65 = arith.constant 0 : i32
      %dma_wait3A_66 = tpu.memref_slice %dma_wait3A_64[%multiple_of3A, %dma_wait3A_65] : memref<10240x128xf32, #tpu.memory_space<hbm>> -> memref<640x128xf32, #tpu.memory_space<hbm>>
      %dma_wait3A_67 = arith.constant 0 : i32
      %dma_wait3A_68 = tpu.memref_slice %arg9[%multiple_of3A, %dma_wait3A_67] : memref<10240x128xf32, #tpu.memory_space<vmem_shared>> -> memref<640x128xf32, #tpu.memory_space<vmem_shared>>
      tpu.wait_dma2 semaphore(%run_scoped3A_52 : memref<!tpu.dma_semaphore, #tpu.memory_space<semaphore_mem>>) src(%dma_wait3A_68 : memref<640x128xf32, #tpu.memory_space<vmem_shared>>) dst(%dma_wait3A_66 : memref<640x128xf32, #tpu.memory_space<hbm>>)
      tpu.yield
    }) : () -> ()
    %barrier3A_43 = arith.constant 0 : index
    tpu.barrier barrier_id(%barrier3A_43)
    "tpu.region"() ({
      %run_scoped3A_52 = tpu.sem_alloc : memref<!tpu.dma_semaphore, #tpu.memory_space<semaphore_mem>>
      %dma_start3A_53 = arith.constant 0 : i32
      %dma_start3A_54 = tpu.memref_slice %arg9[%multiple_of3A, %dma_start3A_53] : memref<10240x128xf32, #tpu.memory_space<vmem_shared>> -> memref<640x128xf32, #tpu.memory_space<vmem_shared>>
      tpu.enqueue_dma source(%arg5 : memref<640x128xf32, #tpu.memory_space<hbm>>) target(%dma_start3A_54 : memref<640x128xf32, #tpu.memory_space<vmem_shared>>) target_semaphore(%run_scoped3A_52 : memref<!tpu.dma_semaphore, #tpu.memory_space<semaphore_mem>>)
      %dma_wait3A_55 = arith.constant 0 : i32
      %dma_wait3A_56 = tpu.memref_slice %arg9[%multiple_of3A, %dma_wait3A_55] : memref<10240x128xf32, #tpu.memory_space<vmem_shared>> -> memref<640x128xf32, #tpu.memory_space<vmem_shared>>
      tpu.wait_dma2 semaphore(%run_scoped3A_52 : memref<!tpu.dma_semaphore, #tpu.memory_space<semaphore_mem>>) src(%arg5 : memref<640x128xf32, #tpu.memory_space<hbm>>) dst(%dma_wait3A_56 : memref<640x128xf32, #tpu.memory_space<vmem_shared>>)
      tpu.yield
    }) : () -> ()
    %run_scoped3A_44 = arith.constant 0 : i32
    "tpu.region"() ({
      %run_scoped3A_52 = tpu.sem_alloc : memref<!tpu.dma_semaphore, #tpu.memory_space<semaphore_mem>>
      %dma_start3A_53 = arith.constant 0 : i32
      %dma_start3A_54 = arith.constant 0 : i32
      %dma_start3A_55 = tpu.memref_slice %arg12[%run_scoped3A_44, %dma_start3A_53, %dma_start3A_54] : memref<2x80x128xf32, #tpu.memory_space<vmem>> -> memref<1x80x128xf32, #tpu.memory_space<vmem>>
      %dma_start3A_56 = tpu.memref_squeeze %dma_start3A_55 : memref<1x80x128xf32, #tpu.memory_space<vmem>> -> memref<80x128xf32, #tpu.memory_space<vmem>>
      %dma_start3A_57 = arith.constant 0 : i32
      %dma_start3A_58 = arith.constant 0 : i32
      %dma_start3A_59 = tpu.memref_slice %arg12[%run_scoped3A_44, %dma_start3A_57, %dma_start3A_58] : memref<2x80x128xf32, #tpu.memory_space<vmem>> -> memref<1x80x128xf32, #tpu.memory_space<vmem>>
      %dma_start3A_60 = tpu.memref_squeeze %dma_start3A_59 : memref<1x80x128xf32, #tpu.memory_space<vmem>> -> memref<80x128xf32, #tpu.memory_space<vmem>>
      tpu.enqueue_dma source(%arg6 : memref<80x128xf32, #tpu.memory_space<hbm>>) target(%dma_start3A_60 : memref<80x128xf32, #tpu.memory_space<vmem>>) target_semaphore(%run_scoped3A_52 : memref<!tpu.dma_semaphore, #tpu.memory_space<semaphore_mem>>)
      %dma_wait3A_61 = arith.constant 0 : i32
      %dma_wait3A_62 = arith.constant 0 : i32
      %dma_wait3A_63 = tpu.memref_slice %arg12[%run_scoped3A_44, %dma_wait3A_61, %dma_wait3A_62] : memref<2x80x128xf32, #tpu.memory_space<vmem>> -> memref<1x80x128xf32, #tpu.memory_space<vmem>>
      %dma_wait3A_64 = tpu.memref_squeeze %dma_wait3A_63 : memref<1x80x128xf32, #tpu.memory_space<vmem>> -> memref<80x128xf32, #tpu.memory_space<vmem>>
      %dma_wait3A_65 = arith.constant 0 : i32
      %dma_wait3A_66 = arith.constant 0 : i32
      %dma_wait3A_67 = tpu.memref_slice %arg12[%run_scoped3A_44, %dma_wait3A_65, %dma_wait3A_66] : memref<2x80x128xf32, #tpu.memory_space<vmem>> -> memref<1x80x128xf32, #tpu.memory_space<vmem>>
      %dma_wait3A_68 = tpu.memref_squeeze %dma_wait3A_67 : memref<1x80x128xf32, #tpu.memory_space<vmem>> -> memref<80x128xf32, #tpu.memory_space<vmem>>
      tpu.wait_dma2 semaphore(%run_scoped3A_52 : memref<!tpu.dma_semaphore, #tpu.memory_space<semaphore_mem>>) src(%arg6 : memref<80x128xf32, #tpu.memory_space<hbm>>) dst(%dma_wait3A_68 : memref<80x128xf32, #tpu.memory_space<vmem>>)
      tpu.yield
    }) : () -> ()
    %barrier3A_45 = arith.constant 0 : index
    tpu.barrier barrier_id(%barrier3A_45)
    %scan3A_46 = arith.constant 0 : i32
    %scan3A_47 = arith.constant 125 : i32
    %scan3A_48 = arith.addi %scan3A_46, %scan3A_47 : i32
    %scan3A_49 = arith.constant 1 : i32
    scf.for %scan3A_52 = %scan3A_46 to %scan3A_48 step %scan3A_49  : i32 {
      %mul3A_53 = arith.constant 1 : i32
      %mul3A_54 = arith.muli %scan3A_52, %mul3A_53 : i32
      %add3A_55 = arith.constant 0 : i32
      %add3A_56 = arith.addi %add3A_55, %mul3A_54 : i32
      %run_scoped3A_57 = arith.constant 0 : i32
      "tpu.region"() ({
        %run_scoped3A_58 = tpu.sem_alloc : memref<!tpu.dma_semaphore, #tpu.memory_space<semaphore_mem>>
        %dma_start3A_59 = arith.constant 0 : i32
        %dma_start3A_60 = arith.constant 0 : i32
        %dma_start3A_61 = tpu.memref_slice %arg12[%run_scoped3A_57, %dma_start3A_59, %dma_start3A_60] : memref<2x80x128xf32, #tpu.memory_space<vmem>> -> memref<1x80x128xf32, #tpu.memory_space<vmem>>
        %dma_start3A_62 = tpu.memref_squeeze %dma_start3A_61 : memref<1x80x128xf32, #tpu.memory_space<vmem>> -> memref<80x128xf32, #tpu.memory_space<vmem>>
        %dma_start3A_63 = arith.constant 0 : i32
        %dma_start3A_64 = tpu.memref_slice %arg11[%add3A_56, %dma_start3A_63] : memref<125x80xi32, #tpu.memory_space<vmem>> -> memref<1x80xi32, #tpu.memory_space<vmem>>
        %dma_start3A_65 = tpu.memref_squeeze %dma_start3A_64 : memref<1x80xi32, #tpu.memory_space<vmem>> -> memref<80xi32, #tpu.memory_space<vmem>>
        %dma_start3A_66 = arith.constant 0 : i32
        %dma_start3A_67 = arith.constant 0 : i32
        %dma_start3A_68 = tpu.memref_slice %arg9[%dma_start3A_66, %dma_start3A_67] : memref<10240x128xf32, #tpu.memory_space<vmem_shared>> -> memref<10240x128xf32, #tpu.memory_space<vmem_shared>>
        tpu.enqueue_indirect_dma source(%dma_start3A_62 : memref<80x128xf32, #tpu.memory_space<vmem>>) target(%dma_start3A_68 : memref<10240x128xf32, #tpu.memory_space<vmem_shared>>) offsets(%dma_start3A_65 : memref<80xi32, #tpu.memory_space<vmem>>) semaphore(%run_scoped3A_58 : memref<!tpu.dma_semaphore, #tpu.memory_space<semaphore_mem>>) {add = true}
        %dma_wait3A_69 = arith.constant 0 : i32
        %dma_wait3A_70 = arith.constant 0 : i32
        %dma_wait3A_71 = tpu.memref_slice %arg12[%run_scoped3A_57, %dma_wait3A_69, %dma_wait3A_70] : memref<2x80x128xf32, #tpu.memory_space<vmem>> -> memref<1x80x128xf32, #tpu.memory_space<vmem>>
        %dma_wait3A_72 = tpu.memref_squeeze %dma_wait3A_71 : memref<1x80x128xf32, #tpu.memory_space<vmem>> -> memref<80x128xf32, #tpu.memory_space<vmem>>
        %dma_wait3A_73 = arith.constant 0 : i32
        %dma_wait3A_74 = tpu.memref_slice %arg11[%add3A_56, %dma_wait3A_73] : memref<125x80xi32, #tpu.memory_space<vmem>> -> memref<1x80xi32, #tpu.memory_space<vmem>>
        %dma_wait3A_75 = tpu.memref_squeeze %dma_wait3A_74 : memref<1x80xi32, #tpu.memory_space<vmem>> -> memref<80xi32, #tpu.memory_space<vmem>>
        %dma_wait3A_76 = arith.constant 0 : i32
        %dma_wait3A_77 = arith.constant 0 : i32
        %dma_wait3A_78 = tpu.memref_slice %arg9[%dma_wait3A_76, %dma_wait3A_77] : memref<10240x128xf32, #tpu.memory_space<vmem_shared>> -> memref<10240x128xf32, #tpu.memory_space<vmem_shared>>
        tpu.wait_indirect_dma semaphore(%run_scoped3A_58 : memref<!tpu.dma_semaphore, #tpu.memory_space<semaphore_mem>>) src(%dma_wait3A_72 : memref<80x128xf32, #tpu.memory_space<vmem>>) dst(%dma_wait3A_78 : memref<10240x128xf32, #tpu.memory_space<vmem_shared>>)
        tpu.yield
      }) : () -> ()
    }
    %scan3A_50 = arith.constant 125 : i32
    %barrier3A_51 = arith.constant 0 : index
    tpu.barrier barrier_id(%barrier3A_51)
    "tpu.region"() ({
      %run_scoped3A_52 = tpu.sem_alloc : memref<!tpu.dma_semaphore, #tpu.memory_space<semaphore_mem>>
      %dma_start3A_53 = arith.constant 0 : i32
      %dma_start3A_54 = arith.constant 0 : i32
      %dma_start3A_55 = tpu.memref_slice %arg8[%arg0, %dma_start3A_53, %dma_start3A_54] : memref<2x10240x128xf32, #tpu.memory_space<hbm>> -> memref<1x10240x128xf32, #tpu.memory_space<hbm>>
      %dma_start3A_56 = tpu.memref_squeeze %dma_start3A_55 : memref<1x10240x128xf32, #tpu.memory_space<hbm>> -> memref<10240x128xf32, #tpu.memory_space<hbm>>
      %dma_start3A_57 = arith.constant 0 : i32
      %dma_start3A_58 = tpu.memref_slice %dma_start3A_56[%multiple_of3A, %dma_start3A_57] : memref<10240x128xf32, #tpu.memory_space<hbm>> -> memref<640x128xf32, #tpu.memory_space<hbm>>
      %dma_start3A_59 = arith.constant 0 : i32
      %dma_start3A_60 = tpu.memref_slice %arg9[%multiple_of3A, %dma_start3A_59] : memref<10240x128xf32, #tpu.memory_space<vmem_shared>> -> memref<640x128xf32, #tpu.memory_space<vmem_shared>>
      tpu.enqueue_dma source(%dma_start3A_60 : memref<640x128xf32, #tpu.memory_space<vmem_shared>>) target(%dma_start3A_58 : memref<640x128xf32, #tpu.memory_space<hbm>>) target_semaphore(%run_scoped3A_52 : memref<!tpu.dma_semaphore, #tpu.memory_space<semaphore_mem>>)
      %dma_wait3A_61 = arith.constant 0 : i32
      %dma_wait3A_62 = arith.constant 0 : i32
      %dma_wait3A_63 = tpu.memref_slice %arg8[%arg0, %dma_wait3A_61, %dma_wait3A_62] : memref<2x10240x128xf32, #tpu.memory_space<hbm>> -> memref<1x10240x128xf32, #tpu.memory_space<hbm>>
      %dma_wait3A_64 = tpu.memref_squeeze %dma_wait3A_63 : memref<1x10240x128xf32, #tpu.memory_space<hbm>> -> memref<10240x128xf32, #tpu.memory_space<hbm>>
      %dma_wait3A_65 = arith.constant 0 : i32
      %dma_wait3A_66 = tpu.memref_slice %dma_wait3A_64[%multiple_of3A, %dma_wait3A_65] : memref<10240x128xf32, #tpu.memory_space<hbm>> -> memref<640x128xf32, #tpu.memory_space<hbm>>
      %dma_wait3A_67 = arith.constant 0 : i32
      %dma_wait3A_68 = tpu.memref_slice %arg9[%multiple_of3A, %dma_wait3A_67] : memref<10240x128xf32, #tpu.memory_space<vmem_shared>> -> memref<640x128xf32, #tpu.memory_space<vmem_shared>>
      tpu.wait_dma2 semaphore(%run_scoped3A_52 : memref<!tpu.dma_semaphore, #tpu.memory_space<semaphore_mem>>) src(%dma_wait3A_68 : memref<640x128xf32, #tpu.memory_space<vmem_shared>>) dst(%dma_wait3A_66 : memref<640x128xf32, #tpu.memory_space<hbm>>)
      tpu.yield
    }) : () -> ()
    return
  }
}

#map = affine_map<(d0, d1) -> (0, 0, 0)>
#map1 = affine_map<(d0, d1) -> (0)>
#map2 = affine_map<(d0, d1) -> (0, 0)>
#map3 = affine_map<(d0, d1) -> (0, 0, 0, 0)>
module attributes {stable_mosaic.version = 14 : i64} {
  func.func @k(%arg0: i32, %arg1: i32, %arg2: memref<8x10240x128xf32, #tpu.memory_space<hbm>>, %arg3: memref<320000xi32, #tpu.memory_space<hbm>>, %arg4: memref<32x125x80xi32, #tpu.memory_space<hbm>>, %arg5: memref<640x128xf32, #tpu.memory_space<hbm>>, %arg6: memref<2x8x10240x128xf32, #tpu.memory_space<hbm>>, %arg7: memref<10240x128xf32, #tpu.memory_space<vmem_shared>>, %arg8: memref<10000xi32, #tpu.memory_space<vmem>>, %arg9: memref<125x80xi32, #tpu.memory_space<vmem>>, %arg10: memref<2x80x128xf32, #tpu.memory_space<vmem>>, %arg11: memref<!tpu.dma_semaphore, #tpu.memory_space<semaphore_mem>>, %arg12: memref<!tpu.dma_semaphore, #tpu.memory_space<semaphore_mem>>) attributes {dimension_semantics = [#tpu.dimension_semantics<core_parallel>, #tpu.dimension_semantics<subcore_parallel>], iteration_bounds = array<i64: 2, 16>, scalar_prefetch = 0 : i64, scratch_operands = 6 : i64, tpu.core_type = #tpu.core_type<sc_vector_subcore>, window_params = [{transform_indices = #map}, {transform_indices = #map1}, {transform_indices = #map}, {transform_indices = #map2}, {transform_indices = #map3}]} {
    %mul3A = arith.constant 16 : i32
    %mul3A_0 = arith.muli %arg0, %mul3A : i32
    %add3A = arith.addi %mul3A_0, %arg1 : i32
    %mul3A_1 = arith.constant 640 : i32
    %mul3A_2 = arith.muli %arg1, %mul3A_1 : i32
    %multiple_of3A = tpu.assume_multiple %mul3A_2, 8 : i32
    %mul3A_3 = arith.constant 10000 : i32
    %mul3A_4 = arith.muli %add3A, %mul3A_3 : i32
    %multiple_of3A_5 = tpu.assume_multiple %mul3A_4, 8 : i32
    "tpu.region"() ({
      %run_scoped3A_481 = tpu.sem_alloc : memref<!tpu.dma_semaphore, #tpu.memory_space<semaphore_mem>>
      %dma_start3A_482 = tpu.memref_slice %arg3[%multiple_of3A_5] : memref<320000xi32, #tpu.memory_space<hbm>> -> memref<10000xi32, #tpu.memory_space<hbm>>
      %dma_start3A_483 = tpu.memref_slice %arg3[%multiple_of3A_5] : memref<320000xi32, #tpu.memory_space<hbm>> -> memref<10000xi32, #tpu.memory_space<hbm>>
      tpu.enqueue_dma source(%dma_start3A_483 : memref<10000xi32, #tpu.memory_space<hbm>>) target(%arg8 : memref<10000xi32, #tpu.memory_space<vmem>>) target_semaphore(%run_scoped3A_481 : memref<!tpu.dma_semaphore, #tpu.memory_space<semaphore_mem>>)
      %dma_wait3A_484 = tpu.memref_slice %arg3[%multiple_of3A_5] : memref<320000xi32, #tpu.memory_space<hbm>> -> memref<10000xi32, #tpu.memory_space<hbm>>
      %dma_wait3A_485 = tpu.memref_slice %arg3[%multiple_of3A_5] : memref<320000xi32, #tpu.memory_space<hbm>> -> memref<10000xi32, #tpu.memory_space<hbm>>
      tpu.wait_dma2 semaphore(%run_scoped3A_481 : memref<!tpu.dma_semaphore, #tpu.memory_space<semaphore_mem>>) src(%dma_wait3A_485 : memref<10000xi32, #tpu.memory_space<hbm>>) dst(%arg8 : memref<10000xi32, #tpu.memory_space<vmem>>)
      tpu.yield
    }) : () -> ()
    "tpu.region"() ({
      %run_scoped3A_481 = tpu.sem_alloc : memref<!tpu.dma_semaphore, #tpu.memory_space<semaphore_mem>>
      %dma_start3A_482 = arith.constant 0 : i32
      %dma_start3A_483 = arith.constant 0 : i32
      %dma_start3A_484 = tpu.memref_slice %arg4[%add3A, %dma_start3A_482, %dma_start3A_483] : memref<32x125x80xi32, #tpu.memory_space<hbm>> -> memref<1x125x80xi32, #tpu.memory_space<hbm>>
      %dma_start3A_485 = tpu.memref_squeeze %dma_start3A_484 : memref<1x125x80xi32, #tpu.memory_space<hbm>> -> memref<125x80xi32, #tpu.memory_space<hbm>>
      %dma_start3A_486 = arith.constant 0 : i32
      %dma_start3A_487 = arith.constant 0 : i32
      %dma_start3A_488 = tpu.memref_slice %arg4[%add3A, %dma_start3A_486, %dma_start3A_487] : memref<32x125x80xi32, #tpu.memory_space<hbm>> -> memref<1x125x80xi32, #tpu.memory_space<hbm>>
      %dma_start3A_489 = tpu.memref_squeeze %dma_start3A_488 : memref<1x125x80xi32, #tpu.memory_space<hbm>> -> memref<125x80xi32, #tpu.memory_space<hbm>>
      tpu.enqueue_dma source(%dma_start3A_489 : memref<125x80xi32, #tpu.memory_space<hbm>>) target(%arg9 : memref<125x80xi32, #tpu.memory_space<vmem>>) target_semaphore(%run_scoped3A_481 : memref<!tpu.dma_semaphore, #tpu.memory_space<semaphore_mem>>)
      %dma_wait3A_490 = arith.constant 0 : i32
      %dma_wait3A_491 = arith.constant 0 : i32
      %dma_wait3A_492 = tpu.memref_slice %arg4[%add3A, %dma_wait3A_490, %dma_wait3A_491] : memref<32x125x80xi32, #tpu.memory_space<hbm>> -> memref<1x125x80xi32, #tpu.memory_space<hbm>>
      %dma_wait3A_493 = tpu.memref_squeeze %dma_wait3A_492 : memref<1x125x80xi32, #tpu.memory_space<hbm>> -> memref<125x80xi32, #tpu.memory_space<hbm>>
      %dma_wait3A_494 = arith.constant 0 : i32
      %dma_wait3A_495 = arith.constant 0 : i32
      %dma_wait3A_496 = tpu.memref_slice %arg4[%add3A, %dma_wait3A_494, %dma_wait3A_495] : memref<32x125x80xi32, #tpu.memory_space<hbm>> -> memref<1x125x80xi32, #tpu.memory_space<hbm>>
      %dma_wait3A_497 = tpu.memref_squeeze %dma_wait3A_496 : memref<1x125x80xi32, #tpu.memory_space<hbm>> -> memref<125x80xi32, #tpu.memory_space<hbm>>
      tpu.wait_dma2 semaphore(%run_scoped3A_481 : memref<!tpu.dma_semaphore, #tpu.memory_space<semaphore_mem>>) src(%dma_wait3A_497 : memref<125x80xi32, #tpu.memory_space<hbm>>) dst(%arg9 : memref<125x80xi32, #tpu.memory_space<vmem>>)
      tpu.yield
    }) : () -> ()
    "tpu.region"() ({
      %run_scoped3A_481 = tpu.sem_alloc : memref<!tpu.dma_semaphore, #tpu.memory_space<semaphore_mem>>
      %dma_start3A_482 = arith.constant 0 : i32
      %dma_start3A_483 = tpu.memref_slice %arg7[%multiple_of3A, %dma_start3A_482] : memref<10240x128xf32, #tpu.memory_space<vmem_shared>> -> memref<640x128xf32, #tpu.memory_space<vmem_shared>>
      tpu.enqueue_dma source(%arg5 : memref<640x128xf32, #tpu.memory_space<hbm>>) target(%dma_start3A_483 : memref<640x128xf32, #tpu.memory_space<vmem_shared>>) target_semaphore(%run_scoped3A_481 : memref<!tpu.dma_semaphore, #tpu.memory_space<semaphore_mem>>)
      %dma_wait3A_484 = arith.constant 0 : i32
      %dma_wait3A_485 = tpu.memref_slice %arg7[%multiple_of3A, %dma_wait3A_484] : memref<10240x128xf32, #tpu.memory_space<vmem_shared>> -> memref<640x128xf32, #tpu.memory_space<vmem_shared>>
      tpu.wait_dma2 semaphore(%run_scoped3A_481 : memref<!tpu.dma_semaphore, #tpu.memory_space<semaphore_mem>>) src(%arg5 : memref<640x128xf32, #tpu.memory_space<hbm>>) dst(%dma_wait3A_485 : memref<640x128xf32, #tpu.memory_space<vmem_shared>>)
      tpu.yield
    }) : () -> ()
    %barrier3A = arith.constant 0 : index
    tpu.barrier barrier_id(%barrier3A)
    %multiple_of3A_6 = arith.constant 0 : i32
    %multiple_of3A_7 = tpu.assume_multiple %multiple_of3A_6, 8 : i32
    %dma_start3A = arith.constant 0 : i32
    %dma_start3A_8 = arith.constant 0 : i32
    %dma_start3A_9 = arith.constant 0 : i32
    %dma_start3A_10 = arith.constant 0 : i32
    %dma_start3A_11 = tpu.memref_slice %arg10[%dma_start3A_8, %dma_start3A_9, %dma_start3A_10] : memref<2x80x128xf32, #tpu.memory_space<vmem>> -> memref<1x80x128xf32, #tpu.memory_space<vmem>>
    %dma_start3A_12 = tpu.memref_squeeze %dma_start3A_11 : memref<1x80x128xf32, #tpu.memory_space<vmem>> -> memref<80x128xf32, #tpu.memory_space<vmem>>
    %dma_start3A_13 = tpu.memref_slice %arg8[%multiple_of3A_7] : memref<10000xi32, #tpu.memory_space<vmem>> -> memref<80xi32, #tpu.memory_space<vmem>>
    %dma_start3A_14 = arith.constant 0 : i32
    %dma_start3A_15 = arith.constant 0 : i32
    %dma_start3A_16 = tpu.memref_slice %arg2[%dma_start3A, %dma_start3A_14, %dma_start3A_15] : memref<8x10240x128xf32, #tpu.memory_space<hbm>> -> memref<1x10240x128xf32, #tpu.memory_space<hbm>>
    %dma_start3A_17 = tpu.memref_squeeze %dma_start3A_16 : memref<1x10240x128xf32, #tpu.memory_space<hbm>> -> memref<10240x128xf32, #tpu.memory_space<hbm>>
    %dma_start3A_18 = arith.constant 0 : i32
    %dma_start3A_19 = arith.constant 0 : i32
    %dma_start3A_20 = tpu.memref_slice %dma_start3A_17[%dma_start3A_18, %dma_start3A_19] : memref<10240x128xf32, #tpu.memory_space<hbm>> -> memref<10240x128xf32, #tpu.memory_space<hbm>>
    tpu.enqueue_indirect_dma source(%dma_start3A_20 : memref<10240x128xf32, #tpu.memory_space<hbm>>) target(%dma_start3A_12 : memref<80x128xf32, #tpu.memory_space<vmem>>) offsets(%dma_start3A_13 : memref<80xi32, #tpu.memory_space<vmem>>) semaphore(%arg11 : memref<!tpu.dma_semaphore, #tpu.memory_space<semaphore_mem>>)
    %multiple_of3A_21 = arith.constant 80 : i32
    %multiple_of3A_22 = tpu.assume_multiple %multiple_of3A_21, 8 : i32
    %dma_start3A_23 = arith.constant 0 : i32
    %dma_start3A_24 = arith.constant 1 : i32
    %dma_start3A_25 = arith.constant 0 : i32
    %dma_start3A_26 = arith.constant 0 : i32
    %dma_start3A_27 = tpu.memref_slice %arg10[%dma_start3A_24, %dma_start3A_25, %dma_start3A_26] : memref<2x80x128xf32, #tpu.memory_space<vmem>> -> memref<1x80x128xf32, #tpu.memory_space<vmem>>
    %dma_start3A_28 = tpu.memref_squeeze %dma_start3A_27 : memref<1x80x128xf32, #tpu.memory_space<vmem>> -> memref<80x128xf32, #tpu.memory_space<vmem>>
    %dma_start3A_29 = tpu.memref_slice %arg8[%multiple_of3A_22] : memref<10000xi32, #tpu.memory_space<vmem>> -> memref<80xi32, #tpu.memory_space<vmem>>
    %dma_start3A_30 = arith.constant 0 : i32
    %dma_start3A_31 = arith.constant 0 : i32
    %dma_start3A_32 = tpu.memref_slice %arg2[%dma_start3A_23, %dma_start3A_30, %dma_start3A_31] : memref<8x10240x128xf32, #tpu.memory_space<hbm>> -> memref<1x10240x128xf32, #tpu.memory_space<hbm>>
    %dma_start3A_33 = tpu.memref_squeeze %dma_start3A_32 : memref<1x10240x128xf32, #tpu.memory_space<hbm>> -> memref<10240x128xf32, #tpu.memory_space<hbm>>
    %dma_start3A_34 = arith.constant 0 : i32
    %dma_start3A_35 = arith.constant 0 : i32
    %dma_start3A_36 = tpu.memref_slice %dma_start3A_33[%dma_start3A_34, %dma_start3A_35] : memref<10240x128xf32, #tpu.memory_space<hbm>> -> memref<10240x128xf32, #tpu.memory_space<hbm>>
    tpu.enqueue_indirect_dma source(%dma_start3A_36 : memref<10240x128xf32, #tpu.memory_space<hbm>>) target(%dma_start3A_28 : memref<80x128xf32, #tpu.memory_space<vmem>>) offsets(%dma_start3A_29 : memref<80xi32, #tpu.memory_space<vmem>>) semaphore(%arg12 : memref<!tpu.dma_semaphore, #tpu.memory_space<semaphore_mem>>)
    %scan3A = arith.constant 0 : i32
    %scan3A_37 = arith.constant 0 : i32
    %scan3A_38 = arith.constant 62 : i32
    %scan3A_39 = arith.addi %scan3A_37, %scan3A_38 : i32
    %scan3A_40 = arith.constant 1 : i32
    scf.for %scan3A_481 = %scan3A_37 to %scan3A_39 step %scan3A_40  : i32 {
      %mul3A_482 = arith.constant 2 : i32
      %mul3A_483 = arith.muli %scan3A_481, %mul3A_482 : i32
      %add3A_484 = arith.constant 0 : i32
      %add3A_485 = arith.addi %add3A_484, %mul3A_483 : i32
      %add3A_486 = arith.constant 0 : i32
      %add3A_487 = arith.addi %add3A_485, %add3A_486 : i32
      %mul3A_488 = arith.constant 80 : i32
      %mul3A_489 = arith.muli %add3A_487, %mul3A_488 : i32
      %multiple_of3A_490 = tpu.assume_multiple %mul3A_489, 8 : i32
      %dma_wait3A_491 = arith.constant 0 : i32
      %dma_wait3A_492 = arith.constant 0 : i32
      %dma_wait3A_493 = arith.constant 0 : i32
      %dma_wait3A_494 = tpu.memref_slice %arg10[%dma_wait3A_491, %dma_wait3A_492, %dma_wait3A_493] : memref<2x80x128xf32, #tpu.memory_space<vmem>> -> memref<1x80x128xf32, #tpu.memory_space<vmem>>
      %dma_wait3A_495 = tpu.memref_squeeze %dma_wait3A_494 : memref<1x80x128xf32, #tpu.memory_space<vmem>> -> memref<80x128xf32, #tpu.memory_space<vmem>>
      %dma_wait3A_496 = tpu.memref_slice %arg8[%multiple_of3A_490] : memref<10000xi32, #tpu.memory_space<vmem>> -> memref<80xi32, #tpu.memory_space<vmem>>
      %dma_wait3A_497 = arith.constant 0 : i32
      %dma_wait3A_498 = arith.constant 0 : i32
      %dma_wait3A_499 = tpu.memref_slice %arg2[%scan3A, %dma_wait3A_497, %dma_wait3A_498] : memref<8x10240x128xf32, #tpu.memory_space<hbm>> -> memref<1x10240x128xf32, #tpu.memory_space<hbm>>
      %dma_wait3A_500 = tpu.memref_squeeze %dma_wait3A_499 : memref<1x10240x128xf32, #tpu.memory_space<hbm>> -> memref<10240x128xf32, #tpu.memory_space<hbm>>
      %dma_wait3A_501 = arith.constant 0 : i32
      %dma_wait3A_502 = arith.constant 0 : i32
      %dma_wait3A_503 = tpu.memref_slice %dma_wait3A_500[%dma_wait3A_501, %dma_wait3A_502] : memref<10240x128xf32, #tpu.memory_space<hbm>> -> memref<10240x128xf32, #tpu.memory_space<hbm>>
      tpu.wait_indirect_dma semaphore(%arg11 : memref<!tpu.dma_semaphore, #tpu.memory_space<semaphore_mem>>) src(%dma_wait3A_503 : memref<10240x128xf32, #tpu.memory_space<hbm>>) dst(%dma_wait3A_495 : memref<80x128xf32, #tpu.memory_space<vmem>>)
      %run_scoped3A_504 = arith.constant 0 : i32
      "tpu.region"() ({
        %run_scoped3A_535 = tpu.sem_alloc : memref<!tpu.dma_semaphore, #tpu.memory_space<semaphore_mem>>
        %dma_start3A_536 = arith.constant 0 : i32
        %dma_start3A_537 = arith.constant 0 : i32
        %dma_start3A_538 = tpu.memref_slice %arg10[%run_scoped3A_504, %dma_start3A_536, %dma_start3A_537] : memref<2x80x128xf32, #tpu.memory_space<vmem>> -> memref<1x80x128xf32, #tpu.memory_space<vmem>>
        %dma_start3A_539 = tpu.memref_squeeze %dma_start3A_538 : memref<1x80x128xf32, #tpu.memory_space<vmem>> -> memref<80x128xf32, #tpu.memory_space<vmem>>
        %dma_start3A_540 = arith.constant 0 : i32
        %dma_start3A_541 = tpu.memref_slice %arg9[%add3A_487, %dma_start3A_540] : memref<125x80xi32, #tpu.memory_space<vmem>> -> memref<1x80xi32, #tpu.memory_space<vmem>>
        %dma_start3A_542 = tpu.memref_squeeze %dma_start3A_541 : memref<1x80xi32, #tpu.memory_space<vmem>> -> memref<80xi32, #tpu.memory_space<vmem>>
        %dma_start3A_543 = arith.constant 0 : i32
        %dma_start3A_544 = arith.constant 0 : i32
        %dma_start3A_545 = tpu.memref_slice %arg7[%dma_start3A_543, %dma_start3A_544] : memref<10240x128xf32, #tpu.memory_space<vmem_shared>> -> memref<10240x128xf32, #tpu.memory_space<vmem_shared>>
        tpu.enqueue_indirect_dma source(%dma_start3A_539 : memref<80x128xf32, #tpu.memory_space<vmem>>) target(%dma_start3A_545 : memref<10240x128xf32, #tpu.memory_space<vmem_shared>>) offsets(%dma_start3A_542 : memref<80xi32, #tpu.memory_space<vmem>>) semaphore(%run_scoped3A_535 : memref<!tpu.dma_semaphore, #tpu.memory_space<semaphore_mem>>) {add = true}
        %dma_wait3A_546 = arith.constant 0 : i32
        %dma_wait3A_547 = arith.constant 0 : i32
        %dma_wait3A_548 = tpu.memref_slice %arg10[%run_scoped3A_504, %dma_wait3A_546, %dma_wait3A_547] : memref<2x80x128xf32, #tpu.memory_space<vmem>> -> memref<1x80x128xf32, #tpu.memory_space<vmem>>
        %dma_wait3A_549 = tpu.memref_squeeze %dma_wait3A_548 : memref<1x80x128xf32, #tpu.memory_space<vmem>> -> memref<80x128xf32, #tpu.memory_space<vmem>>
        %dma_wait3A_550 = arith.constant 0 : i32
        %dma_wait3A_551 = tpu.memref_slice %arg9[%add3A_487, %dma_wait3A_550] : memref<125x80xi32, #tpu.memory_space<vmem>> -> memref<1x80xi32, #tpu.memory_space<vmem>>
        %dma_wait3A_552 = tpu.memref_squeeze %dma_wait3A_551 : memref<1x80xi32, #tpu.memory_space<vmem>> -> memref<80xi32, #tpu.memory_space<vmem>>
        %dma_wait3A_553 = arith.constant 0 : i32
        %dma_wait3A_554 = arith.constant 0 : i32
        %dma_wait3A_555 = tpu.memref_slice %arg7[%dma_wait3A_553, %dma_wait3A_554] : memref<10240x128xf32, #tpu.memory_space<vmem_shared>> -> memref<10240x128xf32, #tpu.memory_space<vmem_shared>>
        tpu.wait_indirect_dma semaphore(%run_scoped3A_535 : memref<!tpu.dma_semaphore, #tpu.memory_space<semaphore_mem>>) src(%dma_wait3A_549 : memref<80x128xf32, #tpu.memory_space<vmem>>) dst(%dma_wait3A_555 : memref<10240x128xf32, #tpu.memory_space<vmem_shared>>)
        tpu.yield
      }) : () -> ()
      %add3A_505 = arith.constant 2 : i32
      %add3A_506 = arith.addi %add3A_487, %add3A_505 : i32
      %lt3A = arith.constant 125 : i32
      %lt3A_507 = arith.cmpi slt, %add3A_506, %lt3A : i32
      %convert_element_type3A = arith.extui %lt3A_507 : i1 to i32
      %cond3A = arith.constant 0 : i32
      %cond3A_508 = arith.cmpi ne, %convert_element_type3A, %cond3A : i32
      scf.if %cond3A_508 {
        %add3A_535 = arith.constant 2 : i32
        %add3A_536 = arith.addi %add3A_487, %add3A_535 : i32
        %mul3A_537 = arith.constant 80 : i32
        %mul3A_538 = arith.muli %add3A_536, %mul3A_537 : i32
        %multiple_of3A_539 = tpu.assume_multiple %mul3A_538, 8 : i32
        %dma_start3A_540 = arith.constant 0 : i32
        %dma_start3A_541 = arith.constant 0 : i32
        %dma_start3A_542 = arith.constant 0 : i32
        %dma_start3A_543 = tpu.memref_slice %arg10[%dma_start3A_540, %dma_start3A_541, %dma_start3A_542] : memref<2x80x128xf32, #tpu.memory_space<vmem>> -> memref<1x80x128xf32, #tpu.memory_space<vmem>>
        %dma_start3A_544 = tpu.memref_squeeze %dma_start3A_543 : memref<1x80x128xf32, #tpu.memory_space<vmem>> -> memref<80x128xf32, #tpu.memory_space<vmem>>
        %dma_start3A_545 = tpu.memref_slice %arg8[%multiple_of3A_539] : memref<10000xi32, #tpu.memory_space<vmem>> -> memref<80xi32, #tpu.memory_space<vmem>>
        %dma_start3A_546 = arith.constant 0 : i32
        %dma_start3A_547 = arith.constant 0 : i32
        %dma_start3A_548 = tpu.memref_slice %arg2[%scan3A, %dma_start3A_546, %dma_start3A_547] : memref<8x10240x128xf32, #tpu.memory_space<hbm>> -> memref<1x10240x128xf32, #tpu.memory_space<hbm>>
        %dma_start3A_549 = tpu.memref_squeeze %dma_start3A_548 : memref<1x10240x128xf32, #tpu.memory_space<hbm>> -> memref<10240x128xf32, #tpu.memory_space<hbm>>
        %dma_start3A_550 = arith.constant 0 : i32
        %dma_start3A_551 = arith.constant 0 : i32
        %dma_start3A_552 = tpu.memref_slice %dma_start3A_549[%dma_start3A_550, %dma_start3A_551] : memref<10240x128xf32, #tpu.memory_space<hbm>> -> memref<10240x128xf32, #tpu.memory_space<hbm>>
        tpu.enqueue_indirect_dma source(%dma_start3A_552 : memref<10240x128xf32, #tpu.memory_space<hbm>>) target(%dma_start3A_544 : memref<80x128xf32, #tpu.memory_space<vmem>>) offsets(%dma_start3A_545 : memref<80xi32, #tpu.memory_space<vmem>>) semaphore(%arg11 : memref<!tpu.dma_semaphore, #tpu.memory_space<semaphore_mem>>)
      } else {
      }
      %add3A_509 = arith.constant 1 : i32
      %add3A_510 = arith.addi %add3A_485, %add3A_509 : i32
      %mul3A_511 = arith.constant 80 : i32
      %mul3A_512 = arith.muli %add3A_510, %mul3A_511 : i32
      %multiple_of3A_513 = tpu.assume_multiple %mul3A_512, 8 : i32
      %dma_wait3A_514 = arith.constant 1 : i32
      %dma_wait3A_515 = arith.constant 0 : i32
      %dma_wait3A_516 = arith.constant 0 : i32
      %dma_wait3A_517 = tpu.memref_slice %arg10[%dma_wait3A_514, %dma_wait3A_515, %dma_wait3A_516] : memref<2x80x128xf32, #tpu.memory_space<vmem>> -> memref<1x80x128xf32, #tpu.memory_space<vmem>>
      %dma_wait3A_518 = tpu.memref_squeeze %dma_wait3A_517 : memref<1x80x128xf32, #tpu.memory_space<vmem>> -> memref<80x128xf32, #tpu.memory_space<vmem>>
      %dma_wait3A_519 = tpu.memref_slice %arg8[%multiple_of3A_513] : memref<10000xi32, #tpu.memory_space<vmem>> -> memref<80xi32, #tpu.memory_space<vmem>>
      %dma_wait3A_520 = arith.constant 0 : i32
      %dma_wait3A_521 = arith.constant 0 : i32
      %dma_wait3A_522 = tpu.memref_slice %arg2[%scan3A, %dma_wait3A_520, %dma_wait3A_521] : memref<8x10240x128xf32, #tpu.memory_space<hbm>> -> memref<1x10240x128xf32, #tpu.memory_space<hbm>>
      %dma_wait3A_523 = tpu.memref_squeeze %dma_wait3A_522 : memref<1x10240x128xf32, #tpu.memory_space<hbm>> -> memref<10240x128xf32, #tpu.memory_space<hbm>>
      %dma_wait3A_524 = arith.constant 0 : i32
      %dma_wait3A_525 = arith.constant 0 : i32
      %dma_wait3A_526 = tpu.memref_slice %dma_wait3A_523[%dma_wait3A_524, %dma_wait3A_525] : memref<10240x128xf32, #tpu.memory_space<hbm>> -> memref<10240x128xf32, #tpu.memory_space<hbm>>
      tpu.wait_indirect_dma semaphore(%arg12 : memref<!tpu.dma_semaphore, #tpu.memory_space<semaphore_mem>>) src(%dma_wait3A_526 : memref<10240x128xf32, #tpu.memory_space<hbm>>) dst(%dma_wait3A_518 : memref<80x128xf32, #tpu.memory_space<vmem>>)
      %run_scoped3A_527 = arith.constant 1 : i32
      "tpu.region"() ({
        %run_scoped3A_535 = tpu.sem_alloc : memref<!tpu.dma_semaphore, #tpu.memory_space<semaphore_mem>>
        %dma_start3A_536 = arith.constant 0 : i32
        %dma_start3A_537 = arith.constant 0 : i32
        %dma_start3A_538 = tpu.memref_slice %arg10[%run_scoped3A_527, %dma_start3A_536, %dma_start3A_537] : memref<2x80x128xf32, #tpu.memory_space<vmem>> -> memref<1x80x128xf32, #tpu.memory_space<vmem>>
        %dma_start3A_539 = tpu.memref_squeeze %dma_start3A_538 : memref<1x80x128xf32, #tpu.memory_space<vmem>> -> memref<80x128xf32, #tpu.memory_space<vmem>>
        %dma_start3A_540 = arith.constant 0 : i32
        %dma_start3A_541 = tpu.memref_slice %arg9[%add3A_510, %dma_start3A_540] : memref<125x80xi32, #tpu.memory_space<vmem>> -> memref<1x80xi32, #tpu.memory_space<vmem>>
        %dma_start3A_542 = tpu.memref_squeeze %dma_start3A_541 : memref<1x80xi32, #tpu.memory_space<vmem>> -> memref<80xi32, #tpu.memory_space<vmem>>
        %dma_start3A_543 = arith.constant 0 : i32
        %dma_start3A_544 = arith.constant 0 : i32
        %dma_start3A_545 = tpu.memref_slice %arg7[%dma_start3A_543, %dma_start3A_544] : memref<10240x128xf32, #tpu.memory_space<vmem_shared>> -> memref<10240x128xf32, #tpu.memory_space<vmem_shared>>
        tpu.enqueue_indirect_dma source(%dma_start3A_539 : memref<80x128xf32, #tpu.memory_space<vmem>>) target(%dma_start3A_545 : memref<10240x128xf32, #tpu.memory_space<vmem_shared>>) offsets(%dma_start3A_542 : memref<80xi32, #tpu.memory_space<vmem>>) semaphore(%run_scoped3A_535 : memref<!tpu.dma_semaphore, #tpu.memory_space<semaphore_mem>>) {add = true}
        %dma_wait3A_546 = arith.constant 0 : i32
        %dma_wait3A_547 = arith.constant 0 : i32
        %dma_wait3A_548 = tpu.memref_slice %arg10[%run_scoped3A_527, %dma_wait3A_546, %dma_wait3A_547] : memref<2x80x128xf32, #tpu.memory_space<vmem>> -> memref<1x80x128xf32, #tpu.memory_space<vmem>>
        %dma_wait3A_549 = tpu.memref_squeeze %dma_wait3A_548 : memref<1x80x128xf32, #tpu.memory_space<vmem>> -> memref<80x128xf32, #tpu.memory_space<vmem>>
        %dma_wait3A_550 = arith.constant 0 : i32
        %dma_wait3A_551 = tpu.memref_slice %arg9[%add3A_510, %dma_wait3A_550] : memref<125x80xi32, #tpu.memory_space<vmem>> -> memref<1x80xi32, #tpu.memory_space<vmem>>
        %dma_wait3A_552 = tpu.memref_squeeze %dma_wait3A_551 : memref<1x80xi32, #tpu.memory_space<vmem>> -> memref<80xi32, #tpu.memory_space<vmem>>
        %dma_wait3A_553 = arith.constant 0 : i32
        %dma_wait3A_554 = arith.constant 0 : i32
        %dma_wait3A_555 = tpu.memref_slice %arg7[%dma_wait3A_553, %dma_wait3A_554] : memref<10240x128xf32, #tpu.memory_space<vmem_shared>> -> memref<10240x128xf32, #tpu.memory_space<vmem_shared>>
        tpu.wait_indirect_dma semaphore(%run_scoped3A_535 : memref<!tpu.dma_semaphore, #tpu.memory_space<semaphore_mem>>) src(%dma_wait3A_549 : memref<80x128xf32, #tpu.memory_space<vmem>>) dst(%dma_wait3A_555 : memref<10240x128xf32, #tpu.memory_space<vmem_shared>>)
        tpu.yield
      }) : () -> ()
      %add3A_528 = arith.constant 2 : i32
      %add3A_529 = arith.addi %add3A_510, %add3A_528 : i32
      %lt3A_530 = arith.constant 125 : i32
      %lt3A_531 = arith.cmpi slt, %add3A_529, %lt3A_530 : i32
      %convert_element_type3A_532 = arith.extui %lt3A_531 : i1 to i32
      %cond3A_533 = arith.constant 0 : i32
      %cond3A_534 = arith.cmpi ne, %convert_element_type3A_532, %cond3A_533 : i32
      scf.if %cond3A_534 {
        %add3A_535 = arith.constant 2 : i32
        %add3A_536 = arith.addi %add3A_510, %add3A_535 : i32
        %mul3A_537 = arith.constant 80 : i32
        %mul3A_538 = arith.muli %add3A_536, %mul3A_537 : i32
        %multiple_of3A_539 = tpu.assume_multiple %mul3A_538, 8 : i32
        %dma_start3A_540 = arith.constant 1 : i32
        %dma_start3A_541 = arith.constant 0 : i32
        %dma_start3A_542 = arith.constant 0 : i32
        %dma_start3A_543 = tpu.memref_slice %arg10[%dma_start3A_540, %dma_start3A_541, %dma_start3A_542] : memref<2x80x128xf32, #tpu.memory_space<vmem>> -> memref<1x80x128xf32, #tpu.memory_space<vmem>>
        %dma_start3A_544 = tpu.memref_squeeze %dma_start3A_543 : memref<1x80x128xf32, #tpu.memory_space<vmem>> -> memref<80x128xf32, #tpu.memory_space<vmem>>
        %dma_start3A_545 = tpu.memref_slice %arg8[%multiple_of3A_539] : memref<10000xi32, #tpu.memory_space<vmem>> -> memref<80xi32, #tpu.memory_space<vmem>>
        %dma_start3A_546 = arith.constant 0 : i32
        %dma_start3A_547 = arith.constant 0 : i32
        %dma_start3A_548 = tpu.memref_slice %arg2[%scan3A, %dma_start3A_546, %dma_start3A_547] : memref<8x10240x128xf32, #tpu.memory_space<hbm>> -> memref<1x10240x128xf32, #tpu.memory_space<hbm>>
        %dma_start3A_549 = tpu.memref_squeeze %dma_start3A_548 : memref<1x10240x128xf32, #tpu.memory_space<hbm>> -> memref<10240x128xf32, #tpu.memory_space<hbm>>
        %dma_start3A_550 = arith.constant 0 : i32
        %dma_start3A_551 = arith.constant 0 : i32
        %dma_start3A_552 = tpu.memref_slice %dma_start3A_549[%dma_start3A_550, %dma_start3A_551] : memref<10240x128xf32, #tpu.memory_space<hbm>> -> memref<10240x128xf32, #tpu.memory_space<hbm>>
        tpu.enqueue_indirect_dma source(%dma_start3A_552 : memref<10240x128xf32, #tpu.memory_space<hbm>>) target(%dma_start3A_544 : memref<80x128xf32, #tpu.memory_space<vmem>>) offsets(%dma_start3A_545 : memref<80xi32, #tpu.memory_space<vmem>>) semaphore(%arg12 : memref<!tpu.dma_semaphore, #tpu.memory_space<semaphore_mem>>)
      } else {
      }
    }
    %scan3A_41 = arith.constant 62 : i32
    %multiple_of3A_42 = arith.constant 9920 : i32
    %multiple_of3A_43 = tpu.assume_multiple %multiple_of3A_42, 8 : i32
    %dma_wait3A = arith.constant 0 : i32
    %dma_wait3A_44 = arith.constant 0 : i32
    %dma_wait3A_45 = arith.constant 0 : i32
    %dma_wait3A_46 = arith.constant 0 : i32
    %dma_wait3A_47 = tpu.memref_slice %arg10[%dma_wait3A_44, %dma_wait3A_45, %dma_wait3A_46] : memref<2x80x128xf32, #tpu.memory_space<vmem>> -> memref<1x80x128xf32, #tpu.memory_space<vmem>>
    %dma_wait3A_48 = tpu.memref_squeeze %dma_wait3A_47 : memref<1x80x128xf32, #tpu.memory_space<vmem>> -> memref<80x128xf32, #tpu.memory_space<vmem>>
    %dma_wait3A_49 = tpu.memref_slice %arg8[%multiple_of3A_43] : memref<10000xi32, #tpu.memory_space<vmem>> -> memref<80xi32, #tpu.memory_space<vmem>>
    %dma_wait3A_50 = arith.constant 0 : i32
    %dma_wait3A_51 = arith.constant 0 : i32
    %dma_wait3A_52 = tpu.memref_slice %arg2[%dma_wait3A, %dma_wait3A_50, %dma_wait3A_51] : memref<8x10240x128xf32, #tpu.memory_space<hbm>> -> memref<1x10240x128xf32, #tpu.memory_space<hbm>>
    %dma_wait3A_53 = tpu.memref_squeeze %dma_wait3A_52 : memref<1x10240x128xf32, #tpu.memory_space<hbm>> -> memref<10240x128xf32, #tpu.memory_space<hbm>>
    %dma_wait3A_54 = arith.constant 0 : i32
    %dma_wait3A_55 = arith.constant 0 : i32
    %dma_wait3A_56 = tpu.memref_slice %dma_wait3A_53[%dma_wait3A_54, %dma_wait3A_55] : memref<10240x128xf32, #tpu.memory_space<hbm>> -> memref<10240x128xf32, #tpu.memory_space<hbm>>
    tpu.wait_indirect_dma semaphore(%arg11 : memref<!tpu.dma_semaphore, #tpu.memory_space<semaphore_mem>>) src(%dma_wait3A_56 : memref<10240x128xf32, #tpu.memory_space<hbm>>) dst(%dma_wait3A_48 : memref<80x128xf32, #tpu.memory_space<vmem>>)
    %run_scoped3A = arith.constant 0 : i32
    %run_scoped3A_57 = arith.constant 124 : i32
    "tpu.region"() ({
      %run_scoped3A_481 = tpu.sem_alloc : memref<!tpu.dma_semaphore, #tpu.memory_space<semaphore_mem>>
      %dma_start3A_482 = arith.constant 0 : i32
      %dma_start3A_483 = arith.constant 0 : i32
      %dma_start3A_484 = tpu.memref_slice %arg10[%run_scoped3A, %dma_start3A_482, %dma_start3A_483] : memref<2x80x128xf32, #tpu.memory_space<vmem>> -> memref<1x80x128xf32, #tpu.memory_space<vmem>>
      %dma_start3A_485 = tpu.memref_squeeze %dma_start3A_484 : memref<1x80x128xf32, #tpu.memory_space<vmem>> -> memref<80x128xf32, #tpu.memory_space<vmem>>
      %dma_start3A_486 = arith.constant 0 : i32
      %dma_start3A_487 = tpu.memref_slice %arg9[%run_scoped3A_57, %dma_start3A_486] : memref<125x80xi32, #tpu.memory_space<vmem>> -> memref<1x80xi32, #tpu.memory_space<vmem>>
      %dma_start3A_488 = tpu.memref_squeeze %dma_start3A_487 : memref<1x80xi32, #tpu.memory_space<vmem>> -> memref<80xi32, #tpu.memory_space<vmem>>
      %dma_start3A_489 = arith.constant 0 : i32
      %dma_start3A_490 = arith.constant 0 : i32
      %dma_start3A_491 = tpu.memref_slice %arg7[%dma_start3A_489, %dma_start3A_490] : memref<10240x128xf32, #tpu.memory_space<vmem_shared>> -> memref<10240x128xf32, #tpu.memory_space<vmem_shared>>
      tpu.enqueue_indirect_dma source(%dma_start3A_485 : memref<80x128xf32, #tpu.memory_space<vmem>>) target(%dma_start3A_491 : memref<10240x128xf32, #tpu.memory_space<vmem_shared>>) offsets(%dma_start3A_488 : memref<80xi32, #tpu.memory_space<vmem>>) semaphore(%run_scoped3A_481 : memref<!tpu.dma_semaphore, #tpu.memory_space<semaphore_mem>>) {add = true}
      %dma_wait3A_492 = arith.constant 0 : i32
      %dma_wait3A_493 = arith.constant 0 : i32
      %dma_wait3A_494 = tpu.memref_slice %arg10[%run_scoped3A, %dma_wait3A_492, %dma_wait3A_493] : memref<2x80x128xf32, #tpu.memory_space<vmem>> -> memref<1x80x128xf32, #tpu.memory_space<vmem>>
      %dma_wait3A_495 = tpu.memref_squeeze %dma_wait3A_494 : memref<1x80x128xf32, #tpu.memory_space<vmem>> -> memref<80x128xf32, #tpu.memory_space<vmem>>
      %dma_wait3A_496 = arith.constant 0 : i32
      %dma_wait3A_497 = tpu.memref_slice %arg9[%run_scoped3A_57, %dma_wait3A_496] : memref<125x80xi32, #tpu.memory_space<vmem>> -> memref<1x80xi32, #tpu.memory_space<vmem>>
      %dma_wait3A_498 = tpu.memref_squeeze %dma_wait3A_497 : memref<1x80xi32, #tpu.memory_space<vmem>> -> memref<80xi32, #tpu.memory_space<vmem>>
      %dma_wait3A_499 = arith.constant 0 : i32
      %dma_wait3A_500 = arith.constant 0 : i32
      %dma_wait3A_501 = tpu.memref_slice %arg7[%dma_wait3A_499, %dma_wait3A_500] : memref<10240x128xf32, #tpu.memory_space<vmem_shared>> -> memref<10240x128xf32, #tpu.memory_space<vmem_shared>>
      tpu.wait_indirect_dma semaphore(%run_scoped3A_481 : memref<!tpu.dma_semaphore, #tpu.memory_space<semaphore_mem>>) src(%dma_wait3A_495 : memref<80x128xf32, #tpu.memory_space<vmem>>) dst(%dma_wait3A_501 : memref<10240x128xf32, #tpu.memory_space<vmem_shared>>)
      tpu.yield
    }) : () -> ()
    %barrier3A_58 = arith.constant 0 : index
    tpu.barrier barrier_id(%barrier3A_58)
    %run_scoped3A_59 = arith.constant 0 : i32
    "tpu.region"() ({
      %run_scoped3A_481 = tpu.sem_alloc : memref<!tpu.dma_semaphore, #tpu.memory_space<semaphore_mem>>
      %dma_start3A_482 = arith.constant 0 : i32
      %dma_start3A_483 = arith.constant 0 : i32
      %dma_start3A_484 = arith.constant 0 : i32
      %dma_start3A_485 = tpu.memref_slice %arg6[%arg0, %dma_start3A_482, %dma_start3A_483, %dma_start3A_484] : memref<2x8x10240x128xf32, #tpu.memory_space<hbm>> -> memref<1x8x10240x128xf32, #tpu.memory_space<hbm>>
      %dma_start3A_486 = tpu.memref_squeeze %dma_start3A_485 : memref<1x8x10240x128xf32, #tpu.memory_space<hbm>> -> memref<8x10240x128xf32, #tpu.memory_space<hbm>>
      %dma_start3A_487 = arith.constant 0 : i32
      %dma_start3A_488 = arith.constant 0 : i32
      %dma_start3A_489 = tpu.memref_slice %dma_start3A_486[%run_scoped3A_59, %dma_start3A_487, %dma_start3A_488] : memref<8x10240x128xf32, #tpu.memory_space<hbm>> -> memref<1x10240x128xf32, #tpu.memory_space<hbm>>
      %dma_start3A_490 = tpu.memref_squeeze %dma_start3A_489 : memref<1x10240x128xf32, #tpu.memory_space<hbm>> -> memref<10240x128xf32, #tpu.memory_space<hbm>>
      %dma_start3A_491 = arith.constant 0 : i32
      %dma_start3A_492 = tpu.memref_slice %dma_start3A_490[%multiple_of3A, %dma_start3A_491] : memref<10240x128xf32, #tpu.memory_space<hbm>> -> memref<640x128xf32, #tpu.memory_space<hbm>>
      %dma_start3A_493 = arith.constant 0 : i32
      %dma_start3A_494 = tpu.memref_slice %arg7[%multiple_of3A, %dma_start3A_493] : memref<10240x128xf32, #tpu.memory_space<vmem_shared>> -> memref<640x128xf32, #tpu.memory_space<vmem_shared>>
      tpu.enqueue_dma source(%dma_start3A_494 : memref<640x128xf32, #tpu.memory_space<vmem_shared>>) target(%dma_start3A_492 : memref<640x128xf32, #tpu.memory_space<hbm>>) target_semaphore(%run_scoped3A_481 : memref<!tpu.dma_semaphore, #tpu.memory_space<semaphore_mem>>)
      %dma_wait3A_495 = arith.constant 0 : i32
      %dma_wait3A_496 = arith.constant 0 : i32
      %dma_wait3A_497 = arith.constant 0 : i32
      %dma_wait3A_498 = tpu.memref_slice %arg6[%arg0, %dma_wait3A_495, %dma_wait3A_496, %dma_wait3A_497] : memref<2x8x10240x128xf32, #tpu.memory_space<hbm>> -> memref<1x8x10240x128xf32, #tpu.memory_space<hbm>>
      %dma_wait3A_499 = tpu.memref_squeeze %dma_wait3A_498 : memref<1x8x10240x128xf32, #tpu.memory_space<hbm>> -> memref<8x10240x128xf32, #tpu.memory_space<hbm>>
      %dma_wait3A_500 = arith.constant 0 : i32
      %dma_wait3A_501 = arith.constant 0 : i32
      %dma_wait3A_502 = tpu.memref_slice %dma_wait3A_499[%run_scoped3A_59, %dma_wait3A_500, %dma_wait3A_501] : memref<8x10240x128xf32, #tpu.memory_space<hbm>> -> memref<1x10240x128xf32, #tpu.memory_space<hbm>>
      %dma_wait3A_503 = tpu.memref_squeeze %dma_wait3A_502 : memref<1x10240x128xf32, #tpu.memory_space<hbm>> -> memref<10240x128xf32, #tpu.memory_space<hbm>>
      %dma_wait3A_504 = arith.constant 0 : i32
      %dma_wait3A_505 = tpu.memref_slice %dma_wait3A_503[%multiple_of3A, %dma_wait3A_504] : memref<10240x128xf32, #tpu.memory_space<hbm>> -> memref<640x128xf32, #tpu.memory_space<hbm>>
      %dma_wait3A_506 = arith.constant 0 : i32
      %dma_wait3A_507 = tpu.memref_slice %arg7[%multiple_of3A, %dma_wait3A_506] : memref<10240x128xf32, #tpu.memory_space<vmem_shared>> -> memref<640x128xf32, #tpu.memory_space<vmem_shared>>
      tpu.wait_dma2 semaphore(%run_scoped3A_481 : memref<!tpu.dma_semaphore, #tpu.memory_space<semaphore_mem>>) src(%dma_wait3A_507 : memref<640x128xf32, #tpu.memory_space<vmem_shared>>) dst(%dma_wait3A_505 : memref<640x128xf32, #tpu.memory_space<hbm>>)
      tpu.yield
    }) : () -> ()
    %barrier3A_60 = arith.constant 0 : index
    tpu.barrier barrier_id(%barrier3A_60)
    "tpu.region"() ({
      %run_scoped3A_481 = tpu.sem_alloc : memref<!tpu.dma_semaphore, #tpu.memory_space<semaphore_mem>>
      %dma_start3A_482 = arith.constant 0 : i32
      %dma_start3A_483 = tpu.memref_slice %arg7[%multiple_of3A, %dma_start3A_482] : memref<10240x128xf32, #tpu.memory_space<vmem_shared>> -> memref<640x128xf32, #tpu.memory_space<vmem_shared>>
      tpu.enqueue_dma source(%arg5 : memref<640x128xf32, #tpu.memory_space<hbm>>) target(%dma_start3A_483 : memref<640x128xf32, #tpu.memory_space<vmem_shared>>) target_semaphore(%run_scoped3A_481 : memref<!tpu.dma_semaphore, #tpu.memory_space<semaphore_mem>>)
      %dma_wait3A_484 = arith.constant 0 : i32
      %dma_wait3A_485 = tpu.memref_slice %arg7[%multiple_of3A, %dma_wait3A_484] : memref<10240x128xf32, #tpu.memory_space<vmem_shared>> -> memref<640x128xf32, #tpu.memory_space<vmem_shared>>
      tpu.wait_dma2 semaphore(%run_scoped3A_481 : memref<!tpu.dma_semaphore, #tpu.memory_space<semaphore_mem>>) src(%arg5 : memref<640x128xf32, #tpu.memory_space<hbm>>) dst(%dma_wait3A_485 : memref<640x128xf32, #tpu.memory_space<vmem_shared>>)
      tpu.yield
    }) : () -> ()
    %barrier3A_61 = arith.constant 0 : index
    tpu.barrier barrier_id(%barrier3A_61)
    %multiple_of3A_62 = arith.constant 0 : i32
    %multiple_of3A_63 = tpu.assume_multiple %multiple_of3A_62, 8 : i32
    %dma_start3A_64 = arith.constant 1 : i32
    %dma_start3A_65 = arith.constant 0 : i32
    %dma_start3A_66 = arith.constant 0 : i32
    %dma_start3A_67 = arith.constant 0 : i32
    %dma_start3A_68 = tpu.memref_slice %arg10[%dma_start3A_65, %dma_start3A_66, %dma_start3A_67] : memref<2x80x128xf32, #tpu.memory_space<vmem>> -> memref<1x80x128xf32, #tpu.memory_space<vmem>>
    %dma_start3A_69 = tpu.memref_squeeze %dma_start3A_68 : memref<1x80x128xf32, #tpu.memory_space<vmem>> -> memref<80x128xf32, #tpu.memory_space<vmem>>
    %dma_start3A_70 = tpu.memref_slice %arg8[%multiple_of3A_63] : memref<10000xi32, #tpu.memory_space<vmem>> -> memref<80xi32, #tpu.memory_space<vmem>>
    %dma_start3A_71 = arith.constant 0 : i32
    %dma_start3A_72 = arith.constant 0 : i32
    %dma_start3A_73 = tpu.memref_slice %arg2[%dma_start3A_64, %dma_start3A_71, %dma_start3A_72] : memref<8x10240x128xf32, #tpu.memory_space<hbm>> -> memref<1x10240x128xf32, #tpu.memory_space<hbm>>
    %dma_start3A_74 = tpu.memref_squeeze %dma_start3A_73 : memref<1x10240x128xf32, #tpu.memory_space<hbm>> -> memref<10240x128xf32, #tpu.memory_space<hbm>>
    %dma_start3A_75 = arith.constant 0 : i32
    %dma_start3A_76 = arith.constant 0 : i32
    %dma_start3A_77 = tpu.memref_slice %dma_start3A_74[%dma_start3A_75, %dma_start3A_76] : memref<10240x128xf32, #tpu.memory_space<hbm>> -> memref<10240x128xf32, #tpu.memory_space<hbm>>
    tpu.enqueue_indirect_dma source(%dma_start3A_77 : memref<10240x128xf32, #tpu.memory_space<hbm>>) target(%dma_start3A_69 : memref<80x128xf32, #tpu.memory_space<vmem>>) offsets(%dma_start3A_70 : memref<80xi32, #tpu.memory_space<vmem>>) semaphore(%arg11 : memref<!tpu.dma_semaphore, #tpu.memory_space<semaphore_mem>>)
    %multiple_of3A_78 = arith.constant 80 : i32
    %multiple_of3A_79 = tpu.assume_multiple %multiple_of3A_78, 8 : i32
    %dma_start3A_80 = arith.constant 1 : i32
    %dma_start3A_81 = arith.constant 1 : i32
    %dma_start3A_82 = arith.constant 0 : i32
    %dma_start3A_83 = arith.constant 0 : i32
    %dma_start3A_84 = tpu.memref_slice %arg10[%dma_start3A_81, %dma_start3A_82, %dma_start3A_83] : memref<2x80x128xf32, #tpu.memory_space<vmem>> -> memref<1x80x128xf32, #tpu.memory_space<vmem>>
    %dma_start3A_85 = tpu.memref_squeeze %dma_start3A_84 : memref<1x80x128xf32, #tpu.memory_space<vmem>> -> memref<80x128xf32, #tpu.memory_space<vmem>>
    %dma_start3A_86 = tpu.memref_slice %arg8[%multiple_of3A_79] : memref<10000xi32, #tpu.memory_space<vmem>> -> memref<80xi32, #tpu.memory_space<vmem>>
    %dma_start3A_87 = arith.constant 0 : i32
    %dma_start3A_88 = arith.constant 0 : i32
    %dma_start3A_89 = tpu.memref_slice %arg2[%dma_start3A_80, %dma_start3A_87, %dma_start3A_88] : memref<8x10240x128xf32, #tpu.memory_space<hbm>> -> memref<1x10240x128xf32, #tpu.memory_space<hbm>>
    %dma_start3A_90 = tpu.memref_squeeze %dma_start3A_89 : memref<1x10240x128xf32, #tpu.memory_space<hbm>> -> memref<10240x128xf32, #tpu.memory_space<hbm>>
    %dma_start3A_91 = arith.constant 0 : i32
    %dma_start3A_92 = arith.constant 0 : i32
    %dma_start3A_93 = tpu.memref_slice %dma_start3A_90[%dma_start3A_91, %dma_start3A_92] : memref<10240x128xf32, #tpu.memory_space<hbm>> -> memref<10240x128xf32, #tpu.memory_space<hbm>>
    tpu.enqueue_indirect_dma source(%dma_start3A_93 : memref<10240x128xf32, #tpu.memory_space<hbm>>) target(%dma_start3A_85 : memref<80x128xf32, #tpu.memory_space<vmem>>) offsets(%dma_start3A_86 : memref<80xi32, #tpu.memory_space<vmem>>) semaphore(%arg12 : memref<!tpu.dma_semaphore, #tpu.memory_space<semaphore_mem>>)
    %scan3A_94 = arith.constant 1 : i32
    %scan3A_95 = arith.constant 0 : i32
    %scan3A_96 = arith.constant 62 : i32
    %scan3A_97 = arith.addi %scan3A_95, %scan3A_96 : i32
    %scan3A_98 = arith.constant 1 : i32
    scf.for %scan3A_481 = %scan3A_95 to %scan3A_97 step %scan3A_98  : i32 {
      %mul3A_482 = arith.constant 2 : i32
      %mul3A_483 = arith.muli %scan3A_481, %mul3A_482 : i32
      %add3A_484 = arith.constant 0 : i32
      %add3A_485 = arith.addi %add3A_484, %mul3A_483 : i32
      %add3A_486 = arith.constant 0 : i32
      %add3A_487 = arith.addi %add3A_485, %add3A_486 : i32
      %mul3A_488 = arith.constant 80 : i32
      %mul3A_489 = arith.muli %add3A_487, %mul3A_488 : i32
      %multiple_of3A_490 = tpu.assume_multiple %mul3A_489, 8 : i32
      %dma_wait3A_491 = arith.constant 0 : i32
      %dma_wait3A_492 = arith.constant 0 : i32
      %dma_wait3A_493 = arith.constant 0 : i32
      %dma_wait3A_494 = tpu.memref_slice %arg10[%dma_wait3A_491, %dma_wait3A_492, %dma_wait3A_493] : memref<2x80x128xf32, #tpu.memory_space<vmem>> -> memref<1x80x128xf32, #tpu.memory_space<vmem>>
      %dma_wait3A_495 = tpu.memref_squeeze %dma_wait3A_494 : memref<1x80x128xf32, #tpu.memory_space<vmem>> -> memref<80x128xf32, #tpu.memory_space<vmem>>
      %dma_wait3A_496 = tpu.memref_slice %arg8[%multiple_of3A_490] : memref<10000xi32, #tpu.memory_space<vmem>> -> memref<80xi32, #tpu.memory_space<vmem>>
      %dma_wait3A_497 = arith.constant 0 : i32
      %dma_wait3A_498 = arith.constant 0 : i32
      %dma_wait3A_499 = tpu.memref_slice %arg2[%scan3A_94, %dma_wait3A_497, %dma_wait3A_498] : memref<8x10240x128xf32, #tpu.memory_space<hbm>> -> memref<1x10240x128xf32, #tpu.memory_space<hbm>>
      %dma_wait3A_500 = tpu.memref_squeeze %dma_wait3A_499 : memref<1x10240x128xf32, #tpu.memory_space<hbm>> -> memref<10240x128xf32, #tpu.memory_space<hbm>>
      %dma_wait3A_501 = arith.constant 0 : i32
      %dma_wait3A_502 = arith.constant 0 : i32
      %dma_wait3A_503 = tpu.memref_slice %dma_wait3A_500[%dma_wait3A_501, %dma_wait3A_502] : memref<10240x128xf32, #tpu.memory_space<hbm>> -> memref<10240x128xf32, #tpu.memory_space<hbm>>
      tpu.wait_indirect_dma semaphore(%arg11 : memref<!tpu.dma_semaphore, #tpu.memory_space<semaphore_mem>>) src(%dma_wait3A_503 : memref<10240x128xf32, #tpu.memory_space<hbm>>) dst(%dma_wait3A_495 : memref<80x128xf32, #tpu.memory_space<vmem>>)
      %run_scoped3A_504 = arith.constant 0 : i32
      "tpu.region"() ({
        %run_scoped3A_535 = tpu.sem_alloc : memref<!tpu.dma_semaphore, #tpu.memory_space<semaphore_mem>>
        %dma_start3A_536 = arith.constant 0 : i32
        %dma_start3A_537 = arith.constant 0 : i32
        %dma_start3A_538 = tpu.memref_slice %arg10[%run_scoped3A_504, %dma_start3A_536, %dma_start3A_537] : memref<2x80x128xf32, #tpu.memory_space<vmem>> -> memref<1x80x128xf32, #tpu.memory_space<vmem>>
        %dma_start3A_539 = tpu.memref_squeeze %dma_start3A_538 : memref<1x80x128xf32, #tpu.memory_space<vmem>> -> memref<80x128xf32, #tpu.memory_space<vmem>>
        %dma_start3A_540 = arith.constant 0 : i32
        %dma_start3A_541 = tpu.memref_slice %arg9[%add3A_487, %dma_start3A_540] : memref<125x80xi32, #tpu.memory_space<vmem>> -> memref<1x80xi32, #tpu.memory_space<vmem>>
        %dma_start3A_542 = tpu.memref_squeeze %dma_start3A_541 : memref<1x80xi32, #tpu.memory_space<vmem>> -> memref<80xi32, #tpu.memory_space<vmem>>
        %dma_start3A_543 = arith.constant 0 : i32
        %dma_start3A_544 = arith.constant 0 : i32
        %dma_start3A_545 = tpu.memref_slice %arg7[%dma_start3A_543, %dma_start3A_544] : memref<10240x128xf32, #tpu.memory_space<vmem_shared>> -> memref<10240x128xf32, #tpu.memory_space<vmem_shared>>
        tpu.enqueue_indirect_dma source(%dma_start3A_539 : memref<80x128xf32, #tpu.memory_space<vmem>>) target(%dma_start3A_545 : memref<10240x128xf32, #tpu.memory_space<vmem_shared>>) offsets(%dma_start3A_542 : memref<80xi32, #tpu.memory_space<vmem>>) semaphore(%run_scoped3A_535 : memref<!tpu.dma_semaphore, #tpu.memory_space<semaphore_mem>>) {add = true}
        %dma_wait3A_546 = arith.constant 0 : i32
        %dma_wait3A_547 = arith.constant 0 : i32
        %dma_wait3A_548 = tpu.memref_slice %arg10[%run_scoped3A_504, %dma_wait3A_546, %dma_wait3A_547] : memref<2x80x128xf32, #tpu.memory_space<vmem>> -> memref<1x80x128xf32, #tpu.memory_space<vmem>>
        %dma_wait3A_549 = tpu.memref_squeeze %dma_wait3A_548 : memref<1x80x128xf32, #tpu.memory_space<vmem>> -> memref<80x128xf32, #tpu.memory_space<vmem>>
        %dma_wait3A_550 = arith.constant 0 : i32
        %dma_wait3A_551 = tpu.memref_slice %arg9[%add3A_487, %dma_wait3A_550] : memref<125x80xi32, #tpu.memory_space<vmem>> -> memref<1x80xi32, #tpu.memory_space<vmem>>
        %dma_wait3A_552 = tpu.memref_squeeze %dma_wait3A_551 : memref<1x80xi32, #tpu.memory_space<vmem>> -> memref<80xi32, #tpu.memory_space<vmem>>
        %dma_wait3A_553 = arith.constant 0 : i32
        %dma_wait3A_554 = arith.constant 0 : i32
        %dma_wait3A_555 = tpu.memref_slice %arg7[%dma_wait3A_553, %dma_wait3A_554] : memref<10240x128xf32, #tpu.memory_space<vmem_shared>> -> memref<10240x128xf32, #tpu.memory_space<vmem_shared>>
        tpu.wait_indirect_dma semaphore(%run_scoped3A_535 : memref<!tpu.dma_semaphore, #tpu.memory_space<semaphore_mem>>) src(%dma_wait3A_549 : memref<80x128xf32, #tpu.memory_space<vmem>>) dst(%dma_wait3A_555 : memref<10240x128xf32, #tpu.memory_space<vmem_shared>>)
        tpu.yield
      }) : () -> ()
      %add3A_505 = arith.constant 2 : i32
      %add3A_506 = arith.addi %add3A_487, %add3A_505 : i32
      %lt3A = arith.constant 125 : i32
      %lt3A_507 = arith.cmpi slt, %add3A_506, %lt3A : i32
      %convert_element_type3A = arith.extui %lt3A_507 : i1 to i32
      %cond3A = arith.constant 0 : i32
      %cond3A_508 = arith.cmpi ne, %convert_element_type3A, %cond3A : i32
      scf.if %cond3A_508 {
        %add3A_535 = arith.constant 2 : i32
        %add3A_536 = arith.addi %add3A_487, %add3A_535 : i32
        %mul3A_537 = arith.constant 80 : i32
        %mul3A_538 = arith.muli %add3A_536, %mul3A_537 : i32
        %multiple_of3A_539 = tpu.assume_multiple %mul3A_538, 8 : i32
        %dma_start3A_540 = arith.constant 0 : i32
        %dma_start3A_541 = arith.constant 0 : i32
        %dma_start3A_542 = arith.constant 0 : i32
        %dma_start3A_543 = tpu.memref_slice %arg10[%dma_start3A_540, %dma_start3A_541, %dma_start3A_542] : memref<2x80x128xf32, #tpu.memory_space<vmem>> -> memref<1x80x128xf32, #tpu.memory_space<vmem>>
        %dma_start3A_544 = tpu.memref_squeeze %dma_start3A_543 : memref<1x80x128xf32, #tpu.memory_space<vmem>> -> memref<80x128xf32, #tpu.memory_space<vmem>>
        %dma_start3A_545 = tpu.memref_slice %arg8[%multiple_of3A_539] : memref<10000xi32, #tpu.memory_space<vmem>> -> memref<80xi32, #tpu.memory_space<vmem>>
        %dma_start3A_546 = arith.constant 0 : i32
        %dma_start3A_547 = arith.constant 0 : i32
        %dma_start3A_548 = tpu.memref_slice %arg2[%scan3A_94, %dma_start3A_546, %dma_start3A_547] : memref<8x10240x128xf32, #tpu.memory_space<hbm>> -> memref<1x10240x128xf32, #tpu.memory_space<hbm>>
        %dma_start3A_549 = tpu.memref_squeeze %dma_start3A_548 : memref<1x10240x128xf32, #tpu.memory_space<hbm>> -> memref<10240x128xf32, #tpu.memory_space<hbm>>
        %dma_start3A_550 = arith.constant 0 : i32
        %dma_start3A_551 = arith.constant 0 : i32
        %dma_start3A_552 = tpu.memref_slice %dma_start3A_549[%dma_start3A_550, %dma_start3A_551] : memref<10240x128xf32, #tpu.memory_space<hbm>> -> memref<10240x128xf32, #tpu.memory_space<hbm>>
        tpu.enqueue_indirect_dma source(%dma_start3A_552 : memref<10240x128xf32, #tpu.memory_space<hbm>>) target(%dma_start3A_544 : memref<80x128xf32, #tpu.memory_space<vmem>>) offsets(%dma_start3A_545 : memref<80xi32, #tpu.memory_space<vmem>>) semaphore(%arg11 : memref<!tpu.dma_semaphore, #tpu.memory_space<semaphore_mem>>)
      } else {
      }
      %add3A_509 = arith.constant 1 : i32
      %add3A_510 = arith.addi %add3A_485, %add3A_509 : i32
      %mul3A_511 = arith.constant 80 : i32
      %mul3A_512 = arith.muli %add3A_510, %mul3A_511 : i32
      %multiple_of3A_513 = tpu.assume_multiple %mul3A_512, 8 : i32
      %dma_wait3A_514 = arith.constant 1 : i32
      %dma_wait3A_515 = arith.constant 0 : i32
      %dma_wait3A_516 = arith.constant 0 : i32
      %dma_wait3A_517 = tpu.memref_slice %arg10[%dma_wait3A_514, %dma_wait3A_515, %dma_wait3A_516] : memref<2x80x128xf32, #tpu.memory_space<vmem>> -> memref<1x80x128xf32, #tpu.memory_space<vmem>>
      %dma_wait3A_518 = tpu.memref_squeeze %dma_wait3A_517 : memref<1x80x128xf32, #tpu.memory_space<vmem>> -> memref<80x128xf32, #tpu.memory_space<vmem>>
      %dma_wait3A_519 = tpu.memref_slice %arg8[%multiple_of3A_513] : memref<10000xi32, #tpu.memory_space<vmem>> -> memref<80xi32, #tpu.memory_space<vmem>>
      %dma_wait3A_520 = arith.constant 0 : i32
      %dma_wait3A_521 = arith.constant 0 : i32
      %dma_wait3A_522 = tpu.memref_slice %arg2[%scan3A_94, %dma_wait3A_520, %dma_wait3A_521] : memref<8x10240x128xf32, #tpu.memory_space<hbm>> -> memref<1x10240x128xf32, #tpu.memory_space<hbm>>
      %dma_wait3A_523 = tpu.memref_squeeze %dma_wait3A_522 : memref<1x10240x128xf32, #tpu.memory_space<hbm>> -> memref<10240x128xf32, #tpu.memory_space<hbm>>
      %dma_wait3A_524 = arith.constant 0 : i32
      %dma_wait3A_525 = arith.constant 0 : i32
      %dma_wait3A_526 = tpu.memref_slice %dma_wait3A_523[%dma_wait3A_524, %dma_wait3A_525] : memref<10240x128xf32, #tpu.memory_space<hbm>> -> memref<10240x128xf32, #tpu.memory_space<hbm>>
      tpu.wait_indirect_dma semaphore(%arg12 : memref<!tpu.dma_semaphore, #tpu.memory_space<semaphore_mem>>) src(%dma_wait3A_526 : memref<10240x128xf32, #tpu.memory_space<hbm>>) dst(%dma_wait3A_518 : memref<80x128xf32, #tpu.memory_space<vmem>>)
      %run_scoped3A_527 = arith.constant 1 : i32
      "tpu.region"() ({
        %run_scoped3A_535 = tpu.sem_alloc : memref<!tpu.dma_semaphore, #tpu.memory_space<semaphore_mem>>
        %dma_start3A_536 = arith.constant 0 : i32
        %dma_start3A_537 = arith.constant 0 : i32
        %dma_start3A_538 = tpu.memref_slice %arg10[%run_scoped3A_527, %dma_start3A_536, %dma_start3A_537] : memref<2x80x128xf32, #tpu.memory_space<vmem>> -> memref<1x80x128xf32, #tpu.memory_space<vmem>>
        %dma_start3A_539 = tpu.memref_squeeze %dma_start3A_538 : memref<1x80x128xf32, #tpu.memory_space<vmem>> -> memref<80x128xf32, #tpu.memory_space<vmem>>
        %dma_start3A_540 = arith.constant 0 : i32
        %dma_start3A_541 = tpu.memref_slice %arg9[%add3A_510, %dma_start3A_540] : memref<125x80xi32, #tpu.memory_space<vmem>> -> memref<1x80xi32, #tpu.memory_space<vmem>>
        %dma_start3A_542 = tpu.memref_squeeze %dma_start3A_541 : memref<1x80xi32, #tpu.memory_space<vmem>> -> memref<80xi32, #tpu.memory_space<vmem>>
        %dma_start3A_543 = arith.constant 0 : i32
        %dma_start3A_544 = arith.constant 0 : i32
        %dma_start3A_545 = tpu.memref_slice %arg7[%dma_start3A_543, %dma_start3A_544] : memref<10240x128xf32, #tpu.memory_space<vmem_shared>> -> memref<10240x128xf32, #tpu.memory_space<vmem_shared>>
        tpu.enqueue_indirect_dma source(%dma_start3A_539 : memref<80x128xf32, #tpu.memory_space<vmem>>) target(%dma_start3A_545 : memref<10240x128xf32, #tpu.memory_space<vmem_shared>>) offsets(%dma_start3A_542 : memref<80xi32, #tpu.memory_space<vmem>>) semaphore(%run_scoped3A_535 : memref<!tpu.dma_semaphore, #tpu.memory_space<semaphore_mem>>) {add = true}
        %dma_wait3A_546 = arith.constant 0 : i32
        %dma_wait3A_547 = arith.constant 0 : i32
        %dma_wait3A_548 = tpu.memref_slice %arg10[%run_scoped3A_527, %dma_wait3A_546, %dma_wait3A_547] : memref<2x80x128xf32, #tpu.memory_space<vmem>> -> memref<1x80x128xf32, #tpu.memory_space<vmem>>
        %dma_wait3A_549 = tpu.memref_squeeze %dma_wait3A_548 : memref<1x80x128xf32, #tpu.memory_space<vmem>> -> memref<80x128xf32, #tpu.memory_space<vmem>>
        %dma_wait3A_550 = arith.constant 0 : i32
        %dma_wait3A_551 = tpu.memref_slice %arg9[%add3A_510, %dma_wait3A_550] : memref<125x80xi32, #tpu.memory_space<vmem>> -> memref<1x80xi32, #tpu.memory_space<vmem>>
        %dma_wait3A_552 = tpu.memref_squeeze %dma_wait3A_551 : memref<1x80xi32, #tpu.memory_space<vmem>> -> memref<80xi32, #tpu.memory_space<vmem>>
        %dma_wait3A_553 = arith.constant 0 : i32
        %dma_wait3A_554 = arith.constant 0 : i32
        %dma_wait3A_555 = tpu.memref_slice %arg7[%dma_wait3A_553, %dma_wait3A_554] : memref<10240x128xf32, #tpu.memory_space<vmem_shared>> -> memref<10240x128xf32, #tpu.memory_space<vmem_shared>>
        tpu.wait_indirect_dma semaphore(%run_scoped3A_535 : memref<!tpu.dma_semaphore, #tpu.memory_space<semaphore_mem>>) src(%dma_wait3A_549 : memref<80x128xf32, #tpu.memory_space<vmem>>) dst(%dma_wait3A_555 : memref<10240x128xf32, #tpu.memory_space<vmem_shared>>)
        tpu.yield
      }) : () -> ()
      %add3A_528 = arith.constant 2 : i32
      %add3A_529 = arith.addi %add3A_510, %add3A_528 : i32
      %lt3A_530 = arith.constant 125 : i32
      %lt3A_531 = arith.cmpi slt, %add3A_529, %lt3A_530 : i32
      %convert_element_type3A_532 = arith.extui %lt3A_531 : i1 to i32
      %cond3A_533 = arith.constant 0 : i32
      %cond3A_534 = arith.cmpi ne, %convert_element_type3A_532, %cond3A_533 : i32
      scf.if %cond3A_534 {
        %add3A_535 = arith.constant 2 : i32
        %add3A_536 = arith.addi %add3A_510, %add3A_535 : i32
        %mul3A_537 = arith.constant 80 : i32
        %mul3A_538 = arith.muli %add3A_536, %mul3A_537 : i32
        %multiple_of3A_539 = tpu.assume_multiple %mul3A_538, 8 : i32
        %dma_start3A_540 = arith.constant 1 : i32
        %dma_start3A_541 = arith.constant 0 : i32
        %dma_start3A_542 = arith.constant 0 : i32
        %dma_start3A_543 = tpu.memref_slice %arg10[%dma_start3A_540, %dma_start3A_541, %dma_start3A_542] : memref<2x80x128xf32, #tpu.memory_space<vmem>> -> memref<1x80x128xf32, #tpu.memory_space<vmem>>
        %dma_start3A_544 = tpu.memref_squeeze %dma_start3A_543 : memref<1x80x128xf32, #tpu.memory_space<vmem>> -> memref<80x128xf32, #tpu.memory_space<vmem>>
        %dma_start3A_545 = tpu.memref_slice %arg8[%multiple_of3A_539] : memref<10000xi32, #tpu.memory_space<vmem>> -> memref<80xi32, #tpu.memory_space<vmem>>
        %dma_start3A_546 = arith.constant 0 : i32
        %dma_start3A_547 = arith.constant 0 : i32
        %dma_start3A_548 = tpu.memref_slice %arg2[%scan3A_94, %dma_start3A_546, %dma_start3A_547] : memref<8x10240x128xf32, #tpu.memory_space<hbm>> -> memref<1x10240x128xf32, #tpu.memory_space<hbm>>
        %dma_start3A_549 = tpu.memref_squeeze %dma_start3A_548 : memref<1x10240x128xf32, #tpu.memory_space<hbm>> -> memref<10240x128xf32, #tpu.memory_space<hbm>>
        %dma_start3A_550 = arith.constant 0 : i32
        %dma_start3A_551 = arith.constant 0 : i32
        %dma_start3A_552 = tpu.memref_slice %dma_start3A_549[%dma_start3A_550, %dma_start3A_551] : memref<10240x128xf32, #tpu.memory_space<hbm>> -> memref<10240x128xf32, #tpu.memory_space<hbm>>
        tpu.enqueue_indirect_dma source(%dma_start3A_552 : memref<10240x128xf32, #tpu.memory_space<hbm>>) target(%dma_start3A_544 : memref<80x128xf32, #tpu.memory_space<vmem>>) offsets(%dma_start3A_545 : memref<80xi32, #tpu.memory_space<vmem>>) semaphore(%arg12 : memref<!tpu.dma_semaphore, #tpu.memory_space<semaphore_mem>>)
      } else {
      }
    }
    %scan3A_99 = arith.constant 62 : i32
    %multiple_of3A_100 = arith.constant 9920 : i32
    %multiple_of3A_101 = tpu.assume_multiple %multiple_of3A_100, 8 : i32
    %dma_wait3A_102 = arith.constant 1 : i32
    %dma_wait3A_103 = arith.constant 0 : i32
    %dma_wait3A_104 = arith.constant 0 : i32
    %dma_wait3A_105 = arith.constant 0 : i32
    %dma_wait3A_106 = tpu.memref_slice %arg10[%dma_wait3A_103, %dma_wait3A_104, %dma_wait3A_105] : memref<2x80x128xf32, #tpu.memory_space<vmem>> -> memref<1x80x128xf32, #tpu.memory_space<vmem>>
    %dma_wait3A_107 = tpu.memref_squeeze %dma_wait3A_106 : memref<1x80x128xf32, #tpu.memory_space<vmem>> -> memref<80x128xf32, #tpu.memory_space<vmem>>
    %dma_wait3A_108 = tpu.memref_slice %arg8[%multiple_of3A_101] : memref<10000xi32, #tpu.memory_space<vmem>> -> memref<80xi32, #tpu.memory_space<vmem>>
    %dma_wait3A_109 = arith.constant 0 : i32
    %dma_wait3A_110 = arith.constant 0 : i32
    %dma_wait3A_111 = tpu.memref_slice %arg2[%dma_wait3A_102, %dma_wait3A_109, %dma_wait3A_110] : memref<8x10240x128xf32, #tpu.memory_space<hbm>> -> memref<1x10240x128xf32, #tpu.memory_space<hbm>>
    %dma_wait3A_112 = tpu.memref_squeeze %dma_wait3A_111 : memref<1x10240x128xf32, #tpu.memory_space<hbm>> -> memref<10240x128xf32, #tpu.memory_space<hbm>>
    %dma_wait3A_113 = arith.constant 0 : i32
    %dma_wait3A_114 = arith.constant 0 : i32
    %dma_wait3A_115 = tpu.memref_slice %dma_wait3A_112[%dma_wait3A_113, %dma_wait3A_114] : memref<10240x128xf32, #tpu.memory_space<hbm>> -> memref<10240x128xf32, #tpu.memory_space<hbm>>
    tpu.wait_indirect_dma semaphore(%arg11 : memref<!tpu.dma_semaphore, #tpu.memory_space<semaphore_mem>>) src(%dma_wait3A_115 : memref<10240x128xf32, #tpu.memory_space<hbm>>) dst(%dma_wait3A_107 : memref<80x128xf32, #tpu.memory_space<vmem>>)
    %run_scoped3A_116 = arith.constant 0 : i32
    %run_scoped3A_117 = arith.constant 124 : i32
    "tpu.region"() ({
      %run_scoped3A_481 = tpu.sem_alloc : memref<!tpu.dma_semaphore, #tpu.memory_space<semaphore_mem>>
      %dma_start3A_482 = arith.constant 0 : i32
      %dma_start3A_483 = arith.constant 0 : i32
      %dma_start3A_484 = tpu.memref_slice %arg10[%run_scoped3A_116, %dma_start3A_482, %dma_start3A_483] : memref<2x80x128xf32, #tpu.memory_space<vmem>> -> memref<1x80x128xf32, #tpu.memory_space<vmem>>
      %dma_start3A_485 = tpu.memref_squeeze %dma_start3A_484 : memref<1x80x128xf32, #tpu.memory_space<vmem>> -> memref<80x128xf32, #tpu.memory_space<vmem>>
      %dma_start3A_486 = arith.constant 0 : i32
      %dma_start3A_487 = tpu.memref_slice %arg9[%run_scoped3A_117, %dma_start3A_486] : memref<125x80xi32, #tpu.memory_space<vmem>> -> memref<1x80xi32, #tpu.memory_space<vmem>>
      %dma_start3A_488 = tpu.memref_squeeze %dma_start3A_487 : memref<1x80xi32, #tpu.memory_space<vmem>> -> memref<80xi32, #tpu.memory_space<vmem>>
      %dma_start3A_489 = arith.constant 0 : i32
      %dma_start3A_490 = arith.constant 0 : i32
      %dma_start3A_491 = tpu.memref_slice %arg7[%dma_start3A_489, %dma_start3A_490] : memref<10240x128xf32, #tpu.memory_space<vmem_shared>> -> memref<10240x128xf32, #tpu.memory_space<vmem_shared>>
      tpu.enqueue_indirect_dma source(%dma_start3A_485 : memref<80x128xf32, #tpu.memory_space<vmem>>) target(%dma_start3A_491 : memref<10240x128xf32, #tpu.memory_space<vmem_shared>>) offsets(%dma_start3A_488 : memref<80xi32, #tpu.memory_space<vmem>>) semaphore(%run_scoped3A_481 : memref<!tpu.dma_semaphore, #tpu.memory_space<semaphore_mem>>) {add = true}
      %dma_wait3A_492 = arith.constant 0 : i32
      %dma_wait3A_493 = arith.constant 0 : i32
      %dma_wait3A_494 = tpu.memref_slice %arg10[%run_scoped3A_116, %dma_wait3A_492, %dma_wait3A_493] : memref<2x80x128xf32, #tpu.memory_space<vmem>> -> memref<1x80x128xf32, #tpu.memory_space<vmem>>
      %dma_wait3A_495 = tpu.memref_squeeze %dma_wait3A_494 : memref<1x80x128xf32, #tpu.memory_space<vmem>> -> memref<80x128xf32, #tpu.memory_space<vmem>>
      %dma_wait3A_496 = arith.constant 0 : i32
      %dma_wait3A_497 = tpu.memref_slice %arg9[%run_scoped3A_117, %dma_wait3A_496] : memref<125x80xi32, #tpu.memory_space<vmem>> -> memref<1x80xi32, #tpu.memory_space<vmem>>
      %dma_wait3A_498 = tpu.memref_squeeze %dma_wait3A_497 : memref<1x80xi32, #tpu.memory_space<vmem>> -> memref<80xi32, #tpu.memory_space<vmem>>
      %dma_wait3A_499 = arith.constant 0 : i32
      %dma_wait3A_500 = arith.constant 0 : i32
      %dma_wait3A_501 = tpu.memref_slice %arg7[%dma_wait3A_499, %dma_wait3A_500] : memref<10240x128xf32, #tpu.memory_space<vmem_shared>> -> memref<10240x128xf32, #tpu.memory_space<vmem_shared>>
      tpu.wait_indirect_dma semaphore(%run_scoped3A_481 : memref<!tpu.dma_semaphore, #tpu.memory_space<semaphore_mem>>) src(%dma_wait3A_495 : memref<80x128xf32, #tpu.memory_space<vmem>>) dst(%dma_wait3A_501 : memref<10240x128xf32, #tpu.memory_space<vmem_shared>>)
      tpu.yield
    }) : () -> ()
    %barrier3A_118 = arith.constant 0 : index
    tpu.barrier barrier_id(%barrier3A_118)
    %run_scoped3A_119 = arith.constant 1 : i32
    "tpu.region"() ({
      %run_scoped3A_481 = tpu.sem_alloc : memref<!tpu.dma_semaphore, #tpu.memory_space<semaphore_mem>>
      %dma_start3A_482 = arith.constant 0 : i32
      %dma_start3A_483 = arith.constant 0 : i32
      %dma_start3A_484 = arith.constant 0 : i32
      %dma_start3A_485 = tpu.memref_slice %arg6[%arg0, %dma_start3A_482, %dma_start3A_483, %dma_start3A_484] : memref<2x8x10240x128xf32, #tpu.memory_space<hbm>> -> memref<1x8x10240x128xf32, #tpu.memory_space<hbm>>
      %dma_start3A_486 = tpu.memref_squeeze %dma_start3A_485 : memref<1x8x10240x128xf32, #tpu.memory_space<hbm>> -> memref<8x10240x128xf32, #tpu.memory_space<hbm>>
      %dma_start3A_487 = arith.constant 0 : i32
      %dma_start3A_488 = arith.constant 0 : i32
      %dma_start3A_489 = tpu.memref_slice %dma_start3A_486[%run_scoped3A_119, %dma_start3A_487, %dma_start3A_488] : memref<8x10240x128xf32, #tpu.memory_space<hbm>> -> memref<1x10240x128xf32, #tpu.memory_space<hbm>>
      %dma_start3A_490 = tpu.memref_squeeze %dma_start3A_489 : memref<1x10240x128xf32, #tpu.memory_space<hbm>> -> memref<10240x128xf32, #tpu.memory_space<hbm>>
      %dma_start3A_491 = arith.constant 0 : i32
      %dma_start3A_492 = tpu.memref_slice %dma_start3A_490[%multiple_of3A, %dma_start3A_491] : memref<10240x128xf32, #tpu.memory_space<hbm>> -> memref<640x128xf32, #tpu.memory_space<hbm>>
      %dma_start3A_493 = arith.constant 0 : i32
      %dma_start3A_494 = tpu.memref_slice %arg7[%multiple_of3A, %dma_start3A_493] : memref<10240x128xf32, #tpu.memory_space<vmem_shared>> -> memref<640x128xf32, #tpu.memory_space<vmem_shared>>
      tpu.enqueue_dma source(%dma_start3A_494 : memref<640x128xf32, #tpu.memory_space<vmem_shared>>) target(%dma_start3A_492 : memref<640x128xf32, #tpu.memory_space<hbm>>) target_semaphore(%run_scoped3A_481 : memref<!tpu.dma_semaphore, #tpu.memory_space<semaphore_mem>>)
      %dma_wait3A_495 = arith.constant 0 : i32
      %dma_wait3A_496 = arith.constant 0 : i32
      %dma_wait3A_497 = arith.constant 0 : i32
      %dma_wait3A_498 = tpu.memref_slice %arg6[%arg0, %dma_wait3A_495, %dma_wait3A_496, %dma_wait3A_497] : memref<2x8x10240x128xf32, #tpu.memory_space<hbm>> -> memref<1x8x10240x128xf32, #tpu.memory_space<hbm>>
      %dma_wait3A_499 = tpu.memref_squeeze %dma_wait3A_498 : memref<1x8x10240x128xf32, #tpu.memory_space<hbm>> -> memref<8x10240x128xf32, #tpu.memory_space<hbm>>
      %dma_wait3A_500 = arith.constant 0 : i32
      %dma_wait3A_501 = arith.constant 0 : i32
      %dma_wait3A_502 = tpu.memref_slice %dma_wait3A_499[%run_scoped3A_119, %dma_wait3A_500, %dma_wait3A_501] : memref<8x10240x128xf32, #tpu.memory_space<hbm>> -> memref<1x10240x128xf32, #tpu.memory_space<hbm>>
      %dma_wait3A_503 = tpu.memref_squeeze %dma_wait3A_502 : memref<1x10240x128xf32, #tpu.memory_space<hbm>> -> memref<10240x128xf32, #tpu.memory_space<hbm>>
      %dma_wait3A_504 = arith.constant 0 : i32
      %dma_wait3A_505 = tpu.memref_slice %dma_wait3A_503[%multiple_of3A, %dma_wait3A_504] : memref<10240x128xf32, #tpu.memory_space<hbm>> -> memref<640x128xf32, #tpu.memory_space<hbm>>
      %dma_wait3A_506 = arith.constant 0 : i32
      %dma_wait3A_507 = tpu.memref_slice %arg7[%multiple_of3A, %dma_wait3A_506] : memref<10240x128xf32, #tpu.memory_space<vmem_shared>> -> memref<640x128xf32, #tpu.memory_space<vmem_shared>>
      tpu.wait_dma2 semaphore(%run_scoped3A_481 : memref<!tpu.dma_semaphore, #tpu.memory_space<semaphore_mem>>) src(%dma_wait3A_507 : memref<640x128xf32, #tpu.memory_space<vmem_shared>>) dst(%dma_wait3A_505 : memref<640x128xf32, #tpu.memory_space<hbm>>)
      tpu.yield
    }) : () -> ()
    %barrier3A_120 = arith.constant 0 : index
    tpu.barrier barrier_id(%barrier3A_120)
    "tpu.region"() ({
      %run_scoped3A_481 = tpu.sem_alloc : memref<!tpu.dma_semaphore, #tpu.memory_space<semaphore_mem>>
      %dma_start3A_482 = arith.constant 0 : i32
      %dma_start3A_483 = tpu.memref_slice %arg7[%multiple_of3A, %dma_start3A_482] : memref<10240x128xf32, #tpu.memory_space<vmem_shared>> -> memref<640x128xf32, #tpu.memory_space<vmem_shared>>
      tpu.enqueue_dma source(%arg5 : memref<640x128xf32, #tpu.memory_space<hbm>>) target(%dma_start3A_483 : memref<640x128xf32, #tpu.memory_space<vmem_shared>>) target_semaphore(%run_scoped3A_481 : memref<!tpu.dma_semaphore, #tpu.memory_space<semaphore_mem>>)
      %dma_wait3A_484 = arith.constant 0 : i32
      %dma_wait3A_485 = tpu.memref_slice %arg7[%multiple_of3A, %dma_wait3A_484] : memref<10240x128xf32, #tpu.memory_space<vmem_shared>> -> memref<640x128xf32, #tpu.memory_space<vmem_shared>>
      tpu.wait_dma2 semaphore(%run_scoped3A_481 : memref<!tpu.dma_semaphore, #tpu.memory_space<semaphore_mem>>) src(%arg5 : memref<640x128xf32, #tpu.memory_space<hbm>>) dst(%dma_wait3A_485 : memref<640x128xf32, #tpu.memory_space<vmem_shared>>)
      tpu.yield
    }) : () -> ()
    %barrier3A_121 = arith.constant 0 : index
    tpu.barrier barrier_id(%barrier3A_121)
    %multiple_of3A_122 = arith.constant 0 : i32
    %multiple_of3A_123 = tpu.assume_multiple %multiple_of3A_122, 8 : i32
    %dma_start3A_124 = arith.constant 2 : i32
    %dma_start3A_125 = arith.constant 0 : i32
    %dma_start3A_126 = arith.constant 0 : i32
    %dma_start3A_127 = arith.constant 0 : i32
    %dma_start3A_128 = tpu.memref_slice %arg10[%dma_start3A_125, %dma_start3A_126, %dma_start3A_127] : memref<2x80x128xf32, #tpu.memory_space<vmem>> -> memref<1x80x128xf32, #tpu.memory_space<vmem>>
    %dma_start3A_129 = tpu.memref_squeeze %dma_start3A_128 : memref<1x80x128xf32, #tpu.memory_space<vmem>> -> memref<80x128xf32, #tpu.memory_space<vmem>>
    %dma_start3A_130 = tpu.memref_slice %arg8[%multiple_of3A_123] : memref<10000xi32, #tpu.memory_space<vmem>> -> memref<80xi32, #tpu.memory_space<vmem>>
    %dma_start3A_131 = arith.constant 0 : i32
    %dma_start3A_132 = arith.constant 0 : i32
    %dma_start3A_133 = tpu.memref_slice %arg2[%dma_start3A_124, %dma_start3A_131, %dma_start3A_132] : memref<8x10240x128xf32, #tpu.memory_space<hbm>> -> memref<1x10240x128xf32, #tpu.memory_space<hbm>>
    %dma_start3A_134 = tpu.memref_squeeze %dma_start3A_133 : memref<1x10240x128xf32, #tpu.memory_space<hbm>> -> memref<10240x128xf32, #tpu.memory_space<hbm>>
    %dma_start3A_135 = arith.constant 0 : i32
    %dma_start3A_136 = arith.constant 0 : i32
    %dma_start3A_137 = tpu.memref_slice %dma_start3A_134[%dma_start3A_135, %dma_start3A_136] : memref<10240x128xf32, #tpu.memory_space<hbm>> -> memref<10240x128xf32, #tpu.memory_space<hbm>>
    tpu.enqueue_indirect_dma source(%dma_start3A_137 : memref<10240x128xf32, #tpu.memory_space<hbm>>) target(%dma_start3A_129 : memref<80x128xf32, #tpu.memory_space<vmem>>) offsets(%dma_start3A_130 : memref<80xi32, #tpu.memory_space<vmem>>) semaphore(%arg11 : memref<!tpu.dma_semaphore, #tpu.memory_space<semaphore_mem>>)
    %multiple_of3A_138 = arith.constant 80 : i32
    %multiple_of3A_139 = tpu.assume_multiple %multiple_of3A_138, 8 : i32
    %dma_start3A_140 = arith.constant 2 : i32
    %dma_start3A_141 = arith.constant 1 : i32
    %dma_start3A_142 = arith.constant 0 : i32
    %dma_start3A_143 = arith.constant 0 : i32
    %dma_start3A_144 = tpu.memref_slice %arg10[%dma_start3A_141, %dma_start3A_142, %dma_start3A_143] : memref<2x80x128xf32, #tpu.memory_space<vmem>> -> memref<1x80x128xf32, #tpu.memory_space<vmem>>
    %dma_start3A_145 = tpu.memref_squeeze %dma_start3A_144 : memref<1x80x128xf32, #tpu.memory_space<vmem>> -> memref<80x128xf32, #tpu.memory_space<vmem>>
    %dma_start3A_146 = tpu.memref_slice %arg8[%multiple_of3A_139] : memref<10000xi32, #tpu.memory_space<vmem>> -> memref<80xi32, #tpu.memory_space<vmem>>
    %dma_start3A_147 = arith.constant 0 : i32
    %dma_start3A_148 = arith.constant 0 : i32
    %dma_start3A_149 = tpu.memref_slice %arg2[%dma_start3A_140, %dma_start3A_147, %dma_start3A_148] : memref<8x10240x128xf32, #tpu.memory_space<hbm>> -> memref<1x10240x128xf32, #tpu.memory_space<hbm>>
    %dma_start3A_150 = tpu.memref_squeeze %dma_start3A_149 : memref<1x10240x128xf32, #tpu.memory_space<hbm>> -> memref<10240x128xf32, #tpu.memory_space<hbm>>
    %dma_start3A_151 = arith.constant 0 : i32
    %dma_start3A_152 = arith.constant 0 : i32
    %dma_start3A_153 = tpu.memref_slice %dma_start3A_150[%dma_start3A_151, %dma_start3A_152] : memref<10240x128xf32, #tpu.memory_space<hbm>> -> memref<10240x128xf32, #tpu.memory_space<hbm>>
    tpu.enqueue_indirect_dma source(%dma_start3A_153 : memref<10240x128xf32, #tpu.memory_space<hbm>>) target(%dma_start3A_145 : memref<80x128xf32, #tpu.memory_space<vmem>>) offsets(%dma_start3A_146 : memref<80xi32, #tpu.memory_space<vmem>>) semaphore(%arg12 : memref<!tpu.dma_semaphore, #tpu.memory_space<semaphore_mem>>)
    %scan3A_154 = arith.constant 2 : i32
    %scan3A_155 = arith.constant 0 : i32
    %scan3A_156 = arith.constant 62 : i32
    %scan3A_157 = arith.addi %scan3A_155, %scan3A_156 : i32
    %scan3A_158 = arith.constant 1 : i32
    scf.for %scan3A_481 = %scan3A_155 to %scan3A_157 step %scan3A_158  : i32 {
      %mul3A_482 = arith.constant 2 : i32
      %mul3A_483 = arith.muli %scan3A_481, %mul3A_482 : i32
      %add3A_484 = arith.constant 0 : i32
      %add3A_485 = arith.addi %add3A_484, %mul3A_483 : i32
      %add3A_486 = arith.constant 0 : i32
      %add3A_487 = arith.addi %add3A_485, %add3A_486 : i32
      %mul3A_488 = arith.constant 80 : i32
      %mul3A_489 = arith.muli %add3A_487, %mul3A_488 : i32
      %multiple_of3A_490 = tpu.assume_multiple %mul3A_489, 8 : i32
      %dma_wait3A_491 = arith.constant 0 : i32
      %dma_wait3A_492 = arith.constant 0 : i32
      %dma_wait3A_493 = arith.constant 0 : i32
      %dma_wait3A_494 = tpu.memref_slice %arg10[%dma_wait3A_491, %dma_wait3A_492, %dma_wait3A_493] : memref<2x80x128xf32, #tpu.memory_space<vmem>> -> memref<1x80x128xf32, #tpu.memory_space<vmem>>
      %dma_wait3A_495 = tpu.memref_squeeze %dma_wait3A_494 : memref<1x80x128xf32, #tpu.memory_space<vmem>> -> memref<80x128xf32, #tpu.memory_space<vmem>>
      %dma_wait3A_496 = tpu.memref_slice %arg8[%multiple_of3A_490] : memref<10000xi32, #tpu.memory_space<vmem>> -> memref<80xi32, #tpu.memory_space<vmem>>
      %dma_wait3A_497 = arith.constant 0 : i32
      %dma_wait3A_498 = arith.constant 0 : i32
      %dma_wait3A_499 = tpu.memref_slice %arg2[%scan3A_154, %dma_wait3A_497, %dma_wait3A_498] : memref<8x10240x128xf32, #tpu.memory_space<hbm>> -> memref<1x10240x128xf32, #tpu.memory_space<hbm>>
      %dma_wait3A_500 = tpu.memref_squeeze %dma_wait3A_499 : memref<1x10240x128xf32, #tpu.memory_space<hbm>> -> memref<10240x128xf32, #tpu.memory_space<hbm>>
      %dma_wait3A_501 = arith.constant 0 : i32
      %dma_wait3A_502 = arith.constant 0 : i32
      %dma_wait3A_503 = tpu.memref_slice %dma_wait3A_500[%dma_wait3A_501, %dma_wait3A_502] : memref<10240x128xf32, #tpu.memory_space<hbm>> -> memref<10240x128xf32, #tpu.memory_space<hbm>>
      tpu.wait_indirect_dma semaphore(%arg11 : memref<!tpu.dma_semaphore, #tpu.memory_space<semaphore_mem>>) src(%dma_wait3A_503 : memref<10240x128xf32, #tpu.memory_space<hbm>>) dst(%dma_wait3A_495 : memref<80x128xf32, #tpu.memory_space<vmem>>)
      %run_scoped3A_504 = arith.constant 0 : i32
      "tpu.region"() ({
        %run_scoped3A_535 = tpu.sem_alloc : memref<!tpu.dma_semaphore, #tpu.memory_space<semaphore_mem>>
        %dma_start3A_536 = arith.constant 0 : i32
        %dma_start3A_537 = arith.constant 0 : i32
        %dma_start3A_538 = tpu.memref_slice %arg10[%run_scoped3A_504, %dma_start3A_536, %dma_start3A_537] : memref<2x80x128xf32, #tpu.memory_space<vmem>> -> memref<1x80x128xf32, #tpu.memory_space<vmem>>
        %dma_start3A_539 = tpu.memref_squeeze %dma_start3A_538 : memref<1x80x128xf32, #tpu.memory_space<vmem>> -> memref<80x128xf32, #tpu.memory_space<vmem>>
        %dma_start3A_540 = arith.constant 0 : i32
        %dma_start3A_541 = tpu.memref_slice %arg9[%add3A_487, %dma_start3A_540] : memref<125x80xi32, #tpu.memory_space<vmem>> -> memref<1x80xi32, #tpu.memory_space<vmem>>
        %dma_start3A_542 = tpu.memref_squeeze %dma_start3A_541 : memref<1x80xi32, #tpu.memory_space<vmem>> -> memref<80xi32, #tpu.memory_space<vmem>>
        %dma_start3A_543 = arith.constant 0 : i32
        %dma_start3A_544 = arith.constant 0 : i32
        %dma_start3A_545 = tpu.memref_slice %arg7[%dma_start3A_543, %dma_start3A_544] : memref<10240x128xf32, #tpu.memory_space<vmem_shared>> -> memref<10240x128xf32, #tpu.memory_space<vmem_shared>>
        tpu.enqueue_indirect_dma source(%dma_start3A_539 : memref<80x128xf32, #tpu.memory_space<vmem>>) target(%dma_start3A_545 : memref<10240x128xf32, #tpu.memory_space<vmem_shared>>) offsets(%dma_start3A_542 : memref<80xi32, #tpu.memory_space<vmem>>) semaphore(%run_scoped3A_535 : memref<!tpu.dma_semaphore, #tpu.memory_space<semaphore_mem>>) {add = true}
        %dma_wait3A_546 = arith.constant 0 : i32
        %dma_wait3A_547 = arith.constant 0 : i32
        %dma_wait3A_548 = tpu.memref_slice %arg10[%run_scoped3A_504, %dma_wait3A_546, %dma_wait3A_547] : memref<2x80x128xf32, #tpu.memory_space<vmem>> -> memref<1x80x128xf32, #tpu.memory_space<vmem>>
        %dma_wait3A_549 = tpu.memref_squeeze %dma_wait3A_548 : memref<1x80x128xf32, #tpu.memory_space<vmem>> -> memref<80x128xf32, #tpu.memory_space<vmem>>
        %dma_wait3A_550 = arith.constant 0 : i32
        %dma_wait3A_551 = tpu.memref_slice %arg9[%add3A_487, %dma_wait3A_550] : memref<125x80xi32, #tpu.memory_space<vmem>> -> memref<1x80xi32, #tpu.memory_space<vmem>>
        %dma_wait3A_552 = tpu.memref_squeeze %dma_wait3A_551 : memref<1x80xi32, #tpu.memory_space<vmem>> -> memref<80xi32, #tpu.memory_space<vmem>>
        %dma_wait3A_553 = arith.constant 0 : i32
        %dma_wait3A_554 = arith.constant 0 : i32
        %dma_wait3A_555 = tpu.memref_slice %arg7[%dma_wait3A_553, %dma_wait3A_554] : memref<10240x128xf32, #tpu.memory_space<vmem_shared>> -> memref<10240x128xf32, #tpu.memory_space<vmem_shared>>
        tpu.wait_indirect_dma semaphore(%run_scoped3A_535 : memref<!tpu.dma_semaphore, #tpu.memory_space<semaphore_mem>>) src(%dma_wait3A_549 : memref<80x128xf32, #tpu.memory_space<vmem>>) dst(%dma_wait3A_555 : memref<10240x128xf32, #tpu.memory_space<vmem_shared>>)
        tpu.yield
      }) : () -> ()
      %add3A_505 = arith.constant 2 : i32
      %add3A_506 = arith.addi %add3A_487, %add3A_505 : i32
      %lt3A = arith.constant 125 : i32
      %lt3A_507 = arith.cmpi slt, %add3A_506, %lt3A : i32
      %convert_element_type3A = arith.extui %lt3A_507 : i1 to i32
      %cond3A = arith.constant 0 : i32
      %cond3A_508 = arith.cmpi ne, %convert_element_type3A, %cond3A : i32
      scf.if %cond3A_508 {
        %add3A_535 = arith.constant 2 : i32
        %add3A_536 = arith.addi %add3A_487, %add3A_535 : i32
        %mul3A_537 = arith.constant 80 : i32
        %mul3A_538 = arith.muli %add3A_536, %mul3A_537 : i32
        %multiple_of3A_539 = tpu.assume_multiple %mul3A_538, 8 : i32
        %dma_start3A_540 = arith.constant 0 : i32
        %dma_start3A_541 = arith.constant 0 : i32
        %dma_start3A_542 = arith.constant 0 : i32
        %dma_start3A_543 = tpu.memref_slice %arg10[%dma_start3A_540, %dma_start3A_541, %dma_start3A_542] : memref<2x80x128xf32, #tpu.memory_space<vmem>> -> memref<1x80x128xf32, #tpu.memory_space<vmem>>
        %dma_start3A_544 = tpu.memref_squeeze %dma_start3A_543 : memref<1x80x128xf32, #tpu.memory_space<vmem>> -> memref<80x128xf32, #tpu.memory_space<vmem>>
        %dma_start3A_545 = tpu.memref_slice %arg8[%multiple_of3A_539] : memref<10000xi32, #tpu.memory_space<vmem>> -> memref<80xi32, #tpu.memory_space<vmem>>
        %dma_start3A_546 = arith.constant 0 : i32
        %dma_start3A_547 = arith.constant 0 : i32
        %dma_start3A_548 = tpu.memref_slice %arg2[%scan3A_154, %dma_start3A_546, %dma_start3A_547] : memref<8x10240x128xf32, #tpu.memory_space<hbm>> -> memref<1x10240x128xf32, #tpu.memory_space<hbm>>
        %dma_start3A_549 = tpu.memref_squeeze %dma_start3A_548 : memref<1x10240x128xf32, #tpu.memory_space<hbm>> -> memref<10240x128xf32, #tpu.memory_space<hbm>>
        %dma_start3A_550 = arith.constant 0 : i32
        %dma_start3A_551 = arith.constant 0 : i32
        %dma_start3A_552 = tpu.memref_slice %dma_start3A_549[%dma_start3A_550, %dma_start3A_551] : memref<10240x128xf32, #tpu.memory_space<hbm>> -> memref<10240x128xf32, #tpu.memory_space<hbm>>
        tpu.enqueue_indirect_dma source(%dma_start3A_552 : memref<10240x128xf32, #tpu.memory_space<hbm>>) target(%dma_start3A_544 : memref<80x128xf32, #tpu.memory_space<vmem>>) offsets(%dma_start3A_545 : memref<80xi32, #tpu.memory_space<vmem>>) semaphore(%arg11 : memref<!tpu.dma_semaphore, #tpu.memory_space<semaphore_mem>>)
      } else {
      }
      %add3A_509 = arith.constant 1 : i32
      %add3A_510 = arith.addi %add3A_485, %add3A_509 : i32
      %mul3A_511 = arith.constant 80 : i32
      %mul3A_512 = arith.muli %add3A_510, %mul3A_511 : i32
      %multiple_of3A_513 = tpu.assume_multiple %mul3A_512, 8 : i32
      %dma_wait3A_514 = arith.constant 1 : i32
      %dma_wait3A_515 = arith.constant 0 : i32
      %dma_wait3A_516 = arith.constant 0 : i32
      %dma_wait3A_517 = tpu.memref_slice %arg10[%dma_wait3A_514, %dma_wait3A_515, %dma_wait3A_516] : memref<2x80x128xf32, #tpu.memory_space<vmem>> -> memref<1x80x128xf32, #tpu.memory_space<vmem>>
      %dma_wait3A_518 = tpu.memref_squeeze %dma_wait3A_517 : memref<1x80x128xf32, #tpu.memory_space<vmem>> -> memref<80x128xf32, #tpu.memory_space<vmem>>
      %dma_wait3A_519 = tpu.memref_slice %arg8[%multiple_of3A_513] : memref<10000xi32, #tpu.memory_space<vmem>> -> memref<80xi32, #tpu.memory_space<vmem>>
      %dma_wait3A_520 = arith.constant 0 : i32
      %dma_wait3A_521 = arith.constant 0 : i32
      %dma_wait3A_522 = tpu.memref_slice %arg2[%scan3A_154, %dma_wait3A_520, %dma_wait3A_521] : memref<8x10240x128xf32, #tpu.memory_space<hbm>> -> memref<1x10240x128xf32, #tpu.memory_space<hbm>>
      %dma_wait3A_523 = tpu.memref_squeeze %dma_wait3A_522 : memref<1x10240x128xf32, #tpu.memory_space<hbm>> -> memref<10240x128xf32, #tpu.memory_space<hbm>>
      %dma_wait3A_524 = arith.constant 0 : i32
      %dma_wait3A_525 = arith.constant 0 : i32
      %dma_wait3A_526 = tpu.memref_slice %dma_wait3A_523[%dma_wait3A_524, %dma_wait3A_525] : memref<10240x128xf32, #tpu.memory_space<hbm>> -> memref<10240x128xf32, #tpu.memory_space<hbm>>
      tpu.wait_indirect_dma semaphore(%arg12 : memref<!tpu.dma_semaphore, #tpu.memory_space<semaphore_mem>>) src(%dma_wait3A_526 : memref<10240x128xf32, #tpu.memory_space<hbm>>) dst(%dma_wait3A_518 : memref<80x128xf32, #tpu.memory_space<vmem>>)
      %run_scoped3A_527 = arith.constant 1 : i32
      "tpu.region"() ({
        %run_scoped3A_535 = tpu.sem_alloc : memref<!tpu.dma_semaphore, #tpu.memory_space<semaphore_mem>>
        %dma_start3A_536 = arith.constant 0 : i32
        %dma_start3A_537 = arith.constant 0 : i32
        %dma_start3A_538 = tpu.memref_slice %arg10[%run_scoped3A_527, %dma_start3A_536, %dma_start3A_537] : memref<2x80x128xf32, #tpu.memory_space<vmem>> -> memref<1x80x128xf32, #tpu.memory_space<vmem>>
        %dma_start3A_539 = tpu.memref_squeeze %dma_start3A_538 : memref<1x80x128xf32, #tpu.memory_space<vmem>> -> memref<80x128xf32, #tpu.memory_space<vmem>>
        %dma_start3A_540 = arith.constant 0 : i32
        %dma_start3A_541 = tpu.memref_slice %arg9[%add3A_510, %dma_start3A_540] : memref<125x80xi32, #tpu.memory_space<vmem>> -> memref<1x80xi32, #tpu.memory_space<vmem>>
        %dma_start3A_542 = tpu.memref_squeeze %dma_start3A_541 : memref<1x80xi32, #tpu.memory_space<vmem>> -> memref<80xi32, #tpu.memory_space<vmem>>
        %dma_start3A_543 = arith.constant 0 : i32
        %dma_start3A_544 = arith.constant 0 : i32
        %dma_start3A_545 = tpu.memref_slice %arg7[%dma_start3A_543, %dma_start3A_544] : memref<10240x128xf32, #tpu.memory_space<vmem_shared>> -> memref<10240x128xf32, #tpu.memory_space<vmem_shared>>
        tpu.enqueue_indirect_dma source(%dma_start3A_539 : memref<80x128xf32, #tpu.memory_space<vmem>>) target(%dma_start3A_545 : memref<10240x128xf32, #tpu.memory_space<vmem_shared>>) offsets(%dma_start3A_542 : memref<80xi32, #tpu.memory_space<vmem>>) semaphore(%run_scoped3A_535 : memref<!tpu.dma_semaphore, #tpu.memory_space<semaphore_mem>>) {add = true}
        %dma_wait3A_546 = arith.constant 0 : i32
        %dma_wait3A_547 = arith.constant 0 : i32
        %dma_wait3A_548 = tpu.memref_slice %arg10[%run_scoped3A_527, %dma_wait3A_546, %dma_wait3A_547] : memref<2x80x128xf32, #tpu.memory_space<vmem>> -> memref<1x80x128xf32, #tpu.memory_space<vmem>>
        %dma_wait3A_549 = tpu.memref_squeeze %dma_wait3A_548 : memref<1x80x128xf32, #tpu.memory_space<vmem>> -> memref<80x128xf32, #tpu.memory_space<vmem>>
        %dma_wait3A_550 = arith.constant 0 : i32
        %dma_wait3A_551 = tpu.memref_slice %arg9[%add3A_510, %dma_wait3A_550] : memref<125x80xi32, #tpu.memory_space<vmem>> -> memref<1x80xi32, #tpu.memory_space<vmem>>
        %dma_wait3A_552 = tpu.memref_squeeze %dma_wait3A_551 : memref<1x80xi32, #tpu.memory_space<vmem>> -> memref<80xi32, #tpu.memory_space<vmem>>
        %dma_wait3A_553 = arith.constant 0 : i32
        %dma_wait3A_554 = arith.constant 0 : i32
        %dma_wait3A_555 = tpu.memref_slice %arg7[%dma_wait3A_553, %dma_wait3A_554] : memref<10240x128xf32, #tpu.memory_space<vmem_shared>> -> memref<10240x128xf32, #tpu.memory_space<vmem_shared>>
        tpu.wait_indirect_dma semaphore(%run_scoped3A_535 : memref<!tpu.dma_semaphore, #tpu.memory_space<semaphore_mem>>) src(%dma_wait3A_549 : memref<80x128xf32, #tpu.memory_space<vmem>>) dst(%dma_wait3A_555 : memref<10240x128xf32, #tpu.memory_space<vmem_shared>>)
        tpu.yield
      }) : () -> ()
      %add3A_528 = arith.constant 2 : i32
      %add3A_529 = arith.addi %add3A_510, %add3A_528 : i32
      %lt3A_530 = arith.constant 125 : i32
      %lt3A_531 = arith.cmpi slt, %add3A_529, %lt3A_530 : i32
      %convert_element_type3A_532 = arith.extui %lt3A_531 : i1 to i32
      %cond3A_533 = arith.constant 0 : i32
      %cond3A_534 = arith.cmpi ne, %convert_element_type3A_532, %cond3A_533 : i32
      scf.if %cond3A_534 {
        %add3A_535 = arith.constant 2 : i32
        %add3A_536 = arith.addi %add3A_510, %add3A_535 : i32
        %mul3A_537 = arith.constant 80 : i32
        %mul3A_538 = arith.muli %add3A_536, %mul3A_537 : i32
        %multiple_of3A_539 = tpu.assume_multiple %mul3A_538, 8 : i32
        %dma_start3A_540 = arith.constant 1 : i32
        %dma_start3A_541 = arith.constant 0 : i32
        %dma_start3A_542 = arith.constant 0 : i32
        %dma_start3A_543 = tpu.memref_slice %arg10[%dma_start3A_540, %dma_start3A_541, %dma_start3A_542] : memref<2x80x128xf32, #tpu.memory_space<vmem>> -> memref<1x80x128xf32, #tpu.memory_space<vmem>>
        %dma_start3A_544 = tpu.memref_squeeze %dma_start3A_543 : memref<1x80x128xf32, #tpu.memory_space<vmem>> -> memref<80x128xf32, #tpu.memory_space<vmem>>
        %dma_start3A_545 = tpu.memref_slice %arg8[%multiple_of3A_539] : memref<10000xi32, #tpu.memory_space<vmem>> -> memref<80xi32, #tpu.memory_space<vmem>>
        %dma_start3A_546 = arith.constant 0 : i32
        %dma_start3A_547 = arith.constant 0 : i32
        %dma_start3A_548 = tpu.memref_slice %arg2[%scan3A_154, %dma_start3A_546, %dma_start3A_547] : memref<8x10240x128xf32, #tpu.memory_space<hbm>> -> memref<1x10240x128xf32, #tpu.memory_space<hbm>>
        %dma_start3A_549 = tpu.memref_squeeze %dma_start3A_548 : memref<1x10240x128xf32, #tpu.memory_space<hbm>> -> memref<10240x128xf32, #tpu.memory_space<hbm>>
        %dma_start3A_550 = arith.constant 0 : i32
        %dma_start3A_551 = arith.constant 0 : i32
        %dma_start3A_552 = tpu.memref_slice %dma_start3A_549[%dma_start3A_550, %dma_start3A_551] : memref<10240x128xf32, #tpu.memory_space<hbm>> -> memref<10240x128xf32, #tpu.memory_space<hbm>>
        tpu.enqueue_indirect_dma source(%dma_start3A_552 : memref<10240x128xf32, #tpu.memory_space<hbm>>) target(%dma_start3A_544 : memref<80x128xf32, #tpu.memory_space<vmem>>) offsets(%dma_start3A_545 : memref<80xi32, #tpu.memory_space<vmem>>) semaphore(%arg12 : memref<!tpu.dma_semaphore, #tpu.memory_space<semaphore_mem>>)
      } else {
      }
    }
    %scan3A_159 = arith.constant 62 : i32
    %multiple_of3A_160 = arith.constant 9920 : i32
    %multiple_of3A_161 = tpu.assume_multiple %multiple_of3A_160, 8 : i32
    %dma_wait3A_162 = arith.constant 2 : i32
    %dma_wait3A_163 = arith.constant 0 : i32
    %dma_wait3A_164 = arith.constant 0 : i32
    %dma_wait3A_165 = arith.constant 0 : i32
    %dma_wait3A_166 = tpu.memref_slice %arg10[%dma_wait3A_163, %dma_wait3A_164, %dma_wait3A_165] : memref<2x80x128xf32, #tpu.memory_space<vmem>> -> memref<1x80x128xf32, #tpu.memory_space<vmem>>
    %dma_wait3A_167 = tpu.memref_squeeze %dma_wait3A_166 : memref<1x80x128xf32, #tpu.memory_space<vmem>> -> memref<80x128xf32, #tpu.memory_space<vmem>>
    %dma_wait3A_168 = tpu.memref_slice %arg8[%multiple_of3A_161] : memref<10000xi32, #tpu.memory_space<vmem>> -> memref<80xi32, #tpu.memory_space<vmem>>
    %dma_wait3A_169 = arith.constant 0 : i32
    %dma_wait3A_170 = arith.constant 0 : i32
    %dma_wait3A_171 = tpu.memref_slice %arg2[%dma_wait3A_162, %dma_wait3A_169, %dma_wait3A_170] : memref<8x10240x128xf32, #tpu.memory_space<hbm>> -> memref<1x10240x128xf32, #tpu.memory_space<hbm>>
    %dma_wait3A_172 = tpu.memref_squeeze %dma_wait3A_171 : memref<1x10240x128xf32, #tpu.memory_space<hbm>> -> memref<10240x128xf32, #tpu.memory_space<hbm>>
    %dma_wait3A_173 = arith.constant 0 : i32
    %dma_wait3A_174 = arith.constant 0 : i32
    %dma_wait3A_175 = tpu.memref_slice %dma_wait3A_172[%dma_wait3A_173, %dma_wait3A_174] : memref<10240x128xf32, #tpu.memory_space<hbm>> -> memref<10240x128xf32, #tpu.memory_space<hbm>>
    tpu.wait_indirect_dma semaphore(%arg11 : memref<!tpu.dma_semaphore, #tpu.memory_space<semaphore_mem>>) src(%dma_wait3A_175 : memref<10240x128xf32, #tpu.memory_space<hbm>>) dst(%dma_wait3A_167 : memref<80x128xf32, #tpu.memory_space<vmem>>)
    %run_scoped3A_176 = arith.constant 0 : i32
    %run_scoped3A_177 = arith.constant 124 : i32
    "tpu.region"() ({
      %run_scoped3A_481 = tpu.sem_alloc : memref<!tpu.dma_semaphore, #tpu.memory_space<semaphore_mem>>
      %dma_start3A_482 = arith.constant 0 : i32
      %dma_start3A_483 = arith.constant 0 : i32
      %dma_start3A_484 = tpu.memref_slice %arg10[%run_scoped3A_176, %dma_start3A_482, %dma_start3A_483] : memref<2x80x128xf32, #tpu.memory_space<vmem>> -> memref<1x80x128xf32, #tpu.memory_space<vmem>>
      %dma_start3A_485 = tpu.memref_squeeze %dma_start3A_484 : memref<1x80x128xf32, #tpu.memory_space<vmem>> -> memref<80x128xf32, #tpu.memory_space<vmem>>
      %dma_start3A_486 = arith.constant 0 : i32
      %dma_start3A_487 = tpu.memref_slice %arg9[%run_scoped3A_177, %dma_start3A_486] : memref<125x80xi32, #tpu.memory_space<vmem>> -> memref<1x80xi32, #tpu.memory_space<vmem>>
      %dma_start3A_488 = tpu.memref_squeeze %dma_start3A_487 : memref<1x80xi32, #tpu.memory_space<vmem>> -> memref<80xi32, #tpu.memory_space<vmem>>
      %dma_start3A_489 = arith.constant 0 : i32
      %dma_start3A_490 = arith.constant 0 : i32
      %dma_start3A_491 = tpu.memref_slice %arg7[%dma_start3A_489, %dma_start3A_490] : memref<10240x128xf32, #tpu.memory_space<vmem_shared>> -> memref<10240x128xf32, #tpu.memory_space<vmem_shared>>
      tpu.enqueue_indirect_dma source(%dma_start3A_485 : memref<80x128xf32, #tpu.memory_space<vmem>>) target(%dma_start3A_491 : memref<10240x128xf32, #tpu.memory_space<vmem_shared>>) offsets(%dma_start3A_488 : memref<80xi32, #tpu.memory_space<vmem>>) semaphore(%run_scoped3A_481 : memref<!tpu.dma_semaphore, #tpu.memory_space<semaphore_mem>>) {add = true}
      %dma_wait3A_492 = arith.constant 0 : i32
      %dma_wait3A_493 = arith.constant 0 : i32
      %dma_wait3A_494 = tpu.memref_slice %arg10[%run_scoped3A_176, %dma_wait3A_492, %dma_wait3A_493] : memref<2x80x128xf32, #tpu.memory_space<vmem>> -> memref<1x80x128xf32, #tpu.memory_space<vmem>>
      %dma_wait3A_495 = tpu.memref_squeeze %dma_wait3A_494 : memref<1x80x128xf32, #tpu.memory_space<vmem>> -> memref<80x128xf32, #tpu.memory_space<vmem>>
      %dma_wait3A_496 = arith.constant 0 : i32
      %dma_wait3A_497 = tpu.memref_slice %arg9[%run_scoped3A_177, %dma_wait3A_496] : memref<125x80xi32, #tpu.memory_space<vmem>> -> memref<1x80xi32, #tpu.memory_space<vmem>>
      %dma_wait3A_498 = tpu.memref_squeeze %dma_wait3A_497 : memref<1x80xi32, #tpu.memory_space<vmem>> -> memref<80xi32, #tpu.memory_space<vmem>>
      %dma_wait3A_499 = arith.constant 0 : i32
      %dma_wait3A_500 = arith.constant 0 : i32
      %dma_wait3A_501 = tpu.memref_slice %arg7[%dma_wait3A_499, %dma_wait3A_500] : memref<10240x128xf32, #tpu.memory_space<vmem_shared>> -> memref<10240x128xf32, #tpu.memory_space<vmem_shared>>
      tpu.wait_indirect_dma semaphore(%run_scoped3A_481 : memref<!tpu.dma_semaphore, #tpu.memory_space<semaphore_mem>>) src(%dma_wait3A_495 : memref<80x128xf32, #tpu.memory_space<vmem>>) dst(%dma_wait3A_501 : memref<10240x128xf32, #tpu.memory_space<vmem_shared>>)
      tpu.yield
    }) : () -> ()
    %barrier3A_178 = arith.constant 0 : index
    tpu.barrier barrier_id(%barrier3A_178)
    %run_scoped3A_179 = arith.constant 2 : i32
    "tpu.region"() ({
      %run_scoped3A_481 = tpu.sem_alloc : memref<!tpu.dma_semaphore, #tpu.memory_space<semaphore_mem>>
      %dma_start3A_482 = arith.constant 0 : i32
      %dma_start3A_483 = arith.constant 0 : i32
      %dma_start3A_484 = arith.constant 0 : i32
      %dma_start3A_485 = tpu.memref_slice %arg6[%arg0, %dma_start3A_482, %dma_start3A_483, %dma_start3A_484] : memref<2x8x10240x128xf32, #tpu.memory_space<hbm>> -> memref<1x8x10240x128xf32, #tpu.memory_space<hbm>>
      %dma_start3A_486 = tpu.memref_squeeze %dma_start3A_485 : memref<1x8x10240x128xf32, #tpu.memory_space<hbm>> -> memref<8x10240x128xf32, #tpu.memory_space<hbm>>
      %dma_start3A_487 = arith.constant 0 : i32
      %dma_start3A_488 = arith.constant 0 : i32
      %dma_start3A_489 = tpu.memref_slice %dma_start3A_486[%run_scoped3A_179, %dma_start3A_487, %dma_start3A_488] : memref<8x10240x128xf32, #tpu.memory_space<hbm>> -> memref<1x10240x128xf32, #tpu.memory_space<hbm>>
      %dma_start3A_490 = tpu.memref_squeeze %dma_start3A_489 : memref<1x10240x128xf32, #tpu.memory_space<hbm>> -> memref<10240x128xf32, #tpu.memory_space<hbm>>
      %dma_start3A_491 = arith.constant 0 : i32
      %dma_start3A_492 = tpu.memref_slice %dma_start3A_490[%multiple_of3A, %dma_start3A_491] : memref<10240x128xf32, #tpu.memory_space<hbm>> -> memref<640x128xf32, #tpu.memory_space<hbm>>
      %dma_start3A_493 = arith.constant 0 : i32
      %dma_start3A_494 = tpu.memref_slice %arg7[%multiple_of3A, %dma_start3A_493] : memref<10240x128xf32, #tpu.memory_space<vmem_shared>> -> memref<640x128xf32, #tpu.memory_space<vmem_shared>>
      tpu.enqueue_dma source(%dma_start3A_494 : memref<640x128xf32, #tpu.memory_space<vmem_shared>>) target(%dma_start3A_492 : memref<640x128xf32, #tpu.memory_space<hbm>>) target_semaphore(%run_scoped3A_481 : memref<!tpu.dma_semaphore, #tpu.memory_space<semaphore_mem>>)
      %dma_wait3A_495 = arith.constant 0 : i32
      %dma_wait3A_496 = arith.constant 0 : i32
      %dma_wait3A_497 = arith.constant 0 : i32
      %dma_wait3A_498 = tpu.memref_slice %arg6[%arg0, %dma_wait3A_495, %dma_wait3A_496, %dma_wait3A_497] : memref<2x8x10240x128xf32, #tpu.memory_space<hbm>> -> memref<1x8x10240x128xf32, #tpu.memory_space<hbm>>
      %dma_wait3A_499 = tpu.memref_squeeze %dma_wait3A_498 : memref<1x8x10240x128xf32, #tpu.memory_space<hbm>> -> memref<8x10240x128xf32, #tpu.memory_space<hbm>>
      %dma_wait3A_500 = arith.constant 0 : i32
      %dma_wait3A_501 = arith.constant 0 : i32
      %dma_wait3A_502 = tpu.memref_slice %dma_wait3A_499[%run_scoped3A_179, %dma_wait3A_500, %dma_wait3A_501] : memref<8x10240x128xf32, #tpu.memory_space<hbm>> -> memref<1x10240x128xf32, #tpu.memory_space<hbm>>
      %dma_wait3A_503 = tpu.memref_squeeze %dma_wait3A_502 : memref<1x10240x128xf32, #tpu.memory_space<hbm>> -> memref<10240x128xf32, #tpu.memory_space<hbm>>
      %dma_wait3A_504 = arith.constant 0 : i32
      %dma_wait3A_505 = tpu.memref_slice %dma_wait3A_503[%multiple_of3A, %dma_wait3A_504] : memref<10240x128xf32, #tpu.memory_space<hbm>> -> memref<640x128xf32, #tpu.memory_space<hbm>>
      %dma_wait3A_506 = arith.constant 0 : i32
      %dma_wait3A_507 = tpu.memref_slice %arg7[%multiple_of3A, %dma_wait3A_506] : memref<10240x128xf32, #tpu.memory_space<vmem_shared>> -> memref<640x128xf32, #tpu.memory_space<vmem_shared>>
      tpu.wait_dma2 semaphore(%run_scoped3A_481 : memref<!tpu.dma_semaphore, #tpu.memory_space<semaphore_mem>>) src(%dma_wait3A_507 : memref<640x128xf32, #tpu.memory_space<vmem_shared>>) dst(%dma_wait3A_505 : memref<640x128xf32, #tpu.memory_space<hbm>>)
      tpu.yield
    }) : () -> ()
    %barrier3A_180 = arith.constant 0 : index
    tpu.barrier barrier_id(%barrier3A_180)
    "tpu.region"() ({
      %run_scoped3A_481 = tpu.sem_alloc : memref<!tpu.dma_semaphore, #tpu.memory_space<semaphore_mem>>
      %dma_start3A_482 = arith.constant 0 : i32
      %dma_start3A_483 = tpu.memref_slice %arg7[%multiple_of3A, %dma_start3A_482] : memref<10240x128xf32, #tpu.memory_space<vmem_shared>> -> memref<640x128xf32, #tpu.memory_space<vmem_shared>>
      tpu.enqueue_dma source(%arg5 : memref<640x128xf32, #tpu.memory_space<hbm>>) target(%dma_start3A_483 : memref<640x128xf32, #tpu.memory_space<vmem_shared>>) target_semaphore(%run_scoped3A_481 : memref<!tpu.dma_semaphore, #tpu.memory_space<semaphore_mem>>)
      %dma_wait3A_484 = arith.constant 0 : i32
      %dma_wait3A_485 = tpu.memref_slice %arg7[%multiple_of3A, %dma_wait3A_484] : memref<10240x128xf32, #tpu.memory_space<vmem_shared>> -> memref<640x128xf32, #tpu.memory_space<vmem_shared>>
      tpu.wait_dma2 semaphore(%run_scoped3A_481 : memref<!tpu.dma_semaphore, #tpu.memory_space<semaphore_mem>>) src(%arg5 : memref<640x128xf32, #tpu.memory_space<hbm>>) dst(%dma_wait3A_485 : memref<640x128xf32, #tpu.memory_space<vmem_shared>>)
      tpu.yield
    }) : () -> ()
    %barrier3A_181 = arith.constant 0 : index
    tpu.barrier barrier_id(%barrier3A_181)
    %multiple_of3A_182 = arith.constant 0 : i32
    %multiple_of3A_183 = tpu.assume_multiple %multiple_of3A_182, 8 : i32
    %dma_start3A_184 = arith.constant 3 : i32
    %dma_start3A_185 = arith.constant 0 : i32
    %dma_start3A_186 = arith.constant 0 : i32
    %dma_start3A_187 = arith.constant 0 : i32
    %dma_start3A_188 = tpu.memref_slice %arg10[%dma_start3A_185, %dma_start3A_186, %dma_start3A_187] : memref<2x80x128xf32, #tpu.memory_space<vmem>> -> memref<1x80x128xf32, #tpu.memory_space<vmem>>
    %dma_start3A_189 = tpu.memref_squeeze %dma_start3A_188 : memref<1x80x128xf32, #tpu.memory_space<vmem>> -> memref<80x128xf32, #tpu.memory_space<vmem>>
    %dma_start3A_190 = tpu.memref_slice %arg8[%multiple_of3A_183] : memref<10000xi32, #tpu.memory_space<vmem>> -> memref<80xi32, #tpu.memory_space<vmem>>
    %dma_start3A_191 = arith.constant 0 : i32
    %dma_start3A_192 = arith.constant 0 : i32
    %dma_start3A_193 = tpu.memref_slice %arg2[%dma_start3A_184, %dma_start3A_191, %dma_start3A_192] : memref<8x10240x128xf32, #tpu.memory_space<hbm>> -> memref<1x10240x128xf32, #tpu.memory_space<hbm>>
    %dma_start3A_194 = tpu.memref_squeeze %dma_start3A_193 : memref<1x10240x128xf32, #tpu.memory_space<hbm>> -> memref<10240x128xf32, #tpu.memory_space<hbm>>
    %dma_start3A_195 = arith.constant 0 : i32
    %dma_start3A_196 = arith.constant 0 : i32
    %dma_start3A_197 = tpu.memref_slice %dma_start3A_194[%dma_start3A_195, %dma_start3A_196] : memref<10240x128xf32, #tpu.memory_space<hbm>> -> memref<10240x128xf32, #tpu.memory_space<hbm>>
    tpu.enqueue_indirect_dma source(%dma_start3A_197 : memref<10240x128xf32, #tpu.memory_space<hbm>>) target(%dma_start3A_189 : memref<80x128xf32, #tpu.memory_space<vmem>>) offsets(%dma_start3A_190 : memref<80xi32, #tpu.memory_space<vmem>>) semaphore(%arg11 : memref<!tpu.dma_semaphore, #tpu.memory_space<semaphore_mem>>)
    %multiple_of3A_198 = arith.constant 80 : i32
    %multiple_of3A_199 = tpu.assume_multiple %multiple_of3A_198, 8 : i32
    %dma_start3A_200 = arith.constant 3 : i32
    %dma_start3A_201 = arith.constant 1 : i32
    %dma_start3A_202 = arith.constant 0 : i32
    %dma_start3A_203 = arith.constant 0 : i32
    %dma_start3A_204 = tpu.memref_slice %arg10[%dma_start3A_201, %dma_start3A_202, %dma_start3A_203] : memref<2x80x128xf32, #tpu.memory_space<vmem>> -> memref<1x80x128xf32, #tpu.memory_space<vmem>>
    %dma_start3A_205 = tpu.memref_squeeze %dma_start3A_204 : memref<1x80x128xf32, #tpu.memory_space<vmem>> -> memref<80x128xf32, #tpu.memory_space<vmem>>
    %dma_start3A_206 = tpu.memref_slice %arg8[%multiple_of3A_199] : memref<10000xi32, #tpu.memory_space<vmem>> -> memref<80xi32, #tpu.memory_space<vmem>>
    %dma_start3A_207 = arith.constant 0 : i32
    %dma_start3A_208 = arith.constant 0 : i32
    %dma_start3A_209 = tpu.memref_slice %arg2[%dma_start3A_200, %dma_start3A_207, %dma_start3A_208] : memref<8x10240x128xf32, #tpu.memory_space<hbm>> -> memref<1x10240x128xf32, #tpu.memory_space<hbm>>
    %dma_start3A_210 = tpu.memref_squeeze %dma_start3A_209 : memref<1x10240x128xf32, #tpu.memory_space<hbm>> -> memref<10240x128xf32, #tpu.memory_space<hbm>>
    %dma_start3A_211 = arith.constant 0 : i32
    %dma_start3A_212 = arith.constant 0 : i32
    %dma_start3A_213 = tpu.memref_slice %dma_start3A_210[%dma_start3A_211, %dma_start3A_212] : memref<10240x128xf32, #tpu.memory_space<hbm>> -> memref<10240x128xf32, #tpu.memory_space<hbm>>
    tpu.enqueue_indirect_dma source(%dma_start3A_213 : memref<10240x128xf32, #tpu.memory_space<hbm>>) target(%dma_start3A_205 : memref<80x128xf32, #tpu.memory_space<vmem>>) offsets(%dma_start3A_206 : memref<80xi32, #tpu.memory_space<vmem>>) semaphore(%arg12 : memref<!tpu.dma_semaphore, #tpu.memory_space<semaphore_mem>>)
    %scan3A_214 = arith.constant 3 : i32
    %scan3A_215 = arith.constant 0 : i32
    %scan3A_216 = arith.constant 62 : i32
    %scan3A_217 = arith.addi %scan3A_215, %scan3A_216 : i32
    %scan3A_218 = arith.constant 1 : i32
    scf.for %scan3A_481 = %scan3A_215 to %scan3A_217 step %scan3A_218  : i32 {
      %mul3A_482 = arith.constant 2 : i32
      %mul3A_483 = arith.muli %scan3A_481, %mul3A_482 : i32
      %add3A_484 = arith.constant 0 : i32
      %add3A_485 = arith.addi %add3A_484, %mul3A_483 : i32
      %add3A_486 = arith.constant 0 : i32
      %add3A_487 = arith.addi %add3A_485, %add3A_486 : i32
      %mul3A_488 = arith.constant 80 : i32
      %mul3A_489 = arith.muli %add3A_487, %mul3A_488 : i32
      %multiple_of3A_490 = tpu.assume_multiple %mul3A_489, 8 : i32
      %dma_wait3A_491 = arith.constant 0 : i32
      %dma_wait3A_492 = arith.constant 0 : i32
      %dma_wait3A_493 = arith.constant 0 : i32
      %dma_wait3A_494 = tpu.memref_slice %arg10[%dma_wait3A_491, %dma_wait3A_492, %dma_wait3A_493] : memref<2x80x128xf32, #tpu.memory_space<vmem>> -> memref<1x80x128xf32, #tpu.memory_space<vmem>>
      %dma_wait3A_495 = tpu.memref_squeeze %dma_wait3A_494 : memref<1x80x128xf32, #tpu.memory_space<vmem>> -> memref<80x128xf32, #tpu.memory_space<vmem>>
      %dma_wait3A_496 = tpu.memref_slice %arg8[%multiple_of3A_490] : memref<10000xi32, #tpu.memory_space<vmem>> -> memref<80xi32, #tpu.memory_space<vmem>>
      %dma_wait3A_497 = arith.constant 0 : i32
      %dma_wait3A_498 = arith.constant 0 : i32
      %dma_wait3A_499 = tpu.memref_slice %arg2[%scan3A_214, %dma_wait3A_497, %dma_wait3A_498] : memref<8x10240x128xf32, #tpu.memory_space<hbm>> -> memref<1x10240x128xf32, #tpu.memory_space<hbm>>
      %dma_wait3A_500 = tpu.memref_squeeze %dma_wait3A_499 : memref<1x10240x128xf32, #tpu.memory_space<hbm>> -> memref<10240x128xf32, #tpu.memory_space<hbm>>
      %dma_wait3A_501 = arith.constant 0 : i32
      %dma_wait3A_502 = arith.constant 0 : i32
      %dma_wait3A_503 = tpu.memref_slice %dma_wait3A_500[%dma_wait3A_501, %dma_wait3A_502] : memref<10240x128xf32, #tpu.memory_space<hbm>> -> memref<10240x128xf32, #tpu.memory_space<hbm>>
      tpu.wait_indirect_dma semaphore(%arg11 : memref<!tpu.dma_semaphore, #tpu.memory_space<semaphore_mem>>) src(%dma_wait3A_503 : memref<10240x128xf32, #tpu.memory_space<hbm>>) dst(%dma_wait3A_495 : memref<80x128xf32, #tpu.memory_space<vmem>>)
      %run_scoped3A_504 = arith.constant 0 : i32
      "tpu.region"() ({
        %run_scoped3A_535 = tpu.sem_alloc : memref<!tpu.dma_semaphore, #tpu.memory_space<semaphore_mem>>
        %dma_start3A_536 = arith.constant 0 : i32
        %dma_start3A_537 = arith.constant 0 : i32
        %dma_start3A_538 = tpu.memref_slice %arg10[%run_scoped3A_504, %dma_start3A_536, %dma_start3A_537] : memref<2x80x128xf32, #tpu.memory_space<vmem>> -> memref<1x80x128xf32, #tpu.memory_space<vmem>>
        %dma_start3A_539 = tpu.memref_squeeze %dma_start3A_538 : memref<1x80x128xf32, #tpu.memory_space<vmem>> -> memref<80x128xf32, #tpu.memory_space<vmem>>
        %dma_start3A_540 = arith.constant 0 : i32
        %dma_start3A_541 = tpu.memref_slice %arg9[%add3A_487, %dma_start3A_540] : memref<125x80xi32, #tpu.memory_space<vmem>> -> memref<1x80xi32, #tpu.memory_space<vmem>>
        %dma_start3A_542 = tpu.memref_squeeze %dma_start3A_541 : memref<1x80xi32, #tpu.memory_space<vmem>> -> memref<80xi32, #tpu.memory_space<vmem>>
        %dma_start3A_543 = arith.constant 0 : i32
        %dma_start3A_544 = arith.constant 0 : i32
        %dma_start3A_545 = tpu.memref_slice %arg7[%dma_start3A_543, %dma_start3A_544] : memref<10240x128xf32, #tpu.memory_space<vmem_shared>> -> memref<10240x128xf32, #tpu.memory_space<vmem_shared>>
        tpu.enqueue_indirect_dma source(%dma_start3A_539 : memref<80x128xf32, #tpu.memory_space<vmem>>) target(%dma_start3A_545 : memref<10240x128xf32, #tpu.memory_space<vmem_shared>>) offsets(%dma_start3A_542 : memref<80xi32, #tpu.memory_space<vmem>>) semaphore(%run_scoped3A_535 : memref<!tpu.dma_semaphore, #tpu.memory_space<semaphore_mem>>) {add = true}
        %dma_wait3A_546 = arith.constant 0 : i32
        %dma_wait3A_547 = arith.constant 0 : i32
        %dma_wait3A_548 = tpu.memref_slice %arg10[%run_scoped3A_504, %dma_wait3A_546, %dma_wait3A_547] : memref<2x80x128xf32, #tpu.memory_space<vmem>> -> memref<1x80x128xf32, #tpu.memory_space<vmem>>
        %dma_wait3A_549 = tpu.memref_squeeze %dma_wait3A_548 : memref<1x80x128xf32, #tpu.memory_space<vmem>> -> memref<80x128xf32, #tpu.memory_space<vmem>>
        %dma_wait3A_550 = arith.constant 0 : i32
        %dma_wait3A_551 = tpu.memref_slice %arg9[%add3A_487, %dma_wait3A_550] : memref<125x80xi32, #tpu.memory_space<vmem>> -> memref<1x80xi32, #tpu.memory_space<vmem>>
        %dma_wait3A_552 = tpu.memref_squeeze %dma_wait3A_551 : memref<1x80xi32, #tpu.memory_space<vmem>> -> memref<80xi32, #tpu.memory_space<vmem>>
        %dma_wait3A_553 = arith.constant 0 : i32
        %dma_wait3A_554 = arith.constant 0 : i32
        %dma_wait3A_555 = tpu.memref_slice %arg7[%dma_wait3A_553, %dma_wait3A_554] : memref<10240x128xf32, #tpu.memory_space<vmem_shared>> -> memref<10240x128xf32, #tpu.memory_space<vmem_shared>>
        tpu.wait_indirect_dma semaphore(%run_scoped3A_535 : memref<!tpu.dma_semaphore, #tpu.memory_space<semaphore_mem>>) src(%dma_wait3A_549 : memref<80x128xf32, #tpu.memory_space<vmem>>) dst(%dma_wait3A_555 : memref<10240x128xf32, #tpu.memory_space<vmem_shared>>)
        tpu.yield
      }) : () -> ()
      %add3A_505 = arith.constant 2 : i32
      %add3A_506 = arith.addi %add3A_487, %add3A_505 : i32
      %lt3A = arith.constant 125 : i32
      %lt3A_507 = arith.cmpi slt, %add3A_506, %lt3A : i32
      %convert_element_type3A = arith.extui %lt3A_507 : i1 to i32
      %cond3A = arith.constant 0 : i32
      %cond3A_508 = arith.cmpi ne, %convert_element_type3A, %cond3A : i32
      scf.if %cond3A_508 {
        %add3A_535 = arith.constant 2 : i32
        %add3A_536 = arith.addi %add3A_487, %add3A_535 : i32
        %mul3A_537 = arith.constant 80 : i32
        %mul3A_538 = arith.muli %add3A_536, %mul3A_537 : i32
        %multiple_of3A_539 = tpu.assume_multiple %mul3A_538, 8 : i32
        %dma_start3A_540 = arith.constant 0 : i32
        %dma_start3A_541 = arith.constant 0 : i32
        %dma_start3A_542 = arith.constant 0 : i32
        %dma_start3A_543 = tpu.memref_slice %arg10[%dma_start3A_540, %dma_start3A_541, %dma_start3A_542] : memref<2x80x128xf32, #tpu.memory_space<vmem>> -> memref<1x80x128xf32, #tpu.memory_space<vmem>>
        %dma_start3A_544 = tpu.memref_squeeze %dma_start3A_543 : memref<1x80x128xf32, #tpu.memory_space<vmem>> -> memref<80x128xf32, #tpu.memory_space<vmem>>
        %dma_start3A_545 = tpu.memref_slice %arg8[%multiple_of3A_539] : memref<10000xi32, #tpu.memory_space<vmem>> -> memref<80xi32, #tpu.memory_space<vmem>>
        %dma_start3A_546 = arith.constant 0 : i32
        %dma_start3A_547 = arith.constant 0 : i32
        %dma_start3A_548 = tpu.memref_slice %arg2[%scan3A_214, %dma_start3A_546, %dma_start3A_547] : memref<8x10240x128xf32, #tpu.memory_space<hbm>> -> memref<1x10240x128xf32, #tpu.memory_space<hbm>>
        %dma_start3A_549 = tpu.memref_squeeze %dma_start3A_548 : memref<1x10240x128xf32, #tpu.memory_space<hbm>> -> memref<10240x128xf32, #tpu.memory_space<hbm>>
        %dma_start3A_550 = arith.constant 0 : i32
        %dma_start3A_551 = arith.constant 0 : i32
        %dma_start3A_552 = tpu.memref_slice %dma_start3A_549[%dma_start3A_550, %dma_start3A_551] : memref<10240x128xf32, #tpu.memory_space<hbm>> -> memref<10240x128xf32, #tpu.memory_space<hbm>>
        tpu.enqueue_indirect_dma source(%dma_start3A_552 : memref<10240x128xf32, #tpu.memory_space<hbm>>) target(%dma_start3A_544 : memref<80x128xf32, #tpu.memory_space<vmem>>) offsets(%dma_start3A_545 : memref<80xi32, #tpu.memory_space<vmem>>) semaphore(%arg11 : memref<!tpu.dma_semaphore, #tpu.memory_space<semaphore_mem>>)
      } else {
      }
      %add3A_509 = arith.constant 1 : i32
      %add3A_510 = arith.addi %add3A_485, %add3A_509 : i32
      %mul3A_511 = arith.constant 80 : i32
      %mul3A_512 = arith.muli %add3A_510, %mul3A_511 : i32
      %multiple_of3A_513 = tpu.assume_multiple %mul3A_512, 8 : i32
      %dma_wait3A_514 = arith.constant 1 : i32
      %dma_wait3A_515 = arith.constant 0 : i32
      %dma_wait3A_516 = arith.constant 0 : i32
      %dma_wait3A_517 = tpu.memref_slice %arg10[%dma_wait3A_514, %dma_wait3A_515, %dma_wait3A_516] : memref<2x80x128xf32, #tpu.memory_space<vmem>> -> memref<1x80x128xf32, #tpu.memory_space<vmem>>
      %dma_wait3A_518 = tpu.memref_squeeze %dma_wait3A_517 : memref<1x80x128xf32, #tpu.memory_space<vmem>> -> memref<80x128xf32, #tpu.memory_space<vmem>>
      %dma_wait3A_519 = tpu.memref_slice %arg8[%multiple_of3A_513] : memref<10000xi32, #tpu.memory_space<vmem>> -> memref<80xi32, #tpu.memory_space<vmem>>
      %dma_wait3A_520 = arith.constant 0 : i32
      %dma_wait3A_521 = arith.constant 0 : i32
      %dma_wait3A_522 = tpu.memref_slice %arg2[%scan3A_214, %dma_wait3A_520, %dma_wait3A_521] : memref<8x10240x128xf32, #tpu.memory_space<hbm>> -> memref<1x10240x128xf32, #tpu.memory_space<hbm>>
      %dma_wait3A_523 = tpu.memref_squeeze %dma_wait3A_522 : memref<1x10240x128xf32, #tpu.memory_space<hbm>> -> memref<10240x128xf32, #tpu.memory_space<hbm>>
      %dma_wait3A_524 = arith.constant 0 : i32
      %dma_wait3A_525 = arith.constant 0 : i32
      %dma_wait3A_526 = tpu.memref_slice %dma_wait3A_523[%dma_wait3A_524, %dma_wait3A_525] : memref<10240x128xf32, #tpu.memory_space<hbm>> -> memref<10240x128xf32, #tpu.memory_space<hbm>>
      tpu.wait_indirect_dma semaphore(%arg12 : memref<!tpu.dma_semaphore, #tpu.memory_space<semaphore_mem>>) src(%dma_wait3A_526 : memref<10240x128xf32, #tpu.memory_space<hbm>>) dst(%dma_wait3A_518 : memref<80x128xf32, #tpu.memory_space<vmem>>)
      %run_scoped3A_527 = arith.constant 1 : i32
      "tpu.region"() ({
        %run_scoped3A_535 = tpu.sem_alloc : memref<!tpu.dma_semaphore, #tpu.memory_space<semaphore_mem>>
        %dma_start3A_536 = arith.constant 0 : i32
        %dma_start3A_537 = arith.constant 0 : i32
        %dma_start3A_538 = tpu.memref_slice %arg10[%run_scoped3A_527, %dma_start3A_536, %dma_start3A_537] : memref<2x80x128xf32, #tpu.memory_space<vmem>> -> memref<1x80x128xf32, #tpu.memory_space<vmem>>
        %dma_start3A_539 = tpu.memref_squeeze %dma_start3A_538 : memref<1x80x128xf32, #tpu.memory_space<vmem>> -> memref<80x128xf32, #tpu.memory_space<vmem>>
        %dma_start3A_540 = arith.constant 0 : i32
        %dma_start3A_541 = tpu.memref_slice %arg9[%add3A_510, %dma_start3A_540] : memref<125x80xi32, #tpu.memory_space<vmem>> -> memref<1x80xi32, #tpu.memory_space<vmem>>
        %dma_start3A_542 = tpu.memref_squeeze %dma_start3A_541 : memref<1x80xi32, #tpu.memory_space<vmem>> -> memref<80xi32, #tpu.memory_space<vmem>>
        %dma_start3A_543 = arith.constant 0 : i32
        %dma_start3A_544 = arith.constant 0 : i32
        %dma_start3A_545 = tpu.memref_slice %arg7[%dma_start3A_543, %dma_start3A_544] : memref<10240x128xf32, #tpu.memory_space<vmem_shared>> -> memref<10240x128xf32, #tpu.memory_space<vmem_shared>>
        tpu.enqueue_indirect_dma source(%dma_start3A_539 : memref<80x128xf32, #tpu.memory_space<vmem>>) target(%dma_start3A_545 : memref<10240x128xf32, #tpu.memory_space<vmem_shared>>) offsets(%dma_start3A_542 : memref<80xi32, #tpu.memory_space<vmem>>) semaphore(%run_scoped3A_535 : memref<!tpu.dma_semaphore, #tpu.memory_space<semaphore_mem>>) {add = true}
        %dma_wait3A_546 = arith.constant 0 : i32
        %dma_wait3A_547 = arith.constant 0 : i32
        %dma_wait3A_548 = tpu.memref_slice %arg10[%run_scoped3A_527, %dma_wait3A_546, %dma_wait3A_547] : memref<2x80x128xf32, #tpu.memory_space<vmem>> -> memref<1x80x128xf32, #tpu.memory_space<vmem>>
        %dma_wait3A_549 = tpu.memref_squeeze %dma_wait3A_548 : memref<1x80x128xf32, #tpu.memory_space<vmem>> -> memref<80x128xf32, #tpu.memory_space<vmem>>
        %dma_wait3A_550 = arith.constant 0 : i32
        %dma_wait3A_551 = tpu.memref_slice %arg9[%add3A_510, %dma_wait3A_550] : memref<125x80xi32, #tpu.memory_space<vmem>> -> memref<1x80xi32, #tpu.memory_space<vmem>>
        %dma_wait3A_552 = tpu.memref_squeeze %dma_wait3A_551 : memref<1x80xi32, #tpu.memory_space<vmem>> -> memref<80xi32, #tpu.memory_space<vmem>>
        %dma_wait3A_553 = arith.constant 0 : i32
        %dma_wait3A_554 = arith.constant 0 : i32
        %dma_wait3A_555 = tpu.memref_slice %arg7[%dma_wait3A_553, %dma_wait3A_554] : memref<10240x128xf32, #tpu.memory_space<vmem_shared>> -> memref<10240x128xf32, #tpu.memory_space<vmem_shared>>
        tpu.wait_indirect_dma semaphore(%run_scoped3A_535 : memref<!tpu.dma_semaphore, #tpu.memory_space<semaphore_mem>>) src(%dma_wait3A_549 : memref<80x128xf32, #tpu.memory_space<vmem>>) dst(%dma_wait3A_555 : memref<10240x128xf32, #tpu.memory_space<vmem_shared>>)
        tpu.yield
      }) : () -> ()
      %add3A_528 = arith.constant 2 : i32
      %add3A_529 = arith.addi %add3A_510, %add3A_528 : i32
      %lt3A_530 = arith.constant 125 : i32
      %lt3A_531 = arith.cmpi slt, %add3A_529, %lt3A_530 : i32
      %convert_element_type3A_532 = arith.extui %lt3A_531 : i1 to i32
      %cond3A_533 = arith.constant 0 : i32
      %cond3A_534 = arith.cmpi ne, %convert_element_type3A_532, %cond3A_533 : i32
      scf.if %cond3A_534 {
        %add3A_535 = arith.constant 2 : i32
        %add3A_536 = arith.addi %add3A_510, %add3A_535 : i32
        %mul3A_537 = arith.constant 80 : i32
        %mul3A_538 = arith.muli %add3A_536, %mul3A_537 : i32
        %multiple_of3A_539 = tpu.assume_multiple %mul3A_538, 8 : i32
        %dma_start3A_540 = arith.constant 1 : i32
        %dma_start3A_541 = arith.constant 0 : i32
        %dma_start3A_542 = arith.constant 0 : i32
        %dma_start3A_543 = tpu.memref_slice %arg10[%dma_start3A_540, %dma_start3A_541, %dma_start3A_542] : memref<2x80x128xf32, #tpu.memory_space<vmem>> -> memref<1x80x128xf32, #tpu.memory_space<vmem>>
        %dma_start3A_544 = tpu.memref_squeeze %dma_start3A_543 : memref<1x80x128xf32, #tpu.memory_space<vmem>> -> memref<80x128xf32, #tpu.memory_space<vmem>>
        %dma_start3A_545 = tpu.memref_slice %arg8[%multiple_of3A_539] : memref<10000xi32, #tpu.memory_space<vmem>> -> memref<80xi32, #tpu.memory_space<vmem>>
        %dma_start3A_546 = arith.constant 0 : i32
        %dma_start3A_547 = arith.constant 0 : i32
        %dma_start3A_548 = tpu.memref_slice %arg2[%scan3A_214, %dma_start3A_546, %dma_start3A_547] : memref<8x10240x128xf32, #tpu.memory_space<hbm>> -> memref<1x10240x128xf32, #tpu.memory_space<hbm>>
        %dma_start3A_549 = tpu.memref_squeeze %dma_start3A_548 : memref<1x10240x128xf32, #tpu.memory_space<hbm>> -> memref<10240x128xf32, #tpu.memory_space<hbm>>
        %dma_start3A_550 = arith.constant 0 : i32
        %dma_start3A_551 = arith.constant 0 : i32
        %dma_start3A_552 = tpu.memref_slice %dma_start3A_549[%dma_start3A_550, %dma_start3A_551] : memref<10240x128xf32, #tpu.memory_space<hbm>> -> memref<10240x128xf32, #tpu.memory_space<hbm>>
        tpu.enqueue_indirect_dma source(%dma_start3A_552 : memref<10240x128xf32, #tpu.memory_space<hbm>>) target(%dma_start3A_544 : memref<80x128xf32, #tpu.memory_space<vmem>>) offsets(%dma_start3A_545 : memref<80xi32, #tpu.memory_space<vmem>>) semaphore(%arg12 : memref<!tpu.dma_semaphore, #tpu.memory_space<semaphore_mem>>)
      } else {
      }
    }
    %scan3A_219 = arith.constant 62 : i32
    %multiple_of3A_220 = arith.constant 9920 : i32
    %multiple_of3A_221 = tpu.assume_multiple %multiple_of3A_220, 8 : i32
    %dma_wait3A_222 = arith.constant 3 : i32
    %dma_wait3A_223 = arith.constant 0 : i32
    %dma_wait3A_224 = arith.constant 0 : i32
    %dma_wait3A_225 = arith.constant 0 : i32
    %dma_wait3A_226 = tpu.memref_slice %arg10[%dma_wait3A_223, %dma_wait3A_224, %dma_wait3A_225] : memref<2x80x128xf32, #tpu.memory_space<vmem>> -> memref<1x80x128xf32, #tpu.memory_space<vmem>>
    %dma_wait3A_227 = tpu.memref_squeeze %dma_wait3A_226 : memref<1x80x128xf32, #tpu.memory_space<vmem>> -> memref<80x128xf32, #tpu.memory_space<vmem>>
    %dma_wait3A_228 = tpu.memref_slice %arg8[%multiple_of3A_221] : memref<10000xi32, #tpu.memory_space<vmem>> -> memref<80xi32, #tpu.memory_space<vmem>>
    %dma_wait3A_229 = arith.constant 0 : i32
    %dma_wait3A_230 = arith.constant 0 : i32
    %dma_wait3A_231 = tpu.memref_slice %arg2[%dma_wait3A_222, %dma_wait3A_229, %dma_wait3A_230] : memref<8x10240x128xf32, #tpu.memory_space<hbm>> -> memref<1x10240x128xf32, #tpu.memory_space<hbm>>
    %dma_wait3A_232 = tpu.memref_squeeze %dma_wait3A_231 : memref<1x10240x128xf32, #tpu.memory_space<hbm>> -> memref<10240x128xf32, #tpu.memory_space<hbm>>
    %dma_wait3A_233 = arith.constant 0 : i32
    %dma_wait3A_234 = arith.constant 0 : i32
    %dma_wait3A_235 = tpu.memref_slice %dma_wait3A_232[%dma_wait3A_233, %dma_wait3A_234] : memref<10240x128xf32, #tpu.memory_space<hbm>> -> memref<10240x128xf32, #tpu.memory_space<hbm>>
    tpu.wait_indirect_dma semaphore(%arg11 : memref<!tpu.dma_semaphore, #tpu.memory_space<semaphore_mem>>) src(%dma_wait3A_235 : memref<10240x128xf32, #tpu.memory_space<hbm>>) dst(%dma_wait3A_227 : memref<80x128xf32, #tpu.memory_space<vmem>>)
    %run_scoped3A_236 = arith.constant 0 : i32
    %run_scoped3A_237 = arith.constant 124 : i32
    "tpu.region"() ({
      %run_scoped3A_481 = tpu.sem_alloc : memref<!tpu.dma_semaphore, #tpu.memory_space<semaphore_mem>>
      %dma_start3A_482 = arith.constant 0 : i32
      %dma_start3A_483 = arith.constant 0 : i32
      %dma_start3A_484 = tpu.memref_slice %arg10[%run_scoped3A_236, %dma_start3A_482, %dma_start3A_483] : memref<2x80x128xf32, #tpu.memory_space<vmem>> -> memref<1x80x128xf32, #tpu.memory_space<vmem>>
      %dma_start3A_485 = tpu.memref_squeeze %dma_start3A_484 : memref<1x80x128xf32, #tpu.memory_space<vmem>> -> memref<80x128xf32, #tpu.memory_space<vmem>>
      %dma_start3A_486 = arith.constant 0 : i32
      %dma_start3A_487 = tpu.memref_slice %arg9[%run_scoped3A_237, %dma_start3A_486] : memref<125x80xi32, #tpu.memory_space<vmem>> -> memref<1x80xi32, #tpu.memory_space<vmem>>
      %dma_start3A_488 = tpu.memref_squeeze %dma_start3A_487 : memref<1x80xi32, #tpu.memory_space<vmem>> -> memref<80xi32, #tpu.memory_space<vmem>>
      %dma_start3A_489 = arith.constant 0 : i32
      %dma_start3A_490 = arith.constant 0 : i32
      %dma_start3A_491 = tpu.memref_slice %arg7[%dma_start3A_489, %dma_start3A_490] : memref<10240x128xf32, #tpu.memory_space<vmem_shared>> -> memref<10240x128xf32, #tpu.memory_space<vmem_shared>>
      tpu.enqueue_indirect_dma source(%dma_start3A_485 : memref<80x128xf32, #tpu.memory_space<vmem>>) target(%dma_start3A_491 : memref<10240x128xf32, #tpu.memory_space<vmem_shared>>) offsets(%dma_start3A_488 : memref<80xi32, #tpu.memory_space<vmem>>) semaphore(%run_scoped3A_481 : memref<!tpu.dma_semaphore, #tpu.memory_space<semaphore_mem>>) {add = true}
      %dma_wait3A_492 = arith.constant 0 : i32
      %dma_wait3A_493 = arith.constant 0 : i32
      %dma_wait3A_494 = tpu.memref_slice %arg10[%run_scoped3A_236, %dma_wait3A_492, %dma_wait3A_493] : memref<2x80x128xf32, #tpu.memory_space<vmem>> -> memref<1x80x128xf32, #tpu.memory_space<vmem>>
      %dma_wait3A_495 = tpu.memref_squeeze %dma_wait3A_494 : memref<1x80x128xf32, #tpu.memory_space<vmem>> -> memref<80x128xf32, #tpu.memory_space<vmem>>
      %dma_wait3A_496 = arith.constant 0 : i32
      %dma_wait3A_497 = tpu.memref_slice %arg9[%run_scoped3A_237, %dma_wait3A_496] : memref<125x80xi32, #tpu.memory_space<vmem>> -> memref<1x80xi32, #tpu.memory_space<vmem>>
      %dma_wait3A_498 = tpu.memref_squeeze %dma_wait3A_497 : memref<1x80xi32, #tpu.memory_space<vmem>> -> memref<80xi32, #tpu.memory_space<vmem>>
      %dma_wait3A_499 = arith.constant 0 : i32
      %dma_wait3A_500 = arith.constant 0 : i32
      %dma_wait3A_501 = tpu.memref_slice %arg7[%dma_wait3A_499, %dma_wait3A_500] : memref<10240x128xf32, #tpu.memory_space<vmem_shared>> -> memref<10240x128xf32, #tpu.memory_space<vmem_shared>>
      tpu.wait_indirect_dma semaphore(%run_scoped3A_481 : memref<!tpu.dma_semaphore, #tpu.memory_space<semaphore_mem>>) src(%dma_wait3A_495 : memref<80x128xf32, #tpu.memory_space<vmem>>) dst(%dma_wait3A_501 : memref<10240x128xf32, #tpu.memory_space<vmem_shared>>)
      tpu.yield
    }) : () -> ()
    %barrier3A_238 = arith.constant 0 : index
    tpu.barrier barrier_id(%barrier3A_238)
    %run_scoped3A_239 = arith.constant 3 : i32
    "tpu.region"() ({
      %run_scoped3A_481 = tpu.sem_alloc : memref<!tpu.dma_semaphore, #tpu.memory_space<semaphore_mem>>
      %dma_start3A_482 = arith.constant 0 : i32
      %dma_start3A_483 = arith.constant 0 : i32
      %dma_start3A_484 = arith.constant 0 : i32
      %dma_start3A_485 = tpu.memref_slice %arg6[%arg0, %dma_start3A_482, %dma_start3A_483, %dma_start3A_484] : memref<2x8x10240x128xf32, #tpu.memory_space<hbm>> -> memref<1x8x10240x128xf32, #tpu.memory_space<hbm>>
      %dma_start3A_486 = tpu.memref_squeeze %dma_start3A_485 : memref<1x8x10240x128xf32, #tpu.memory_space<hbm>> -> memref<8x10240x128xf32, #tpu.memory_space<hbm>>
      %dma_start3A_487 = arith.constant 0 : i32
      %dma_start3A_488 = arith.constant 0 : i32
      %dma_start3A_489 = tpu.memref_slice %dma_start3A_486[%run_scoped3A_239, %dma_start3A_487, %dma_start3A_488] : memref<8x10240x128xf32, #tpu.memory_space<hbm>> -> memref<1x10240x128xf32, #tpu.memory_space<hbm>>
      %dma_start3A_490 = tpu.memref_squeeze %dma_start3A_489 : memref<1x10240x128xf32, #tpu.memory_space<hbm>> -> memref<10240x128xf32, #tpu.memory_space<hbm>>
      %dma_start3A_491 = arith.constant 0 : i32
      %dma_start3A_492 = tpu.memref_slice %dma_start3A_490[%multiple_of3A, %dma_start3A_491] : memref<10240x128xf32, #tpu.memory_space<hbm>> -> memref<640x128xf32, #tpu.memory_space<hbm>>
      %dma_start3A_493 = arith.constant 0 : i32
      %dma_start3A_494 = tpu.memref_slice %arg7[%multiple_of3A, %dma_start3A_493] : memref<10240x128xf32, #tpu.memory_space<vmem_shared>> -> memref<640x128xf32, #tpu.memory_space<vmem_shared>>
      tpu.enqueue_dma source(%dma_start3A_494 : memref<640x128xf32, #tpu.memory_space<vmem_shared>>) target(%dma_start3A_492 : memref<640x128xf32, #tpu.memory_space<hbm>>) target_semaphore(%run_scoped3A_481 : memref<!tpu.dma_semaphore, #tpu.memory_space<semaphore_mem>>)
      %dma_wait3A_495 = arith.constant 0 : i32
      %dma_wait3A_496 = arith.constant 0 : i32
      %dma_wait3A_497 = arith.constant 0 : i32
      %dma_wait3A_498 = tpu.memref_slice %arg6[%arg0, %dma_wait3A_495, %dma_wait3A_496, %dma_wait3A_497] : memref<2x8x10240x128xf32, #tpu.memory_space<hbm>> -> memref<1x8x10240x128xf32, #tpu.memory_space<hbm>>
      %dma_wait3A_499 = tpu.memref_squeeze %dma_wait3A_498 : memref<1x8x10240x128xf32, #tpu.memory_space<hbm>> -> memref<8x10240x128xf32, #tpu.memory_space<hbm>>
      %dma_wait3A_500 = arith.constant 0 : i32
      %dma_wait3A_501 = arith.constant 0 : i32
      %dma_wait3A_502 = tpu.memref_slice %dma_wait3A_499[%run_scoped3A_239, %dma_wait3A_500, %dma_wait3A_501] : memref<8x10240x128xf32, #tpu.memory_space<hbm>> -> memref<1x10240x128xf32, #tpu.memory_space<hbm>>
      %dma_wait3A_503 = tpu.memref_squeeze %dma_wait3A_502 : memref<1x10240x128xf32, #tpu.memory_space<hbm>> -> memref<10240x128xf32, #tpu.memory_space<hbm>>
      %dma_wait3A_504 = arith.constant 0 : i32
      %dma_wait3A_505 = tpu.memref_slice %dma_wait3A_503[%multiple_of3A, %dma_wait3A_504] : memref<10240x128xf32, #tpu.memory_space<hbm>> -> memref<640x128xf32, #tpu.memory_space<hbm>>
      %dma_wait3A_506 = arith.constant 0 : i32
      %dma_wait3A_507 = tpu.memref_slice %arg7[%multiple_of3A, %dma_wait3A_506] : memref<10240x128xf32, #tpu.memory_space<vmem_shared>> -> memref<640x128xf32, #tpu.memory_space<vmem_shared>>
      tpu.wait_dma2 semaphore(%run_scoped3A_481 : memref<!tpu.dma_semaphore, #tpu.memory_space<semaphore_mem>>) src(%dma_wait3A_507 : memref<640x128xf32, #tpu.memory_space<vmem_shared>>) dst(%dma_wait3A_505 : memref<640x128xf32, #tpu.memory_space<hbm>>)
      tpu.yield
    }) : () -> ()
    %barrier3A_240 = arith.constant 0 : index
    tpu.barrier barrier_id(%barrier3A_240)
    "tpu.region"() ({
      %run_scoped3A_481 = tpu.sem_alloc : memref<!tpu.dma_semaphore, #tpu.memory_space<semaphore_mem>>
      %dma_start3A_482 = arith.constant 0 : i32
      %dma_start3A_483 = tpu.memref_slice %arg7[%multiple_of3A, %dma_start3A_482] : memref<10240x128xf32, #tpu.memory_space<vmem_shared>> -> memref<640x128xf32, #tpu.memory_space<vmem_shared>>
      tpu.enqueue_dma source(%arg5 : memref<640x128xf32, #tpu.memory_space<hbm>>) target(%dma_start3A_483 : memref<640x128xf32, #tpu.memory_space<vmem_shared>>) target_semaphore(%run_scoped3A_481 : memref<!tpu.dma_semaphore, #tpu.memory_space<semaphore_mem>>)
      %dma_wait3A_484 = arith.constant 0 : i32
      %dma_wait3A_485 = tpu.memref_slice %arg7[%multiple_of3A, %dma_wait3A_484] : memref<10240x128xf32, #tpu.memory_space<vmem_shared>> -> memref<640x128xf32, #tpu.memory_space<vmem_shared>>
      tpu.wait_dma2 semaphore(%run_scoped3A_481 : memref<!tpu.dma_semaphore, #tpu.memory_space<semaphore_mem>>) src(%arg5 : memref<640x128xf32, #tpu.memory_space<hbm>>) dst(%dma_wait3A_485 : memref<640x128xf32, #tpu.memory_space<vmem_shared>>)
      tpu.yield
    }) : () -> ()
    %barrier3A_241 = arith.constant 0 : index
    tpu.barrier barrier_id(%barrier3A_241)
    %multiple_of3A_242 = arith.constant 0 : i32
    %multiple_of3A_243 = tpu.assume_multiple %multiple_of3A_242, 8 : i32
    %dma_start3A_244 = arith.constant 4 : i32
    %dma_start3A_245 = arith.constant 0 : i32
    %dma_start3A_246 = arith.constant 0 : i32
    %dma_start3A_247 = arith.constant 0 : i32
    %dma_start3A_248 = tpu.memref_slice %arg10[%dma_start3A_245, %dma_start3A_246, %dma_start3A_247] : memref<2x80x128xf32, #tpu.memory_space<vmem>> -> memref<1x80x128xf32, #tpu.memory_space<vmem>>
    %dma_start3A_249 = tpu.memref_squeeze %dma_start3A_248 : memref<1x80x128xf32, #tpu.memory_space<vmem>> -> memref<80x128xf32, #tpu.memory_space<vmem>>
    %dma_start3A_250 = tpu.memref_slice %arg8[%multiple_of3A_243] : memref<10000xi32, #tpu.memory_space<vmem>> -> memref<80xi32, #tpu.memory_space<vmem>>
    %dma_start3A_251 = arith.constant 0 : i32
    %dma_start3A_252 = arith.constant 0 : i32
    %dma_start3A_253 = tpu.memref_slice %arg2[%dma_start3A_244, %dma_start3A_251, %dma_start3A_252] : memref<8x10240x128xf32, #tpu.memory_space<hbm>> -> memref<1x10240x128xf32, #tpu.memory_space<hbm>>
    %dma_start3A_254 = tpu.memref_squeeze %dma_start3A_253 : memref<1x10240x128xf32, #tpu.memory_space<hbm>> -> memref<10240x128xf32, #tpu.memory_space<hbm>>
    %dma_start3A_255 = arith.constant 0 : i32
    %dma_start3A_256 = arith.constant 0 : i32
    %dma_start3A_257 = tpu.memref_slice %dma_start3A_254[%dma_start3A_255, %dma_start3A_256] : memref<10240x128xf32, #tpu.memory_space<hbm>> -> memref<10240x128xf32, #tpu.memory_space<hbm>>
    tpu.enqueue_indirect_dma source(%dma_start3A_257 : memref<10240x128xf32, #tpu.memory_space<hbm>>) target(%dma_start3A_249 : memref<80x128xf32, #tpu.memory_space<vmem>>) offsets(%dma_start3A_250 : memref<80xi32, #tpu.memory_space<vmem>>) semaphore(%arg11 : memref<!tpu.dma_semaphore, #tpu.memory_space<semaphore_mem>>)
    %multiple_of3A_258 = arith.constant 80 : i32
    %multiple_of3A_259 = tpu.assume_multiple %multiple_of3A_258, 8 : i32
    %dma_start3A_260 = arith.constant 4 : i32
    %dma_start3A_261 = arith.constant 1 : i32
    %dma_start3A_262 = arith.constant 0 : i32
    %dma_start3A_263 = arith.constant 0 : i32
    %dma_start3A_264 = tpu.memref_slice %arg10[%dma_start3A_261, %dma_start3A_262, %dma_start3A_263] : memref<2x80x128xf32, #tpu.memory_space<vmem>> -> memref<1x80x128xf32, #tpu.memory_space<vmem>>
    %dma_start3A_265 = tpu.memref_squeeze %dma_start3A_264 : memref<1x80x128xf32, #tpu.memory_space<vmem>> -> memref<80x128xf32, #tpu.memory_space<vmem>>
    %dma_start3A_266 = tpu.memref_slice %arg8[%multiple_of3A_259] : memref<10000xi32, #tpu.memory_space<vmem>> -> memref<80xi32, #tpu.memory_space<vmem>>
    %dma_start3A_267 = arith.constant 0 : i32
    %dma_start3A_268 = arith.constant 0 : i32
    %dma_start3A_269 = tpu.memref_slice %arg2[%dma_start3A_260, %dma_start3A_267, %dma_start3A_268] : memref<8x10240x128xf32, #tpu.memory_space<hbm>> -> memref<1x10240x128xf32, #tpu.memory_space<hbm>>
    %dma_start3A_270 = tpu.memref_squeeze %dma_start3A_269 : memref<1x10240x128xf32, #tpu.memory_space<hbm>> -> memref<10240x128xf32, #tpu.memory_space<hbm>>
    %dma_start3A_271 = arith.constant 0 : i32
    %dma_start3A_272 = arith.constant 0 : i32
    %dma_start3A_273 = tpu.memref_slice %dma_start3A_270[%dma_start3A_271, %dma_start3A_272] : memref<10240x128xf32, #tpu.memory_space<hbm>> -> memref<10240x128xf32, #tpu.memory_space<hbm>>
    tpu.enqueue_indirect_dma source(%dma_start3A_273 : memref<10240x128xf32, #tpu.memory_space<hbm>>) target(%dma_start3A_265 : memref<80x128xf32, #tpu.memory_space<vmem>>) offsets(%dma_start3A_266 : memref<80xi32, #tpu.memory_space<vmem>>) semaphore(%arg12 : memref<!tpu.dma_semaphore, #tpu.memory_space<semaphore_mem>>)
    %scan3A_274 = arith.constant 4 : i32
    %scan3A_275 = arith.constant 0 : i32
    %scan3A_276 = arith.constant 62 : i32
    %scan3A_277 = arith.addi %scan3A_275, %scan3A_276 : i32
    %scan3A_278 = arith.constant 1 : i32
    scf.for %scan3A_481 = %scan3A_275 to %scan3A_277 step %scan3A_278  : i32 {
      %mul3A_482 = arith.constant 2 : i32
      %mul3A_483 = arith.muli %scan3A_481, %mul3A_482 : i32
      %add3A_484 = arith.constant 0 : i32
      %add3A_485 = arith.addi %add3A_484, %mul3A_483 : i32
      %add3A_486 = arith.constant 0 : i32
      %add3A_487 = arith.addi %add3A_485, %add3A_486 : i32
      %mul3A_488 = arith.constant 80 : i32
      %mul3A_489 = arith.muli %add3A_487, %mul3A_488 : i32
      %multiple_of3A_490 = tpu.assume_multiple %mul3A_489, 8 : i32
      %dma_wait3A_491 = arith.constant 0 : i32
      %dma_wait3A_492 = arith.constant 0 : i32
      %dma_wait3A_493 = arith.constant 0 : i32
      %dma_wait3A_494 = tpu.memref_slice %arg10[%dma_wait3A_491, %dma_wait3A_492, %dma_wait3A_493] : memref<2x80x128xf32, #tpu.memory_space<vmem>> -> memref<1x80x128xf32, #tpu.memory_space<vmem>>
      %dma_wait3A_495 = tpu.memref_squeeze %dma_wait3A_494 : memref<1x80x128xf32, #tpu.memory_space<vmem>> -> memref<80x128xf32, #tpu.memory_space<vmem>>
      %dma_wait3A_496 = tpu.memref_slice %arg8[%multiple_of3A_490] : memref<10000xi32, #tpu.memory_space<vmem>> -> memref<80xi32, #tpu.memory_space<vmem>>
      %dma_wait3A_497 = arith.constant 0 : i32
      %dma_wait3A_498 = arith.constant 0 : i32
      %dma_wait3A_499 = tpu.memref_slice %arg2[%scan3A_274, %dma_wait3A_497, %dma_wait3A_498] : memref<8x10240x128xf32, #tpu.memory_space<hbm>> -> memref<1x10240x128xf32, #tpu.memory_space<hbm>>
      %dma_wait3A_500 = tpu.memref_squeeze %dma_wait3A_499 : memref<1x10240x128xf32, #tpu.memory_space<hbm>> -> memref<10240x128xf32, #tpu.memory_space<hbm>>
      %dma_wait3A_501 = arith.constant 0 : i32
      %dma_wait3A_502 = arith.constant 0 : i32
      %dma_wait3A_503 = tpu.memref_slice %dma_wait3A_500[%dma_wait3A_501, %dma_wait3A_502] : memref<10240x128xf32, #tpu.memory_space<hbm>> -> memref<10240x128xf32, #tpu.memory_space<hbm>>
      tpu.wait_indirect_dma semaphore(%arg11 : memref<!tpu.dma_semaphore, #tpu.memory_space<semaphore_mem>>) src(%dma_wait3A_503 : memref<10240x128xf32, #tpu.memory_space<hbm>>) dst(%dma_wait3A_495 : memref<80x128xf32, #tpu.memory_space<vmem>>)
      %run_scoped3A_504 = arith.constant 0 : i32
      "tpu.region"() ({
        %run_scoped3A_535 = tpu.sem_alloc : memref<!tpu.dma_semaphore, #tpu.memory_space<semaphore_mem>>
        %dma_start3A_536 = arith.constant 0 : i32
        %dma_start3A_537 = arith.constant 0 : i32
        %dma_start3A_538 = tpu.memref_slice %arg10[%run_scoped3A_504, %dma_start3A_536, %dma_start3A_537] : memref<2x80x128xf32, #tpu.memory_space<vmem>> -> memref<1x80x128xf32, #tpu.memory_space<vmem>>
        %dma_start3A_539 = tpu.memref_squeeze %dma_start3A_538 : memref<1x80x128xf32, #tpu.memory_space<vmem>> -> memref<80x128xf32, #tpu.memory_space<vmem>>
        %dma_start3A_540 = arith.constant 0 : i32
        %dma_start3A_541 = tpu.memref_slice %arg9[%add3A_487, %dma_start3A_540] : memref<125x80xi32, #tpu.memory_space<vmem>> -> memref<1x80xi32, #tpu.memory_space<vmem>>
        %dma_start3A_542 = tpu.memref_squeeze %dma_start3A_541 : memref<1x80xi32, #tpu.memory_space<vmem>> -> memref<80xi32, #tpu.memory_space<vmem>>
        %dma_start3A_543 = arith.constant 0 : i32
        %dma_start3A_544 = arith.constant 0 : i32
        %dma_start3A_545 = tpu.memref_slice %arg7[%dma_start3A_543, %dma_start3A_544] : memref<10240x128xf32, #tpu.memory_space<vmem_shared>> -> memref<10240x128xf32, #tpu.memory_space<vmem_shared>>
        tpu.enqueue_indirect_dma source(%dma_start3A_539 : memref<80x128xf32, #tpu.memory_space<vmem>>) target(%dma_start3A_545 : memref<10240x128xf32, #tpu.memory_space<vmem_shared>>) offsets(%dma_start3A_542 : memref<80xi32, #tpu.memory_space<vmem>>) semaphore(%run_scoped3A_535 : memref<!tpu.dma_semaphore, #tpu.memory_space<semaphore_mem>>) {add = true}
        %dma_wait3A_546 = arith.constant 0 : i32
        %dma_wait3A_547 = arith.constant 0 : i32
        %dma_wait3A_548 = tpu.memref_slice %arg10[%run_scoped3A_504, %dma_wait3A_546, %dma_wait3A_547] : memref<2x80x128xf32, #tpu.memory_space<vmem>> -> memref<1x80x128xf32, #tpu.memory_space<vmem>>
        %dma_wait3A_549 = tpu.memref_squeeze %dma_wait3A_548 : memref<1x80x128xf32, #tpu.memory_space<vmem>> -> memref<80x128xf32, #tpu.memory_space<vmem>>
        %dma_wait3A_550 = arith.constant 0 : i32
        %dma_wait3A_551 = tpu.memref_slice %arg9[%add3A_487, %dma_wait3A_550] : memref<125x80xi32, #tpu.memory_space<vmem>> -> memref<1x80xi32, #tpu.memory_space<vmem>>
        %dma_wait3A_552 = tpu.memref_squeeze %dma_wait3A_551 : memref<1x80xi32, #tpu.memory_space<vmem>> -> memref<80xi32, #tpu.memory_space<vmem>>
        %dma_wait3A_553 = arith.constant 0 : i32
        %dma_wait3A_554 = arith.constant 0 : i32
        %dma_wait3A_555 = tpu.memref_slice %arg7[%dma_wait3A_553, %dma_wait3A_554] : memref<10240x128xf32, #tpu.memory_space<vmem_shared>> -> memref<10240x128xf32, #tpu.memory_space<vmem_shared>>
        tpu.wait_indirect_dma semaphore(%run_scoped3A_535 : memref<!tpu.dma_semaphore, #tpu.memory_space<semaphore_mem>>) src(%dma_wait3A_549 : memref<80x128xf32, #tpu.memory_space<vmem>>) dst(%dma_wait3A_555 : memref<10240x128xf32, #tpu.memory_space<vmem_shared>>)
        tpu.yield
      }) : () -> ()
      %add3A_505 = arith.constant 2 : i32
      %add3A_506 = arith.addi %add3A_487, %add3A_505 : i32
      %lt3A = arith.constant 125 : i32
      %lt3A_507 = arith.cmpi slt, %add3A_506, %lt3A : i32
      %convert_element_type3A = arith.extui %lt3A_507 : i1 to i32
      %cond3A = arith.constant 0 : i32
      %cond3A_508 = arith.cmpi ne, %convert_element_type3A, %cond3A : i32
      scf.if %cond3A_508 {
        %add3A_535 = arith.constant 2 : i32
        %add3A_536 = arith.addi %add3A_487, %add3A_535 : i32
        %mul3A_537 = arith.constant 80 : i32
        %mul3A_538 = arith.muli %add3A_536, %mul3A_537 : i32
        %multiple_of3A_539 = tpu.assume_multiple %mul3A_538, 8 : i32
        %dma_start3A_540 = arith.constant 0 : i32
        %dma_start3A_541 = arith.constant 0 : i32
        %dma_start3A_542 = arith.constant 0 : i32
        %dma_start3A_543 = tpu.memref_slice %arg10[%dma_start3A_540, %dma_start3A_541, %dma_start3A_542] : memref<2x80x128xf32, #tpu.memory_space<vmem>> -> memref<1x80x128xf32, #tpu.memory_space<vmem>>
        %dma_start3A_544 = tpu.memref_squeeze %dma_start3A_543 : memref<1x80x128xf32, #tpu.memory_space<vmem>> -> memref<80x128xf32, #tpu.memory_space<vmem>>
        %dma_start3A_545 = tpu.memref_slice %arg8[%multiple_of3A_539] : memref<10000xi32, #tpu.memory_space<vmem>> -> memref<80xi32, #tpu.memory_space<vmem>>
        %dma_start3A_546 = arith.constant 0 : i32
        %dma_start3A_547 = arith.constant 0 : i32
        %dma_start3A_548 = tpu.memref_slice %arg2[%scan3A_274, %dma_start3A_546, %dma_start3A_547] : memref<8x10240x128xf32, #tpu.memory_space<hbm>> -> memref<1x10240x128xf32, #tpu.memory_space<hbm>>
        %dma_start3A_549 = tpu.memref_squeeze %dma_start3A_548 : memref<1x10240x128xf32, #tpu.memory_space<hbm>> -> memref<10240x128xf32, #tpu.memory_space<hbm>>
        %dma_start3A_550 = arith.constant 0 : i32
        %dma_start3A_551 = arith.constant 0 : i32
        %dma_start3A_552 = tpu.memref_slice %dma_start3A_549[%dma_start3A_550, %dma_start3A_551] : memref<10240x128xf32, #tpu.memory_space<hbm>> -> memref<10240x128xf32, #tpu.memory_space<hbm>>
        tpu.enqueue_indirect_dma source(%dma_start3A_552 : memref<10240x128xf32, #tpu.memory_space<hbm>>) target(%dma_start3A_544 : memref<80x128xf32, #tpu.memory_space<vmem>>) offsets(%dma_start3A_545 : memref<80xi32, #tpu.memory_space<vmem>>) semaphore(%arg11 : memref<!tpu.dma_semaphore, #tpu.memory_space<semaphore_mem>>)
      } else {
      }
      %add3A_509 = arith.constant 1 : i32
      %add3A_510 = arith.addi %add3A_485, %add3A_509 : i32
      %mul3A_511 = arith.constant 80 : i32
      %mul3A_512 = arith.muli %add3A_510, %mul3A_511 : i32
      %multiple_of3A_513 = tpu.assume_multiple %mul3A_512, 8 : i32
      %dma_wait3A_514 = arith.constant 1 : i32
      %dma_wait3A_515 = arith.constant 0 : i32
      %dma_wait3A_516 = arith.constant 0 : i32
      %dma_wait3A_517 = tpu.memref_slice %arg10[%dma_wait3A_514, %dma_wait3A_515, %dma_wait3A_516] : memref<2x80x128xf32, #tpu.memory_space<vmem>> -> memref<1x80x128xf32, #tpu.memory_space<vmem>>
      %dma_wait3A_518 = tpu.memref_squeeze %dma_wait3A_517 : memref<1x80x128xf32, #tpu.memory_space<vmem>> -> memref<80x128xf32, #tpu.memory_space<vmem>>
      %dma_wait3A_519 = tpu.memref_slice %arg8[%multiple_of3A_513] : memref<10000xi32, #tpu.memory_space<vmem>> -> memref<80xi32, #tpu.memory_space<vmem>>
      %dma_wait3A_520 = arith.constant 0 : i32
      %dma_wait3A_521 = arith.constant 0 : i32
      %dma_wait3A_522 = tpu.memref_slice %arg2[%scan3A_274, %dma_wait3A_520, %dma_wait3A_521] : memref<8x10240x128xf32, #tpu.memory_space<hbm>> -> memref<1x10240x128xf32, #tpu.memory_space<hbm>>
      %dma_wait3A_523 = tpu.memref_squeeze %dma_wait3A_522 : memref<1x10240x128xf32, #tpu.memory_space<hbm>> -> memref<10240x128xf32, #tpu.memory_space<hbm>>
      %dma_wait3A_524 = arith.constant 0 : i32
      %dma_wait3A_525 = arith.constant 0 : i32
      %dma_wait3A_526 = tpu.memref_slice %dma_wait3A_523[%dma_wait3A_524, %dma_wait3A_525] : memref<10240x128xf32, #tpu.memory_space<hbm>> -> memref<10240x128xf32, #tpu.memory_space<hbm>>
      tpu.wait_indirect_dma semaphore(%arg12 : memref<!tpu.dma_semaphore, #tpu.memory_space<semaphore_mem>>) src(%dma_wait3A_526 : memref<10240x128xf32, #tpu.memory_space<hbm>>) dst(%dma_wait3A_518 : memref<80x128xf32, #tpu.memory_space<vmem>>)
      %run_scoped3A_527 = arith.constant 1 : i32
      "tpu.region"() ({
        %run_scoped3A_535 = tpu.sem_alloc : memref<!tpu.dma_semaphore, #tpu.memory_space<semaphore_mem>>
        %dma_start3A_536 = arith.constant 0 : i32
        %dma_start3A_537 = arith.constant 0 : i32
        %dma_start3A_538 = tpu.memref_slice %arg10[%run_scoped3A_527, %dma_start3A_536, %dma_start3A_537] : memref<2x80x128xf32, #tpu.memory_space<vmem>> -> memref<1x80x128xf32, #tpu.memory_space<vmem>>
        %dma_start3A_539 = tpu.memref_squeeze %dma_start3A_538 : memref<1x80x128xf32, #tpu.memory_space<vmem>> -> memref<80x128xf32, #tpu.memory_space<vmem>>
        %dma_start3A_540 = arith.constant 0 : i32
        %dma_start3A_541 = tpu.memref_slice %arg9[%add3A_510, %dma_start3A_540] : memref<125x80xi32, #tpu.memory_space<vmem>> -> memref<1x80xi32, #tpu.memory_space<vmem>>
        %dma_start3A_542 = tpu.memref_squeeze %dma_start3A_541 : memref<1x80xi32, #tpu.memory_space<vmem>> -> memref<80xi32, #tpu.memory_space<vmem>>
        %dma_start3A_543 = arith.constant 0 : i32
        %dma_start3A_544 = arith.constant 0 : i32
        %dma_start3A_545 = tpu.memref_slice %arg7[%dma_start3A_543, %dma_start3A_544] : memref<10240x128xf32, #tpu.memory_space<vmem_shared>> -> memref<10240x128xf32, #tpu.memory_space<vmem_shared>>
        tpu.enqueue_indirect_dma source(%dma_start3A_539 : memref<80x128xf32, #tpu.memory_space<vmem>>) target(%dma_start3A_545 : memref<10240x128xf32, #tpu.memory_space<vmem_shared>>) offsets(%dma_start3A_542 : memref<80xi32, #tpu.memory_space<vmem>>) semaphore(%run_scoped3A_535 : memref<!tpu.dma_semaphore, #tpu.memory_space<semaphore_mem>>) {add = true}
        %dma_wait3A_546 = arith.constant 0 : i32
        %dma_wait3A_547 = arith.constant 0 : i32
        %dma_wait3A_548 = tpu.memref_slice %arg10[%run_scoped3A_527, %dma_wait3A_546, %dma_wait3A_547] : memref<2x80x128xf32, #tpu.memory_space<vmem>> -> memref<1x80x128xf32, #tpu.memory_space<vmem>>
        %dma_wait3A_549 = tpu.memref_squeeze %dma_wait3A_548 : memref<1x80x128xf32, #tpu.memory_space<vmem>> -> memref<80x128xf32, #tpu.memory_space<vmem>>
        %dma_wait3A_550 = arith.constant 0 : i32
        %dma_wait3A_551 = tpu.memref_slice %arg9[%add3A_510, %dma_wait3A_550] : memref<125x80xi32, #tpu.memory_space<vmem>> -> memref<1x80xi32, #tpu.memory_space<vmem>>
        %dma_wait3A_552 = tpu.memref_squeeze %dma_wait3A_551 : memref<1x80xi32, #tpu.memory_space<vmem>> -> memref<80xi32, #tpu.memory_space<vmem>>
        %dma_wait3A_553 = arith.constant 0 : i32
        %dma_wait3A_554 = arith.constant 0 : i32
        %dma_wait3A_555 = tpu.memref_slice %arg7[%dma_wait3A_553, %dma_wait3A_554] : memref<10240x128xf32, #tpu.memory_space<vmem_shared>> -> memref<10240x128xf32, #tpu.memory_space<vmem_shared>>
        tpu.wait_indirect_dma semaphore(%run_scoped3A_535 : memref<!tpu.dma_semaphore, #tpu.memory_space<semaphore_mem>>) src(%dma_wait3A_549 : memref<80x128xf32, #tpu.memory_space<vmem>>) dst(%dma_wait3A_555 : memref<10240x128xf32, #tpu.memory_space<vmem_shared>>)
        tpu.yield
      }) : () -> ()
      %add3A_528 = arith.constant 2 : i32
      %add3A_529 = arith.addi %add3A_510, %add3A_528 : i32
      %lt3A_530 = arith.constant 125 : i32
      %lt3A_531 = arith.cmpi slt, %add3A_529, %lt3A_530 : i32
      %convert_element_type3A_532 = arith.extui %lt3A_531 : i1 to i32
      %cond3A_533 = arith.constant 0 : i32
      %cond3A_534 = arith.cmpi ne, %convert_element_type3A_532, %cond3A_533 : i32
      scf.if %cond3A_534 {
        %add3A_535 = arith.constant 2 : i32
        %add3A_536 = arith.addi %add3A_510, %add3A_535 : i32
        %mul3A_537 = arith.constant 80 : i32
        %mul3A_538 = arith.muli %add3A_536, %mul3A_537 : i32
        %multiple_of3A_539 = tpu.assume_multiple %mul3A_538, 8 : i32
        %dma_start3A_540 = arith.constant 1 : i32
        %dma_start3A_541 = arith.constant 0 : i32
        %dma_start3A_542 = arith.constant 0 : i32
        %dma_start3A_543 = tpu.memref_slice %arg10[%dma_start3A_540, %dma_start3A_541, %dma_start3A_542] : memref<2x80x128xf32, #tpu.memory_space<vmem>> -> memref<1x80x128xf32, #tpu.memory_space<vmem>>
        %dma_start3A_544 = tpu.memref_squeeze %dma_start3A_543 : memref<1x80x128xf32, #tpu.memory_space<vmem>> -> memref<80x128xf32, #tpu.memory_space<vmem>>
        %dma_start3A_545 = tpu.memref_slice %arg8[%multiple_of3A_539] : memref<10000xi32, #tpu.memory_space<vmem>> -> memref<80xi32, #tpu.memory_space<vmem>>
        %dma_start3A_546 = arith.constant 0 : i32
        %dma_start3A_547 = arith.constant 0 : i32
        %dma_start3A_548 = tpu.memref_slice %arg2[%scan3A_274, %dma_start3A_546, %dma_start3A_547] : memref<8x10240x128xf32, #tpu.memory_space<hbm>> -> memref<1x10240x128xf32, #tpu.memory_space<hbm>>
        %dma_start3A_549 = tpu.memref_squeeze %dma_start3A_548 : memref<1x10240x128xf32, #tpu.memory_space<hbm>> -> memref<10240x128xf32, #tpu.memory_space<hbm>>
        %dma_start3A_550 = arith.constant 0 : i32
        %dma_start3A_551 = arith.constant 0 : i32
        %dma_start3A_552 = tpu.memref_slice %dma_start3A_549[%dma_start3A_550, %dma_start3A_551] : memref<10240x128xf32, #tpu.memory_space<hbm>> -> memref<10240x128xf32, #tpu.memory_space<hbm>>
        tpu.enqueue_indirect_dma source(%dma_start3A_552 : memref<10240x128xf32, #tpu.memory_space<hbm>>) target(%dma_start3A_544 : memref<80x128xf32, #tpu.memory_space<vmem>>) offsets(%dma_start3A_545 : memref<80xi32, #tpu.memory_space<vmem>>) semaphore(%arg12 : memref<!tpu.dma_semaphore, #tpu.memory_space<semaphore_mem>>)
      } else {
      }
    }
    %scan3A_279 = arith.constant 62 : i32
    %multiple_of3A_280 = arith.constant 9920 : i32
    %multiple_of3A_281 = tpu.assume_multiple %multiple_of3A_280, 8 : i32
    %dma_wait3A_282 = arith.constant 4 : i32
    %dma_wait3A_283 = arith.constant 0 : i32
    %dma_wait3A_284 = arith.constant 0 : i32
    %dma_wait3A_285 = arith.constant 0 : i32
    %dma_wait3A_286 = tpu.memref_slice %arg10[%dma_wait3A_283, %dma_wait3A_284, %dma_wait3A_285] : memref<2x80x128xf32, #tpu.memory_space<vmem>> -> memref<1x80x128xf32, #tpu.memory_space<vmem>>
    %dma_wait3A_287 = tpu.memref_squeeze %dma_wait3A_286 : memref<1x80x128xf32, #tpu.memory_space<vmem>> -> memref<80x128xf32, #tpu.memory_space<vmem>>
    %dma_wait3A_288 = tpu.memref_slice %arg8[%multiple_of3A_281] : memref<10000xi32, #tpu.memory_space<vmem>> -> memref<80xi32, #tpu.memory_space<vmem>>
    %dma_wait3A_289 = arith.constant 0 : i32
    %dma_wait3A_290 = arith.constant 0 : i32
    %dma_wait3A_291 = tpu.memref_slice %arg2[%dma_wait3A_282, %dma_wait3A_289, %dma_wait3A_290] : memref<8x10240x128xf32, #tpu.memory_space<hbm>> -> memref<1x10240x128xf32, #tpu.memory_space<hbm>>
    %dma_wait3A_292 = tpu.memref_squeeze %dma_wait3A_291 : memref<1x10240x128xf32, #tpu.memory_space<hbm>> -> memref<10240x128xf32, #tpu.memory_space<hbm>>
    %dma_wait3A_293 = arith.constant 0 : i32
    %dma_wait3A_294 = arith.constant 0 : i32
    %dma_wait3A_295 = tpu.memref_slice %dma_wait3A_292[%dma_wait3A_293, %dma_wait3A_294] : memref<10240x128xf32, #tpu.memory_space<hbm>> -> memref<10240x128xf32, #tpu.memory_space<hbm>>
    tpu.wait_indirect_dma semaphore(%arg11 : memref<!tpu.dma_semaphore, #tpu.memory_space<semaphore_mem>>) src(%dma_wait3A_295 : memref<10240x128xf32, #tpu.memory_space<hbm>>) dst(%dma_wait3A_287 : memref<80x128xf32, #tpu.memory_space<vmem>>)
    %run_scoped3A_296 = arith.constant 0 : i32
    %run_scoped3A_297 = arith.constant 124 : i32
    "tpu.region"() ({
      %run_scoped3A_481 = tpu.sem_alloc : memref<!tpu.dma_semaphore, #tpu.memory_space<semaphore_mem>>
      %dma_start3A_482 = arith.constant 0 : i32
      %dma_start3A_483 = arith.constant 0 : i32
      %dma_start3A_484 = tpu.memref_slice %arg10[%run_scoped3A_296, %dma_start3A_482, %dma_start3A_483] : memref<2x80x128xf32, #tpu.memory_space<vmem>> -> memref<1x80x128xf32, #tpu.memory_space<vmem>>
      %dma_start3A_485 = tpu.memref_squeeze %dma_start3A_484 : memref<1x80x128xf32, #tpu.memory_space<vmem>> -> memref<80x128xf32, #tpu.memory_space<vmem>>
      %dma_start3A_486 = arith.constant 0 : i32
      %dma_start3A_487 = tpu.memref_slice %arg9[%run_scoped3A_297, %dma_start3A_486] : memref<125x80xi32, #tpu.memory_space<vmem>> -> memref<1x80xi32, #tpu.memory_space<vmem>>
      %dma_start3A_488 = tpu.memref_squeeze %dma_start3A_487 : memref<1x80xi32, #tpu.memory_space<vmem>> -> memref<80xi32, #tpu.memory_space<vmem>>
      %dma_start3A_489 = arith.constant 0 : i32
      %dma_start3A_490 = arith.constant 0 : i32
      %dma_start3A_491 = tpu.memref_slice %arg7[%dma_start3A_489, %dma_start3A_490] : memref<10240x128xf32, #tpu.memory_space<vmem_shared>> -> memref<10240x128xf32, #tpu.memory_space<vmem_shared>>
      tpu.enqueue_indirect_dma source(%dma_start3A_485 : memref<80x128xf32, #tpu.memory_space<vmem>>) target(%dma_start3A_491 : memref<10240x128xf32, #tpu.memory_space<vmem_shared>>) offsets(%dma_start3A_488 : memref<80xi32, #tpu.memory_space<vmem>>) semaphore(%run_scoped3A_481 : memref<!tpu.dma_semaphore, #tpu.memory_space<semaphore_mem>>) {add = true}
      %dma_wait3A_492 = arith.constant 0 : i32
      %dma_wait3A_493 = arith.constant 0 : i32
      %dma_wait3A_494 = tpu.memref_slice %arg10[%run_scoped3A_296, %dma_wait3A_492, %dma_wait3A_493] : memref<2x80x128xf32, #tpu.memory_space<vmem>> -> memref<1x80x128xf32, #tpu.memory_space<vmem>>
      %dma_wait3A_495 = tpu.memref_squeeze %dma_wait3A_494 : memref<1x80x128xf32, #tpu.memory_space<vmem>> -> memref<80x128xf32, #tpu.memory_space<vmem>>
      %dma_wait3A_496 = arith.constant 0 : i32
      %dma_wait3A_497 = tpu.memref_slice %arg9[%run_scoped3A_297, %dma_wait3A_496] : memref<125x80xi32, #tpu.memory_space<vmem>> -> memref<1x80xi32, #tpu.memory_space<vmem>>
      %dma_wait3A_498 = tpu.memref_squeeze %dma_wait3A_497 : memref<1x80xi32, #tpu.memory_space<vmem>> -> memref<80xi32, #tpu.memory_space<vmem>>
      %dma_wait3A_499 = arith.constant 0 : i32
      %dma_wait3A_500 = arith.constant 0 : i32
      %dma_wait3A_501 = tpu.memref_slice %arg7[%dma_wait3A_499, %dma_wait3A_500] : memref<10240x128xf32, #tpu.memory_space<vmem_shared>> -> memref<10240x128xf32, #tpu.memory_space<vmem_shared>>
      tpu.wait_indirect_dma semaphore(%run_scoped3A_481 : memref<!tpu.dma_semaphore, #tpu.memory_space<semaphore_mem>>) src(%dma_wait3A_495 : memref<80x128xf32, #tpu.memory_space<vmem>>) dst(%dma_wait3A_501 : memref<10240x128xf32, #tpu.memory_space<vmem_shared>>)
      tpu.yield
    }) : () -> ()
    %barrier3A_298 = arith.constant 0 : index
    tpu.barrier barrier_id(%barrier3A_298)
    %run_scoped3A_299 = arith.constant 4 : i32
    "tpu.region"() ({
      %run_scoped3A_481 = tpu.sem_alloc : memref<!tpu.dma_semaphore, #tpu.memory_space<semaphore_mem>>
      %dma_start3A_482 = arith.constant 0 : i32
      %dma_start3A_483 = arith.constant 0 : i32
      %dma_start3A_484 = arith.constant 0 : i32
      %dma_start3A_485 = tpu.memref_slice %arg6[%arg0, %dma_start3A_482, %dma_start3A_483, %dma_start3A_484] : memref<2x8x10240x128xf32, #tpu.memory_space<hbm>> -> memref<1x8x10240x128xf32, #tpu.memory_space<hbm>>
      %dma_start3A_486 = tpu.memref_squeeze %dma_start3A_485 : memref<1x8x10240x128xf32, #tpu.memory_space<hbm>> -> memref<8x10240x128xf32, #tpu.memory_space<hbm>>
      %dma_start3A_487 = arith.constant 0 : i32
      %dma_start3A_488 = arith.constant 0 : i32
      %dma_start3A_489 = tpu.memref_slice %dma_start3A_486[%run_scoped3A_299, %dma_start3A_487, %dma_start3A_488] : memref<8x10240x128xf32, #tpu.memory_space<hbm>> -> memref<1x10240x128xf32, #tpu.memory_space<hbm>>
      %dma_start3A_490 = tpu.memref_squeeze %dma_start3A_489 : memref<1x10240x128xf32, #tpu.memory_space<hbm>> -> memref<10240x128xf32, #tpu.memory_space<hbm>>
      %dma_start3A_491 = arith.constant 0 : i32
      %dma_start3A_492 = tpu.memref_slice %dma_start3A_490[%multiple_of3A, %dma_start3A_491] : memref<10240x128xf32, #tpu.memory_space<hbm>> -> memref<640x128xf32, #tpu.memory_space<hbm>>
      %dma_start3A_493 = arith.constant 0 : i32
      %dma_start3A_494 = tpu.memref_slice %arg7[%multiple_of3A, %dma_start3A_493] : memref<10240x128xf32, #tpu.memory_space<vmem_shared>> -> memref<640x128xf32, #tpu.memory_space<vmem_shared>>
      tpu.enqueue_dma source(%dma_start3A_494 : memref<640x128xf32, #tpu.memory_space<vmem_shared>>) target(%dma_start3A_492 : memref<640x128xf32, #tpu.memory_space<hbm>>) target_semaphore(%run_scoped3A_481 : memref<!tpu.dma_semaphore, #tpu.memory_space<semaphore_mem>>)
      %dma_wait3A_495 = arith.constant 0 : i32
      %dma_wait3A_496 = arith.constant 0 : i32
      %dma_wait3A_497 = arith.constant 0 : i32
      %dma_wait3A_498 = tpu.memref_slice %arg6[%arg0, %dma_wait3A_495, %dma_wait3A_496, %dma_wait3A_497] : memref<2x8x10240x128xf32, #tpu.memory_space<hbm>> -> memref<1x8x10240x128xf32, #tpu.memory_space<hbm>>
      %dma_wait3A_499 = tpu.memref_squeeze %dma_wait3A_498 : memref<1x8x10240x128xf32, #tpu.memory_space<hbm>> -> memref<8x10240x128xf32, #tpu.memory_space<hbm>>
      %dma_wait3A_500 = arith.constant 0 : i32
      %dma_wait3A_501 = arith.constant 0 : i32
      %dma_wait3A_502 = tpu.memref_slice %dma_wait3A_499[%run_scoped3A_299, %dma_wait3A_500, %dma_wait3A_501] : memref<8x10240x128xf32, #tpu.memory_space<hbm>> -> memref<1x10240x128xf32, #tpu.memory_space<hbm>>
      %dma_wait3A_503 = tpu.memref_squeeze %dma_wait3A_502 : memref<1x10240x128xf32, #tpu.memory_space<hbm>> -> memref<10240x128xf32, #tpu.memory_space<hbm>>
      %dma_wait3A_504 = arith.constant 0 : i32
      %dma_wait3A_505 = tpu.memref_slice %dma_wait3A_503[%multiple_of3A, %dma_wait3A_504] : memref<10240x128xf32, #tpu.memory_space<hbm>> -> memref<640x128xf32, #tpu.memory_space<hbm>>
      %dma_wait3A_506 = arith.constant 0 : i32
      %dma_wait3A_507 = tpu.memref_slice %arg7[%multiple_of3A, %dma_wait3A_506] : memref<10240x128xf32, #tpu.memory_space<vmem_shared>> -> memref<640x128xf32, #tpu.memory_space<vmem_shared>>
      tpu.wait_dma2 semaphore(%run_scoped3A_481 : memref<!tpu.dma_semaphore, #tpu.memory_space<semaphore_mem>>) src(%dma_wait3A_507 : memref<640x128xf32, #tpu.memory_space<vmem_shared>>) dst(%dma_wait3A_505 : memref<640x128xf32, #tpu.memory_space<hbm>>)
      tpu.yield
    }) : () -> ()
    %barrier3A_300 = arith.constant 0 : index
    tpu.barrier barrier_id(%barrier3A_300)
    "tpu.region"() ({
      %run_scoped3A_481 = tpu.sem_alloc : memref<!tpu.dma_semaphore, #tpu.memory_space<semaphore_mem>>
      %dma_start3A_482 = arith.constant 0 : i32
      %dma_start3A_483 = tpu.memref_slice %arg7[%multiple_of3A, %dma_start3A_482] : memref<10240x128xf32, #tpu.memory_space<vmem_shared>> -> memref<640x128xf32, #tpu.memory_space<vmem_shared>>
      tpu.enqueue_dma source(%arg5 : memref<640x128xf32, #tpu.memory_space<hbm>>) target(%dma_start3A_483 : memref<640x128xf32, #tpu.memory_space<vmem_shared>>) target_semaphore(%run_scoped3A_481 : memref<!tpu.dma_semaphore, #tpu.memory_space<semaphore_mem>>)
      %dma_wait3A_484 = arith.constant 0 : i32
      %dma_wait3A_485 = tpu.memref_slice %arg7[%multiple_of3A, %dma_wait3A_484] : memref<10240x128xf32, #tpu.memory_space<vmem_shared>> -> memref<640x128xf32, #tpu.memory_space<vmem_shared>>
      tpu.wait_dma2 semaphore(%run_scoped3A_481 : memref<!tpu.dma_semaphore, #tpu.memory_space<semaphore_mem>>) src(%arg5 : memref<640x128xf32, #tpu.memory_space<hbm>>) dst(%dma_wait3A_485 : memref<640x128xf32, #tpu.memory_space<vmem_shared>>)
      tpu.yield
    }) : () -> ()
    %barrier3A_301 = arith.constant 0 : index
    tpu.barrier barrier_id(%barrier3A_301)
    %multiple_of3A_302 = arith.constant 0 : i32
    %multiple_of3A_303 = tpu.assume_multiple %multiple_of3A_302, 8 : i32
    %dma_start3A_304 = arith.constant 5 : i32
    %dma_start3A_305 = arith.constant 0 : i32
    %dma_start3A_306 = arith.constant 0 : i32
    %dma_start3A_307 = arith.constant 0 : i32
    %dma_start3A_308 = tpu.memref_slice %arg10[%dma_start3A_305, %dma_start3A_306, %dma_start3A_307] : memref<2x80x128xf32, #tpu.memory_space<vmem>> -> memref<1x80x128xf32, #tpu.memory_space<vmem>>
    %dma_start3A_309 = tpu.memref_squeeze %dma_start3A_308 : memref<1x80x128xf32, #tpu.memory_space<vmem>> -> memref<80x128xf32, #tpu.memory_space<vmem>>
    %dma_start3A_310 = tpu.memref_slice %arg8[%multiple_of3A_303] : memref<10000xi32, #tpu.memory_space<vmem>> -> memref<80xi32, #tpu.memory_space<vmem>>
    %dma_start3A_311 = arith.constant 0 : i32
    %dma_start3A_312 = arith.constant 0 : i32
    %dma_start3A_313 = tpu.memref_slice %arg2[%dma_start3A_304, %dma_start3A_311, %dma_start3A_312] : memref<8x10240x128xf32, #tpu.memory_space<hbm>> -> memref<1x10240x128xf32, #tpu.memory_space<hbm>>
    %dma_start3A_314 = tpu.memref_squeeze %dma_start3A_313 : memref<1x10240x128xf32, #tpu.memory_space<hbm>> -> memref<10240x128xf32, #tpu.memory_space<hbm>>
    %dma_start3A_315 = arith.constant 0 : i32
    %dma_start3A_316 = arith.constant 0 : i32
    %dma_start3A_317 = tpu.memref_slice %dma_start3A_314[%dma_start3A_315, %dma_start3A_316] : memref<10240x128xf32, #tpu.memory_space<hbm>> -> memref<10240x128xf32, #tpu.memory_space<hbm>>
    tpu.enqueue_indirect_dma source(%dma_start3A_317 : memref<10240x128xf32, #tpu.memory_space<hbm>>) target(%dma_start3A_309 : memref<80x128xf32, #tpu.memory_space<vmem>>) offsets(%dma_start3A_310 : memref<80xi32, #tpu.memory_space<vmem>>) semaphore(%arg11 : memref<!tpu.dma_semaphore, #tpu.memory_space<semaphore_mem>>)
    %multiple_of3A_318 = arith.constant 80 : i32
    %multiple_of3A_319 = tpu.assume_multiple %multiple_of3A_318, 8 : i32
    %dma_start3A_320 = arith.constant 5 : i32
    %dma_start3A_321 = arith.constant 1 : i32
    %dma_start3A_322 = arith.constant 0 : i32
    %dma_start3A_323 = arith.constant 0 : i32
    %dma_start3A_324 = tpu.memref_slice %arg10[%dma_start3A_321, %dma_start3A_322, %dma_start3A_323] : memref<2x80x128xf32, #tpu.memory_space<vmem>> -> memref<1x80x128xf32, #tpu.memory_space<vmem>>
    %dma_start3A_325 = tpu.memref_squeeze %dma_start3A_324 : memref<1x80x128xf32, #tpu.memory_space<vmem>> -> memref<80x128xf32, #tpu.memory_space<vmem>>
    %dma_start3A_326 = tpu.memref_slice %arg8[%multiple_of3A_319] : memref<10000xi32, #tpu.memory_space<vmem>> -> memref<80xi32, #tpu.memory_space<vmem>>
    %dma_start3A_327 = arith.constant 0 : i32
    %dma_start3A_328 = arith.constant 0 : i32
    %dma_start3A_329 = tpu.memref_slice %arg2[%dma_start3A_320, %dma_start3A_327, %dma_start3A_328] : memref<8x10240x128xf32, #tpu.memory_space<hbm>> -> memref<1x10240x128xf32, #tpu.memory_space<hbm>>
    %dma_start3A_330 = tpu.memref_squeeze %dma_start3A_329 : memref<1x10240x128xf32, #tpu.memory_space<hbm>> -> memref<10240x128xf32, #tpu.memory_space<hbm>>
    %dma_start3A_331 = arith.constant 0 : i32
    %dma_start3A_332 = arith.constant 0 : i32
    %dma_start3A_333 = tpu.memref_slice %dma_start3A_330[%dma_start3A_331, %dma_start3A_332] : memref<10240x128xf32, #tpu.memory_space<hbm>> -> memref<10240x128xf32, #tpu.memory_space<hbm>>
    tpu.enqueue_indirect_dma source(%dma_start3A_333 : memref<10240x128xf32, #tpu.memory_space<hbm>>) target(%dma_start3A_325 : memref<80x128xf32, #tpu.memory_space<vmem>>) offsets(%dma_start3A_326 : memref<80xi32, #tpu.memory_space<vmem>>) semaphore(%arg12 : memref<!tpu.dma_semaphore, #tpu.memory_space<semaphore_mem>>)
    %scan3A_334 = arith.constant 5 : i32
    %scan3A_335 = arith.constant 0 : i32
    %scan3A_336 = arith.constant 62 : i32
    %scan3A_337 = arith.addi %scan3A_335, %scan3A_336 : i32
    %scan3A_338 = arith.constant 1 : i32
    scf.for %scan3A_481 = %scan3A_335 to %scan3A_337 step %scan3A_338  : i32 {
      %mul3A_482 = arith.constant 2 : i32
      %mul3A_483 = arith.muli %scan3A_481, %mul3A_482 : i32
      %add3A_484 = arith.constant 0 : i32
      %add3A_485 = arith.addi %add3A_484, %mul3A_483 : i32
      %add3A_486 = arith.constant 0 : i32
      %add3A_487 = arith.addi %add3A_485, %add3A_486 : i32
      %mul3A_488 = arith.constant 80 : i32
      %mul3A_489 = arith.muli %add3A_487, %mul3A_488 : i32
      %multiple_of3A_490 = tpu.assume_multiple %mul3A_489, 8 : i32
      %dma_wait3A_491 = arith.constant 0 : i32
      %dma_wait3A_492 = arith.constant 0 : i32
      %dma_wait3A_493 = arith.constant 0 : i32
      %dma_wait3A_494 = tpu.memref_slice %arg10[%dma_wait3A_491, %dma_wait3A_492, %dma_wait3A_493] : memref<2x80x128xf32, #tpu.memory_space<vmem>> -> memref<1x80x128xf32, #tpu.memory_space<vmem>>
      %dma_wait3A_495 = tpu.memref_squeeze %dma_wait3A_494 : memref<1x80x128xf32, #tpu.memory_space<vmem>> -> memref<80x128xf32, #tpu.memory_space<vmem>>
      %dma_wait3A_496 = tpu.memref_slice %arg8[%multiple_of3A_490] : memref<10000xi32, #tpu.memory_space<vmem>> -> memref<80xi32, #tpu.memory_space<vmem>>
      %dma_wait3A_497 = arith.constant 0 : i32
      %dma_wait3A_498 = arith.constant 0 : i32
      %dma_wait3A_499 = tpu.memref_slice %arg2[%scan3A_334, %dma_wait3A_497, %dma_wait3A_498] : memref<8x10240x128xf32, #tpu.memory_space<hbm>> -> memref<1x10240x128xf32, #tpu.memory_space<hbm>>
      %dma_wait3A_500 = tpu.memref_squeeze %dma_wait3A_499 : memref<1x10240x128xf32, #tpu.memory_space<hbm>> -> memref<10240x128xf32, #tpu.memory_space<hbm>>
      %dma_wait3A_501 = arith.constant 0 : i32
      %dma_wait3A_502 = arith.constant 0 : i32
      %dma_wait3A_503 = tpu.memref_slice %dma_wait3A_500[%dma_wait3A_501, %dma_wait3A_502] : memref<10240x128xf32, #tpu.memory_space<hbm>> -> memref<10240x128xf32, #tpu.memory_space<hbm>>
      tpu.wait_indirect_dma semaphore(%arg11 : memref<!tpu.dma_semaphore, #tpu.memory_space<semaphore_mem>>) src(%dma_wait3A_503 : memref<10240x128xf32, #tpu.memory_space<hbm>>) dst(%dma_wait3A_495 : memref<80x128xf32, #tpu.memory_space<vmem>>)
      %run_scoped3A_504 = arith.constant 0 : i32
      "tpu.region"() ({
        %run_scoped3A_535 = tpu.sem_alloc : memref<!tpu.dma_semaphore, #tpu.memory_space<semaphore_mem>>
        %dma_start3A_536 = arith.constant 0 : i32
        %dma_start3A_537 = arith.constant 0 : i32
        %dma_start3A_538 = tpu.memref_slice %arg10[%run_scoped3A_504, %dma_start3A_536, %dma_start3A_537] : memref<2x80x128xf32, #tpu.memory_space<vmem>> -> memref<1x80x128xf32, #tpu.memory_space<vmem>>
        %dma_start3A_539 = tpu.memref_squeeze %dma_start3A_538 : memref<1x80x128xf32, #tpu.memory_space<vmem>> -> memref<80x128xf32, #tpu.memory_space<vmem>>
        %dma_start3A_540 = arith.constant 0 : i32
        %dma_start3A_541 = tpu.memref_slice %arg9[%add3A_487, %dma_start3A_540] : memref<125x80xi32, #tpu.memory_space<vmem>> -> memref<1x80xi32, #tpu.memory_space<vmem>>
        %dma_start3A_542 = tpu.memref_squeeze %dma_start3A_541 : memref<1x80xi32, #tpu.memory_space<vmem>> -> memref<80xi32, #tpu.memory_space<vmem>>
        %dma_start3A_543 = arith.constant 0 : i32
        %dma_start3A_544 = arith.constant 0 : i32
        %dma_start3A_545 = tpu.memref_slice %arg7[%dma_start3A_543, %dma_start3A_544] : memref<10240x128xf32, #tpu.memory_space<vmem_shared>> -> memref<10240x128xf32, #tpu.memory_space<vmem_shared>>
        tpu.enqueue_indirect_dma source(%dma_start3A_539 : memref<80x128xf32, #tpu.memory_space<vmem>>) target(%dma_start3A_545 : memref<10240x128xf32, #tpu.memory_space<vmem_shared>>) offsets(%dma_start3A_542 : memref<80xi32, #tpu.memory_space<vmem>>) semaphore(%run_scoped3A_535 : memref<!tpu.dma_semaphore, #tpu.memory_space<semaphore_mem>>) {add = true}
        %dma_wait3A_546 = arith.constant 0 : i32
        %dma_wait3A_547 = arith.constant 0 : i32
        %dma_wait3A_548 = tpu.memref_slice %arg10[%run_scoped3A_504, %dma_wait3A_546, %dma_wait3A_547] : memref<2x80x128xf32, #tpu.memory_space<vmem>> -> memref<1x80x128xf32, #tpu.memory_space<vmem>>
        %dma_wait3A_549 = tpu.memref_squeeze %dma_wait3A_548 : memref<1x80x128xf32, #tpu.memory_space<vmem>> -> memref<80x128xf32, #tpu.memory_space<vmem>>
        %dma_wait3A_550 = arith.constant 0 : i32
        %dma_wait3A_551 = tpu.memref_slice %arg9[%add3A_487, %dma_wait3A_550] : memref<125x80xi32, #tpu.memory_space<vmem>> -> memref<1x80xi32, #tpu.memory_space<vmem>>
        %dma_wait3A_552 = tpu.memref_squeeze %dma_wait3A_551 : memref<1x80xi32, #tpu.memory_space<vmem>> -> memref<80xi32, #tpu.memory_space<vmem>>
        %dma_wait3A_553 = arith.constant 0 : i32
        %dma_wait3A_554 = arith.constant 0 : i32
        %dma_wait3A_555 = tpu.memref_slice %arg7[%dma_wait3A_553, %dma_wait3A_554] : memref<10240x128xf32, #tpu.memory_space<vmem_shared>> -> memref<10240x128xf32, #tpu.memory_space<vmem_shared>>
        tpu.wait_indirect_dma semaphore(%run_scoped3A_535 : memref<!tpu.dma_semaphore, #tpu.memory_space<semaphore_mem>>) src(%dma_wait3A_549 : memref<80x128xf32, #tpu.memory_space<vmem>>) dst(%dma_wait3A_555 : memref<10240x128xf32, #tpu.memory_space<vmem_shared>>)
        tpu.yield
      }) : () -> ()
      %add3A_505 = arith.constant 2 : i32
      %add3A_506 = arith.addi %add3A_487, %add3A_505 : i32
      %lt3A = arith.constant 125 : i32
      %lt3A_507 = arith.cmpi slt, %add3A_506, %lt3A : i32
      %convert_element_type3A = arith.extui %lt3A_507 : i1 to i32
      %cond3A = arith.constant 0 : i32
      %cond3A_508 = arith.cmpi ne, %convert_element_type3A, %cond3A : i32
      scf.if %cond3A_508 {
        %add3A_535 = arith.constant 2 : i32
        %add3A_536 = arith.addi %add3A_487, %add3A_535 : i32
        %mul3A_537 = arith.constant 80 : i32
        %mul3A_538 = arith.muli %add3A_536, %mul3A_537 : i32
        %multiple_of3A_539 = tpu.assume_multiple %mul3A_538, 8 : i32
        %dma_start3A_540 = arith.constant 0 : i32
        %dma_start3A_541 = arith.constant 0 : i32
        %dma_start3A_542 = arith.constant 0 : i32
        %dma_start3A_543 = tpu.memref_slice %arg10[%dma_start3A_540, %dma_start3A_541, %dma_start3A_542] : memref<2x80x128xf32, #tpu.memory_space<vmem>> -> memref<1x80x128xf32, #tpu.memory_space<vmem>>
        %dma_start3A_544 = tpu.memref_squeeze %dma_start3A_543 : memref<1x80x128xf32, #tpu.memory_space<vmem>> -> memref<80x128xf32, #tpu.memory_space<vmem>>
        %dma_start3A_545 = tpu.memref_slice %arg8[%multiple_of3A_539] : memref<10000xi32, #tpu.memory_space<vmem>> -> memref<80xi32, #tpu.memory_space<vmem>>
        %dma_start3A_546 = arith.constant 0 : i32
        %dma_start3A_547 = arith.constant 0 : i32
        %dma_start3A_548 = tpu.memref_slice %arg2[%scan3A_334, %dma_start3A_546, %dma_start3A_547] : memref<8x10240x128xf32, #tpu.memory_space<hbm>> -> memref<1x10240x128xf32, #tpu.memory_space<hbm>>
        %dma_start3A_549 = tpu.memref_squeeze %dma_start3A_548 : memref<1x10240x128xf32, #tpu.memory_space<hbm>> -> memref<10240x128xf32, #tpu.memory_space<hbm>>
        %dma_start3A_550 = arith.constant 0 : i32
        %dma_start3A_551 = arith.constant 0 : i32
        %dma_start3A_552 = tpu.memref_slice %dma_start3A_549[%dma_start3A_550, %dma_start3A_551] : memref<10240x128xf32, #tpu.memory_space<hbm>> -> memref<10240x128xf32, #tpu.memory_space<hbm>>
        tpu.enqueue_indirect_dma source(%dma_start3A_552 : memref<10240x128xf32, #tpu.memory_space<hbm>>) target(%dma_start3A_544 : memref<80x128xf32, #tpu.memory_space<vmem>>) offsets(%dma_start3A_545 : memref<80xi32, #tpu.memory_space<vmem>>) semaphore(%arg11 : memref<!tpu.dma_semaphore, #tpu.memory_space<semaphore_mem>>)
      } else {
      }
      %add3A_509 = arith.constant 1 : i32
      %add3A_510 = arith.addi %add3A_485, %add3A_509 : i32
      %mul3A_511 = arith.constant 80 : i32
      %mul3A_512 = arith.muli %add3A_510, %mul3A_511 : i32
      %multiple_of3A_513 = tpu.assume_multiple %mul3A_512, 8 : i32
      %dma_wait3A_514 = arith.constant 1 : i32
      %dma_wait3A_515 = arith.constant 0 : i32
      %dma_wait3A_516 = arith.constant 0 : i32
      %dma_wait3A_517 = tpu.memref_slice %arg10[%dma_wait3A_514, %dma_wait3A_515, %dma_wait3A_516] : memref<2x80x128xf32, #tpu.memory_space<vmem>> -> memref<1x80x128xf32, #tpu.memory_space<vmem>>
      %dma_wait3A_518 = tpu.memref_squeeze %dma_wait3A_517 : memref<1x80x128xf32, #tpu.memory_space<vmem>> -> memref<80x128xf32, #tpu.memory_space<vmem>>
      %dma_wait3A_519 = tpu.memref_slice %arg8[%multiple_of3A_513] : memref<10000xi32, #tpu.memory_space<vmem>> -> memref<80xi32, #tpu.memory_space<vmem>>
      %dma_wait3A_520 = arith.constant 0 : i32
      %dma_wait3A_521 = arith.constant 0 : i32
      %dma_wait3A_522 = tpu.memref_slice %arg2[%scan3A_334, %dma_wait3A_520, %dma_wait3A_521] : memref<8x10240x128xf32, #tpu.memory_space<hbm>> -> memref<1x10240x128xf32, #tpu.memory_space<hbm>>
      %dma_wait3A_523 = tpu.memref_squeeze %dma_wait3A_522 : memref<1x10240x128xf32, #tpu.memory_space<hbm>> -> memref<10240x128xf32, #tpu.memory_space<hbm>>
      %dma_wait3A_524 = arith.constant 0 : i32
      %dma_wait3A_525 = arith.constant 0 : i32
      %dma_wait3A_526 = tpu.memref_slice %dma_wait3A_523[%dma_wait3A_524, %dma_wait3A_525] : memref<10240x128xf32, #tpu.memory_space<hbm>> -> memref<10240x128xf32, #tpu.memory_space<hbm>>
      tpu.wait_indirect_dma semaphore(%arg12 : memref<!tpu.dma_semaphore, #tpu.memory_space<semaphore_mem>>) src(%dma_wait3A_526 : memref<10240x128xf32, #tpu.memory_space<hbm>>) dst(%dma_wait3A_518 : memref<80x128xf32, #tpu.memory_space<vmem>>)
      %run_scoped3A_527 = arith.constant 1 : i32
      "tpu.region"() ({
        %run_scoped3A_535 = tpu.sem_alloc : memref<!tpu.dma_semaphore, #tpu.memory_space<semaphore_mem>>
        %dma_start3A_536 = arith.constant 0 : i32
        %dma_start3A_537 = arith.constant 0 : i32
        %dma_start3A_538 = tpu.memref_slice %arg10[%run_scoped3A_527, %dma_start3A_536, %dma_start3A_537] : memref<2x80x128xf32, #tpu.memory_space<vmem>> -> memref<1x80x128xf32, #tpu.memory_space<vmem>>
        %dma_start3A_539 = tpu.memref_squeeze %dma_start3A_538 : memref<1x80x128xf32, #tpu.memory_space<vmem>> -> memref<80x128xf32, #tpu.memory_space<vmem>>
        %dma_start3A_540 = arith.constant 0 : i32
        %dma_start3A_541 = tpu.memref_slice %arg9[%add3A_510, %dma_start3A_540] : memref<125x80xi32, #tpu.memory_space<vmem>> -> memref<1x80xi32, #tpu.memory_space<vmem>>
        %dma_start3A_542 = tpu.memref_squeeze %dma_start3A_541 : memref<1x80xi32, #tpu.memory_space<vmem>> -> memref<80xi32, #tpu.memory_space<vmem>>
        %dma_start3A_543 = arith.constant 0 : i32
        %dma_start3A_544 = arith.constant 0 : i32
        %dma_start3A_545 = tpu.memref_slice %arg7[%dma_start3A_543, %dma_start3A_544] : memref<10240x128xf32, #tpu.memory_space<vmem_shared>> -> memref<10240x128xf32, #tpu.memory_space<vmem_shared>>
        tpu.enqueue_indirect_dma source(%dma_start3A_539 : memref<80x128xf32, #tpu.memory_space<vmem>>) target(%dma_start3A_545 : memref<10240x128xf32, #tpu.memory_space<vmem_shared>>) offsets(%dma_start3A_542 : memref<80xi32, #tpu.memory_space<vmem>>) semaphore(%run_scoped3A_535 : memref<!tpu.dma_semaphore, #tpu.memory_space<semaphore_mem>>) {add = true}
        %dma_wait3A_546 = arith.constant 0 : i32
        %dma_wait3A_547 = arith.constant 0 : i32
        %dma_wait3A_548 = tpu.memref_slice %arg10[%run_scoped3A_527, %dma_wait3A_546, %dma_wait3A_547] : memref<2x80x128xf32, #tpu.memory_space<vmem>> -> memref<1x80x128xf32, #tpu.memory_space<vmem>>
        %dma_wait3A_549 = tpu.memref_squeeze %dma_wait3A_548 : memref<1x80x128xf32, #tpu.memory_space<vmem>> -> memref<80x128xf32, #tpu.memory_space<vmem>>
        %dma_wait3A_550 = arith.constant 0 : i32
        %dma_wait3A_551 = tpu.memref_slice %arg9[%add3A_510, %dma_wait3A_550] : memref<125x80xi32, #tpu.memory_space<vmem>> -> memref<1x80xi32, #tpu.memory_space<vmem>>
        %dma_wait3A_552 = tpu.memref_squeeze %dma_wait3A_551 : memref<1x80xi32, #tpu.memory_space<vmem>> -> memref<80xi32, #tpu.memory_space<vmem>>
        %dma_wait3A_553 = arith.constant 0 : i32
        %dma_wait3A_554 = arith.constant 0 : i32
        %dma_wait3A_555 = tpu.memref_slice %arg7[%dma_wait3A_553, %dma_wait3A_554] : memref<10240x128xf32, #tpu.memory_space<vmem_shared>> -> memref<10240x128xf32, #tpu.memory_space<vmem_shared>>
        tpu.wait_indirect_dma semaphore(%run_scoped3A_535 : memref<!tpu.dma_semaphore, #tpu.memory_space<semaphore_mem>>) src(%dma_wait3A_549 : memref<80x128xf32, #tpu.memory_space<vmem>>) dst(%dma_wait3A_555 : memref<10240x128xf32, #tpu.memory_space<vmem_shared>>)
        tpu.yield
      }) : () -> ()
      %add3A_528 = arith.constant 2 : i32
      %add3A_529 = arith.addi %add3A_510, %add3A_528 : i32
      %lt3A_530 = arith.constant 125 : i32
      %lt3A_531 = arith.cmpi slt, %add3A_529, %lt3A_530 : i32
      %convert_element_type3A_532 = arith.extui %lt3A_531 : i1 to i32
      %cond3A_533 = arith.constant 0 : i32
      %cond3A_534 = arith.cmpi ne, %convert_element_type3A_532, %cond3A_533 : i32
      scf.if %cond3A_534 {
        %add3A_535 = arith.constant 2 : i32
        %add3A_536 = arith.addi %add3A_510, %add3A_535 : i32
        %mul3A_537 = arith.constant 80 : i32
        %mul3A_538 = arith.muli %add3A_536, %mul3A_537 : i32
        %multiple_of3A_539 = tpu.assume_multiple %mul3A_538, 8 : i32
        %dma_start3A_540 = arith.constant 1 : i32
        %dma_start3A_541 = arith.constant 0 : i32
        %dma_start3A_542 = arith.constant 0 : i32
        %dma_start3A_543 = tpu.memref_slice %arg10[%dma_start3A_540, %dma_start3A_541, %dma_start3A_542] : memref<2x80x128xf32, #tpu.memory_space<vmem>> -> memref<1x80x128xf32, #tpu.memory_space<vmem>>
        %dma_start3A_544 = tpu.memref_squeeze %dma_start3A_543 : memref<1x80x128xf32, #tpu.memory_space<vmem>> -> memref<80x128xf32, #tpu.memory_space<vmem>>
        %dma_start3A_545 = tpu.memref_slice %arg8[%multiple_of3A_539] : memref<10000xi32, #tpu.memory_space<vmem>> -> memref<80xi32, #tpu.memory_space<vmem>>
        %dma_start3A_546 = arith.constant 0 : i32
        %dma_start3A_547 = arith.constant 0 : i32
        %dma_start3A_548 = tpu.memref_slice %arg2[%scan3A_334, %dma_start3A_546, %dma_start3A_547] : memref<8x10240x128xf32, #tpu.memory_space<hbm>> -> memref<1x10240x128xf32, #tpu.memory_space<hbm>>
        %dma_start3A_549 = tpu.memref_squeeze %dma_start3A_548 : memref<1x10240x128xf32, #tpu.memory_space<hbm>> -> memref<10240x128xf32, #tpu.memory_space<hbm>>
        %dma_start3A_550 = arith.constant 0 : i32
        %dma_start3A_551 = arith.constant 0 : i32
        %dma_start3A_552 = tpu.memref_slice %dma_start3A_549[%dma_start3A_550, %dma_start3A_551] : memref<10240x128xf32, #tpu.memory_space<hbm>> -> memref<10240x128xf32, #tpu.memory_space<hbm>>
        tpu.enqueue_indirect_dma source(%dma_start3A_552 : memref<10240x128xf32, #tpu.memory_space<hbm>>) target(%dma_start3A_544 : memref<80x128xf32, #tpu.memory_space<vmem>>) offsets(%dma_start3A_545 : memref<80xi32, #tpu.memory_space<vmem>>) semaphore(%arg12 : memref<!tpu.dma_semaphore, #tpu.memory_space<semaphore_mem>>)
      } else {
      }
    }
    %scan3A_339 = arith.constant 62 : i32
    %multiple_of3A_340 = arith.constant 9920 : i32
    %multiple_of3A_341 = tpu.assume_multiple %multiple_of3A_340, 8 : i32
    %dma_wait3A_342 = arith.constant 5 : i32
    %dma_wait3A_343 = arith.constant 0 : i32
    %dma_wait3A_344 = arith.constant 0 : i32
    %dma_wait3A_345 = arith.constant 0 : i32
    %dma_wait3A_346 = tpu.memref_slice %arg10[%dma_wait3A_343, %dma_wait3A_344, %dma_wait3A_345] : memref<2x80x128xf32, #tpu.memory_space<vmem>> -> memref<1x80x128xf32, #tpu.memory_space<vmem>>
    %dma_wait3A_347 = tpu.memref_squeeze %dma_wait3A_346 : memref<1x80x128xf32, #tpu.memory_space<vmem>> -> memref<80x128xf32, #tpu.memory_space<vmem>>
    %dma_wait3A_348 = tpu.memref_slice %arg8[%multiple_of3A_341] : memref<10000xi32, #tpu.memory_space<vmem>> -> memref<80xi32, #tpu.memory_space<vmem>>
    %dma_wait3A_349 = arith.constant 0 : i32
    %dma_wait3A_350 = arith.constant 0 : i32
    %dma_wait3A_351 = tpu.memref_slice %arg2[%dma_wait3A_342, %dma_wait3A_349, %dma_wait3A_350] : memref<8x10240x128xf32, #tpu.memory_space<hbm>> -> memref<1x10240x128xf32, #tpu.memory_space<hbm>>
    %dma_wait3A_352 = tpu.memref_squeeze %dma_wait3A_351 : memref<1x10240x128xf32, #tpu.memory_space<hbm>> -> memref<10240x128xf32, #tpu.memory_space<hbm>>
    %dma_wait3A_353 = arith.constant 0 : i32
    %dma_wait3A_354 = arith.constant 0 : i32
    %dma_wait3A_355 = tpu.memref_slice %dma_wait3A_352[%dma_wait3A_353, %dma_wait3A_354] : memref<10240x128xf32, #tpu.memory_space<hbm>> -> memref<10240x128xf32, #tpu.memory_space<hbm>>
    tpu.wait_indirect_dma semaphore(%arg11 : memref<!tpu.dma_semaphore, #tpu.memory_space<semaphore_mem>>) src(%dma_wait3A_355 : memref<10240x128xf32, #tpu.memory_space<hbm>>) dst(%dma_wait3A_347 : memref<80x128xf32, #tpu.memory_space<vmem>>)
    %run_scoped3A_356 = arith.constant 0 : i32
    %run_scoped3A_357 = arith.constant 124 : i32
    "tpu.region"() ({
      %run_scoped3A_481 = tpu.sem_alloc : memref<!tpu.dma_semaphore, #tpu.memory_space<semaphore_mem>>
      %dma_start3A_482 = arith.constant 0 : i32
      %dma_start3A_483 = arith.constant 0 : i32
      %dma_start3A_484 = tpu.memref_slice %arg10[%run_scoped3A_356, %dma_start3A_482, %dma_start3A_483] : memref<2x80x128xf32, #tpu.memory_space<vmem>> -> memref<1x80x128xf32, #tpu.memory_space<vmem>>
      %dma_start3A_485 = tpu.memref_squeeze %dma_start3A_484 : memref<1x80x128xf32, #tpu.memory_space<vmem>> -> memref<80x128xf32, #tpu.memory_space<vmem>>
      %dma_start3A_486 = arith.constant 0 : i32
      %dma_start3A_487 = tpu.memref_slice %arg9[%run_scoped3A_357, %dma_start3A_486] : memref<125x80xi32, #tpu.memory_space<vmem>> -> memref<1x80xi32, #tpu.memory_space<vmem>>
      %dma_start3A_488 = tpu.memref_squeeze %dma_start3A_487 : memref<1x80xi32, #tpu.memory_space<vmem>> -> memref<80xi32, #tpu.memory_space<vmem>>
      %dma_start3A_489 = arith.constant 0 : i32
      %dma_start3A_490 = arith.constant 0 : i32
      %dma_start3A_491 = tpu.memref_slice %arg7[%dma_start3A_489, %dma_start3A_490] : memref<10240x128xf32, #tpu.memory_space<vmem_shared>> -> memref<10240x128xf32, #tpu.memory_space<vmem_shared>>
      tpu.enqueue_indirect_dma source(%dma_start3A_485 : memref<80x128xf32, #tpu.memory_space<vmem>>) target(%dma_start3A_491 : memref<10240x128xf32, #tpu.memory_space<vmem_shared>>) offsets(%dma_start3A_488 : memref<80xi32, #tpu.memory_space<vmem>>) semaphore(%run_scoped3A_481 : memref<!tpu.dma_semaphore, #tpu.memory_space<semaphore_mem>>) {add = true}
      %dma_wait3A_492 = arith.constant 0 : i32
      %dma_wait3A_493 = arith.constant 0 : i32
      %dma_wait3A_494 = tpu.memref_slice %arg10[%run_scoped3A_356, %dma_wait3A_492, %dma_wait3A_493] : memref<2x80x128xf32, #tpu.memory_space<vmem>> -> memref<1x80x128xf32, #tpu.memory_space<vmem>>
      %dma_wait3A_495 = tpu.memref_squeeze %dma_wait3A_494 : memref<1x80x128xf32, #tpu.memory_space<vmem>> -> memref<80x128xf32, #tpu.memory_space<vmem>>
      %dma_wait3A_496 = arith.constant 0 : i32
      %dma_wait3A_497 = tpu.memref_slice %arg9[%run_scoped3A_357, %dma_wait3A_496] : memref<125x80xi32, #tpu.memory_space<vmem>> -> memref<1x80xi32, #tpu.memory_space<vmem>>
      %dma_wait3A_498 = tpu.memref_squeeze %dma_wait3A_497 : memref<1x80xi32, #tpu.memory_space<vmem>> -> memref<80xi32, #tpu.memory_space<vmem>>
      %dma_wait3A_499 = arith.constant 0 : i32
      %dma_wait3A_500 = arith.constant 0 : i32
      %dma_wait3A_501 = tpu.memref_slice %arg7[%dma_wait3A_499, %dma_wait3A_500] : memref<10240x128xf32, #tpu.memory_space<vmem_shared>> -> memref<10240x128xf32, #tpu.memory_space<vmem_shared>>
      tpu.wait_indirect_dma semaphore(%run_scoped3A_481 : memref<!tpu.dma_semaphore, #tpu.memory_space<semaphore_mem>>) src(%dma_wait3A_495 : memref<80x128xf32, #tpu.memory_space<vmem>>) dst(%dma_wait3A_501 : memref<10240x128xf32, #tpu.memory_space<vmem_shared>>)
      tpu.yield
    }) : () -> ()
    %barrier3A_358 = arith.constant 0 : index
    tpu.barrier barrier_id(%barrier3A_358)
    %run_scoped3A_359 = arith.constant 5 : i32
    "tpu.region"() ({
      %run_scoped3A_481 = tpu.sem_alloc : memref<!tpu.dma_semaphore, #tpu.memory_space<semaphore_mem>>
      %dma_start3A_482 = arith.constant 0 : i32
      %dma_start3A_483 = arith.constant 0 : i32
      %dma_start3A_484 = arith.constant 0 : i32
      %dma_start3A_485 = tpu.memref_slice %arg6[%arg0, %dma_start3A_482, %dma_start3A_483, %dma_start3A_484] : memref<2x8x10240x128xf32, #tpu.memory_space<hbm>> -> memref<1x8x10240x128xf32, #tpu.memory_space<hbm>>
      %dma_start3A_486 = tpu.memref_squeeze %dma_start3A_485 : memref<1x8x10240x128xf32, #tpu.memory_space<hbm>> -> memref<8x10240x128xf32, #tpu.memory_space<hbm>>
      %dma_start3A_487 = arith.constant 0 : i32
      %dma_start3A_488 = arith.constant 0 : i32
      %dma_start3A_489 = tpu.memref_slice %dma_start3A_486[%run_scoped3A_359, %dma_start3A_487, %dma_start3A_488] : memref<8x10240x128xf32, #tpu.memory_space<hbm>> -> memref<1x10240x128xf32, #tpu.memory_space<hbm>>
      %dma_start3A_490 = tpu.memref_squeeze %dma_start3A_489 : memref<1x10240x128xf32, #tpu.memory_space<hbm>> -> memref<10240x128xf32, #tpu.memory_space<hbm>>
      %dma_start3A_491 = arith.constant 0 : i32
      %dma_start3A_492 = tpu.memref_slice %dma_start3A_490[%multiple_of3A, %dma_start3A_491] : memref<10240x128xf32, #tpu.memory_space<hbm>> -> memref<640x128xf32, #tpu.memory_space<hbm>>
      %dma_start3A_493 = arith.constant 0 : i32
      %dma_start3A_494 = tpu.memref_slice %arg7[%multiple_of3A, %dma_start3A_493] : memref<10240x128xf32, #tpu.memory_space<vmem_shared>> -> memref<640x128xf32, #tpu.memory_space<vmem_shared>>
      tpu.enqueue_dma source(%dma_start3A_494 : memref<640x128xf32, #tpu.memory_space<vmem_shared>>) target(%dma_start3A_492 : memref<640x128xf32, #tpu.memory_space<hbm>>) target_semaphore(%run_scoped3A_481 : memref<!tpu.dma_semaphore, #tpu.memory_space<semaphore_mem>>)
      %dma_wait3A_495 = arith.constant 0 : i32
      %dma_wait3A_496 = arith.constant 0 : i32
      %dma_wait3A_497 = arith.constant 0 : i32
      %dma_wait3A_498 = tpu.memref_slice %arg6[%arg0, %dma_wait3A_495, %dma_wait3A_496, %dma_wait3A_497] : memref<2x8x10240x128xf32, #tpu.memory_space<hbm>> -> memref<1x8x10240x128xf32, #tpu.memory_space<hbm>>
      %dma_wait3A_499 = tpu.memref_squeeze %dma_wait3A_498 : memref<1x8x10240x128xf32, #tpu.memory_space<hbm>> -> memref<8x10240x128xf32, #tpu.memory_space<hbm>>
      %dma_wait3A_500 = arith.constant 0 : i32
      %dma_wait3A_501 = arith.constant 0 : i32
      %dma_wait3A_502 = tpu.memref_slice %dma_wait3A_499[%run_scoped3A_359, %dma_wait3A_500, %dma_wait3A_501] : memref<8x10240x128xf32, #tpu.memory_space<hbm>> -> memref<1x10240x128xf32, #tpu.memory_space<hbm>>
      %dma_wait3A_503 = tpu.memref_squeeze %dma_wait3A_502 : memref<1x10240x128xf32, #tpu.memory_space<hbm>> -> memref<10240x128xf32, #tpu.memory_space<hbm>>
      %dma_wait3A_504 = arith.constant 0 : i32
      %dma_wait3A_505 = tpu.memref_slice %dma_wait3A_503[%multiple_of3A, %dma_wait3A_504] : memref<10240x128xf32, #tpu.memory_space<hbm>> -> memref<640x128xf32, #tpu.memory_space<hbm>>
      %dma_wait3A_506 = arith.constant 0 : i32
      %dma_wait3A_507 = tpu.memref_slice %arg7[%multiple_of3A, %dma_wait3A_506] : memref<10240x128xf32, #tpu.memory_space<vmem_shared>> -> memref<640x128xf32, #tpu.memory_space<vmem_shared>>
      tpu.wait_dma2 semaphore(%run_scoped3A_481 : memref<!tpu.dma_semaphore, #tpu.memory_space<semaphore_mem>>) src(%dma_wait3A_507 : memref<640x128xf32, #tpu.memory_space<vmem_shared>>) dst(%dma_wait3A_505 : memref<640x128xf32, #tpu.memory_space<hbm>>)
      tpu.yield
    }) : () -> ()
    %barrier3A_360 = arith.constant 0 : index
    tpu.barrier barrier_id(%barrier3A_360)
    "tpu.region"() ({
      %run_scoped3A_481 = tpu.sem_alloc : memref<!tpu.dma_semaphore, #tpu.memory_space<semaphore_mem>>
      %dma_start3A_482 = arith.constant 0 : i32
      %dma_start3A_483 = tpu.memref_slice %arg7[%multiple_of3A, %dma_start3A_482] : memref<10240x128xf32, #tpu.memory_space<vmem_shared>> -> memref<640x128xf32, #tpu.memory_space<vmem_shared>>
      tpu.enqueue_dma source(%arg5 : memref<640x128xf32, #tpu.memory_space<hbm>>) target(%dma_start3A_483 : memref<640x128xf32, #tpu.memory_space<vmem_shared>>) target_semaphore(%run_scoped3A_481 : memref<!tpu.dma_semaphore, #tpu.memory_space<semaphore_mem>>)
      %dma_wait3A_484 = arith.constant 0 : i32
      %dma_wait3A_485 = tpu.memref_slice %arg7[%multiple_of3A, %dma_wait3A_484] : memref<10240x128xf32, #tpu.memory_space<vmem_shared>> -> memref<640x128xf32, #tpu.memory_space<vmem_shared>>
      tpu.wait_dma2 semaphore(%run_scoped3A_481 : memref<!tpu.dma_semaphore, #tpu.memory_space<semaphore_mem>>) src(%arg5 : memref<640x128xf32, #tpu.memory_space<hbm>>) dst(%dma_wait3A_485 : memref<640x128xf32, #tpu.memory_space<vmem_shared>>)
      tpu.yield
    }) : () -> ()
    %barrier3A_361 = arith.constant 0 : index
    tpu.barrier barrier_id(%barrier3A_361)
    %multiple_of3A_362 = arith.constant 0 : i32
    %multiple_of3A_363 = tpu.assume_multiple %multiple_of3A_362, 8 : i32
    %dma_start3A_364 = arith.constant 6 : i32
    %dma_start3A_365 = arith.constant 0 : i32
    %dma_start3A_366 = arith.constant 0 : i32
    %dma_start3A_367 = arith.constant 0 : i32
    %dma_start3A_368 = tpu.memref_slice %arg10[%dma_start3A_365, %dma_start3A_366, %dma_start3A_367] : memref<2x80x128xf32, #tpu.memory_space<vmem>> -> memref<1x80x128xf32, #tpu.memory_space<vmem>>
    %dma_start3A_369 = tpu.memref_squeeze %dma_start3A_368 : memref<1x80x128xf32, #tpu.memory_space<vmem>> -> memref<80x128xf32, #tpu.memory_space<vmem>>
    %dma_start3A_370 = tpu.memref_slice %arg8[%multiple_of3A_363] : memref<10000xi32, #tpu.memory_space<vmem>> -> memref<80xi32, #tpu.memory_space<vmem>>
    %dma_start3A_371 = arith.constant 0 : i32
    %dma_start3A_372 = arith.constant 0 : i32
    %dma_start3A_373 = tpu.memref_slice %arg2[%dma_start3A_364, %dma_start3A_371, %dma_start3A_372] : memref<8x10240x128xf32, #tpu.memory_space<hbm>> -> memref<1x10240x128xf32, #tpu.memory_space<hbm>>
    %dma_start3A_374 = tpu.memref_squeeze %dma_start3A_373 : memref<1x10240x128xf32, #tpu.memory_space<hbm>> -> memref<10240x128xf32, #tpu.memory_space<hbm>>
    %dma_start3A_375 = arith.constant 0 : i32
    %dma_start3A_376 = arith.constant 0 : i32
    %dma_start3A_377 = tpu.memref_slice %dma_start3A_374[%dma_start3A_375, %dma_start3A_376] : memref<10240x128xf32, #tpu.memory_space<hbm>> -> memref<10240x128xf32, #tpu.memory_space<hbm>>
    tpu.enqueue_indirect_dma source(%dma_start3A_377 : memref<10240x128xf32, #tpu.memory_space<hbm>>) target(%dma_start3A_369 : memref<80x128xf32, #tpu.memory_space<vmem>>) offsets(%dma_start3A_370 : memref<80xi32, #tpu.memory_space<vmem>>) semaphore(%arg11 : memref<!tpu.dma_semaphore, #tpu.memory_space<semaphore_mem>>)
    %multiple_of3A_378 = arith.constant 80 : i32
    %multiple_of3A_379 = tpu.assume_multiple %multiple_of3A_378, 8 : i32
    %dma_start3A_380 = arith.constant 6 : i32
    %dma_start3A_381 = arith.constant 1 : i32
    %dma_start3A_382 = arith.constant 0 : i32
    %dma_start3A_383 = arith.constant 0 : i32
    %dma_start3A_384 = tpu.memref_slice %arg10[%dma_start3A_381, %dma_start3A_382, %dma_start3A_383] : memref<2x80x128xf32, #tpu.memory_space<vmem>> -> memref<1x80x128xf32, #tpu.memory_space<vmem>>
    %dma_start3A_385 = tpu.memref_squeeze %dma_start3A_384 : memref<1x80x128xf32, #tpu.memory_space<vmem>> -> memref<80x128xf32, #tpu.memory_space<vmem>>
    %dma_start3A_386 = tpu.memref_slice %arg8[%multiple_of3A_379] : memref<10000xi32, #tpu.memory_space<vmem>> -> memref<80xi32, #tpu.memory_space<vmem>>
    %dma_start3A_387 = arith.constant 0 : i32
    %dma_start3A_388 = arith.constant 0 : i32
    %dma_start3A_389 = tpu.memref_slice %arg2[%dma_start3A_380, %dma_start3A_387, %dma_start3A_388] : memref<8x10240x128xf32, #tpu.memory_space<hbm>> -> memref<1x10240x128xf32, #tpu.memory_space<hbm>>
    %dma_start3A_390 = tpu.memref_squeeze %dma_start3A_389 : memref<1x10240x128xf32, #tpu.memory_space<hbm>> -> memref<10240x128xf32, #tpu.memory_space<hbm>>
    %dma_start3A_391 = arith.constant 0 : i32
    %dma_start3A_392 = arith.constant 0 : i32
    %dma_start3A_393 = tpu.memref_slice %dma_start3A_390[%dma_start3A_391, %dma_start3A_392] : memref<10240x128xf32, #tpu.memory_space<hbm>> -> memref<10240x128xf32, #tpu.memory_space<hbm>>
    tpu.enqueue_indirect_dma source(%dma_start3A_393 : memref<10240x128xf32, #tpu.memory_space<hbm>>) target(%dma_start3A_385 : memref<80x128xf32, #tpu.memory_space<vmem>>) offsets(%dma_start3A_386 : memref<80xi32, #tpu.memory_space<vmem>>) semaphore(%arg12 : memref<!tpu.dma_semaphore, #tpu.memory_space<semaphore_mem>>)
    %scan3A_394 = arith.constant 6 : i32
    %scan3A_395 = arith.constant 0 : i32
    %scan3A_396 = arith.constant 62 : i32
    %scan3A_397 = arith.addi %scan3A_395, %scan3A_396 : i32
    %scan3A_398 = arith.constant 1 : i32
    scf.for %scan3A_481 = %scan3A_395 to %scan3A_397 step %scan3A_398  : i32 {
      %mul3A_482 = arith.constant 2 : i32
      %mul3A_483 = arith.muli %scan3A_481, %mul3A_482 : i32
      %add3A_484 = arith.constant 0 : i32
      %add3A_485 = arith.addi %add3A_484, %mul3A_483 : i32
      %add3A_486 = arith.constant 0 : i32
      %add3A_487 = arith.addi %add3A_485, %add3A_486 : i32
      %mul3A_488 = arith.constant 80 : i32
      %mul3A_489 = arith.muli %add3A_487, %mul3A_488 : i32
      %multiple_of3A_490 = tpu.assume_multiple %mul3A_489, 8 : i32
      %dma_wait3A_491 = arith.constant 0 : i32
      %dma_wait3A_492 = arith.constant 0 : i32
      %dma_wait3A_493 = arith.constant 0 : i32
      %dma_wait3A_494 = tpu.memref_slice %arg10[%dma_wait3A_491, %dma_wait3A_492, %dma_wait3A_493] : memref<2x80x128xf32, #tpu.memory_space<vmem>> -> memref<1x80x128xf32, #tpu.memory_space<vmem>>
      %dma_wait3A_495 = tpu.memref_squeeze %dma_wait3A_494 : memref<1x80x128xf32, #tpu.memory_space<vmem>> -> memref<80x128xf32, #tpu.memory_space<vmem>>
      %dma_wait3A_496 = tpu.memref_slice %arg8[%multiple_of3A_490] : memref<10000xi32, #tpu.memory_space<vmem>> -> memref<80xi32, #tpu.memory_space<vmem>>
      %dma_wait3A_497 = arith.constant 0 : i32
      %dma_wait3A_498 = arith.constant 0 : i32
      %dma_wait3A_499 = tpu.memref_slice %arg2[%scan3A_394, %dma_wait3A_497, %dma_wait3A_498] : memref<8x10240x128xf32, #tpu.memory_space<hbm>> -> memref<1x10240x128xf32, #tpu.memory_space<hbm>>
      %dma_wait3A_500 = tpu.memref_squeeze %dma_wait3A_499 : memref<1x10240x128xf32, #tpu.memory_space<hbm>> -> memref<10240x128xf32, #tpu.memory_space<hbm>>
      %dma_wait3A_501 = arith.constant 0 : i32
      %dma_wait3A_502 = arith.constant 0 : i32
      %dma_wait3A_503 = tpu.memref_slice %dma_wait3A_500[%dma_wait3A_501, %dma_wait3A_502] : memref<10240x128xf32, #tpu.memory_space<hbm>> -> memref<10240x128xf32, #tpu.memory_space<hbm>>
      tpu.wait_indirect_dma semaphore(%arg11 : memref<!tpu.dma_semaphore, #tpu.memory_space<semaphore_mem>>) src(%dma_wait3A_503 : memref<10240x128xf32, #tpu.memory_space<hbm>>) dst(%dma_wait3A_495 : memref<80x128xf32, #tpu.memory_space<vmem>>)
      %run_scoped3A_504 = arith.constant 0 : i32
      "tpu.region"() ({
        %run_scoped3A_535 = tpu.sem_alloc : memref<!tpu.dma_semaphore, #tpu.memory_space<semaphore_mem>>
        %dma_start3A_536 = arith.constant 0 : i32
        %dma_start3A_537 = arith.constant 0 : i32
        %dma_start3A_538 = tpu.memref_slice %arg10[%run_scoped3A_504, %dma_start3A_536, %dma_start3A_537] : memref<2x80x128xf32, #tpu.memory_space<vmem>> -> memref<1x80x128xf32, #tpu.memory_space<vmem>>
        %dma_start3A_539 = tpu.memref_squeeze %dma_start3A_538 : memref<1x80x128xf32, #tpu.memory_space<vmem>> -> memref<80x128xf32, #tpu.memory_space<vmem>>
        %dma_start3A_540 = arith.constant 0 : i32
        %dma_start3A_541 = tpu.memref_slice %arg9[%add3A_487, %dma_start3A_540] : memref<125x80xi32, #tpu.memory_space<vmem>> -> memref<1x80xi32, #tpu.memory_space<vmem>>
        %dma_start3A_542 = tpu.memref_squeeze %dma_start3A_541 : memref<1x80xi32, #tpu.memory_space<vmem>> -> memref<80xi32, #tpu.memory_space<vmem>>
        %dma_start3A_543 = arith.constant 0 : i32
        %dma_start3A_544 = arith.constant 0 : i32
        %dma_start3A_545 = tpu.memref_slice %arg7[%dma_start3A_543, %dma_start3A_544] : memref<10240x128xf32, #tpu.memory_space<vmem_shared>> -> memref<10240x128xf32, #tpu.memory_space<vmem_shared>>
        tpu.enqueue_indirect_dma source(%dma_start3A_539 : memref<80x128xf32, #tpu.memory_space<vmem>>) target(%dma_start3A_545 : memref<10240x128xf32, #tpu.memory_space<vmem_shared>>) offsets(%dma_start3A_542 : memref<80xi32, #tpu.memory_space<vmem>>) semaphore(%run_scoped3A_535 : memref<!tpu.dma_semaphore, #tpu.memory_space<semaphore_mem>>) {add = true}
        %dma_wait3A_546 = arith.constant 0 : i32
        %dma_wait3A_547 = arith.constant 0 : i32
        %dma_wait3A_548 = tpu.memref_slice %arg10[%run_scoped3A_504, %dma_wait3A_546, %dma_wait3A_547] : memref<2x80x128xf32, #tpu.memory_space<vmem>> -> memref<1x80x128xf32, #tpu.memory_space<vmem>>
        %dma_wait3A_549 = tpu.memref_squeeze %dma_wait3A_548 : memref<1x80x128xf32, #tpu.memory_space<vmem>> -> memref<80x128xf32, #tpu.memory_space<vmem>>
        %dma_wait3A_550 = arith.constant 0 : i32
        %dma_wait3A_551 = tpu.memref_slice %arg9[%add3A_487, %dma_wait3A_550] : memref<125x80xi32, #tpu.memory_space<vmem>> -> memref<1x80xi32, #tpu.memory_space<vmem>>
        %dma_wait3A_552 = tpu.memref_squeeze %dma_wait3A_551 : memref<1x80xi32, #tpu.memory_space<vmem>> -> memref<80xi32, #tpu.memory_space<vmem>>
        %dma_wait3A_553 = arith.constant 0 : i32
        %dma_wait3A_554 = arith.constant 0 : i32
        %dma_wait3A_555 = tpu.memref_slice %arg7[%dma_wait3A_553, %dma_wait3A_554] : memref<10240x128xf32, #tpu.memory_space<vmem_shared>> -> memref<10240x128xf32, #tpu.memory_space<vmem_shared>>
        tpu.wait_indirect_dma semaphore(%run_scoped3A_535 : memref<!tpu.dma_semaphore, #tpu.memory_space<semaphore_mem>>) src(%dma_wait3A_549 : memref<80x128xf32, #tpu.memory_space<vmem>>) dst(%dma_wait3A_555 : memref<10240x128xf32, #tpu.memory_space<vmem_shared>>)
        tpu.yield
      }) : () -> ()
      %add3A_505 = arith.constant 2 : i32
      %add3A_506 = arith.addi %add3A_487, %add3A_505 : i32
      %lt3A = arith.constant 125 : i32
      %lt3A_507 = arith.cmpi slt, %add3A_506, %lt3A : i32
      %convert_element_type3A = arith.extui %lt3A_507 : i1 to i32
      %cond3A = arith.constant 0 : i32
      %cond3A_508 = arith.cmpi ne, %convert_element_type3A, %cond3A : i32
      scf.if %cond3A_508 {
        %add3A_535 = arith.constant 2 : i32
        %add3A_536 = arith.addi %add3A_487, %add3A_535 : i32
        %mul3A_537 = arith.constant 80 : i32
        %mul3A_538 = arith.muli %add3A_536, %mul3A_537 : i32
        %multiple_of3A_539 = tpu.assume_multiple %mul3A_538, 8 : i32
        %dma_start3A_540 = arith.constant 0 : i32
        %dma_start3A_541 = arith.constant 0 : i32
        %dma_start3A_542 = arith.constant 0 : i32
        %dma_start3A_543 = tpu.memref_slice %arg10[%dma_start3A_540, %dma_start3A_541, %dma_start3A_542] : memref<2x80x128xf32, #tpu.memory_space<vmem>> -> memref<1x80x128xf32, #tpu.memory_space<vmem>>
        %dma_start3A_544 = tpu.memref_squeeze %dma_start3A_543 : memref<1x80x128xf32, #tpu.memory_space<vmem>> -> memref<80x128xf32, #tpu.memory_space<vmem>>
        %dma_start3A_545 = tpu.memref_slice %arg8[%multiple_of3A_539] : memref<10000xi32, #tpu.memory_space<vmem>> -> memref<80xi32, #tpu.memory_space<vmem>>
        %dma_start3A_546 = arith.constant 0 : i32
        %dma_start3A_547 = arith.constant 0 : i32
        %dma_start3A_548 = tpu.memref_slice %arg2[%scan3A_394, %dma_start3A_546, %dma_start3A_547] : memref<8x10240x128xf32, #tpu.memory_space<hbm>> -> memref<1x10240x128xf32, #tpu.memory_space<hbm>>
        %dma_start3A_549 = tpu.memref_squeeze %dma_start3A_548 : memref<1x10240x128xf32, #tpu.memory_space<hbm>> -> memref<10240x128xf32, #tpu.memory_space<hbm>>
        %dma_start3A_550 = arith.constant 0 : i32
        %dma_start3A_551 = arith.constant 0 : i32
        %dma_start3A_552 = tpu.memref_slice %dma_start3A_549[%dma_start3A_550, %dma_start3A_551] : memref<10240x128xf32, #tpu.memory_space<hbm>> -> memref<10240x128xf32, #tpu.memory_space<hbm>>
        tpu.enqueue_indirect_dma source(%dma_start3A_552 : memref<10240x128xf32, #tpu.memory_space<hbm>>) target(%dma_start3A_544 : memref<80x128xf32, #tpu.memory_space<vmem>>) offsets(%dma_start3A_545 : memref<80xi32, #tpu.memory_space<vmem>>) semaphore(%arg11 : memref<!tpu.dma_semaphore, #tpu.memory_space<semaphore_mem>>)
      } else {
      }
      %add3A_509 = arith.constant 1 : i32
      %add3A_510 = arith.addi %add3A_485, %add3A_509 : i32
      %mul3A_511 = arith.constant 80 : i32
      %mul3A_512 = arith.muli %add3A_510, %mul3A_511 : i32
      %multiple_of3A_513 = tpu.assume_multiple %mul3A_512, 8 : i32
      %dma_wait3A_514 = arith.constant 1 : i32
      %dma_wait3A_515 = arith.constant 0 : i32
      %dma_wait3A_516 = arith.constant 0 : i32
      %dma_wait3A_517 = tpu.memref_slice %arg10[%dma_wait3A_514, %dma_wait3A_515, %dma_wait3A_516] : memref<2x80x128xf32, #tpu.memory_space<vmem>> -> memref<1x80x128xf32, #tpu.memory_space<vmem>>
      %dma_wait3A_518 = tpu.memref_squeeze %dma_wait3A_517 : memref<1x80x128xf32, #tpu.memory_space<vmem>> -> memref<80x128xf32, #tpu.memory_space<vmem>>
      %dma_wait3A_519 = tpu.memref_slice %arg8[%multiple_of3A_513] : memref<10000xi32, #tpu.memory_space<vmem>> -> memref<80xi32, #tpu.memory_space<vmem>>
      %dma_wait3A_520 = arith.constant 0 : i32
      %dma_wait3A_521 = arith.constant 0 : i32
      %dma_wait3A_522 = tpu.memref_slice %arg2[%scan3A_394, %dma_wait3A_520, %dma_wait3A_521] : memref<8x10240x128xf32, #tpu.memory_space<hbm>> -> memref<1x10240x128xf32, #tpu.memory_space<hbm>>
      %dma_wait3A_523 = tpu.memref_squeeze %dma_wait3A_522 : memref<1x10240x128xf32, #tpu.memory_space<hbm>> -> memref<10240x128xf32, #tpu.memory_space<hbm>>
      %dma_wait3A_524 = arith.constant 0 : i32
      %dma_wait3A_525 = arith.constant 0 : i32
      %dma_wait3A_526 = tpu.memref_slice %dma_wait3A_523[%dma_wait3A_524, %dma_wait3A_525] : memref<10240x128xf32, #tpu.memory_space<hbm>> -> memref<10240x128xf32, #tpu.memory_space<hbm>>
      tpu.wait_indirect_dma semaphore(%arg12 : memref<!tpu.dma_semaphore, #tpu.memory_space<semaphore_mem>>) src(%dma_wait3A_526 : memref<10240x128xf32, #tpu.memory_space<hbm>>) dst(%dma_wait3A_518 : memref<80x128xf32, #tpu.memory_space<vmem>>)
      %run_scoped3A_527 = arith.constant 1 : i32
      "tpu.region"() ({
        %run_scoped3A_535 = tpu.sem_alloc : memref<!tpu.dma_semaphore, #tpu.memory_space<semaphore_mem>>
        %dma_start3A_536 = arith.constant 0 : i32
        %dma_start3A_537 = arith.constant 0 : i32
        %dma_start3A_538 = tpu.memref_slice %arg10[%run_scoped3A_527, %dma_start3A_536, %dma_start3A_537] : memref<2x80x128xf32, #tpu.memory_space<vmem>> -> memref<1x80x128xf32, #tpu.memory_space<vmem>>
        %dma_start3A_539 = tpu.memref_squeeze %dma_start3A_538 : memref<1x80x128xf32, #tpu.memory_space<vmem>> -> memref<80x128xf32, #tpu.memory_space<vmem>>
        %dma_start3A_540 = arith.constant 0 : i32
        %dma_start3A_541 = tpu.memref_slice %arg9[%add3A_510, %dma_start3A_540] : memref<125x80xi32, #tpu.memory_space<vmem>> -> memref<1x80xi32, #tpu.memory_space<vmem>>
        %dma_start3A_542 = tpu.memref_squeeze %dma_start3A_541 : memref<1x80xi32, #tpu.memory_space<vmem>> -> memref<80xi32, #tpu.memory_space<vmem>>
        %dma_start3A_543 = arith.constant 0 : i32
        %dma_start3A_544 = arith.constant 0 : i32
        %dma_start3A_545 = tpu.memref_slice %arg7[%dma_start3A_543, %dma_start3A_544] : memref<10240x128xf32, #tpu.memory_space<vmem_shared>> -> memref<10240x128xf32, #tpu.memory_space<vmem_shared>>
        tpu.enqueue_indirect_dma source(%dma_start3A_539 : memref<80x128xf32, #tpu.memory_space<vmem>>) target(%dma_start3A_545 : memref<10240x128xf32, #tpu.memory_space<vmem_shared>>) offsets(%dma_start3A_542 : memref<80xi32, #tpu.memory_space<vmem>>) semaphore(%run_scoped3A_535 : memref<!tpu.dma_semaphore, #tpu.memory_space<semaphore_mem>>) {add = true}
        %dma_wait3A_546 = arith.constant 0 : i32
        %dma_wait3A_547 = arith.constant 0 : i32
        %dma_wait3A_548 = tpu.memref_slice %arg10[%run_scoped3A_527, %dma_wait3A_546, %dma_wait3A_547] : memref<2x80x128xf32, #tpu.memory_space<vmem>> -> memref<1x80x128xf32, #tpu.memory_space<vmem>>
        %dma_wait3A_549 = tpu.memref_squeeze %dma_wait3A_548 : memref<1x80x128xf32, #tpu.memory_space<vmem>> -> memref<80x128xf32, #tpu.memory_space<vmem>>
        %dma_wait3A_550 = arith.constant 0 : i32
        %dma_wait3A_551 = tpu.memref_slice %arg9[%add3A_510, %dma_wait3A_550] : memref<125x80xi32, #tpu.memory_space<vmem>> -> memref<1x80xi32, #tpu.memory_space<vmem>>
        %dma_wait3A_552 = tpu.memref_squeeze %dma_wait3A_551 : memref<1x80xi32, #tpu.memory_space<vmem>> -> memref<80xi32, #tpu.memory_space<vmem>>
        %dma_wait3A_553 = arith.constant 0 : i32
        %dma_wait3A_554 = arith.constant 0 : i32
        %dma_wait3A_555 = tpu.memref_slice %arg7[%dma_wait3A_553, %dma_wait3A_554] : memref<10240x128xf32, #tpu.memory_space<vmem_shared>> -> memref<10240x128xf32, #tpu.memory_space<vmem_shared>>
        tpu.wait_indirect_dma semaphore(%run_scoped3A_535 : memref<!tpu.dma_semaphore, #tpu.memory_space<semaphore_mem>>) src(%dma_wait3A_549 : memref<80x128xf32, #tpu.memory_space<vmem>>) dst(%dma_wait3A_555 : memref<10240x128xf32, #tpu.memory_space<vmem_shared>>)
        tpu.yield
      }) : () -> ()
      %add3A_528 = arith.constant 2 : i32
      %add3A_529 = arith.addi %add3A_510, %add3A_528 : i32
      %lt3A_530 = arith.constant 125 : i32
      %lt3A_531 = arith.cmpi slt, %add3A_529, %lt3A_530 : i32
      %convert_element_type3A_532 = arith.extui %lt3A_531 : i1 to i32
      %cond3A_533 = arith.constant 0 : i32
      %cond3A_534 = arith.cmpi ne, %convert_element_type3A_532, %cond3A_533 : i32
      scf.if %cond3A_534 {
        %add3A_535 = arith.constant 2 : i32
        %add3A_536 = arith.addi %add3A_510, %add3A_535 : i32
        %mul3A_537 = arith.constant 80 : i32
        %mul3A_538 = arith.muli %add3A_536, %mul3A_537 : i32
        %multiple_of3A_539 = tpu.assume_multiple %mul3A_538, 8 : i32
        %dma_start3A_540 = arith.constant 1 : i32
        %dma_start3A_541 = arith.constant 0 : i32
        %dma_start3A_542 = arith.constant 0 : i32
        %dma_start3A_543 = tpu.memref_slice %arg10[%dma_start3A_540, %dma_start3A_541, %dma_start3A_542] : memref<2x80x128xf32, #tpu.memory_space<vmem>> -> memref<1x80x128xf32, #tpu.memory_space<vmem>>
        %dma_start3A_544 = tpu.memref_squeeze %dma_start3A_543 : memref<1x80x128xf32, #tpu.memory_space<vmem>> -> memref<80x128xf32, #tpu.memory_space<vmem>>
        %dma_start3A_545 = tpu.memref_slice %arg8[%multiple_of3A_539] : memref<10000xi32, #tpu.memory_space<vmem>> -> memref<80xi32, #tpu.memory_space<vmem>>
        %dma_start3A_546 = arith.constant 0 : i32
        %dma_start3A_547 = arith.constant 0 : i32
        %dma_start3A_548 = tpu.memref_slice %arg2[%scan3A_394, %dma_start3A_546, %dma_start3A_547] : memref<8x10240x128xf32, #tpu.memory_space<hbm>> -> memref<1x10240x128xf32, #tpu.memory_space<hbm>>
        %dma_start3A_549 = tpu.memref_squeeze %dma_start3A_548 : memref<1x10240x128xf32, #tpu.memory_space<hbm>> -> memref<10240x128xf32, #tpu.memory_space<hbm>>
        %dma_start3A_550 = arith.constant 0 : i32
        %dma_start3A_551 = arith.constant 0 : i32
        %dma_start3A_552 = tpu.memref_slice %dma_start3A_549[%dma_start3A_550, %dma_start3A_551] : memref<10240x128xf32, #tpu.memory_space<hbm>> -> memref<10240x128xf32, #tpu.memory_space<hbm>>
        tpu.enqueue_indirect_dma source(%dma_start3A_552 : memref<10240x128xf32, #tpu.memory_space<hbm>>) target(%dma_start3A_544 : memref<80x128xf32, #tpu.memory_space<vmem>>) offsets(%dma_start3A_545 : memref<80xi32, #tpu.memory_space<vmem>>) semaphore(%arg12 : memref<!tpu.dma_semaphore, #tpu.memory_space<semaphore_mem>>)
      } else {
      }
    }
    %scan3A_399 = arith.constant 62 : i32
    %multiple_of3A_400 = arith.constant 9920 : i32
    %multiple_of3A_401 = tpu.assume_multiple %multiple_of3A_400, 8 : i32
    %dma_wait3A_402 = arith.constant 6 : i32
    %dma_wait3A_403 = arith.constant 0 : i32
    %dma_wait3A_404 = arith.constant 0 : i32
    %dma_wait3A_405 = arith.constant 0 : i32
    %dma_wait3A_406 = tpu.memref_slice %arg10[%dma_wait3A_403, %dma_wait3A_404, %dma_wait3A_405] : memref<2x80x128xf32, #tpu.memory_space<vmem>> -> memref<1x80x128xf32, #tpu.memory_space<vmem>>
    %dma_wait3A_407 = tpu.memref_squeeze %dma_wait3A_406 : memref<1x80x128xf32, #tpu.memory_space<vmem>> -> memref<80x128xf32, #tpu.memory_space<vmem>>
    %dma_wait3A_408 = tpu.memref_slice %arg8[%multiple_of3A_401] : memref<10000xi32, #tpu.memory_space<vmem>> -> memref<80xi32, #tpu.memory_space<vmem>>
    %dma_wait3A_409 = arith.constant 0 : i32
    %dma_wait3A_410 = arith.constant 0 : i32
    %dma_wait3A_411 = tpu.memref_slice %arg2[%dma_wait3A_402, %dma_wait3A_409, %dma_wait3A_410] : memref<8x10240x128xf32, #tpu.memory_space<hbm>> -> memref<1x10240x128xf32, #tpu.memory_space<hbm>>
    %dma_wait3A_412 = tpu.memref_squeeze %dma_wait3A_411 : memref<1x10240x128xf32, #tpu.memory_space<hbm>> -> memref<10240x128xf32, #tpu.memory_space<hbm>>
    %dma_wait3A_413 = arith.constant 0 : i32
    %dma_wait3A_414 = arith.constant 0 : i32
    %dma_wait3A_415 = tpu.memref_slice %dma_wait3A_412[%dma_wait3A_413, %dma_wait3A_414] : memref<10240x128xf32, #tpu.memory_space<hbm>> -> memref<10240x128xf32, #tpu.memory_space<hbm>>
    tpu.wait_indirect_dma semaphore(%arg11 : memref<!tpu.dma_semaphore, #tpu.memory_space<semaphore_mem>>) src(%dma_wait3A_415 : memref<10240x128xf32, #tpu.memory_space<hbm>>) dst(%dma_wait3A_407 : memref<80x128xf32, #tpu.memory_space<vmem>>)
    %run_scoped3A_416 = arith.constant 0 : i32
    %run_scoped3A_417 = arith.constant 124 : i32
    "tpu.region"() ({
      %run_scoped3A_481 = tpu.sem_alloc : memref<!tpu.dma_semaphore, #tpu.memory_space<semaphore_mem>>
      %dma_start3A_482 = arith.constant 0 : i32
      %dma_start3A_483 = arith.constant 0 : i32
      %dma_start3A_484 = tpu.memref_slice %arg10[%run_scoped3A_416, %dma_start3A_482, %dma_start3A_483] : memref<2x80x128xf32, #tpu.memory_space<vmem>> -> memref<1x80x128xf32, #tpu.memory_space<vmem>>
      %dma_start3A_485 = tpu.memref_squeeze %dma_start3A_484 : memref<1x80x128xf32, #tpu.memory_space<vmem>> -> memref<80x128xf32, #tpu.memory_space<vmem>>
      %dma_start3A_486 = arith.constant 0 : i32
      %dma_start3A_487 = tpu.memref_slice %arg9[%run_scoped3A_417, %dma_start3A_486] : memref<125x80xi32, #tpu.memory_space<vmem>> -> memref<1x80xi32, #tpu.memory_space<vmem>>
      %dma_start3A_488 = tpu.memref_squeeze %dma_start3A_487 : memref<1x80xi32, #tpu.memory_space<vmem>> -> memref<80xi32, #tpu.memory_space<vmem>>
      %dma_start3A_489 = arith.constant 0 : i32
      %dma_start3A_490 = arith.constant 0 : i32
      %dma_start3A_491 = tpu.memref_slice %arg7[%dma_start3A_489, %dma_start3A_490] : memref<10240x128xf32, #tpu.memory_space<vmem_shared>> -> memref<10240x128xf32, #tpu.memory_space<vmem_shared>>
      tpu.enqueue_indirect_dma source(%dma_start3A_485 : memref<80x128xf32, #tpu.memory_space<vmem>>) target(%dma_start3A_491 : memref<10240x128xf32, #tpu.memory_space<vmem_shared>>) offsets(%dma_start3A_488 : memref<80xi32, #tpu.memory_space<vmem>>) semaphore(%run_scoped3A_481 : memref<!tpu.dma_semaphore, #tpu.memory_space<semaphore_mem>>) {add = true}
      %dma_wait3A_492 = arith.constant 0 : i32
      %dma_wait3A_493 = arith.constant 0 : i32
      %dma_wait3A_494 = tpu.memref_slice %arg10[%run_scoped3A_416, %dma_wait3A_492, %dma_wait3A_493] : memref<2x80x128xf32, #tpu.memory_space<vmem>> -> memref<1x80x128xf32, #tpu.memory_space<vmem>>
      %dma_wait3A_495 = tpu.memref_squeeze %dma_wait3A_494 : memref<1x80x128xf32, #tpu.memory_space<vmem>> -> memref<80x128xf32, #tpu.memory_space<vmem>>
      %dma_wait3A_496 = arith.constant 0 : i32
      %dma_wait3A_497 = tpu.memref_slice %arg9[%run_scoped3A_417, %dma_wait3A_496] : memref<125x80xi32, #tpu.memory_space<vmem>> -> memref<1x80xi32, #tpu.memory_space<vmem>>
      %dma_wait3A_498 = tpu.memref_squeeze %dma_wait3A_497 : memref<1x80xi32, #tpu.memory_space<vmem>> -> memref<80xi32, #tpu.memory_space<vmem>>
      %dma_wait3A_499 = arith.constant 0 : i32
      %dma_wait3A_500 = arith.constant 0 : i32
      %dma_wait3A_501 = tpu.memref_slice %arg7[%dma_wait3A_499, %dma_wait3A_500] : memref<10240x128xf32, #tpu.memory_space<vmem_shared>> -> memref<10240x128xf32, #tpu.memory_space<vmem_shared>>
      tpu.wait_indirect_dma semaphore(%run_scoped3A_481 : memref<!tpu.dma_semaphore, #tpu.memory_space<semaphore_mem>>) src(%dma_wait3A_495 : memref<80x128xf32, #tpu.memory_space<vmem>>) dst(%dma_wait3A_501 : memref<10240x128xf32, #tpu.memory_space<vmem_shared>>)
      tpu.yield
    }) : () -> ()
    %barrier3A_418 = arith.constant 0 : index
    tpu.barrier barrier_id(%barrier3A_418)
    %run_scoped3A_419 = arith.constant 6 : i32
    "tpu.region"() ({
      %run_scoped3A_481 = tpu.sem_alloc : memref<!tpu.dma_semaphore, #tpu.memory_space<semaphore_mem>>
      %dma_start3A_482 = arith.constant 0 : i32
      %dma_start3A_483 = arith.constant 0 : i32
      %dma_start3A_484 = arith.constant 0 : i32
      %dma_start3A_485 = tpu.memref_slice %arg6[%arg0, %dma_start3A_482, %dma_start3A_483, %dma_start3A_484] : memref<2x8x10240x128xf32, #tpu.memory_space<hbm>> -> memref<1x8x10240x128xf32, #tpu.memory_space<hbm>>
      %dma_start3A_486 = tpu.memref_squeeze %dma_start3A_485 : memref<1x8x10240x128xf32, #tpu.memory_space<hbm>> -> memref<8x10240x128xf32, #tpu.memory_space<hbm>>
      %dma_start3A_487 = arith.constant 0 : i32
      %dma_start3A_488 = arith.constant 0 : i32
      %dma_start3A_489 = tpu.memref_slice %dma_start3A_486[%run_scoped3A_419, %dma_start3A_487, %dma_start3A_488] : memref<8x10240x128xf32, #tpu.memory_space<hbm>> -> memref<1x10240x128xf32, #tpu.memory_space<hbm>>
      %dma_start3A_490 = tpu.memref_squeeze %dma_start3A_489 : memref<1x10240x128xf32, #tpu.memory_space<hbm>> -> memref<10240x128xf32, #tpu.memory_space<hbm>>
      %dma_start3A_491 = arith.constant 0 : i32
      %dma_start3A_492 = tpu.memref_slice %dma_start3A_490[%multiple_of3A, %dma_start3A_491] : memref<10240x128xf32, #tpu.memory_space<hbm>> -> memref<640x128xf32, #tpu.memory_space<hbm>>
      %dma_start3A_493 = arith.constant 0 : i32
      %dma_start3A_494 = tpu.memref_slice %arg7[%multiple_of3A, %dma_start3A_493] : memref<10240x128xf32, #tpu.memory_space<vmem_shared>> -> memref<640x128xf32, #tpu.memory_space<vmem_shared>>
      tpu.enqueue_dma source(%dma_start3A_494 : memref<640x128xf32, #tpu.memory_space<vmem_shared>>) target(%dma_start3A_492 : memref<640x128xf32, #tpu.memory_space<hbm>>) target_semaphore(%run_scoped3A_481 : memref<!tpu.dma_semaphore, #tpu.memory_space<semaphore_mem>>)
      %dma_wait3A_495 = arith.constant 0 : i32
      %dma_wait3A_496 = arith.constant 0 : i32
      %dma_wait3A_497 = arith.constant 0 : i32
      %dma_wait3A_498 = tpu.memref_slice %arg6[%arg0, %dma_wait3A_495, %dma_wait3A_496, %dma_wait3A_497] : memref<2x8x10240x128xf32, #tpu.memory_space<hbm>> -> memref<1x8x10240x128xf32, #tpu.memory_space<hbm>>
      %dma_wait3A_499 = tpu.memref_squeeze %dma_wait3A_498 : memref<1x8x10240x128xf32, #tpu.memory_space<hbm>> -> memref<8x10240x128xf32, #tpu.memory_space<hbm>>
      %dma_wait3A_500 = arith.constant 0 : i32
      %dma_wait3A_501 = arith.constant 0 : i32
      %dma_wait3A_502 = tpu.memref_slice %dma_wait3A_499[%run_scoped3A_419, %dma_wait3A_500, %dma_wait3A_501] : memref<8x10240x128xf32, #tpu.memory_space<hbm>> -> memref<1x10240x128xf32, #tpu.memory_space<hbm>>
      %dma_wait3A_503 = tpu.memref_squeeze %dma_wait3A_502 : memref<1x10240x128xf32, #tpu.memory_space<hbm>> -> memref<10240x128xf32, #tpu.memory_space<hbm>>
      %dma_wait3A_504 = arith.constant 0 : i32
      %dma_wait3A_505 = tpu.memref_slice %dma_wait3A_503[%multiple_of3A, %dma_wait3A_504] : memref<10240x128xf32, #tpu.memory_space<hbm>> -> memref<640x128xf32, #tpu.memory_space<hbm>>
      %dma_wait3A_506 = arith.constant 0 : i32
      %dma_wait3A_507 = tpu.memref_slice %arg7[%multiple_of3A, %dma_wait3A_506] : memref<10240x128xf32, #tpu.memory_space<vmem_shared>> -> memref<640x128xf32, #tpu.memory_space<vmem_shared>>
      tpu.wait_dma2 semaphore(%run_scoped3A_481 : memref<!tpu.dma_semaphore, #tpu.memory_space<semaphore_mem>>) src(%dma_wait3A_507 : memref<640x128xf32, #tpu.memory_space<vmem_shared>>) dst(%dma_wait3A_505 : memref<640x128xf32, #tpu.memory_space<hbm>>)
      tpu.yield
    }) : () -> ()
    %barrier3A_420 = arith.constant 0 : index
    tpu.barrier barrier_id(%barrier3A_420)
    "tpu.region"() ({
      %run_scoped3A_481 = tpu.sem_alloc : memref<!tpu.dma_semaphore, #tpu.memory_space<semaphore_mem>>
      %dma_start3A_482 = arith.constant 0 : i32
      %dma_start3A_483 = tpu.memref_slice %arg7[%multiple_of3A, %dma_start3A_482] : memref<10240x128xf32, #tpu.memory_space<vmem_shared>> -> memref<640x128xf32, #tpu.memory_space<vmem_shared>>
      tpu.enqueue_dma source(%arg5 : memref<640x128xf32, #tpu.memory_space<hbm>>) target(%dma_start3A_483 : memref<640x128xf32, #tpu.memory_space<vmem_shared>>) target_semaphore(%run_scoped3A_481 : memref<!tpu.dma_semaphore, #tpu.memory_space<semaphore_mem>>)
      %dma_wait3A_484 = arith.constant 0 : i32
      %dma_wait3A_485 = tpu.memref_slice %arg7[%multiple_of3A, %dma_wait3A_484] : memref<10240x128xf32, #tpu.memory_space<vmem_shared>> -> memref<640x128xf32, #tpu.memory_space<vmem_shared>>
      tpu.wait_dma2 semaphore(%run_scoped3A_481 : memref<!tpu.dma_semaphore, #tpu.memory_space<semaphore_mem>>) src(%arg5 : memref<640x128xf32, #tpu.memory_space<hbm>>) dst(%dma_wait3A_485 : memref<640x128xf32, #tpu.memory_space<vmem_shared>>)
      tpu.yield
    }) : () -> ()
    %barrier3A_421 = arith.constant 0 : index
    tpu.barrier barrier_id(%barrier3A_421)
    %multiple_of3A_422 = arith.constant 0 : i32
    %multiple_of3A_423 = tpu.assume_multiple %multiple_of3A_422, 8 : i32
    %dma_start3A_424 = arith.constant 7 : i32
    %dma_start3A_425 = arith.constant 0 : i32
    %dma_start3A_426 = arith.constant 0 : i32
    %dma_start3A_427 = arith.constant 0 : i32
    %dma_start3A_428 = tpu.memref_slice %arg10[%dma_start3A_425, %dma_start3A_426, %dma_start3A_427] : memref<2x80x128xf32, #tpu.memory_space<vmem>> -> memref<1x80x128xf32, #tpu.memory_space<vmem>>
    %dma_start3A_429 = tpu.memref_squeeze %dma_start3A_428 : memref<1x80x128xf32, #tpu.memory_space<vmem>> -> memref<80x128xf32, #tpu.memory_space<vmem>>
    %dma_start3A_430 = tpu.memref_slice %arg8[%multiple_of3A_423] : memref<10000xi32, #tpu.memory_space<vmem>> -> memref<80xi32, #tpu.memory_space<vmem>>
    %dma_start3A_431 = arith.constant 0 : i32
    %dma_start3A_432 = arith.constant 0 : i32
    %dma_start3A_433 = tpu.memref_slice %arg2[%dma_start3A_424, %dma_start3A_431, %dma_start3A_432] : memref<8x10240x128xf32, #tpu.memory_space<hbm>> -> memref<1x10240x128xf32, #tpu.memory_space<hbm>>
    %dma_start3A_434 = tpu.memref_squeeze %dma_start3A_433 : memref<1x10240x128xf32, #tpu.memory_space<hbm>> -> memref<10240x128xf32, #tpu.memory_space<hbm>>
    %dma_start3A_435 = arith.constant 0 : i32
    %dma_start3A_436 = arith.constant 0 : i32
    %dma_start3A_437 = tpu.memref_slice %dma_start3A_434[%dma_start3A_435, %dma_start3A_436] : memref<10240x128xf32, #tpu.memory_space<hbm>> -> memref<10240x128xf32, #tpu.memory_space<hbm>>
    tpu.enqueue_indirect_dma source(%dma_start3A_437 : memref<10240x128xf32, #tpu.memory_space<hbm>>) target(%dma_start3A_429 : memref<80x128xf32, #tpu.memory_space<vmem>>) offsets(%dma_start3A_430 : memref<80xi32, #tpu.memory_space<vmem>>) semaphore(%arg11 : memref<!tpu.dma_semaphore, #tpu.memory_space<semaphore_mem>>)
    %multiple_of3A_438 = arith.constant 80 : i32
    %multiple_of3A_439 = tpu.assume_multiple %multiple_of3A_438, 8 : i32
    %dma_start3A_440 = arith.constant 7 : i32
    %dma_start3A_441 = arith.constant 1 : i32
    %dma_start3A_442 = arith.constant 0 : i32
    %dma_start3A_443 = arith.constant 0 : i32
    %dma_start3A_444 = tpu.memref_slice %arg10[%dma_start3A_441, %dma_start3A_442, %dma_start3A_443] : memref<2x80x128xf32, #tpu.memory_space<vmem>> -> memref<1x80x128xf32, #tpu.memory_space<vmem>>
    %dma_start3A_445 = tpu.memref_squeeze %dma_start3A_444 : memref<1x80x128xf32, #tpu.memory_space<vmem>> -> memref<80x128xf32, #tpu.memory_space<vmem>>
    %dma_start3A_446 = tpu.memref_slice %arg8[%multiple_of3A_439] : memref<10000xi32, #tpu.memory_space<vmem>> -> memref<80xi32, #tpu.memory_space<vmem>>
    %dma_start3A_447 = arith.constant 0 : i32
    %dma_start3A_448 = arith.constant 0 : i32
    %dma_start3A_449 = tpu.memref_slice %arg2[%dma_start3A_440, %dma_start3A_447, %dma_start3A_448] : memref<8x10240x128xf32, #tpu.memory_space<hbm>> -> memref<1x10240x128xf32, #tpu.memory_space<hbm>>
    %dma_start3A_450 = tpu.memref_squeeze %dma_start3A_449 : memref<1x10240x128xf32, #tpu.memory_space<hbm>> -> memref<10240x128xf32, #tpu.memory_space<hbm>>
    %dma_start3A_451 = arith.constant 0 : i32
    %dma_start3A_452 = arith.constant 0 : i32
    %dma_start3A_453 = tpu.memref_slice %dma_start3A_450[%dma_start3A_451, %dma_start3A_452] : memref<10240x128xf32, #tpu.memory_space<hbm>> -> memref<10240x128xf32, #tpu.memory_space<hbm>>
    tpu.enqueue_indirect_dma source(%dma_start3A_453 : memref<10240x128xf32, #tpu.memory_space<hbm>>) target(%dma_start3A_445 : memref<80x128xf32, #tpu.memory_space<vmem>>) offsets(%dma_start3A_446 : memref<80xi32, #tpu.memory_space<vmem>>) semaphore(%arg12 : memref<!tpu.dma_semaphore, #tpu.memory_space<semaphore_mem>>)
    %scan3A_454 = arith.constant 7 : i32
    %scan3A_455 = arith.constant 0 : i32
    %scan3A_456 = arith.constant 62 : i32
    %scan3A_457 = arith.addi %scan3A_455, %scan3A_456 : i32
    %scan3A_458 = arith.constant 1 : i32
    scf.for %scan3A_481 = %scan3A_455 to %scan3A_457 step %scan3A_458  : i32 {
      %mul3A_482 = arith.constant 2 : i32
      %mul3A_483 = arith.muli %scan3A_481, %mul3A_482 : i32
      %add3A_484 = arith.constant 0 : i32
      %add3A_485 = arith.addi %add3A_484, %mul3A_483 : i32
      %add3A_486 = arith.constant 0 : i32
      %add3A_487 = arith.addi %add3A_485, %add3A_486 : i32
      %mul3A_488 = arith.constant 80 : i32
      %mul3A_489 = arith.muli %add3A_487, %mul3A_488 : i32
      %multiple_of3A_490 = tpu.assume_multiple %mul3A_489, 8 : i32
      %dma_wait3A_491 = arith.constant 0 : i32
      %dma_wait3A_492 = arith.constant 0 : i32
      %dma_wait3A_493 = arith.constant 0 : i32
      %dma_wait3A_494 = tpu.memref_slice %arg10[%dma_wait3A_491, %dma_wait3A_492, %dma_wait3A_493] : memref<2x80x128xf32, #tpu.memory_space<vmem>> -> memref<1x80x128xf32, #tpu.memory_space<vmem>>
      %dma_wait3A_495 = tpu.memref_squeeze %dma_wait3A_494 : memref<1x80x128xf32, #tpu.memory_space<vmem>> -> memref<80x128xf32, #tpu.memory_space<vmem>>
      %dma_wait3A_496 = tpu.memref_slice %arg8[%multiple_of3A_490] : memref<10000xi32, #tpu.memory_space<vmem>> -> memref<80xi32, #tpu.memory_space<vmem>>
      %dma_wait3A_497 = arith.constant 0 : i32
      %dma_wait3A_498 = arith.constant 0 : i32
      %dma_wait3A_499 = tpu.memref_slice %arg2[%scan3A_454, %dma_wait3A_497, %dma_wait3A_498] : memref<8x10240x128xf32, #tpu.memory_space<hbm>> -> memref<1x10240x128xf32, #tpu.memory_space<hbm>>
      %dma_wait3A_500 = tpu.memref_squeeze %dma_wait3A_499 : memref<1x10240x128xf32, #tpu.memory_space<hbm>> -> memref<10240x128xf32, #tpu.memory_space<hbm>>
      %dma_wait3A_501 = arith.constant 0 : i32
      %dma_wait3A_502 = arith.constant 0 : i32
      %dma_wait3A_503 = tpu.memref_slice %dma_wait3A_500[%dma_wait3A_501, %dma_wait3A_502] : memref<10240x128xf32, #tpu.memory_space<hbm>> -> memref<10240x128xf32, #tpu.memory_space<hbm>>
      tpu.wait_indirect_dma semaphore(%arg11 : memref<!tpu.dma_semaphore, #tpu.memory_space<semaphore_mem>>) src(%dma_wait3A_503 : memref<10240x128xf32, #tpu.memory_space<hbm>>) dst(%dma_wait3A_495 : memref<80x128xf32, #tpu.memory_space<vmem>>)
      %run_scoped3A_504 = arith.constant 0 : i32
      "tpu.region"() ({
        %run_scoped3A_535 = tpu.sem_alloc : memref<!tpu.dma_semaphore, #tpu.memory_space<semaphore_mem>>
        %dma_start3A_536 = arith.constant 0 : i32
        %dma_start3A_537 = arith.constant 0 : i32
        %dma_start3A_538 = tpu.memref_slice %arg10[%run_scoped3A_504, %dma_start3A_536, %dma_start3A_537] : memref<2x80x128xf32, #tpu.memory_space<vmem>> -> memref<1x80x128xf32, #tpu.memory_space<vmem>>
        %dma_start3A_539 = tpu.memref_squeeze %dma_start3A_538 : memref<1x80x128xf32, #tpu.memory_space<vmem>> -> memref<80x128xf32, #tpu.memory_space<vmem>>
        %dma_start3A_540 = arith.constant 0 : i32
        %dma_start3A_541 = tpu.memref_slice %arg9[%add3A_487, %dma_start3A_540] : memref<125x80xi32, #tpu.memory_space<vmem>> -> memref<1x80xi32, #tpu.memory_space<vmem>>
        %dma_start3A_542 = tpu.memref_squeeze %dma_start3A_541 : memref<1x80xi32, #tpu.memory_space<vmem>> -> memref<80xi32, #tpu.memory_space<vmem>>
        %dma_start3A_543 = arith.constant 0 : i32
        %dma_start3A_544 = arith.constant 0 : i32
        %dma_start3A_545 = tpu.memref_slice %arg7[%dma_start3A_543, %dma_start3A_544] : memref<10240x128xf32, #tpu.memory_space<vmem_shared>> -> memref<10240x128xf32, #tpu.memory_space<vmem_shared>>
        tpu.enqueue_indirect_dma source(%dma_start3A_539 : memref<80x128xf32, #tpu.memory_space<vmem>>) target(%dma_start3A_545 : memref<10240x128xf32, #tpu.memory_space<vmem_shared>>) offsets(%dma_start3A_542 : memref<80xi32, #tpu.memory_space<vmem>>) semaphore(%run_scoped3A_535 : memref<!tpu.dma_semaphore, #tpu.memory_space<semaphore_mem>>) {add = true}
        %dma_wait3A_546 = arith.constant 0 : i32
        %dma_wait3A_547 = arith.constant 0 : i32
        %dma_wait3A_548 = tpu.memref_slice %arg10[%run_scoped3A_504, %dma_wait3A_546, %dma_wait3A_547] : memref<2x80x128xf32, #tpu.memory_space<vmem>> -> memref<1x80x128xf32, #tpu.memory_space<vmem>>
        %dma_wait3A_549 = tpu.memref_squeeze %dma_wait3A_548 : memref<1x80x128xf32, #tpu.memory_space<vmem>> -> memref<80x128xf32, #tpu.memory_space<vmem>>
        %dma_wait3A_550 = arith.constant 0 : i32
        %dma_wait3A_551 = tpu.memref_slice %arg9[%add3A_487, %dma_wait3A_550] : memref<125x80xi32, #tpu.memory_space<vmem>> -> memref<1x80xi32, #tpu.memory_space<vmem>>
        %dma_wait3A_552 = tpu.memref_squeeze %dma_wait3A_551 : memref<1x80xi32, #tpu.memory_space<vmem>> -> memref<80xi32, #tpu.memory_space<vmem>>
        %dma_wait3A_553 = arith.constant 0 : i32
        %dma_wait3A_554 = arith.constant 0 : i32
        %dma_wait3A_555 = tpu.memref_slice %arg7[%dma_wait3A_553, %dma_wait3A_554] : memref<10240x128xf32, #tpu.memory_space<vmem_shared>> -> memref<10240x128xf32, #tpu.memory_space<vmem_shared>>
        tpu.wait_indirect_dma semaphore(%run_scoped3A_535 : memref<!tpu.dma_semaphore, #tpu.memory_space<semaphore_mem>>) src(%dma_wait3A_549 : memref<80x128xf32, #tpu.memory_space<vmem>>) dst(%dma_wait3A_555 : memref<10240x128xf32, #tpu.memory_space<vmem_shared>>)
        tpu.yield
      }) : () -> ()
      %add3A_505 = arith.constant 2 : i32
      %add3A_506 = arith.addi %add3A_487, %add3A_505 : i32
      %lt3A = arith.constant 125 : i32
      %lt3A_507 = arith.cmpi slt, %add3A_506, %lt3A : i32
      %convert_element_type3A = arith.extui %lt3A_507 : i1 to i32
      %cond3A = arith.constant 0 : i32
      %cond3A_508 = arith.cmpi ne, %convert_element_type3A, %cond3A : i32
      scf.if %cond3A_508 {
        %add3A_535 = arith.constant 2 : i32
        %add3A_536 = arith.addi %add3A_487, %add3A_535 : i32
        %mul3A_537 = arith.constant 80 : i32
        %mul3A_538 = arith.muli %add3A_536, %mul3A_537 : i32
        %multiple_of3A_539 = tpu.assume_multiple %mul3A_538, 8 : i32
        %dma_start3A_540 = arith.constant 0 : i32
        %dma_start3A_541 = arith.constant 0 : i32
        %dma_start3A_542 = arith.constant 0 : i32
        %dma_start3A_543 = tpu.memref_slice %arg10[%dma_start3A_540, %dma_start3A_541, %dma_start3A_542] : memref<2x80x128xf32, #tpu.memory_space<vmem>> -> memref<1x80x128xf32, #tpu.memory_space<vmem>>
        %dma_start3A_544 = tpu.memref_squeeze %dma_start3A_543 : memref<1x80x128xf32, #tpu.memory_space<vmem>> -> memref<80x128xf32, #tpu.memory_space<vmem>>
        %dma_start3A_545 = tpu.memref_slice %arg8[%multiple_of3A_539] : memref<10000xi32, #tpu.memory_space<vmem>> -> memref<80xi32, #tpu.memory_space<vmem>>
        %dma_start3A_546 = arith.constant 0 : i32
        %dma_start3A_547 = arith.constant 0 : i32
        %dma_start3A_548 = tpu.memref_slice %arg2[%scan3A_454, %dma_start3A_546, %dma_start3A_547] : memref<8x10240x128xf32, #tpu.memory_space<hbm>> -> memref<1x10240x128xf32, #tpu.memory_space<hbm>>
        %dma_start3A_549 = tpu.memref_squeeze %dma_start3A_548 : memref<1x10240x128xf32, #tpu.memory_space<hbm>> -> memref<10240x128xf32, #tpu.memory_space<hbm>>
        %dma_start3A_550 = arith.constant 0 : i32
        %dma_start3A_551 = arith.constant 0 : i32
        %dma_start3A_552 = tpu.memref_slice %dma_start3A_549[%dma_start3A_550, %dma_start3A_551] : memref<10240x128xf32, #tpu.memory_space<hbm>> -> memref<10240x128xf32, #tpu.memory_space<hbm>>
        tpu.enqueue_indirect_dma source(%dma_start3A_552 : memref<10240x128xf32, #tpu.memory_space<hbm>>) target(%dma_start3A_544 : memref<80x128xf32, #tpu.memory_space<vmem>>) offsets(%dma_start3A_545 : memref<80xi32, #tpu.memory_space<vmem>>) semaphore(%arg11 : memref<!tpu.dma_semaphore, #tpu.memory_space<semaphore_mem>>)
      } else {
      }
      %add3A_509 = arith.constant 1 : i32
      %add3A_510 = arith.addi %add3A_485, %add3A_509 : i32
      %mul3A_511 = arith.constant 80 : i32
      %mul3A_512 = arith.muli %add3A_510, %mul3A_511 : i32
      %multiple_of3A_513 = tpu.assume_multiple %mul3A_512, 8 : i32
      %dma_wait3A_514 = arith.constant 1 : i32
      %dma_wait3A_515 = arith.constant 0 : i32
      %dma_wait3A_516 = arith.constant 0 : i32
      %dma_wait3A_517 = tpu.memref_slice %arg10[%dma_wait3A_514, %dma_wait3A_515, %dma_wait3A_516] : memref<2x80x128xf32, #tpu.memory_space<vmem>> -> memref<1x80x128xf32, #tpu.memory_space<vmem>>
      %dma_wait3A_518 = tpu.memref_squeeze %dma_wait3A_517 : memref<1x80x128xf32, #tpu.memory_space<vmem>> -> memref<80x128xf32, #tpu.memory_space<vmem>>
      %dma_wait3A_519 = tpu.memref_slice %arg8[%multiple_of3A_513] : memref<10000xi32, #tpu.memory_space<vmem>> -> memref<80xi32, #tpu.memory_space<vmem>>
      %dma_wait3A_520 = arith.constant 0 : i32
      %dma_wait3A_521 = arith.constant 0 : i32
      %dma_wait3A_522 = tpu.memref_slice %arg2[%scan3A_454, %dma_wait3A_520, %dma_wait3A_521] : memref<8x10240x128xf32, #tpu.memory_space<hbm>> -> memref<1x10240x128xf32, #tpu.memory_space<hbm>>
      %dma_wait3A_523 = tpu.memref_squeeze %dma_wait3A_522 : memref<1x10240x128xf32, #tpu.memory_space<hbm>> -> memref<10240x128xf32, #tpu.memory_space<hbm>>
      %dma_wait3A_524 = arith.constant 0 : i32
      %dma_wait3A_525 = arith.constant 0 : i32
      %dma_wait3A_526 = tpu.memref_slice %dma_wait3A_523[%dma_wait3A_524, %dma_wait3A_525] : memref<10240x128xf32, #tpu.memory_space<hbm>> -> memref<10240x128xf32, #tpu.memory_space<hbm>>
      tpu.wait_indirect_dma semaphore(%arg12 : memref<!tpu.dma_semaphore, #tpu.memory_space<semaphore_mem>>) src(%dma_wait3A_526 : memref<10240x128xf32, #tpu.memory_space<hbm>>) dst(%dma_wait3A_518 : memref<80x128xf32, #tpu.memory_space<vmem>>)
      %run_scoped3A_527 = arith.constant 1 : i32
      "tpu.region"() ({
        %run_scoped3A_535 = tpu.sem_alloc : memref<!tpu.dma_semaphore, #tpu.memory_space<semaphore_mem>>
        %dma_start3A_536 = arith.constant 0 : i32
        %dma_start3A_537 = arith.constant 0 : i32
        %dma_start3A_538 = tpu.memref_slice %arg10[%run_scoped3A_527, %dma_start3A_536, %dma_start3A_537] : memref<2x80x128xf32, #tpu.memory_space<vmem>> -> memref<1x80x128xf32, #tpu.memory_space<vmem>>
        %dma_start3A_539 = tpu.memref_squeeze %dma_start3A_538 : memref<1x80x128xf32, #tpu.memory_space<vmem>> -> memref<80x128xf32, #tpu.memory_space<vmem>>
        %dma_start3A_540 = arith.constant 0 : i32
        %dma_start3A_541 = tpu.memref_slice %arg9[%add3A_510, %dma_start3A_540] : memref<125x80xi32, #tpu.memory_space<vmem>> -> memref<1x80xi32, #tpu.memory_space<vmem>>
        %dma_start3A_542 = tpu.memref_squeeze %dma_start3A_541 : memref<1x80xi32, #tpu.memory_space<vmem>> -> memref<80xi32, #tpu.memory_space<vmem>>
        %dma_start3A_543 = arith.constant 0 : i32
        %dma_start3A_544 = arith.constant 0 : i32
        %dma_start3A_545 = tpu.memref_slice %arg7[%dma_start3A_543, %dma_start3A_544] : memref<10240x128xf32, #tpu.memory_space<vmem_shared>> -> memref<10240x128xf32, #tpu.memory_space<vmem_shared>>
        tpu.enqueue_indirect_dma source(%dma_start3A_539 : memref<80x128xf32, #tpu.memory_space<vmem>>) target(%dma_start3A_545 : memref<10240x128xf32, #tpu.memory_space<vmem_shared>>) offsets(%dma_start3A_542 : memref<80xi32, #tpu.memory_space<vmem>>) semaphore(%run_scoped3A_535 : memref<!tpu.dma_semaphore, #tpu.memory_space<semaphore_mem>>) {add = true}
        %dma_wait3A_546 = arith.constant 0 : i32
        %dma_wait3A_547 = arith.constant 0 : i32
        %dma_wait3A_548 = tpu.memref_slice %arg10[%run_scoped3A_527, %dma_wait3A_546, %dma_wait3A_547] : memref<2x80x128xf32, #tpu.memory_space<vmem>> -> memref<1x80x128xf32, #tpu.memory_space<vmem>>
        %dma_wait3A_549 = tpu.memref_squeeze %dma_wait3A_548 : memref<1x80x128xf32, #tpu.memory_space<vmem>> -> memref<80x128xf32, #tpu.memory_space<vmem>>
        %dma_wait3A_550 = arith.constant 0 : i32
        %dma_wait3A_551 = tpu.memref_slice %arg9[%add3A_510, %dma_wait3A_550] : memref<125x80xi32, #tpu.memory_space<vmem>> -> memref<1x80xi32, #tpu.memory_space<vmem>>
        %dma_wait3A_552 = tpu.memref_squeeze %dma_wait3A_551 : memref<1x80xi32, #tpu.memory_space<vmem>> -> memref<80xi32, #tpu.memory_space<vmem>>
        %dma_wait3A_553 = arith.constant 0 : i32
        %dma_wait3A_554 = arith.constant 0 : i32
        %dma_wait3A_555 = tpu.memref_slice %arg7[%dma_wait3A_553, %dma_wait3A_554] : memref<10240x128xf32, #tpu.memory_space<vmem_shared>> -> memref<10240x128xf32, #tpu.memory_space<vmem_shared>>
        tpu.wait_indirect_dma semaphore(%run_scoped3A_535 : memref<!tpu.dma_semaphore, #tpu.memory_space<semaphore_mem>>) src(%dma_wait3A_549 : memref<80x128xf32, #tpu.memory_space<vmem>>) dst(%dma_wait3A_555 : memref<10240x128xf32, #tpu.memory_space<vmem_shared>>)
        tpu.yield
      }) : () -> ()
      %add3A_528 = arith.constant 2 : i32
      %add3A_529 = arith.addi %add3A_510, %add3A_528 : i32
      %lt3A_530 = arith.constant 125 : i32
      %lt3A_531 = arith.cmpi slt, %add3A_529, %lt3A_530 : i32
      %convert_element_type3A_532 = arith.extui %lt3A_531 : i1 to i32
      %cond3A_533 = arith.constant 0 : i32
      %cond3A_534 = arith.cmpi ne, %convert_element_type3A_532, %cond3A_533 : i32
      scf.if %cond3A_534 {
        %add3A_535 = arith.constant 2 : i32
        %add3A_536 = arith.addi %add3A_510, %add3A_535 : i32
        %mul3A_537 = arith.constant 80 : i32
        %mul3A_538 = arith.muli %add3A_536, %mul3A_537 : i32
        %multiple_of3A_539 = tpu.assume_multiple %mul3A_538, 8 : i32
        %dma_start3A_540 = arith.constant 1 : i32
        %dma_start3A_541 = arith.constant 0 : i32
        %dma_start3A_542 = arith.constant 0 : i32
        %dma_start3A_543 = tpu.memref_slice %arg10[%dma_start3A_540, %dma_start3A_541, %dma_start3A_542] : memref<2x80x128xf32, #tpu.memory_space<vmem>> -> memref<1x80x128xf32, #tpu.memory_space<vmem>>
        %dma_start3A_544 = tpu.memref_squeeze %dma_start3A_543 : memref<1x80x128xf32, #tpu.memory_space<vmem>> -> memref<80x128xf32, #tpu.memory_space<vmem>>
        %dma_start3A_545 = tpu.memref_slice %arg8[%multiple_of3A_539] : memref<10000xi32, #tpu.memory_space<vmem>> -> memref<80xi32, #tpu.memory_space<vmem>>
        %dma_start3A_546 = arith.constant 0 : i32
        %dma_start3A_547 = arith.constant 0 : i32
        %dma_start3A_548 = tpu.memref_slice %arg2[%scan3A_454, %dma_start3A_546, %dma_start3A_547] : memref<8x10240x128xf32, #tpu.memory_space<hbm>> -> memref<1x10240x128xf32, #tpu.memory_space<hbm>>
        %dma_start3A_549 = tpu.memref_squeeze %dma_start3A_548 : memref<1x10240x128xf32, #tpu.memory_space<hbm>> -> memref<10240x128xf32, #tpu.memory_space<hbm>>
        %dma_start3A_550 = arith.constant 0 : i32
        %dma_start3A_551 = arith.constant 0 : i32
        %dma_start3A_552 = tpu.memref_slice %dma_start3A_549[%dma_start3A_550, %dma_start3A_551] : memref<10240x128xf32, #tpu.memory_space<hbm>> -> memref<10240x128xf32, #tpu.memory_space<hbm>>
        tpu.enqueue_indirect_dma source(%dma_start3A_552 : memref<10240x128xf32, #tpu.memory_space<hbm>>) target(%dma_start3A_544 : memref<80x128xf32, #tpu.memory_space<vmem>>) offsets(%dma_start3A_545 : memref<80xi32, #tpu.memory_space<vmem>>) semaphore(%arg12 : memref<!tpu.dma_semaphore, #tpu.memory_space<semaphore_mem>>)
      } else {
      }
    }
    %scan3A_459 = arith.constant 62 : i32
    %multiple_of3A_460 = arith.constant 9920 : i32
    %multiple_of3A_461 = tpu.assume_multiple %multiple_of3A_460, 8 : i32
    %dma_wait3A_462 = arith.constant 7 : i32
    %dma_wait3A_463 = arith.constant 0 : i32
    %dma_wait3A_464 = arith.constant 0 : i32
    %dma_wait3A_465 = arith.constant 0 : i32
    %dma_wait3A_466 = tpu.memref_slice %arg10[%dma_wait3A_463, %dma_wait3A_464, %dma_wait3A_465] : memref<2x80x128xf32, #tpu.memory_space<vmem>> -> memref<1x80x128xf32, #tpu.memory_space<vmem>>
    %dma_wait3A_467 = tpu.memref_squeeze %dma_wait3A_466 : memref<1x80x128xf32, #tpu.memory_space<vmem>> -> memref<80x128xf32, #tpu.memory_space<vmem>>
    %dma_wait3A_468 = tpu.memref_slice %arg8[%multiple_of3A_461] : memref<10000xi32, #tpu.memory_space<vmem>> -> memref<80xi32, #tpu.memory_space<vmem>>
    %dma_wait3A_469 = arith.constant 0 : i32
    %dma_wait3A_470 = arith.constant 0 : i32
    %dma_wait3A_471 = tpu.memref_slice %arg2[%dma_wait3A_462, %dma_wait3A_469, %dma_wait3A_470] : memref<8x10240x128xf32, #tpu.memory_space<hbm>> -> memref<1x10240x128xf32, #tpu.memory_space<hbm>>
    %dma_wait3A_472 = tpu.memref_squeeze %dma_wait3A_471 : memref<1x10240x128xf32, #tpu.memory_space<hbm>> -> memref<10240x128xf32, #tpu.memory_space<hbm>>
    %dma_wait3A_473 = arith.constant 0 : i32
    %dma_wait3A_474 = arith.constant 0 : i32
    %dma_wait3A_475 = tpu.memref_slice %dma_wait3A_472[%dma_wait3A_473, %dma_wait3A_474] : memref<10240x128xf32, #tpu.memory_space<hbm>> -> memref<10240x128xf32, #tpu.memory_space<hbm>>
    tpu.wait_indirect_dma semaphore(%arg11 : memref<!tpu.dma_semaphore, #tpu.memory_space<semaphore_mem>>) src(%dma_wait3A_475 : memref<10240x128xf32, #tpu.memory_space<hbm>>) dst(%dma_wait3A_467 : memref<80x128xf32, #tpu.memory_space<vmem>>)
    %run_scoped3A_476 = arith.constant 0 : i32
    %run_scoped3A_477 = arith.constant 124 : i32
    "tpu.region"() ({
      %run_scoped3A_481 = tpu.sem_alloc : memref<!tpu.dma_semaphore, #tpu.memory_space<semaphore_mem>>
      %dma_start3A_482 = arith.constant 0 : i32
      %dma_start3A_483 = arith.constant 0 : i32
      %dma_start3A_484 = tpu.memref_slice %arg10[%run_scoped3A_476, %dma_start3A_482, %dma_start3A_483] : memref<2x80x128xf32, #tpu.memory_space<vmem>> -> memref<1x80x128xf32, #tpu.memory_space<vmem>>
      %dma_start3A_485 = tpu.memref_squeeze %dma_start3A_484 : memref<1x80x128xf32, #tpu.memory_space<vmem>> -> memref<80x128xf32, #tpu.memory_space<vmem>>
      %dma_start3A_486 = arith.constant 0 : i32
      %dma_start3A_487 = tpu.memref_slice %arg9[%run_scoped3A_477, %dma_start3A_486] : memref<125x80xi32, #tpu.memory_space<vmem>> -> memref<1x80xi32, #tpu.memory_space<vmem>>
      %dma_start3A_488 = tpu.memref_squeeze %dma_start3A_487 : memref<1x80xi32, #tpu.memory_space<vmem>> -> memref<80xi32, #tpu.memory_space<vmem>>
      %dma_start3A_489 = arith.constant 0 : i32
      %dma_start3A_490 = arith.constant 0 : i32
      %dma_start3A_491 = tpu.memref_slice %arg7[%dma_start3A_489, %dma_start3A_490] : memref<10240x128xf32, #tpu.memory_space<vmem_shared>> -> memref<10240x128xf32, #tpu.memory_space<vmem_shared>>
      tpu.enqueue_indirect_dma source(%dma_start3A_485 : memref<80x128xf32, #tpu.memory_space<vmem>>) target(%dma_start3A_491 : memref<10240x128xf32, #tpu.memory_space<vmem_shared>>) offsets(%dma_start3A_488 : memref<80xi32, #tpu.memory_space<vmem>>) semaphore(%run_scoped3A_481 : memref<!tpu.dma_semaphore, #tpu.memory_space<semaphore_mem>>) {add = true}
      %dma_wait3A_492 = arith.constant 0 : i32
      %dma_wait3A_493 = arith.constant 0 : i32
      %dma_wait3A_494 = tpu.memref_slice %arg10[%run_scoped3A_476, %dma_wait3A_492, %dma_wait3A_493] : memref<2x80x128xf32, #tpu.memory_space<vmem>> -> memref<1x80x128xf32, #tpu.memory_space<vmem>>
      %dma_wait3A_495 = tpu.memref_squeeze %dma_wait3A_494 : memref<1x80x128xf32, #tpu.memory_space<vmem>> -> memref<80x128xf32, #tpu.memory_space<vmem>>
      %dma_wait3A_496 = arith.constant 0 : i32
      %dma_wait3A_497 = tpu.memref_slice %arg9[%run_scoped3A_477, %dma_wait3A_496] : memref<125x80xi32, #tpu.memory_space<vmem>> -> memref<1x80xi32, #tpu.memory_space<vmem>>
      %dma_wait3A_498 = tpu.memref_squeeze %dma_wait3A_497 : memref<1x80xi32, #tpu.memory_space<vmem>> -> memref<80xi32, #tpu.memory_space<vmem>>
      %dma_wait3A_499 = arith.constant 0 : i32
      %dma_wait3A_500 = arith.constant 0 : i32
      %dma_wait3A_501 = tpu.memref_slice %arg7[%dma_wait3A_499, %dma_wait3A_500] : memref<10240x128xf32, #tpu.memory_space<vmem_shared>> -> memref<10240x128xf32, #tpu.memory_space<vmem_shared>>
      tpu.wait_indirect_dma semaphore(%run_scoped3A_481 : memref<!tpu.dma_semaphore, #tpu.memory_space<semaphore_mem>>) src(%dma_wait3A_495 : memref<80x128xf32, #tpu.memory_space<vmem>>) dst(%dma_wait3A_501 : memref<10240x128xf32, #tpu.memory_space<vmem_shared>>)
      tpu.yield
    }) : () -> ()
    %barrier3A_478 = arith.constant 0 : index
    tpu.barrier barrier_id(%barrier3A_478)
    %run_scoped3A_479 = arith.constant 7 : i32
    "tpu.region"() ({
      %run_scoped3A_481 = tpu.sem_alloc : memref<!tpu.dma_semaphore, #tpu.memory_space<semaphore_mem>>
      %dma_start3A_482 = arith.constant 0 : i32
      %dma_start3A_483 = arith.constant 0 : i32
      %dma_start3A_484 = arith.constant 0 : i32
      %dma_start3A_485 = tpu.memref_slice %arg6[%arg0, %dma_start3A_482, %dma_start3A_483, %dma_start3A_484] : memref<2x8x10240x128xf32, #tpu.memory_space<hbm>> -> memref<1x8x10240x128xf32, #tpu.memory_space<hbm>>
      %dma_start3A_486 = tpu.memref_squeeze %dma_start3A_485 : memref<1x8x10240x128xf32, #tpu.memory_space<hbm>> -> memref<8x10240x128xf32, #tpu.memory_space<hbm>>
      %dma_start3A_487 = arith.constant 0 : i32
      %dma_start3A_488 = arith.constant 0 : i32
      %dma_start3A_489 = tpu.memref_slice %dma_start3A_486[%run_scoped3A_479, %dma_start3A_487, %dma_start3A_488] : memref<8x10240x128xf32, #tpu.memory_space<hbm>> -> memref<1x10240x128xf32, #tpu.memory_space<hbm>>
      %dma_start3A_490 = tpu.memref_squeeze %dma_start3A_489 : memref<1x10240x128xf32, #tpu.memory_space<hbm>> -> memref<10240x128xf32, #tpu.memory_space<hbm>>
      %dma_start3A_491 = arith.constant 0 : i32
      %dma_start3A_492 = tpu.memref_slice %dma_start3A_490[%multiple_of3A, %dma_start3A_491] : memref<10240x128xf32, #tpu.memory_space<hbm>> -> memref<640x128xf32, #tpu.memory_space<hbm>>
      %dma_start3A_493 = arith.constant 0 : i32
      %dma_start3A_494 = tpu.memref_slice %arg7[%multiple_of3A, %dma_start3A_493] : memref<10240x128xf32, #tpu.memory_space<vmem_shared>> -> memref<640x128xf32, #tpu.memory_space<vmem_shared>>
      tpu.enqueue_dma source(%dma_start3A_494 : memref<640x128xf32, #tpu.memory_space<vmem_shared>>) target(%dma_start3A_492 : memref<640x128xf32, #tpu.memory_space<hbm>>) target_semaphore(%run_scoped3A_481 : memref<!tpu.dma_semaphore, #tpu.memory_space<semaphore_mem>>)
      %dma_wait3A_495 = arith.constant 0 : i32
      %dma_wait3A_496 = arith.constant 0 : i32
      %dma_wait3A_497 = arith.constant 0 : i32
      %dma_wait3A_498 = tpu.memref_slice %arg6[%arg0, %dma_wait3A_495, %dma_wait3A_496, %dma_wait3A_497] : memref<2x8x10240x128xf32, #tpu.memory_space<hbm>> -> memref<1x8x10240x128xf32, #tpu.memory_space<hbm>>
      %dma_wait3A_499 = tpu.memref_squeeze %dma_wait3A_498 : memref<1x8x10240x128xf32, #tpu.memory_space<hbm>> -> memref<8x10240x128xf32, #tpu.memory_space<hbm>>
      %dma_wait3A_500 = arith.constant 0 : i32
      %dma_wait3A_501 = arith.constant 0 : i32
      %dma_wait3A_502 = tpu.memref_slice %dma_wait3A_499[%run_scoped3A_479, %dma_wait3A_500, %dma_wait3A_501] : memref<8x10240x128xf32, #tpu.memory_space<hbm>> -> memref<1x10240x128xf32, #tpu.memory_space<hbm>>
      %dma_wait3A_503 = tpu.memref_squeeze %dma_wait3A_502 : memref<1x10240x128xf32, #tpu.memory_space<hbm>> -> memref<10240x128xf32, #tpu.memory_space<hbm>>
      %dma_wait3A_504 = arith.constant 0 : i32
      %dma_wait3A_505 = tpu.memref_slice %dma_wait3A_503[%multiple_of3A, %dma_wait3A_504] : memref<10240x128xf32, #tpu.memory_space<hbm>> -> memref<640x128xf32, #tpu.memory_space<hbm>>
      %dma_wait3A_506 = arith.constant 0 : i32
      %dma_wait3A_507 = tpu.memref_slice %arg7[%multiple_of3A, %dma_wait3A_506] : memref<10240x128xf32, #tpu.memory_space<vmem_shared>> -> memref<640x128xf32, #tpu.memory_space<vmem_shared>>
      tpu.wait_dma2 semaphore(%run_scoped3A_481 : memref<!tpu.dma_semaphore, #tpu.memory_space<semaphore_mem>>) src(%dma_wait3A_507 : memref<640x128xf32, #tpu.memory_space<vmem_shared>>) dst(%dma_wait3A_505 : memref<640x128xf32, #tpu.memory_space<hbm>>)
      tpu.yield
    }) : () -> ()
    %barrier3A_480 = arith.constant 0 : index
    tpu.barrier barrier_id(%barrier3A_480)
    return
  }
}

module attributes {stable_mosaic.version = 14 : i64} {
  func.func @body(%arg0: i32, %arg1: memref<512x128xf32, #tpu.memory_space<vmem>>, %arg2: memref<2x512x128xf32, #tpu.memory_space<vmem>>, %arg3: memref<2x512x128xf32, #tpu.memory_space<vmem>>, %arg4: memref<128x2048xf32, #tpu.memory_space<vmem>>, %arg5: memref<1x2048xf32, #tpu.memory_space<vmem>>, %arg6: memref<128x2048xf32, #tpu.memory_space<vmem>>, %arg7: memref<2048x1024xf32, #tpu.memory_space<vmem>>, %arg8: memref<8x512x128xf32, #tpu.memory_space<vmem>>, %arg9: memref<512x2048xf32, #tpu.memory_space<vmem>>) attributes {dimension_semantics = [#tpu.dimension_semantics<arbitrary>], iteration_bounds = array<i64: 20>, scalar_prefetch = 0 : i64, scratch_operands = 0 : i64, tpu.core_type = #tpu.core_type<tc>, window_params = [{transform_indices = @transform_0, window_bounds = array<i64: 512, 128>}, {transform_indices = @transform_1, window_bounds = array<i64: 2, 512, 128>}, {transform_indices = @transform_2, window_bounds = array<i64: 2, 512, 128>}, {pipeline_mode = #tpu.pipeline_mode<synchronous>, transform_indices = @transform_3, window_bounds = array<i64: 128, 2048>}, {pipeline_mode = #tpu.pipeline_mode<synchronous>, transform_indices = @transform_4, window_bounds = array<i64: 1, 2048>}, {pipeline_mode = #tpu.pipeline_mode<synchronous>, transform_indices = @transform_5, window_bounds = array<i64: 128, 2048>}, {pipeline_mode = #tpu.pipeline_mode<synchronous>, transform_indices = @transform_6, window_bounds = array<i64: 2048, 1024>}, {transform_indices = @transform_7, window_bounds = array<i64: 8, 512, 128>}, {transform_indices = @transform_8, window_bounds = array<i64: 512, 2048>}]} {
    %get3A = arith.constant 0 : index
    %get3A_0 = arith.constant 0 : index
    %get3A_1 = arith.constant 0 : index
    %get3A_2 = vector.load %arg3[%get3A, %get3A_0, %get3A_1] : memref<2x512x128xf32, #tpu.memory_space<vmem>>, vector<1x512x1xf32>
    %get3A_3 = vector.shape_cast %get3A_2 : vector<1x512x1xf32> to vector<512x1xf32>
    %get3A_4 = arith.constant 1 : index
    %get3A_5 = arith.constant 0 : index
    %get3A_6 = arith.constant 0 : index
    %get3A_7 = vector.load %arg3[%get3A_4, %get3A_5, %get3A_6] : memref<2x512x128xf32, #tpu.memory_space<vmem>>, vector<1x512x1xf32>
    %get3A_8 = vector.shape_cast %get3A_7 : vector<1x512x1xf32> to vector<512x1xf32>
    %add3A = arith.addf %get3A_3, %get3A_8 : vector<512x1xf32>
    %max3A = arith.constant 1.000000e+00 : f32
    %max3A_9 = vector.broadcast %max3A : f32 to vector<512x1xf32>
    %max3A_10 = arith.maximumf %add3A, %max3A_9 : vector<512x1xf32>
    %div3A = arith.constant 1.000000e+00 : f32
    %div3A_11 = vector.broadcast %div3A : f32 to vector<512x1xf32>
    %div3A_12 = arith.divf %div3A_11, %max3A_10 : vector<512x1xf32>
    %get3A_13 = arith.constant 0 : index
    %get3A_14 = arith.constant 0 : index
    %get3A_15 = arith.constant 0 : index
    %get3A_16 = vector.load %arg2[%get3A_13, %get3A_14, %get3A_15] : memref<2x512x128xf32, #tpu.memory_space<vmem>>, vector<1x512x128xf32>
    %get3A_17 = vector.shape_cast %get3A_16 : vector<1x512x128xf32> to vector<512x128xf32>
    %get3A_18 = arith.constant 1 : index
    %get3A_19 = arith.constant 0 : index
    %get3A_20 = arith.constant 0 : index
    %get3A_21 = vector.load %arg2[%get3A_18, %get3A_19, %get3A_20] : memref<2x512x128xf32, #tpu.memory_space<vmem>>, vector<1x512x128xf32>
    %get3A_22 = vector.shape_cast %get3A_21 : vector<1x512x128xf32> to vector<512x128xf32>
    %add3A_23 = arith.addf %get3A_17, %get3A_22 : vector<512x128xf32>
    %mul3A = vector.broadcast %div3A_12 : vector<512x1xf32> to vector<512x128xf32>
    %mul3A_24 = arith.mulf %add3A_23, %mul3A : vector<512x128xf32>
    %get3A_25 = arith.constant 0 : index
    %get3A_26 = arith.constant 0 : index
    %get3A_27 = vector.load %arg4[%get3A_25, %get3A_26] : memref<128x2048xf32, #tpu.memory_space<vmem>>, vector<128x2048xf32>
    %dot_general3A = arith.constant dense<0.000000e+00> : vector<512x2048xf32>
    %dot_general3A_28 = tpu.matmul %mul3A_24, %get3A_27, %dot_general3A {dimension_numbers = #tpu.dot_dimension_numbers<[1], [0], [0], [1], [0, 0, 1, 1], [], []>, transpose_lhs_hint = false} : vector<512x128xf32>, vector<128x2048xf32>, vector<512x2048xf32> -> vector<512x2048xf32>
    %get3A_29 = arith.constant 0 : index
    %get3A_30 = arith.constant 0 : index
    %get3A_31 = vector.load %arg1[%get3A_29, %get3A_30] : memref<512x128xf32, #tpu.memory_space<vmem>>, vector<512x128xf32>
    %get3A_32 = arith.constant 0 : index
    %get3A_33 = arith.constant 0 : index
    %get3A_34 = vector.load %arg6[%get3A_32, %get3A_33] : memref<128x2048xf32, #tpu.memory_space<vmem>>, vector<128x2048xf32>
    %dot_general3A_35 = arith.constant dense<0.000000e+00> : vector<512x2048xf32>
    %dot_general3A_36 = tpu.matmul %get3A_31, %get3A_34, %dot_general3A_35 {dimension_numbers = #tpu.dot_dimension_numbers<[1], [0], [0], [1], [0, 0, 1, 1], [], []>, transpose_lhs_hint = false} : vector<512x128xf32>, vector<128x2048xf32>, vector<512x2048xf32> -> vector<512x2048xf32>
    %add3A_37 = arith.addf %dot_general3A_28, %dot_general3A_36 : vector<512x2048xf32>
    %get3A_38 = arith.constant 0 : index
    %get3A_39 = arith.constant 0 : index
    %get3A_40 = vector.load %arg5[%get3A_38, %get3A_39] : memref<1x2048xf32, #tpu.memory_space<vmem>>, vector<1x2048xf32>
    %add3A_41 = vector.broadcast %get3A_40 : vector<1x2048xf32> to vector<512x2048xf32>
    %add3A_42 = arith.addf %add3A_37, %add3A_41 : vector<512x2048xf32>
    %max3A_43 = arith.constant 0.000000e+00 : f32
    %max3A_44 = vector.broadcast %max3A_43 : f32 to vector<512x2048xf32>
    %max3A_45 = arith.maximumf %add3A_42, %max3A_44 : vector<512x2048xf32>
    %swap3A = arith.constant 0 : index
    %swap3A_46 = arith.constant 0 : index
    %swap3A_47 = vector.load %arg9[%swap3A, %swap3A_46] : memref<512x2048xf32, #tpu.memory_space<vmem>>, vector<512x2048xf32>
    tpu.vector_store %arg9[%swap3A, %swap3A_46], %max3A_45 {strides = array<i32>} : memref<512x2048xf32, #tpu.memory_space<vmem>>, vector<512x2048xf32>,
    %get3A_48 = arith.constant 0 : index
    %get3A_49 = arith.constant 0 : index
    %get3A_50 = vector.load %arg7[%get3A_48, %get3A_49] : memref<2048x1024xf32, #tpu.memory_space<vmem>>, vector<2048x1024xf32>
    %dot_general3A_51 = arith.constant dense<0.000000e+00> : vector<512x1024xf32>
    %dot_general3A_52 = tpu.matmul %max3A_45, %get3A_50, %dot_general3A_51 {dimension_numbers = #tpu.dot_dimension_numbers<[1], [0], [0], [1], [0, 0, 1, 1], [], []>, transpose_lhs_hint = false} : vector<512x2048xf32>, vector<2048x1024xf32>, vector<512x1024xf32> -> vector<512x1024xf32>
    %slice3A = vector.extract_strided_slice %dot_general3A_52 {offsets = [0, 0], sizes = [512, 128], strides = [1, 1]} : vector<512x1024xf32> to vector<512x128xf32>
    %swap3A_53 = arith.constant 0 : index
    %swap3A_54 = arith.constant 0 : index
    %swap3A_55 = arith.constant 0 : index
    %swap3A_56 = vector.load %arg8[%swap3A_53, %swap3A_54, %swap3A_55] : memref<8x512x128xf32, #tpu.memory_space<vmem>>, vector<1x512x128xf32>
    %swap3A_57 = vector.shape_cast %swap3A_56 : vector<1x512x128xf32> to vector<512x128xf32>
    %swap3A_58 = vector.shape_cast %slice3A : vector<512x128xf32> to vector<1x512x128xf32>
    tpu.vector_store %arg8[%swap3A_53, %swap3A_54, %swap3A_55], %swap3A_58 {strides = array<i32>} : memref<8x512x128xf32, #tpu.memory_space<vmem>>, vector<1x512x128xf32>,
    %slice3A_59 = vector.extract_strided_slice %dot_general3A_52 {offsets = [0, 128], sizes = [512, 128], strides = [1, 1]} : vector<512x1024xf32> to vector<512x128xf32>
    %swap3A_60 = arith.constant 1 : index
    %swap3A_61 = arith.constant 0 : index
    %swap3A_62 = arith.constant 0 : index
    %swap3A_63 = vector.load %arg8[%swap3A_60, %swap3A_61, %swap3A_62] : memref<8x512x128xf32, #tpu.memory_space<vmem>>, vector<1x512x128xf32>
    %swap3A_64 = vector.shape_cast %swap3A_63 : vector<1x512x128xf32> to vector<512x128xf32>
    %swap3A_65 = vector.shape_cast %slice3A_59 : vector<512x128xf32> to vector<1x512x128xf32>
    tpu.vector_store %arg8[%swap3A_60, %swap3A_61, %swap3A_62], %swap3A_65 {strides = array<i32>} : memref<8x512x128xf32, #tpu.memory_space<vmem>>, vector<1x512x128xf32>,
    %slice3A_66 = vector.extract_strided_slice %dot_general3A_52 {offsets = [0, 256], sizes = [512, 128], strides = [1, 1]} : vector<512x1024xf32> to vector<512x128xf32>
    %swap3A_67 = arith.constant 2 : index
    %swap3A_68 = arith.constant 0 : index
    %swap3A_69 = arith.constant 0 : index
    %swap3A_70 = vector.load %arg8[%swap3A_67, %swap3A_68, %swap3A_69] : memref<8x512x128xf32, #tpu.memory_space<vmem>>, vector<1x512x128xf32>
    %swap3A_71 = vector.shape_cast %swap3A_70 : vector<1x512x128xf32> to vector<512x128xf32>
    %swap3A_72 = vector.shape_cast %slice3A_66 : vector<512x128xf32> to vector<1x512x128xf32>
    tpu.vector_store %arg8[%swap3A_67, %swap3A_68, %swap3A_69], %swap3A_72 {strides = array<i32>} : memref<8x512x128xf32, #tpu.memory_space<vmem>>, vector<1x512x128xf32>,
    %slice3A_73 = vector.extract_strided_slice %dot_general3A_52 {offsets = [0, 384], sizes = [512, 128], strides = [1, 1]} : vector<512x1024xf32> to vector<512x128xf32>
    %swap3A_74 = arith.constant 3 : index
    %swap3A_75 = arith.constant 0 : index
    %swap3A_76 = arith.constant 0 : index
    %swap3A_77 = vector.load %arg8[%swap3A_74, %swap3A_75, %swap3A_76] : memref<8x512x128xf32, #tpu.memory_space<vmem>>, vector<1x512x128xf32>
    %swap3A_78 = vector.shape_cast %swap3A_77 : vector<1x512x128xf32> to vector<512x128xf32>
    %swap3A_79 = vector.shape_cast %slice3A_73 : vector<512x128xf32> to vector<1x512x128xf32>
    tpu.vector_store %arg8[%swap3A_74, %swap3A_75, %swap3A_76], %swap3A_79 {strides = array<i32>} : memref<8x512x128xf32, #tpu.memory_space<vmem>>, vector<1x512x128xf32>,
    %slice3A_80 = vector.extract_strided_slice %dot_general3A_52 {offsets = [0, 512], sizes = [512, 128], strides = [1, 1]} : vector<512x1024xf32> to vector<512x128xf32>
    %swap3A_81 = arith.constant 4 : index
    %swap3A_82 = arith.constant 0 : index
    %swap3A_83 = arith.constant 0 : index
    %swap3A_84 = vector.load %arg8[%swap3A_81, %swap3A_82, %swap3A_83] : memref<8x512x128xf32, #tpu.memory_space<vmem>>, vector<1x512x128xf32>
    %swap3A_85 = vector.shape_cast %swap3A_84 : vector<1x512x128xf32> to vector<512x128xf32>
    %swap3A_86 = vector.shape_cast %slice3A_80 : vector<512x128xf32> to vector<1x512x128xf32>
    tpu.vector_store %arg8[%swap3A_81, %swap3A_82, %swap3A_83], %swap3A_86 {strides = array<i32>} : memref<8x512x128xf32, #tpu.memory_space<vmem>>, vector<1x512x128xf32>,
    %slice3A_87 = vector.extract_strided_slice %dot_general3A_52 {offsets = [0, 640], sizes = [512, 128], strides = [1, 1]} : vector<512x1024xf32> to vector<512x128xf32>
    %swap3A_88 = arith.constant 5 : index
    %swap3A_89 = arith.constant 0 : index
    %swap3A_90 = arith.constant 0 : index
    %swap3A_91 = vector.load %arg8[%swap3A_88, %swap3A_89, %swap3A_90] : memref<8x512x128xf32, #tpu.memory_space<vmem>>, vector<1x512x128xf32>
    %swap3A_92 = vector.shape_cast %swap3A_91 : vector<1x512x128xf32> to vector<512x128xf32>
    %swap3A_93 = vector.shape_cast %slice3A_87 : vector<512x128xf32> to vector<1x512x128xf32>
    tpu.vector_store %arg8[%swap3A_88, %swap3A_89, %swap3A_90], %swap3A_93 {strides = array<i32>} : memref<8x512x128xf32, #tpu.memory_space<vmem>>, vector<1x512x128xf32>,
    %slice3A_94 = vector.extract_strided_slice %dot_general3A_52 {offsets = [0, 768], sizes = [512, 128], strides = [1, 1]} : vector<512x1024xf32> to vector<512x128xf32>
    %swap3A_95 = arith.constant 6 : index
    %swap3A_96 = arith.constant 0 : index
    %swap3A_97 = arith.constant 0 : index
    %swap3A_98 = vector.load %arg8[%swap3A_95, %swap3A_96, %swap3A_97] : memref<8x512x128xf32, #tpu.memory_space<vmem>>, vector<1x512x128xf32>
    %swap3A_99 = vector.shape_cast %swap3A_98 : vector<1x512x128xf32> to vector<512x128xf32>
    %swap3A_100 = vector.shape_cast %slice3A_94 : vector<512x128xf32> to vector<1x512x128xf32>
    tpu.vector_store %arg8[%swap3A_95, %swap3A_96, %swap3A_97], %swap3A_100 {strides = array<i32>} : memref<8x512x128xf32, #tpu.memory_space<vmem>>, vector<1x512x128xf32>,
    %slice3A_101 = vector.extract_strided_slice %dot_general3A_52 {offsets = [0, 896], sizes = [512, 128], strides = [1, 1]} : vector<512x1024xf32> to vector<512x128xf32>
    %swap3A_102 = arith.constant 7 : index
    %swap3A_103 = arith.constant 0 : index
    %swap3A_104 = arith.constant 0 : index
    %swap3A_105 = vector.load %arg8[%swap3A_102, %swap3A_103, %swap3A_104] : memref<8x512x128xf32, #tpu.memory_space<vmem>>, vector<1x512x128xf32>
    %swap3A_106 = vector.shape_cast %swap3A_105 : vector<1x512x128xf32> to vector<512x128xf32>
    %swap3A_107 = vector.shape_cast %slice3A_101 : vector<512x128xf32> to vector<1x512x128xf32>
    tpu.vector_store %arg8[%swap3A_102, %swap3A_103, %swap3A_104], %swap3A_107 {strides = array<i32>} : memref<8x512x128xf32, #tpu.memory_space<vmem>>, vector<1x512x128xf32>,
    return
  }
  func.func @transform_0(%arg0: i32) -> (i32, i32) {
    %c0_i32 = arith.constant 0 : i32
    %c0_i32_0 = arith.constant 0 : i32
    return %arg0, %c0_i32 : i32, i32
  }
  func.func @transform_1(%arg0: i32) -> (i32, i32, i32) {
    %c0_i32 = arith.constant 0 : i32
    %c0_i32_0 = arith.constant 0 : i32
    %c0_i32_1 = arith.constant 0 : i32
    return %c0_i32, %arg0, %c0_i32_0 : i32, i32, i32
  }
  func.func @transform_2(%arg0: i32) -> (i32, i32, i32) {
    %c0_i32 = arith.constant 0 : i32
    %c0_i32_0 = arith.constant 0 : i32
    %c0_i32_1 = arith.constant 0 : i32
    return %c0_i32, %arg0, %c0_i32_0 : i32, i32, i32
  }
  func.func @transform_3(%arg0: i32) -> (i32, i32) {
    %c0_i32 = arith.constant 0 : i32
    %c0_i32_0 = arith.constant 0 : i32
    %c0_i32_1 = arith.constant 0 : i32
    return %c0_i32, %c0_i32_0 : i32, i32
  }
  func.func @transform_4(%arg0: i32) -> (i32, i32) {
    %c0_i32 = arith.constant 0 : i32
    %c0_i32_0 = arith.constant 0 : i32
    %c0_i32_1 = arith.constant 0 : i32
    return %c0_i32, %c0_i32_0 : i32, i32
  }
  func.func @transform_5(%arg0: i32) -> (i32, i32) {
    %c0_i32 = arith.constant 0 : i32
    %c0_i32_0 = arith.constant 0 : i32
    %c0_i32_1 = arith.constant 0 : i32
    return %c0_i32, %c0_i32_0 : i32, i32
  }
  func.func @transform_6(%arg0: i32) -> (i32, i32) {
    %c0_i32 = arith.constant 0 : i32
    %c0_i32_0 = arith.constant 0 : i32
    %c0_i32_1 = arith.constant 0 : i32
    return %c0_i32, %c0_i32_0 : i32, i32
  }
  func.func @transform_7(%arg0: i32) -> (i32, i32, i32) {
    %c0_i32 = arith.constant 0 : i32
    %c0_i32_0 = arith.constant 0 : i32
    %c0_i32_1 = arith.constant 0 : i32
    return %c0_i32, %arg0, %c0_i32_0 : i32, i32, i32
  }
  func.func @transform_8(%arg0: i32) -> (i32, i32) {
    %c0_i32 = arith.constant 0 : i32
    %c0_i32_0 = arith.constant 0 : i32
    return %arg0, %c0_i32 : i32, i32
  }
}

module attributes {stable_mosaic.version = 14 : i64} {
  func.func @body(%arg0: i32, %arg1: memref<512x2048xf32, #tpu.memory_space<vmem>>, %arg2: memref<2048x1024xf32, #tpu.memory_space<vmem>>, %arg3: memref<512x1024xf32, #tpu.memory_space<vmem>>) attributes {dimension_semantics = [#tpu.dimension_semantics<arbitrary>], iteration_bounds = array<i64: 20>, scalar_prefetch = 0 : i64, scratch_operands = 0 : i64, tpu.core_type = #tpu.core_type<tc>, window_params = [{transform_indices = @transform_0, window_bounds = array<i64: 512, 2048>}, {pipeline_mode = #tpu.pipeline_mode<synchronous>, transform_indices = @transform_1, window_bounds = array<i64: 2048, 1024>}, {transform_indices = @transform_2, window_bounds = array<i64: 512, 1024>}]} {
    %get3A = arith.constant 0 : index
    %get3A_0 = arith.constant 0 : index
    %get3A_1 = vector.load %arg1[%get3A, %get3A_0] : memref<512x2048xf32, #tpu.memory_space<vmem>>, vector<512x2048xf32>
    %get3A_2 = arith.constant 0 : index
    %get3A_3 = arith.constant 0 : index
    %get3A_4 = vector.load %arg2[%get3A_2, %get3A_3] : memref<2048x1024xf32, #tpu.memory_space<vmem>>, vector<2048x1024xf32>
    %dot_general3A = arith.constant dense<0.000000e+00> : vector<512x1024xf32>
    %dot_general3A_5 = tpu.matmul %get3A_1, %get3A_4, %dot_general3A {dimension_numbers = #tpu.dot_dimension_numbers<[1], [0], [0], [1], [0, 0, 1, 1], [], []>, transpose_lhs_hint = false} : vector<512x2048xf32>, vector<2048x1024xf32>, vector<512x1024xf32> -> vector<512x1024xf32>
    %swap3A = arith.constant 0 : index
    %swap3A_6 = arith.constant 0 : index
    %swap3A_7 = vector.load %arg3[%swap3A, %swap3A_6] : memref<512x1024xf32, #tpu.memory_space<vmem>>, vector<512x1024xf32>
    tpu.vector_store %arg3[%swap3A, %swap3A_6], %dot_general3A_5 {strides = array<i32>} : memref<512x1024xf32, #tpu.memory_space<vmem>>, vector<512x1024xf32>,
    return
  }
  func.func @transform_0(%arg0: i32) -> (i32, i32) {
    %c0_i32 = arith.constant 0 : i32
    %c0_i32_0 = arith.constant 0 : i32
    return %arg0, %c0_i32 : i32, i32
  }
  func.func @transform_1(%arg0: i32) -> (i32, i32) {
    %c0_i32 = arith.constant 0 : i32
    %c0_i32_0 = arith.constant 0 : i32
    %c0_i32_1 = arith.constant 0 : i32
    return %c0_i32, %c0_i32_0 : i32, i32
  }
  func.func @transform_2(%arg0: i32) -> (i32, i32) {
    %c0_i32 = arith.constant 0 : i32
    %c0_i32_0 = arith.constant 0 : i32
    return %arg0, %c0_i32 : i32, i32
  }
}

module attributes {stable_mosaic.version = 14 : i64} {
  func.func @body(%arg0: i32, %arg1: memref<2x8x512x128xf32, #tpu.memory_space<vmem>>, %arg2: memref<2x512x128xf32, #tpu.memory_space<vmem>>, %arg3: memref<512x1024xf32, #tpu.memory_space<vmem>>, %arg4: memref<1x1024xf32, #tpu.memory_space<vmem>>, %arg5: memref<512x1024xf32, #tpu.memory_space<vmem>>) attributes {dimension_semantics = [#tpu.dimension_semantics<arbitrary>], iteration_bounds = array<i64: 20>, scalar_prefetch = 0 : i64, scratch_operands = 0 : i64, tpu.core_type = #tpu.core_type<tc>, window_params = [{transform_indices = @transform_0, window_bounds = array<i64: 2, 8, 512, 128>}, {transform_indices = @transform_1, window_bounds = array<i64: 2, 512, 128>}, {transform_indices = @transform_2, window_bounds = array<i64: 512, 1024>}, {pipeline_mode = #tpu.pipeline_mode<synchronous>, transform_indices = @transform_3, window_bounds = array<i64: 1, 1024>}, {transform_indices = @transform_4, window_bounds = array<i64: 512, 1024>}]} {
    %get3A = arith.constant 0 : index
    %get3A_0 = arith.constant 0 : index
    %get3A_1 = arith.constant 0 : index
    %get3A_2 = vector.load %arg2[%get3A, %get3A_0, %get3A_1] : memref<2x512x128xf32, #tpu.memory_space<vmem>>, vector<1x512x1xf32>
    %get3A_3 = vector.shape_cast %get3A_2 : vector<1x512x1xf32> to vector<512x1xf32>
    %get3A_4 = arith.constant 1 : index
    %get3A_5 = arith.constant 0 : index
    %get3A_6 = arith.constant 0 : index
    %get3A_7 = vector.load %arg2[%get3A_4, %get3A_5, %get3A_6] : memref<2x512x128xf32, #tpu.memory_space<vmem>>, vector<1x512x1xf32>
    %get3A_8 = vector.shape_cast %get3A_7 : vector<1x512x1xf32> to vector<512x1xf32>
    %add3A = arith.addf %get3A_3, %get3A_8 : vector<512x1xf32>
    %max3A = arith.constant 1.000000e+00 : f32
    %max3A_9 = vector.broadcast %max3A : f32 to vector<512x1xf32>
    %max3A_10 = arith.maximumf %add3A, %max3A_9 : vector<512x1xf32>
    %div3A = arith.constant 1.000000e+00 : f32
    %div3A_11 = vector.broadcast %div3A : f32 to vector<512x1xf32>
    %div3A_12 = arith.divf %div3A_11, %max3A_10 : vector<512x1xf32>
    %get3A_13 = arith.constant 0 : index
    %get3A_14 = arith.constant 0 : index
    %get3A_15 = arith.constant 0 : index
    %get3A_16 = arith.constant 0 : index
    %get3A_17 = vector.load %arg1[%get3A_13, %get3A_14, %get3A_15, %get3A_16] : memref<2x8x512x128xf32, #tpu.memory_space<vmem>>, vector<1x1x512x128xf32>
    %get3A_18 = vector.shape_cast %get3A_17 : vector<1x1x512x128xf32> to vector<512x128xf32>
    %get3A_19 = arith.constant 1 : index
    %get3A_20 = arith.constant 0 : index
    %get3A_21 = arith.constant 0 : index
    %get3A_22 = arith.constant 0 : index
    %get3A_23 = vector.load %arg1[%get3A_19, %get3A_20, %get3A_21, %get3A_22] : memref<2x8x512x128xf32, #tpu.memory_space<vmem>>, vector<1x1x512x128xf32>
    %get3A_24 = vector.shape_cast %get3A_23 : vector<1x1x512x128xf32> to vector<512x128xf32>
    %add3A_25 = arith.addf %get3A_18, %get3A_24 : vector<512x128xf32>
    %get3A_26 = arith.constant 0 : index
    %get3A_27 = arith.constant 1 : index
    %get3A_28 = arith.constant 0 : index
    %get3A_29 = arith.constant 0 : index
    %get3A_30 = vector.load %arg1[%get3A_26, %get3A_27, %get3A_28, %get3A_29] : memref<2x8x512x128xf32, #tpu.memory_space<vmem>>, vector<1x1x512x128xf32>
    %get3A_31 = vector.shape_cast %get3A_30 : vector<1x1x512x128xf32> to vector<512x128xf32>
    %get3A_32 = arith.constant 1 : index
    %get3A_33 = arith.constant 1 : index
    %get3A_34 = arith.constant 0 : index
    %get3A_35 = arith.constant 0 : index
    %get3A_36 = vector.load %arg1[%get3A_32, %get3A_33, %get3A_34, %get3A_35] : memref<2x8x512x128xf32, #tpu.memory_space<vmem>>, vector<1x1x512x128xf32>
    %get3A_37 = vector.shape_cast %get3A_36 : vector<1x1x512x128xf32> to vector<512x128xf32>
    %add3A_38 = arith.addf %get3A_31, %get3A_37 : vector<512x128xf32>
    %get3A_39 = arith.constant 0 : index
    %get3A_40 = arith.constant 2 : index
    %get3A_41 = arith.constant 0 : index
    %get3A_42 = arith.constant 0 : index
    %get3A_43 = vector.load %arg1[%get3A_39, %get3A_40, %get3A_41, %get3A_42] : memref<2x8x512x128xf32, #tpu.memory_space<vmem>>, vector<1x1x512x128xf32>
    %get3A_44 = vector.shape_cast %get3A_43 : vector<1x1x512x128xf32> to vector<512x128xf32>
    %get3A_45 = arith.constant 1 : index
    %get3A_46 = arith.constant 2 : index
    %get3A_47 = arith.constant 0 : index
    %get3A_48 = arith.constant 0 : index
    %get3A_49 = vector.load %arg1[%get3A_45, %get3A_46, %get3A_47, %get3A_48] : memref<2x8x512x128xf32, #tpu.memory_space<vmem>>, vector<1x1x512x128xf32>
    %get3A_50 = vector.shape_cast %get3A_49 : vector<1x1x512x128xf32> to vector<512x128xf32>
    %add3A_51 = arith.addf %get3A_44, %get3A_50 : vector<512x128xf32>
    %get3A_52 = arith.constant 0 : index
    %get3A_53 = arith.constant 3 : index
    %get3A_54 = arith.constant 0 : index
    %get3A_55 = arith.constant 0 : index
    %get3A_56 = vector.load %arg1[%get3A_52, %get3A_53, %get3A_54, %get3A_55] : memref<2x8x512x128xf32, #tpu.memory_space<vmem>>, vector<1x1x512x128xf32>
    %get3A_57 = vector.shape_cast %get3A_56 : vector<1x1x512x128xf32> to vector<512x128xf32>
    %get3A_58 = arith.constant 1 : index
    %get3A_59 = arith.constant 3 : index
    %get3A_60 = arith.constant 0 : index
    %get3A_61 = arith.constant 0 : index
    %get3A_62 = vector.load %arg1[%get3A_58, %get3A_59, %get3A_60, %get3A_61] : memref<2x8x512x128xf32, #tpu.memory_space<vmem>>, vector<1x1x512x128xf32>
    %get3A_63 = vector.shape_cast %get3A_62 : vector<1x1x512x128xf32> to vector<512x128xf32>
    %add3A_64 = arith.addf %get3A_57, %get3A_63 : vector<512x128xf32>
    %get3A_65 = arith.constant 0 : index
    %get3A_66 = arith.constant 4 : index
    %get3A_67 = arith.constant 0 : index
    %get3A_68 = arith.constant 0 : index
    %get3A_69 = vector.load %arg1[%get3A_65, %get3A_66, %get3A_67, %get3A_68] : memref<2x8x512x128xf32, #tpu.memory_space<vmem>>, vector<1x1x512x128xf32>
    %get3A_70 = vector.shape_cast %get3A_69 : vector<1x1x512x128xf32> to vector<512x128xf32>
    %get3A_71 = arith.constant 1 : index
    %get3A_72 = arith.constant 4 : index
    %get3A_73 = arith.constant 0 : index
    %get3A_74 = arith.constant 0 : index
    %get3A_75 = vector.load %arg1[%get3A_71, %get3A_72, %get3A_73, %get3A_74] : memref<2x8x512x128xf32, #tpu.memory_space<vmem>>, vector<1x1x512x128xf32>
    %get3A_76 = vector.shape_cast %get3A_75 : vector<1x1x512x128xf32> to vector<512x128xf32>
    %add3A_77 = arith.addf %get3A_70, %get3A_76 : vector<512x128xf32>
    %get3A_78 = arith.constant 0 : index
    %get3A_79 = arith.constant 5 : index
    %get3A_80 = arith.constant 0 : index
    %get3A_81 = arith.constant 0 : index
    %get3A_82 = vector.load %arg1[%get3A_78, %get3A_79, %get3A_80, %get3A_81] : memref<2x8x512x128xf32, #tpu.memory_space<vmem>>, vector<1x1x512x128xf32>
    %get3A_83 = vector.shape_cast %get3A_82 : vector<1x1x512x128xf32> to vector<512x128xf32>
    %get3A_84 = arith.constant 1 : index
    %get3A_85 = arith.constant 5 : index
    %get3A_86 = arith.constant 0 : index
    %get3A_87 = arith.constant 0 : index
    %get3A_88 = vector.load %arg1[%get3A_84, %get3A_85, %get3A_86, %get3A_87] : memref<2x8x512x128xf32, #tpu.memory_space<vmem>>, vector<1x1x512x128xf32>
    %get3A_89 = vector.shape_cast %get3A_88 : vector<1x1x512x128xf32> to vector<512x128xf32>
    %add3A_90 = arith.addf %get3A_83, %get3A_89 : vector<512x128xf32>
    %get3A_91 = arith.constant 0 : index
    %get3A_92 = arith.constant 6 : index
    %get3A_93 = arith.constant 0 : index
    %get3A_94 = arith.constant 0 : index
    %get3A_95 = vector.load %arg1[%get3A_91, %get3A_92, %get3A_93, %get3A_94] : memref<2x8x512x128xf32, #tpu.memory_space<vmem>>, vector<1x1x512x128xf32>
    %get3A_96 = vector.shape_cast %get3A_95 : vector<1x1x512x128xf32> to vector<512x128xf32>
    %get3A_97 = arith.constant 1 : index
    %get3A_98 = arith.constant 6 : index
    %get3A_99 = arith.constant 0 : index
    %get3A_100 = arith.constant 0 : index
    %get3A_101 = vector.load %arg1[%get3A_97, %get3A_98, %get3A_99, %get3A_100] : memref<2x8x512x128xf32, #tpu.memory_space<vmem>>, vector<1x1x512x128xf32>
    %get3A_102 = vector.shape_cast %get3A_101 : vector<1x1x512x128xf32> to vector<512x128xf32>
    %add3A_103 = arith.addf %get3A_96, %get3A_102 : vector<512x128xf32>
    %get3A_104 = arith.constant 0 : index
    %get3A_105 = arith.constant 7 : index
    %get3A_106 = arith.constant 0 : index
    %get3A_107 = arith.constant 0 : index
    %get3A_108 = vector.load %arg1[%get3A_104, %get3A_105, %get3A_106, %get3A_107] : memref<2x8x512x128xf32, #tpu.memory_space<vmem>>, vector<1x1x512x128xf32>
    %get3A_109 = vector.shape_cast %get3A_108 : vector<1x1x512x128xf32> to vector<512x128xf32>
    %get3A_110 = arith.constant 1 : index
    %get3A_111 = arith.constant 7 : index
    %get3A_112 = arith.constant 0 : index
    %get3A_113 = arith.constant 0 : index
    %get3A_114 = vector.load %arg1[%get3A_110, %get3A_111, %get3A_112, %get3A_113] : memref<2x8x512x128xf32, #tpu.memory_space<vmem>>, vector<1x1x512x128xf32>
    %get3A_115 = vector.shape_cast %get3A_114 : vector<1x1x512x128xf32> to vector<512x128xf32>
    %add3A_116 = arith.addf %get3A_109, %get3A_115 : vector<512x128xf32>
    %concatenate3A = tpu.concatenate %add3A_25, %add3A_38, %add3A_51, %add3A_64, %add3A_77, %add3A_90, %add3A_103, %add3A_116 in 1 : vector<512x128xf32>, vector<512x128xf32>, vector<512x128xf32>, vector<512x128xf32>, vector<512x128xf32>, vector<512x128xf32>, vector<512x128xf32>, vector<512x128xf32> -> vector<512x1024xf32>
    %mul3A = vector.broadcast %div3A_12 : vector<512x1xf32> to vector<512x1024xf32>
    %mul3A_117 = arith.mulf %concatenate3A, %mul3A : vector<512x1024xf32>
    %get3A_118 = arith.constant 0 : index
    %get3A_119 = arith.constant 0 : index
    %get3A_120 = vector.load %arg3[%get3A_118, %get3A_119] : memref<512x1024xf32, #tpu.memory_space<vmem>>, vector<512x1024xf32>
    %add3A_121 = arith.addf %mul3A_117, %get3A_120 : vector<512x1024xf32>
    %get3A_122 = arith.constant 0 : index
    %get3A_123 = arith.constant 0 : index
    %get3A_124 = vector.load %arg4[%get3A_122, %get3A_123] : memref<1x1024xf32, #tpu.memory_space<vmem>>, vector<1x1024xf32>
    %add3A_125 = vector.broadcast %get3A_124 : vector<1x1024xf32> to vector<512x1024xf32>
    %add3A_126 = arith.addf %add3A_121, %add3A_125 : vector<512x1024xf32>
    %max3A_127 = arith.constant 0.000000e+00 : f32
    %max3A_128 = vector.broadcast %max3A_127 : f32 to vector<512x1024xf32>
    %max3A_129 = arith.maximumf %add3A_126, %max3A_128 : vector<512x1024xf32>
    %mul3A_130 = arith.mulf %max3A_129, %max3A_129 : vector<512x1024xf32>
    %reduce_sum3A = arith.constant dense<0.000000e+00> : vector<512xf32>
    %reduce_sum3A_131 = vector.multi_reduction <add>, %mul3A_130, %reduce_sum3A [1] : vector<512x1024xf32> to vector<512xf32>
    %broadcast_in_dim3A = vector.shape_cast %reduce_sum3A_131 : vector<512xf32> to vector<512x1xf32>
    %sqrt3A = math.sqrt %broadcast_in_dim3A : vector<512x1xf32>
    %max3A_132 = arith.constant 9.99999996E-13 : f32
    %max3A_133 = vector.broadcast %max3A_132 : f32 to vector<512x1xf32>
    %max3A_134 = arith.maximumf %sqrt3A, %max3A_133 : vector<512x1xf32>
    %div3A_135 = vector.broadcast %max3A_134 : vector<512x1xf32> to vector<512x1024xf32>
    %div3A_136 = arith.divf %max3A_129, %div3A_135 : vector<512x1024xf32>
    %swap3A = arith.constant 0 : index
    %swap3A_137 = arith.constant 0 : index
    %swap3A_138 = vector.load %arg5[%swap3A, %swap3A_137] : memref<512x1024xf32, #tpu.memory_space<vmem>>, vector<512x1024xf32>
    tpu.vector_store %arg5[%swap3A, %swap3A_137], %div3A_136 {strides = array<i32>} : memref<512x1024xf32, #tpu.memory_space<vmem>>, vector<512x1024xf32>,
    return
  }
  func.func @transform_0(%arg0: i32) -> (i32, i32, i32, i32) {
    %c0_i32 = arith.constant 0 : i32
    %c0_i32_0 = arith.constant 0 : i32
    %c0_i32_1 = arith.constant 0 : i32
    %c0_i32_2 = arith.constant 0 : i32
    return %c0_i32, %c0_i32_0, %arg0, %c0_i32_1 : i32, i32, i32, i32
  }
  func.func @transform_1(%arg0: i32) -> (i32, i32, i32) {
    %c0_i32 = arith.constant 0 : i32
    %c0_i32_0 = arith.constant 0 : i32
    %c0_i32_1 = arith.constant 0 : i32
    return %c0_i32, %arg0, %c0_i32_0 : i32, i32, i32
  }
  func.func @transform_2(%arg0: i32) -> (i32, i32) {
    %c0_i32 = arith.constant 0 : i32
    %c0_i32_0 = arith.constant 0 : i32
    return %arg0, %c0_i32 : i32, i32
  }
  func.func @transform_3(%arg0: i32) -> (i32, i32) {
    %c0_i32 = arith.constant 0 : i32
    %c0_i32_0 = arith.constant 0 : i32
    %c0_i32_1 = arith.constant 0 : i32
    return %c0_i32, %c0_i32_0 : i32, i32
  }
  func.func @transform_4(%arg0: i32) -> (i32, i32) {
    %c0_i32 = arith.constant 0 : i32
    %c0_i32_0 = arith.constant 0 : i32
    return %arg0, %c0_i32 : i32, i32
  }
}

</mosaic_0001>

<sc_bundles>
// kernel: kernel.10.cloned.1.call-start
scs
__scs_entry_jumppad:
0x0: {  	(pc) =	sbr.rel $0x88, $3  }
0x1: {  	(tag) =	ssettag $0x0;
	lr =	simm.s32 $0x1  }
0x2: {  	[smem:$0x3F99] =	sst lr;
	_ =	strace $0xD0000000  }
0x3: {  	_ = 	snop  }
0x4: {  	_ = 	snop  }
0x5: {  	_ = 	snop  }
0x6: {  	_ = 	snop  }
0x7: {  	_ = 	snop  }
__scs_overlays_trampoline_lowered:
0x8: {  	[smem:$0x3FA8] =	sst s0  }
0x9: {  	[smem:$0x3FA9] =	sst s1  }
0xa: {  	[smem:$0x3FAA] =	sst s2  }
0xb: {  	[smem:$0x3FAB] =	sst s3  }
0xc: {  	[smem:$0x3FAC] =	sst s4  }
0xd: {  	[smem:$0x3FAD] =	sst s5  }
0xe: {  	[smem:$0x3FAE] =	sst s6  }
0xf: {  	[smem:$0x3FAF] =	sst s7  }
0x10: {  	[smem:$0x3FB0] =	sst s8  }
0x11: {  	[smem:$0x3FB1] =	sst s9;
	s0 =	simm.s32 @!p0 $0x0  }
0x12: {  	s1 =	sld [smem:$0x3F97];
	s0 =	simm.s32 @p0 $0x1  }
0x13: {  	[smem:$0x3FB2] =	sst s0;
	s0 =	simm.s32 @!p1 $0x0  }
0x14: {  	s2 =	sld [smem:$0x3F96];
	s0 =	simm.s32 @p1 $0x1  }
0x15: {  	[smem:$0x3FB3] =	sst s0;
	s0 =	simm.s32 @!p2 $0x0  }
0x16: {  	s3 =	sld [smem:$0x3FDB];
	s0 =	simm.s32 @p2 $0x1  }
0x17: {  	s4 =	simm.s32 $0x1BF5;
	[smem:$0x3FB5] =	sst s0  }
0x18: {  	s0 =	sld [smem:$0x3F98];
	_ =	swait.ge [sflag:s4], $0x0  }
0x19: {  	s7 =	sld [smem:$0x3F99]  }
0x1a: {  	s8 =	sadd.s32 $0xFFFFE003, lr  }
0x1b: {  	s9 =	sadd.s32 $0xFFFFFEF7, lr;
	s5 =	simm.s32 $0xFFFFFFFF;
	p2 =	slt.u32 s8, $0xFFFFF086  }
0x1c: {  	p1 =	slt.u32 s9, $0xF7A;
	s5 =	simm.s32 @!p2 $0x0  }
0x1d: {  	s5 =	simm.s32 @p1 $0x1;
	p0 =	seq.s32 s7, s2  }
0x1e: {  	s7 =	smul.u32 @!p0 $0xF7A, s2;
	p2 =	seq.s32 @!p0 s5, $0x0  }
0x1f: {  	s9 =	smul.u32 $0xF7A, s1;
	s8 =	simm.s32 @!p0 $0x1BF5;
	p2 =	por !p2, p0  }
0x20: {  	[sflag:s8] =	ssyncset.s32 @!p0 $0xFFFFF086;
	s6 =	sadd.s32 @!p0 s3, s7;
	s7 =	simm.s32 @!p0 $0x108  }
0x21: {  	s3 =	sadd.s32 s3, s9;
	s6 =	sadd.s32 @!p0 $0x88, s6;
	s7 =	simm.s32 @p2 $0x1082  }
0x22: {  	[simem:s7], [sflag:s8] =	dma.local @!p0 [hbm:s6], $0xF7A  }
0x23: {  	s9 =	sor.u32 $0xD0000000, s2;
	s6 =	simm.s32 $0x108;
	_ =	swait.ge @!p0 [sflag:s8], $0x0  }
0x24: {  	s3 =	sadd.s32 $0x88, s3;
	s6 =	simm.s32 @!p1 $0x1082;
	[sflag:s4] =	ssyncset.s32 $0xFFFFF086  }
0x25: {  	[simem:s6], [sflag:s4] =	dma.local [hbm:s3], $0xF7A  }
0x26: {  	[smem:$0x3F99] =	sst s1;
	(tag) =	ssettag s2;
	_ =	strace s9  }
0x27: {  	s1 =	sld [smem:$0x3FA9]  }
0x28: {  	s2 =	sld [smem:$0x3FAA]  }
0x29: {  	s4 =	sld [smem:$0x3FAC]  }
0x2a: {  	p0 =	seq.s32 s5, $0x0;
	s5 =	sld [smem:$0x3FAD]  }
0x2b: {  	s6 =	sld [smem:$0x3FAE]  }
0x2c: {  	s7 =	sld [smem:$0x3FAF]  }
0x2d: {  	s3 =	simm.s32 $0x108;
	s8 =	sld [smem:$0x3FB0]  }
0x2e: {  	s3 =	simm.s32 @!p0 $0x1082;
	s9 =	sld [smem:$0x3FB1]  }
0x2f: {  	lr =	sadd.s32 s0, s3;
	s0 =	sld [smem:$0x3FA8]  }
0x30: {  	s3 =	sld [smem:$0x3FAB]  }
0x31: {  	[smem:$0x3FB4] =	sst s10  }
0x32: {  	s10 =	sld [smem:$0x3FB2];
	_ =	sdelay $0x3  }
0x33: {  	p0 =	seq.s32 s10, $0x1;
	s10 =	sld [smem:$0x3FB4];
	_ =	sdelay $0x3  }
0x34: {  	[smem:$0x3FB4] =	sst s10  }
0x35: {  	s10 =	sld [smem:$0x3FB3];
	_ =	sdelay $0x3  }
0x36: {  	p1 =	seq.s32 s10, $0x1;
	s10 =	sld [smem:$0x3FB4];
	_ =	sdelay $0x3  }
0x37: {  	[smem:$0x3FB4] =	sst s10  }
0x38: {  	s10 =	sld [smem:$0x3FB5]  }
0x39: {  	_ = 	snop;
	(pc) =	sbr.ind lr, $3  }
0x3a: {  	_ = 	snop  }
0x3b: {  	_ = 	snop  }
0x3c: {  	p2 =	seq.s32 s10, $0x1;
	s10 =	sld [smem:$0x3FB4]  }
0x3d: {  	_ =	shalt  }
0x3e: {  	_ =	shalt  }
0x3f: {  	_ =	shalt  }
0x40: {  	_ =	shalt  }
0x41: {  	_ =	shalt  }
0x42: {  	_ =	shalt  }
0x43: {  	_ =	shalt  }
0x44: {  	_ =	shalt  }
0x45: {  	_ =	shalt  }
0x46: {  	_ =	shalt  }
0x47: {  	_ =	shalt  }
0x48: {  	_ =	shalt  }
0x49: {  	_ =	shalt  }
0x4a: {  	_ =	shalt  }
0x4b: {  	_ =	shalt  }
0x4c: {  	_ =	shalt  }
0x4d: {  	_ =	shalt  }
0x4e: {  	_ =	shalt  }
0x4f: {  	_ =	shalt  }
0x50: {  	_ =	shalt  }
0x51: {  	_ =	shalt  }
0x52: {  	_ =	shalt  }
0x53: {  	_ =	shalt  }
0x54: {  	_ =	shalt  }
0x55: {  	_ =	shalt  }
0x56: {  	_ =	shalt  }
0x57: {  	_ =	shalt  }
0x58: {  	_ =	shalt  }
0x59: {  	_ =	shalt  }
0x5a: {  	_ =	shalt  }
0x5b: {  	_ =	shalt  }
0x5c: {  	_ =	shalt  }
0x5d: {  	_ =	shalt  }
0x5e: {  	_ =	shalt  }
0x5f: {  	_ =	shalt  }
0x60: {  	_ =	shalt  }
0x61: {  	_ =	shalt  }
0x62: {  	_ =	shalt  }
0x63: {  	_ =	shalt  }
0x64: {  	_ =	shalt  }
0x65: {  	_ =	shalt  }
0x66: {  	_ =	shalt  }
0x67: {  	_ =	shalt  }
0x68: {  	_ =	shalt  }
0x69: {  	_ =	shalt  }
0x6a: {  	_ =	shalt  }
0x6b: {  	_ =	shalt  }
0x6c: {  	_ =	shalt  }
0x6d: {  	_ =	shalt  }
0x6e: {  	_ =	shalt  }
0x6f: {  	_ =	shalt  }
0x70: {  	_ =	shalt  }
0x71: {  	_ =	shalt  }
0x72: {  	_ =	shalt  }
0x73: {  	_ =	shalt  }
0x74: {  	_ =	shalt  }
0x75: {  	_ =	shalt  }
0x76: {  	_ =	shalt  }
0x77: {  	_ =	shalt  }
0x78: {  	_ =	shalt  }
0x79: {  	_ =	shalt  }
0x7a: {  	_ =	shalt  }
0x7b: {  	_ =	shalt  }
0x7c: {  	_ =	shalt  }
0x7d: {  	_ =	shalt  }
0x7e: {  	_ =	shalt  }
0x7f: {  	_ =	shalt  }
0x80: {  	_ =	shalt  }
0x81: {  	_ =	shalt  }
0x82: {  	_ =	shalt  }
0x83: {  	_ =	shalt  }
0x84: {  	_ =	shalt  }
0x85: {  	_ =	shalt  }
0x86: {  	_ =	shalt  }
0x87: {  	_ =	shalt  }
.Lfunc_end0:
.L_simem_size_0:
called_computation.1_lowered:
.L_overlay_start_0:
0x88: {  	s2 =	sld [smem:$0x3FD9]  }
0x89: {  	s3 =	sld [smem:$0x3FFE];
	_ =	sdelay $0x1  }
0x8a: {  	s1 =	srdreg.scid  }
0x8b: {  	s0 =	sand.u32 $0x1, s1  }
0x8c: {  	s16 =	sshll.u32 s0, $0xA;
	s2 =	sadd.s32 s3, s2  }
0x8d: {  	s2 =	sadd.s32 s2, s16  }
0x8e: {  	[smem:$0x3FC0] =	sst s2  }
0x8f: {  	_ = 	snop  }
0x90: {  	(tm) =	ssettm $0x1  }
0x91: {  	s17 =	sld [smem:$0x3FFB];
	_ =	sdelay $0x3  }
0x92: {  	_ =	strace s17  }
0x93: {  	s2 =	sld [smem:$0x3FFC];
	_ =	sdelay $0x3  }
0x94: {  	_ =	strace s2  }
0x95: {  	s2 =	sld [smem:$0x3FFD];
	_ =	sdelay $0x3  }
0x96: {  	_ =	strace s2  }
0x97: {  	_ =	strace $0x8FFFFFFF  }
0x98: {  	s18 =	sld [smem:$0x3FDB];
	_ =	sdelay $0x1  }
0x99: {  	s19 =	simm.s32 $_scs_section_size  }
0x9a: {  	s4 =	simm.s32 $_size__tile_overlayer_lowered;
	s5 =	simm.s32 $_tile_overlayer_lowered  }
0x9b: {  	s22 =	simm.s32 $0x1BFF;
	s21 =	sshll.u32 s5, $0x1;
	s2 =	sadd.s32 s19, s18  }
0x9c: {  	s6 =	simm.s32 $0x0;
	s20 =	sshll.u32 s4, $0x1;
	s4 =	sadd.s32 s21, s2  }
0x9d: {  	[timem:s6], [sflag:s22] =	dma.local [hbm:s4], s20  }
0x9e: {  	_ =	swait.ge [sflag:s22], s20  }
0x9f: {  	s3 =	ssub.s32 $0x0, s20;
	[sflag:s22] =	ssyncset.done $0x0  }
0xa0: {  	[sflag:s22] =	ssyncadd.s32 s3;
	_ =	sdelay $0x1  }
0xa1: {  	s23 =	simm.s32 $0x1B8B  }
0xa2: {  	_ =	swait.ge [sflag:s23], $0x1  }
0xa3: {  	[sflag:s23] =	ssyncset.done $0x0  }
0xa4: {  	s25 =	simm.s32 $0x1B8E;
	s24 =	sld [smem:$0x3FFE];
	[sflag:s23] =	ssyncadd.s32 $0xFFFFFFFF  }
0xa5: {  	s26 =	simm.s32 $execute0_lowered;
	[smem:$0x3FD2] =	sst s25  }
0xa6: {  	s4 =	sshll.u32 s26, $0x1;
	_ =	strace $0x80000049;
	[dreg:$0x1] =	wrdreg $0xFFFFFFFF  }
0xa7: {  	s28 =	simm.s32 $_size_execute0_lowered;
	s2 =	sadd.s32 s2, s4;
	[dreg:$0x0] =	wrdreg $0x0  }
0xa8: {  	s4 =	sshll.u32 s28, $0x1;
	[dreg:$0x2] =	wrdreg s2  }
0xa9: {  	[dreg:$0x3] =	wrdreg s4  }
0xaa: {  	[dreg:$0x4] =	wrdreg $0xC0  }
0xab: {  	_ =	task [dreg:s6], $0x5FFFF  }
0xac: {  	[dreg:$0x1] =	wrdreg $0xFFFFFFFF  }
0xad: {  	[dreg:$0x0] =	wrdreg $0x60  }
0xae: {  	[dreg:$0x2] =	wrdreg s24  }
0xaf: {  	[dreg:$0x3] =	wrdreg $0x0  }
0xb0: {  	[dreg:$0x4] =	wrdreg $0x9  }
0xb1: {  	_ =	task.clear_ibuf [dreg:s6], $0x5FFFF;
	_ =	strace $0x90000049  }
0xb2: {  	s29 =	simm.s32 $0x9;
	_ =	strace $0x8000004B  }
0xb3: {  	_ =	swait.ge [sflag:s29], $0x1  }
0xb4: {  	[sflag:s29] =	ssyncadd.s32 $0xFFFFFFFF  }
0xb5: {  	_ =	strace $0x9000004B  }
0xb6: {  	_ =	sfence  }
0xb7: {  	s30 =	sld [smem:$0x0];
	_ =	sdelay $0x2  }
0xb8: {  	s31 =	sshll.u32 s1, $0xD;
	s1 =	sshrl.u32 s1, $0x2  }
0xb9: {  	s3 =	sand.u32 $0x4000, s31;
	s1 =	sadd.s32 s1, s30  }
0xba: {  	s0 =	sor.u32 s3, s0;
	s1 =	sshll.u32 s1, $0x11  }
0xbb: {  	s0 =	sor.u32 s1, s0  }
0xbc: {  	s0 =	sadd.s32 $0x8F2B, s0  }
0xbd: {  	[sflag:s0] =	ssyncadd.remote.s32 $0x1  }
0xbe: {  	_ =	sfence.sel $0xFFFF  }
0xbf: {  	[dreg:$0x0] =	wrdreg $0xFFFFFFFF;
	(pc) =	sbr.abs _section_cstart, $3  }
0xc0: {  	[dreg:$0x1] =	wrdreg $0xFFFFFFFF  }
0xc1: {  	_ =	task.clear_ibuf [dreg:s6], $0x2FFFF;
	_ =	strace $0x9FFFFFFF  }
0xc2: {  	(tm) =	ssettm $0x7FFFFFFF  }
0xc3: {  	_ =	shalt  }
tec
execute0_lowered:
.L_overlay_start_1:
0x0: {  	(tag) =	ssettag $0x1  }
0x1: {  	s1 =	rddreg [dreg:$0x0]  }
0x2: {  	s0 =	srdreg.scid;
	s2 =	rddreg [dreg:$0x1]  }
0x3: {  	s17 =	stileid.u32;
	s4 =	simm.s32 $0x0;
	s18 =	simm.s32 $0x14000  }
0x4: {  	s19 =	simm.s32 $0x3;
	s28 =	simm.s32 $0x1;
	s29 =	simm.s32 $0x2  }
0x5: {  	s30 =	simm.s32 $0x1A480;
	s31 =	simm.s32 $0x166C0;
	s20 =	simm.s32 $0x0  }
0x6: {  	s0 =	sand.u32 $0x1, s0;
	[smem:$0x7FF] =	sst s4;
	s8 =	smul.u32 $0x50000, s17  }
0x7: {  	s4 =	sadd.s32 $0x318000, s1;
	s25 =	smul.u32 $0x2800, s17;
	s10 =	sadd.s32 $0x340000, s1  }
0x8: {  	s11 =	sadd.s32 $0x368000, s1;
	s12 =	sadd.s32 $0x390000, s1;
	s13 =	sadd.s32 $0x3B8000, s1  }
0x9: {  	s14 =	sadd.s32 $0x3E0000, s1;
	s15 =	sadd.s32 $0x408000, s1;
	s16 =	sadd.s32 $0x430000, s1  }
0xa: {  	s26 =	sshll.u32 s17, $0x6;
	s3 =	sshll.u32 s0, $0x4;
	_ =	strace $0x8000004A  }
0xb: {  	s7 =	smul.u32 $0x140000, s0;
	s0 =	ssub.s32 $0x2, s0;
	s21 =	sor.u32 $0x1C03, s26  }
0xc: {  	s26 =	simm.s32 $0x1CF80;
	s3 =	sor.u32 s17, s3;
	s9 =	sshrl.u32 s0, $0x1  }
0xd: {  	s8 =	sshrl.u32 s8, $0x2;
	[dreg:$0x6] =	wrdreg s25;
	s25 =	simm.s32 $0x14050  }
0xe: {  	s5 =	smul.u32 $0x4E2, s3;
	s3 =	sshll.u32 s3, $0xB;
	s7 =	sadd.s32 s7, s1  }
0xf: {  	s0 =	ssub.s32 s0, s9;
	s23 =	sadd.s32 s8, s2;
	s3 =	sadd.s32 s3, s1  }
0x10: {  	s24 =	sadd.s32 $0x458000, s7;
	s0 =	smax.u32 s0, $0x1;
	s22 =	sshrl.u32 s23, $0x3  }
0x11: {  	s23 =	simm.s32 $0x50;
	s6 =	sadd.s32 s5, s1;
	[dreg:$0x5] =	wrdreg s24  }
0x12: {  	s5 =	sadd.s32 $0x45800, s1;
	s3 =	sadd.s32 $0xD200, s3;
	[dreg:$0x7] =	wrdreg s0  }
0x13: {  	s24 =	simm.s32 $0x1A780;
	s6 =	sadd.s32 $0x3400, s6;
	[dreg:$0x4] =	wrdreg s3  }
0x14: {  	s0 =	simm.s32 $0x1A500;
	s1 =	simm.s32 $0x1A580;
	[dreg:$0x3] =	wrdreg s6  }
.LBB2_1:
0x15: {  	s3 =	simm.s32 $0x0;
	s6 =	rddreg [dreg:$0x3]  }
0x16: {  	[tilespmem:s18], [sflag:$0x3] =	stream.linear.gather [hbm4b:s6+s3], $0x2710, $0x38;
	[tilespmem:$0x1F780] =	vst v63  }
0x17: {  	_ =	swait.ge [sflag:s19], $0x2710  }
0x18: {  	[sflag:s19] =	ssyncset.done $0x0  }
0x19: {  	s7 =	simm.s32 $0x16780;
	s17 =	rddreg [dreg:$0x4];
	[sflag:s19] =	ssyncadd.s32 $0xFFFFD8F0  }
0x1a: {  	[tilespmem:s7], [sflag:$0x3] =	stream.linear.gather [hbm4b:s17+s3], $0x3E80, $0x38;
	[tilespmem:$0x1F780] =	vst v63  }
0x1b: {  	_ =	swait.ge [sflag:s19], $0x3E80  }
0x1c: {  	[sflag:s19] =	ssyncset.done $0x0  }
0x1d: {  	[sflag:s19] =	ssyncadd.s32 $0xFFFFC180  }
0x1e: {  	[spmem:s22], [sflag:s21] =	dma.local [hbm:s5], $0x2800  }
0x1f: {  	_ =	swait.ge [sflag:s19], $0x2800  }
0x20: {  	[sflag:s19] =	ssyncset.done $0x0  }
0x21: {  	[sflag:s19] =	ssyncadd.s32 $0xFFFFD800  }
0x22: {  	[bflag:$0x0] =	sbarrier.arrive $0xFFFF  }
0x23: {  	[tilespmem:s24], [sflag:$0x1] =	stream.indirect.gather [hbm4b:s4+s23], $0x80, s18, s23, $0xb8;
	[tilespmem:$0x1F780] =	vst v63  }
0x24: {  	_ = 	snop  }
0x25: {  	[tilespmem:s26], [sflag:$0x2] =	stream.indirect.gather [hbm4b:s4+s23], $0x80, s25, s23, $0xb8;
	[tilespmem:$0x1F780] =	vst v63  }
0x26: {  	_ =	swait.ge [sflag:s28], $0x2800  }
0x27: {  	[sflag:s28] =	ssyncset.done $0x0  }
0x28: {  	s8 =	simm.s32 $0x16780;
	[sflag:s28] =	ssyncadd.s32 $0xFFFFD800  }
0x29: {  	[spmem:s2] =	stream.indirect.scatter.add.f32 [tilespmem:s24], [sflag:$0x3], $0x80, s8, s23, $0xb8;
	[tilespmem:$0x1F780] =	vst v63  }
0x2a: {  	_ =	swait.ge [sflag:s19], $0x2800  }
0x2b: {  	[sflag:s19] =	ssyncset.done $0x0  }
0x2c: {  	s9 =	simm.s32 $0x140A0;
	[sflag:s19] =	ssyncadd.s32 $0xFFFFD800  }
0x2d: {  	[tilespmem:s24], [sflag:$0x1] =	stream.indirect.gather [hbm4b:s4+s23], $0x80, s9, s23, $0xb8;
	[tilespmem:$0x1F780] =	vst v63  }
0x2e: {  	_ =	swait.ge [sflag:s29], $0x2800  }
0x2f: {  	[sflag:s29] =	ssyncset.done $0x0  }
0x30: {  	s17 =	simm.s32 $0x16800;
	[sflag:s29] =	ssyncadd.s32 $0xFFFFD800  }
0x31: {  	[spmem:s2] =	stream.indirect.scatter.add.f32 [tilespmem:s26], [sflag:$0x3], $0x80, s17, s23, $0xb8;
	[tilespmem:$0x1F780] =	vst v63  }
0x32: {  	_ =	swait.ge [sflag:s19], $0x2800  }
0x33: {  	s6 =	simm.s32 $0x400;
	[sflag:s19] =	ssyncset.done $0x0  }
0x34: {  	s3 =	simm.s32 $0x140F0;
	s7 =	simm.s32 $0x14190;
	[sflag:s19] =	ssyncadd.s32 $0xFFFFD800  }
.LBB2_2:
0x35: {  	[tilespmem:s26], [sflag:$0x2] =	stream.indirect.gather [hbm4b:s4+s23], $0x80, s3, s23, $0xb8;
	[tilespmem:$0x1F780] =	vst v63  }
0x36: {  	s8 =	smov.u32 s6;
	s3 =	smov.u32 s7  }
0x37: {  	p0 =	sne.s32 s6, $0xF000;
	s6 =	sadd.s32 $0x400, s6;
	_ =	swait.ge [sflag:s28], $0x2800  }
0x38: {  	s8 =	sshra.s32 s8, $0x2;
	[sflag:s28] =	ssyncset.done $0x0  }
0x39: {  	s9 =	sadd.s32 $0x16780, s8;
	[sflag:s28] =	ssyncadd.s32 $0xFFFFD800  }
0x3a: {  	[spmem:s2] =	stream.indirect.scatter.add.f32 [tilespmem:s24], [sflag:$0x3], $0x80, s9, s23, $0xb8;
	[tilespmem:$0x1F780] =	vst v63  }
0x3b: {  	_ =	swait.ge [sflag:s19], $0x2800  }
0x3c: {  	[sflag:s19] =	ssyncset.done $0x0  }
0x3d: {  	s9 =	sadd.s32 $0xFFFFFFB0, s7;
	[sflag:s19] =	ssyncadd.s32 $0xFFFFD800  }
0x3e: {  	[tilespmem:s24], [sflag:$0x1] =	stream.indirect.gather [hbm4b:s4+s23], $0x80, s9, s23, $0xb8;
	[tilespmem:$0x1F780] =	vst v63  }
0x3f: {  	_ =	swait.ge [sflag:s29], $0x2800  }
0x40: {  	[sflag:s29] =	ssyncset.done $0x0  }
.Ltmp0:
0x41: {  	s8 =	sadd.s32 $0x16800, s8;
	[sflag:s29] =	ssyncadd.s32 $0xFFFFD800;
	(pc) =	sbr.rel @p0 .LBB2_2-.Ltmp0, $4  }
0x42: {  	[spmem:s2] =	stream.indirect.scatter.add.f32 [tilespmem:s26], [sflag:$0x3], $0x80, s8, s23, $0xb8;
	[tilespmem:$0x1F780] =	vst v63  }
0x43: {  	_ =	swait.ge [sflag:s19], $0x2800  }
0x44: {  	[sflag:s19] =	ssyncset.done $0x0  }
0x45: {  	s7 =	sadd.s32 $0xA0, s7;
	[sflag:s19] =	ssyncadd.s32 $0xFFFFD800  }
0x46: {  	[tilespmem:s26], [sflag:$0x2] =	stream.indirect.gather [hbm4b:s4+s23], $0x80, s3, s23, $0xb8;
	[tilespmem:$0x1F780] =	vst v63  }
0x47: {  	_ =	swait.ge [sflag:s28], $0x2800  }
0x48: {  	[sflag:s28] =	ssyncset.done $0x0  }
0x49: {  	[sflag:s28] =	ssyncadd.s32 $0xFFFFD800  }
0x4a: {  	[spmem:s2] =	stream.indirect.scatter.add.f32 [tilespmem:s24], [sflag:$0x3], $0x80, s30, s23, $0xb8;
	[tilespmem:$0x1F780] =	vst v63  }
0x4b: {  	_ =	swait.ge [sflag:s19], $0x2800  }
0x4c: {  	[sflag:s19] =	ssyncset.done $0x0  }
0x4d: {  	[sflag:s19] =	ssyncadd.s32 $0xFFFFD800  }
0x4e: {  	[tilespmem:s24], [sflag:$0x1] =	stream.indirect.gather [hbm4b:s4+s23], $0x80, s31, s23, $0xb8;
	[tilespmem:$0x1F780] =	vst v63  }
0x4f: {  	_ =	swait.ge [sflag:s29], $0x2800  }
0x50: {  	[sflag:s29] =	ssyncset.done $0x0  }
0x51: {  	[sflag:s29] =	ssyncadd.s32 $0xFFFFD800  }
0x52: {  	[spmem:s2] =	stream.indirect.scatter.add.f32 [tilespmem:s26], [sflag:$0x3], $0x80, s0, s23, $0xb8;
	[tilespmem:$0x1F780] =	vst v63  }
0x53: {  	_ =	swait.ge [sflag:s19], $0x2800  }
0x54: {  	[sflag:s19] =	ssyncset.done $0x0  }
0x55: {  	[sflag:s19] =	ssyncadd.s32 $0xFFFFD800  }
0x56: {  	_ =	swait.ge [sflag:s28], $0x2800  }
0x57: {  	[sflag:s28] =	ssyncset.done $0x0  }
0x58: {  	[sflag:s28] =	ssyncadd.s32 $0xFFFFD800  }
0x59: {  	[spmem:s2] =	stream.indirect.scatter.add.f32 [tilespmem:s24], [sflag:$0x3], $0x80, s1, s23, $0xb8;
	[tilespmem:$0x1F780] =	vst v63  }
0x5a: {  	_ =	swait.ge [sflag:s19], $0x2800  }
0x5b: {  	[sflag:s19] =	ssyncset.done $0x0  }
0x5c: {  	[sflag:s19] =	ssyncadd.s32 $0xFFFFD800  }
0x5d: {  	[bflag:$0x0] =	sbarrier.arrive $0xFFFF  }
0x5e: {  	s7 =	rddreg [dreg:$0x5]  }
0x5f: {  	s6 =	rddreg [dreg:$0x6]  }
0x60: {  	s3 =	sadd.s32 s6, s7  }
0x61: {  	[hbm:s3], [sflag:s21] =	dma.local [spmem:s22], $0x2800  }
0x62: {  	_ =	swait.ge [sflag:s19], $0x2800  }
0x63: {  	[sflag:s19] =	ssyncset.done $0x0  }
0x64: {  	[sflag:s19] =	ssyncadd.s32 $0xFFFFD800  }
0x65: {  	[bflag:$0x0] =	sbarrier.arrive $0xFFFF  }
0x66: {  	[spmem:s22], [sflag:s21] =	dma.local [hbm:s5], $0x2800  }
0x67: {  	_ =	swait.ge [sflag:s19], $0x2800  }
0x68: {  	[sflag:s19] =	ssyncset.done $0x0  }
0x69: {  	[sflag:s19] =	ssyncadd.s32 $0xFFFFD800  }
0x6a: {  	[bflag:$0x0] =	sbarrier.arrive $0xFFFF  }
0x6b: {  	[tilespmem:s24], [sflag:$0x1] =	stream.indirect.gather [hbm4b:s10+s23], $0x80, s18, s23, $0xb8;
	[tilespmem:$0x1F780] =	vst v63  }
0x6c: {  	_ = 	snop  }
0x6d: {  	[tilespmem:s26], [sflag:$0x2] =	stream.indirect.gather [hbm4b:s10+s23], $0x80, s25, s23, $0xb8;
	[tilespmem:$0x1F780] =	vst v63  }
0x6e: {  	_ =	swait.ge [sflag:s28], $0x2800  }
0x6f: {  	[sflag:s28] =	ssyncset.done $0x0  }
0x70: {  	s8 =	simm.s32 $0x16780;
	[sflag:s28] =	ssyncadd.s32 $0xFFFFD800  }
0x71: {  	[spmem:s2] =	stream.indirect.scatter.add.f32 [tilespmem:s24], [sflag:$0x3], $0x80, s8, s23, $0xb8;
	[tilespmem:$0x1F780] =	vst v63  }
0x72: {  	_ =	swait.ge [sflag:s19], $0x2800  }
0x73: {  	[sflag:s19] =	ssyncset.done $0x0  }
0x74: {  	s9 =	simm.s32 $0x140A0;
	[sflag:s19] =	ssyncadd.s32 $0xFFFFD800  }
0x75: {  	[tilespmem:s24], [sflag:$0x1] =	stream.indirect.gather [hbm4b:s10+s23], $0x80, s9, s23, $0xb8;
	[tilespmem:$0x1F780] =	vst v63  }
0x76: {  	_ =	swait.ge [sflag:s29], $0x2800  }
0x77: {  	[sflag:s29] =	ssyncset.done $0x0  }
0x78: {  	s17 =	simm.s32 $0x16800;
	[sflag:s29] =	ssyncadd.s32 $0xFFFFD800  }
0x79: {  	[spmem:s2] =	stream.indirect.scatter.add.f32 [tilespmem:s26], [sflag:$0x3], $0x80, s17, s23, $0xb8;
	[tilespmem:$0x1F780] =	vst v63  }
0x7a: {  	_ =	swait.ge [sflag:s19], $0x2800  }
0x7b: {  	s6 =	simm.s32 $0x140F0;
	[sflag:s19] =	ssyncset.done $0x0  }
0x7c: {  	s7 =	simm.s32 $0x400;
	s8 =	simm.s32 $0x14190;
	[sflag:s19] =	ssyncadd.s32 $0xFFFFD800  }
.LBB2_4:
0x7d: {  	[tilespmem:s26], [sflag:$0x2] =	stream.indirect.gather [hbm4b:s10+s23], $0x80, s6, s23, $0xb8;
	[tilespmem:$0x1F780] =	vst v63  }
0x7e: {  	s9 =	smov.u32 s7;
	s6 =	smov.u32 s8  }
0x7f: {  	p0 =	sne.s32 s7, $0xF000;
	s7 =	sadd.s32 $0x400, s7;
	_ =	swait.ge [sflag:s28], $0x2800  }
0x80: {  	s9 =	sshra.s32 s9, $0x2;
	[sflag:s28] =	ssyncset.done $0x0  }
0x81: {  	s17 =	sadd.s32 $0x16780, s9;
	[sflag:s28] =	ssyncadd.s32 $0xFFFFD800  }
0x82: {  	[spmem:s2] =	stream.indirect.scatter.add.f32 [tilespmem:s24], [sflag:$0x3], $0x80, s17, s23, $0xb8;
	[tilespmem:$0x1F780] =	vst v63  }
0x83: {  	_ =	swait.ge [sflag:s19], $0x2800  }
0x84: {  	[sflag:s19] =	ssyncset.done $0x0  }
0x85: {  	s17 =	sadd.s32 $0xFFFFFFB0, s8;
	[sflag:s19] =	ssyncadd.s32 $0xFFFFD800  }
0x86: {  	[tilespmem:s24], [sflag:$0x1] =	stream.indirect.gather [hbm4b:s10+s23], $0x80, s17, s23, $0xb8;
	[tilespmem:$0x1F780] =	vst v63  }
0x87: {  	_ =	swait.ge [sflag:s29], $0x2800  }
0x88: {  	[sflag:s29] =	ssyncset.done $0x0  }
.Ltmp1:
0x89: {  	s9 =	sadd.s32 $0x16800, s9;
	[sflag:s29] =	ssyncadd.s32 $0xFFFFD800;
	(pc) =	sbr.rel @p0 .LBB2_4-.Ltmp1, $4  }
0x8a: {  	[spmem:s2] =	stream.indirect.scatter.add.f32 [tilespmem:s26], [sflag:$0x3], $0x80, s9, s23, $0xb8;
	[tilespmem:$0x1F780] =	vst v63  }
0x8b: {  	_ =	swait.ge [sflag:s19], $0x2800  }
0x8c: {  	[sflag:s19] =	ssyncset.done $0x0  }
0x8d: {  	s8 =	sadd.s32 $0xA0, s8;
	[sflag:s19] =	ssyncadd.s32 $0xFFFFD800  }
0x8e: {  	[tilespmem:s26], [sflag:$0x2] =	stream.indirect.gather [hbm4b:s10+s23], $0x80, s6, s23, $0xb8;
	[tilespmem:$0x1F780] =	vst v63  }
0x8f: {  	_ =	swait.ge [sflag:s28], $0x2800  }
0x90: {  	[sflag:s28] =	ssyncset.done $0x0  }
0x91: {  	[sflag:s28] =	ssyncadd.s32 $0xFFFFD800  }
0x92: {  	[spmem:s2] =	stream.indirect.scatter.add.f32 [tilespmem:s24], [sflag:$0x3], $0x80, s30, s23, $0xb8;
	[tilespmem:$0x1F780] =	vst v63  }
0x93: {  	_ =	swait.ge [sflag:s19], $0x2800  }
0x94: {  	[sflag:s19] =	ssyncset.done $0x0  }
0x95: {  	[sflag:s19] =	ssyncadd.s32 $0xFFFFD800  }
0x96: {  	[tilespmem:s24], [sflag:$0x1] =	stream.indirect.gather [hbm4b:s10+s23], $0x80, s31, s23, $0xb8;
	[tilespmem:$0x1F780] =	vst v63  }
0x97: {  	_ =	swait.ge [sflag:s29], $0x2800  }
0x98: {  	[sflag:s29] =	ssyncset.done $0x0  }
0x99: {  	[sflag:s29] =	ssyncadd.s32 $0xFFFFD800  }
0x9a: {  	[spmem:s2] =	stream.indirect.scatter.add.f32 [tilespmem:s26], [sflag:$0x3], $0x80, s0, s23, $0xb8;
	[tilespmem:$0x1F780] =	vst v63  }
0x9b: {  	_ =	swait.ge [sflag:s19], $0x2800  }
0x9c: {  	[sflag:s19] =	ssyncset.done $0x0  }
0x9d: {  	[sflag:s19] =	ssyncadd.s32 $0xFFFFD800  }
0x9e: {  	_ =	swait.ge [sflag:s28], $0x2800  }
0x9f: {  	[sflag:s28] =	ssyncset.done $0x0  }
0xa0: {  	[sflag:s28] =	ssyncadd.s32 $0xFFFFD800  }
0xa1: {  	[spmem:s2] =	stream.indirect.scatter.add.f32 [tilespmem:s24], [sflag:$0x3], $0x80, s1, s23, $0xb8;
	[tilespmem:$0x1F780] =	vst v63  }
0xa2: {  	_ =	swait.ge [sflag:s19], $0x2800  }
0xa3: {  	[sflag:s19] =	ssyncset.done $0x0  }
0xa4: {  	[sflag:s19] =	ssyncadd.s32 $0xFFFFD800  }
0xa5: {  	s7 =	sadd.s32 $0x28000, s3;
	[bflag:$0x0] =	sbarrier.arrive $0xFFFF  }
0xa6: {  	[hbm:s7], [sflag:s21] =	dma.local [spmem:s22], $0x2800  }
0xa7: {  	_ =	swait.ge [sflag:s19], $0x2800  }
0xa8: {  	[sflag:s19] =	ssyncset.done $0x0  }
0xa9: {  	[sflag:s19] =	ssyncadd.s32 $0xFFFFD800  }
0xaa: {  	[bflag:$0x0] =	sbarrier.arrive $0xFFFF  }
0xab: {  	[spmem:s22], [sflag:s21] =	dma.local [hbm:s5], $0x2800  }
0xac: {  	_ =	swait.ge [sflag:s19], $0x2800  }
0xad: {  	[sflag:s19] =	ssyncset.done $0x0  }
0xae: {  	[sflag:s19] =	ssyncadd.s32 $0xFFFFD800  }
0xaf: {  	[bflag:$0x0] =	sbarrier.arrive $0xFFFF  }
0xb0: {  	[tilespmem:s24], [sflag:$0x1] =	stream.indirect.gather [hbm4b:s11+s23], $0x80, s18, s23, $0xb8;
	[tilespmem:$0x1F780] =	vst v63  }
0xb1: {  	_ = 	snop  }
0xb2: {  	[tilespmem:s26], [sflag:$0x2] =	stream.indirect.gather [hbm4b:s11+s23], $0x80, s25, s23, $0xb8;
	[tilespmem:$0x1F780] =	vst v63  }
0xb3: {  	_ =	swait.ge [sflag:s28], $0x2800  }
0xb4: {  	[sflag:s28] =	ssyncset.done $0x0  }
0xb5: {  	s8 =	simm.s32 $0x16780;
	[sflag:s28] =	ssyncadd.s32 $0xFFFFD800  }
0xb6: {  	[spmem:s2] =	stream.indirect.scatter.add.f32 [tilespmem:s24], [sflag:$0x3], $0x80, s8, s23, $0xb8;
	[tilespmem:$0x1F780] =	vst v63  }
0xb7: {  	_ =	swait.ge [sflag:s19], $0x2800  }
0xb8: {  	[sflag:s19] =	ssyncset.done $0x0  }
0xb9: {  	s9 =	simm.s32 $0x140A0;
	[sflag:s19] =	ssyncadd.s32 $0xFFFFD800  }
0xba: {  	[tilespmem:s24], [sflag:$0x1] =	stream.indirect.gather [hbm4b:s11+s23], $0x80, s9, s23, $0xb8;
	[tilespmem:$0x1F780] =	vst v63  }
0xbb: {  	_ =	swait.ge [sflag:s29], $0x2800  }
0xbc: {  	[sflag:s29] =	ssyncset.done $0x0  }
0xbd: {  	s17 =	simm.s32 $0x16800;
	[sflag:s29] =	ssyncadd.s32 $0xFFFFD800  }
0xbe: {  	[spmem:s2] =	stream.indirect.scatter.add.f32 [tilespmem:s26], [sflag:$0x3], $0x80, s17, s23, $0xb8;
	[tilespmem:$0x1F780] =	vst v63  }
0xbf: {  	_ =	swait.ge [sflag:s19], $0x2800  }
0xc0: {  	s6 =	simm.s32 $0x140F0;
	[sflag:s19] =	ssyncset.done $0x0  }
0xc1: {  	s7 =	simm.s32 $0x400;
	s8 =	simm.s32 $0x14190;
	[sflag:s19] =	ssyncadd.s32 $0xFFFFD800  }
.LBB2_6:
0xc2: {  	[tilespmem:s26], [sflag:$0x2] =	stream.indirect.gather [hbm4b:s11+s23], $0x80, s6, s23, $0xb8;
	[tilespmem:$0x1F780] =	vst v63  }
0xc3: {  	s9 =	smov.u32 s7;
	s6 =	smov.u32 s8  }
0xc4: {  	p0 =	sne.s32 s7, $0xF000;
	s7 =	sadd.s32 $0x400, s7;
	_ =	swait.ge [sflag:s28], $0x2800  }
0xc5: {  	s9 =	sshra.s32 s9, $0x2;
	[sflag:s28] =	ssyncset.done $0x0  }
0xc6: {  	s17 =	sadd.s32 $0x16780, s9;
	[sflag:s28] =	ssyncadd.s32 $0xFFFFD800  }
0xc7: {  	[spmem:s2] =	stream.indirect.scatter.add.f32 [tilespmem:s24], [sflag:$0x3], $0x80, s17, s23, $0xb8;
	[tilespmem:$0x1F780] =	vst v63  }
0xc8: {  	_ =	swait.ge [sflag:s19], $0x2800  }
0xc9: {  	[sflag:s19] =	ssyncset.done $0x0  }
0xca: {  	s17 =	sadd.s32 $0xFFFFFFB0, s8;
	[sflag:s19] =	ssyncadd.s32 $0xFFFFD800  }
0xcb: {  	[tilespmem:s24], [sflag:$0x1] =	stream.indirect.gather [hbm4b:s11+s23], $0x80, s17, s23, $0xb8;
	[tilespmem:$0x1F780] =	vst v63  }
0xcc: {  	_ =	swait.ge [sflag:s29], $0x2800  }
0xcd: {  	[sflag:s29] =	ssyncset.done $0x0  }
.Ltmp2:
0xce: {  	s9 =	sadd.s32 $0x16800, s9;
	[sflag:s29] =	ssyncadd.s32 $0xFFFFD800;
	(pc) =	sbr.rel @p0 .LBB2_6-.Ltmp2, $4  }
0xcf: {  	[spmem:s2] =	stream.indirect.scatter.add.f32 [tilespmem:s26], [sflag:$0x3], $0x80, s9, s23, $0xb8;
	[tilespmem:$0x1F780] =	vst v63  }
0xd0: {  	_ =	swait.ge [sflag:s19], $0x2800  }
0xd1: {  	[sflag:s19] =	ssyncset.done $0x0  }
0xd2: {  	s8 =	sadd.s32 $0xA0, s8;
	[sflag:s19] =	ssyncadd.s32 $0xFFFFD800  }
0xd3: {  	[tilespmem:s26], [sflag:$0x2] =	stream.indirect.gather [hbm4b:s11+s23], $0x80, s6, s23, $0xb8;
	[tilespmem:$0x1F780] =	vst v63  }
0xd4: {  	_ =	swait.ge [sflag:s28], $0x2800  }
0xd5: {  	[sflag:s28] =	ssyncset.done $0x0  }
0xd6: {  	[sflag:s28] =	ssyncadd.s32 $0xFFFFD800  }
0xd7: {  	[spmem:s2] =	stream.indirect.scatter.add.f32 [tilespmem:s24], [sflag:$0x3], $0x80, s30, s23, $0xb8;
	[tilespmem:$0x1F780] =	vst v63  }
0xd8: {  	_ =	swait.ge [sflag:s19], $0x2800  }
0xd9: {  	[sflag:s19] =	ssyncset.done $0x0  }
0xda: {  	[sflag:s19] =	ssyncadd.s32 $0xFFFFD800  }
0xdb: {  	[tilespmem:s24], [sflag:$0x1] =	stream.indirect.gather [hbm4b:s11+s23], $0x80, s31, s23, $0xb8;
	[tilespmem:$0x1F780] =	vst v63  }
0xdc: {  	_ =	swait.ge [sflag:s29], $0x2800  }
0xdd: {  	[sflag:s29] =	ssyncset.done $0x0  }
0xde: {  	[sflag:s29] =	ssyncadd.s32 $0xFFFFD800  }
0xdf: {  	[spmem:s2] =	stream.indirect.scatter.add.f32 [tilespmem:s26], [sflag:$0x3], $0x80, s0, s23, $0xb8;
	[tilespmem:$0x1F780] =	vst v63  }
0xe0: {  	_ =	swait.ge [sflag:s19], $0x2800  }
0xe1: {  	[sflag:s19] =	ssyncset.done $0x0  }
0xe2: {  	[sflag:s19] =	ssyncadd.s32 $0xFFFFD800  }
0xe3: {  	_ =	swait.ge [sflag:s28], $0x2800  }
0xe4: {  	[sflag:s28] =	ssyncset.done $0x0  }
0xe5: {  	[sflag:s28] =	ssyncadd.s32 $0xFFFFD800  }
0xe6: {  	[spmem:s2] =	stream.indirect.scatter.add.f32 [tilespmem:s24], [sflag:$0x3], $0x80, s1, s23, $0xb8;
	[tilespmem:$0x1F780] =	vst v63  }
0xe7: {  	_ =	swait.ge [sflag:s19], $0x2800  }
0xe8: {  	[sflag:s19] =	ssyncset.done $0x0  }
0xe9: {  	[sflag:s19] =	ssyncadd.s32 $0xFFFFD800  }
0xea: {  	s7 =	sadd.s32 $0x50000, s3;
	[bflag:$0x0] =	sbarrier.arrive $0xFFFF  }
0xeb: {  	[hbm:s7], [sflag:s21] =	dma.local [spmem:s22], $0x2800  }
0xec: {  	_ =	swait.ge [sflag:s19], $0x2800  }
0xed: {  	[sflag:s19] =	ssyncset.done $0x0  }
0xee: {  	[sflag:s19] =	ssyncadd.s32 $0xFFFFD800  }
0xef: {  	[bflag:$0x0] =	sbarrier.arrive $0xFFFF  }
0xf0: {  	[spmem:s22], [sflag:s21] =	dma.local [hbm:s5], $0x2800  }
0xf1: {  	_ =	swait.ge [sflag:s19], $0x2800  }
0xf2: {  	[sflag:s19] =	ssyncset.done $0x0  }
0xf3: {  	[sflag:s19] =	ssyncadd.s32 $0xFFFFD800  }
0xf4: {  	[bflag:$0x0] =	sbarrier.arrive $0xFFFF  }
0xf5: {  	[tilespmem:s24], [sflag:$0x1] =	stream.indirect.gather [hbm4b:s12+s23], $0x80, s18, s23, $0xb8;
	[tilespmem:$0x1F780] =	vst v63  }
0xf6: {  	_ = 	snop  }
0xf7: {  	[tilespmem:s26], [sflag:$0x2] =	stream.indirect.gather [hbm4b:s12+s23], $0x80, s25, s23, $0xb8;
	[tilespmem:$0x1F780] =	vst v63  }
0xf8: {  	_ =	swait.ge [sflag:s28], $0x2800  }
0xf9: {  	[sflag:s28] =	ssyncset.done $0x0  }
0xfa: {  	s8 =	simm.s32 $0x16780;
	[sflag:s28] =	ssyncadd.s32 $0xFFFFD800  }
0xfb: {  	[spmem:s2] =	stream.indirect.scatter.add.f32 [tilespmem:s24], [sflag:$0x3], $0x80, s8, s23, $0xb8;
	[tilespmem:$0x1F780] =	vst v63  }
0xfc: {  	_ =	swait.ge [sflag:s19], $0x2800  }
0xfd: {  	[sflag:s19] =	ssyncset.done $0x0  }
0xfe: {  	s9 =	simm.s32 $0x140A0;
	[sflag:s19] =	ssyncadd.s32 $0xFFFFD800  }
0xff: {  	[tilespmem:s24], [sflag:$0x1] =	stream.indirect.gather [hbm4b:s12+s23], $0x80, s9, s23, $0xb8;
	[tilespmem:$0x1F780] =	vst v63  }
0x100: {  	_ =	swait.ge [sflag:s29], $0x2800  }
0x101: {  	[sflag:s29] =	ssyncset.done $0x0  }
0x102: {  	s17 =	simm.s32 $0x16800;
	[sflag:s29] =	ssyncadd.s32 $0xFFFFD800  }
0x103: {  	[spmem:s2] =	stream.indirect.scatter.add.f32 [tilespmem:s26], [sflag:$0x3], $0x80, s17, s23, $0xb8;
	[tilespmem:$0x1F780] =	vst v63  }
0x104: {  	_ =	swait.ge [sflag:s19], $0x2800  }
0x105: {  	s6 =	simm.s32 $0x140F0;
	[sflag:s19] =	ssyncset.done $0x0  }
0x106: {  	s7 =	simm.s32 $0x400;
	s8 =	simm.s32 $0x14190;
	[sflag:s19] =	ssyncadd.s32 $0xFFFFD800  }
.LBB2_8:
0x107: {  	[tilespmem:s26], [sflag:$0x2] =	stream.indirect.gather [hbm4b:s12+s23], $0x80, s6, s23, $0xb8;
	[tilespmem:$0x1F780] =	vst v63  }
0x108: {  	s9 =	smov.u32 s7;
	s6 =	smov.u32 s8  }
0x109: {  	p0 =	sne.s32 s7, $0xF000;
	s7 =	sadd.s32 $0x400, s7;
	_ =	swait.ge [sflag:s28], $0x2800  }
0x10a: {  	s9 =	sshra.s32 s9, $0x2;
	[sflag:s28] =	ssyncset.done $0x0  }
0x10b: {  	s17 =	sadd.s32 $0x16780, s9;
	[sflag:s28] =	ssyncadd.s32 $0xFFFFD800  }
0x10c: {  	[spmem:s2] =	stream.indirect.scatter.add.f32 [tilespmem:s24], [sflag:$0x3], $0x80, s17, s23, $0xb8;
	[tilespmem:$0x1F780] =	vst v63  }
0x10d: {  	_ =	swait.ge [sflag:s19], $0x2800  }
0x10e: {  	[sflag:s19] =	ssyncset.done $0x0  }
0x10f: {  	s17 =	sadd.s32 $0xFFFFFFB0, s8;
	[sflag:s19] =	ssyncadd.s32 $0xFFFFD800  }
0x110: {  	[tilespmem:s24], [sflag:$0x1] =	stream.indirect.gather [hbm4b:s12+s23], $0x80, s17, s23, $0xb8;
	[tilespmem:$0x1F780] =	vst v63  }
0x111: {  	_ =	swait.ge [sflag:s29], $0x2800  }
0x112: {  	[sflag:s29] =	ssyncset.done $0x0  }
.Ltmp3:
0x113: {  	s9 =	sadd.s32 $0x16800, s9;
	[sflag:s29] =	ssyncadd.s32 $0xFFFFD800;
	(pc) =	sbr.rel @p0 .LBB2_8-.Ltmp3, $4  }
0x114: {  	[spmem:s2] =	stream.indirect.scatter.add.f32 [tilespmem:s26], [sflag:$0x3], $0x80, s9, s23, $0xb8;
	[tilespmem:$0x1F780] =	vst v63  }
0x115: {  	_ =	swait.ge [sflag:s19], $0x2800  }
0x116: {  	[sflag:s19] =	ssyncset.done $0x0  }
0x117: {  	s8 =	sadd.s32 $0xA0, s8;
	[sflag:s19] =	ssyncadd.s32 $0xFFFFD800  }
0x118: {  	[tilespmem:s26], [sflag:$0x2] =	stream.indirect.gather [hbm4b:s12+s23], $0x80, s6, s23, $0xb8;
	[tilespmem:$0x1F780] =	vst v63  }
0x119: {  	_ =	swait.ge [sflag:s28], $0x2800  }
0x11a: {  	[sflag:s28] =	ssyncset.done $0x0  }
0x11b: {  	[sflag:s28] =	ssyncadd.s32 $0xFFFFD800  }
0x11c: {  	[spmem:s2] =	stream.indirect.scatter.add.f32 [tilespmem:s24], [sflag:$0x3], $0x80, s30, s23, $0xb8;
	[tilespmem:$0x1F780] =	vst v63  }
0x11d: {  	_ =	swait.ge [sflag:s19], $0x2800  }
0x11e: {  	[sflag:s19] =	ssyncset.done $0x0  }
0x11f: {  	[sflag:s19] =	ssyncadd.s32 $0xFFFFD800  }
0x120: {  	[tilespmem:s24], [sflag:$0x1] =	stream.indirect.gather [hbm4b:s12+s23], $0x80, s31, s23, $0xb8;
	[tilespmem:$0x1F780] =	vst v63  }
0x121: {  	_ =	swait.ge [sflag:s29], $0x2800  }
0x122: {  	[sflag:s29] =	ssyncset.done $0x0  }
0x123: {  	[sflag:s29] =	ssyncadd.s32 $0xFFFFD800  }
0x124: {  	[spmem:s2] =	stream.indirect.scatter.add.f32 [tilespmem:s26], [sflag:$0x3], $0x80, s0, s23, $0xb8;
	[tilespmem:$0x1F780] =	vst v63  }
0x125: {  	_ =	swait.ge [sflag:s19], $0x2800  }
0x126: {  	[sflag:s19] =	ssyncset.done $0x0  }
0x127: {  	[sflag:s19] =	ssyncadd.s32 $0xFFFFD800  }
0x128: {  	_ =	swait.ge [sflag:s28], $0x2800  }
0x129: {  	[sflag:s28] =	ssyncset.done $0x0  }
0x12a: {  	[sflag:s28] =	ssyncadd.s32 $0xFFFFD800  }
0x12b: {  	[spmem:s2] =	stream.indirect.scatter.add.f32 [tilespmem:s24], [sflag:$0x3], $0x80, s1, s23, $0xb8;
	[tilespmem:$0x1F780] =	vst v63  }
0x12c: {  	_ =	swait.ge [sflag:s19], $0x2800  }
0x12d: {  	[sflag:s19] =	ssyncset.done $0x0  }
0x12e: {  	[sflag:s19] =	ssyncadd.s32 $0xFFFFD800  }
0x12f: {  	s7 =	sadd.s32 $0x78000, s3;
	[bflag:$0x0] =	sbarrier.arrive $0xFFFF  }
0x130: {  	[hbm:s7], [sflag:s21] =	dma.local [spmem:s22], $0x2800  }
0x131: {  	_ =	swait.ge [sflag:s19], $0x2800  }
0x132: {  	[sflag:s19] =	ssyncset.done $0x0  }
0x133: {  	[sflag:s19] =	ssyncadd.s32 $0xFFFFD800  }
0x134: {  	[bflag:$0x0] =	sbarrier.arrive $0xFFFF  }
0x135: {  	[spmem:s22], [sflag:s21] =	dma.local [hbm:s5], $0x2800  }
0x136: {  	_ =	swait.ge [sflag:s19], $0x2800  }
0x137: {  	[sflag:s19] =	ssyncset.done $0x0  }
0x138: {  	[sflag:s19] =	ssyncadd.s32 $0xFFFFD800  }
0x139: {  	[bflag:$0x0] =	sbarrier.arrive $0xFFFF  }
0x13a: {  	[tilespmem:s24], [sflag:$0x1] =	stream.indirect.gather [hbm4b:s13+s23], $0x80, s18, s23, $0xb8;
	[tilespmem:$0x1F780] =	vst v63  }
0x13b: {  	_ = 	snop  }
0x13c: {  	[tilespmem:s26], [sflag:$0x2] =	stream.indirect.gather [hbm4b:s13+s23], $0x80, s25, s23, $0xb8;
	[tilespmem:$0x1F780] =	vst v63  }
0x13d: {  	_ =	swait.ge [sflag:s28], $0x2800  }
0x13e: {  	[sflag:s28] =	ssyncset.done $0x0  }
0x13f: {  	s8 =	simm.s32 $0x16780;
	[sflag:s28] =	ssyncadd.s32 $0xFFFFD800  }
0x140: {  	[spmem:s2] =	stream.indirect.scatter.add.f32 [tilespmem:s24], [sflag:$0x3], $0x80, s8, s23, $0xb8;
	[tilespmem:$0x1F780] =	vst v63  }
0x141: {  	_ =	swait.ge [sflag:s19], $0x2800  }
0x142: {  	[sflag:s19] =	ssyncset.done $0x0  }
0x143: {  	s9 =	simm.s32 $0x140A0;
	[sflag:s19] =	ssyncadd.s32 $0xFFFFD800  }
0x144: {  	[tilespmem:s24], [sflag:$0x1] =	stream.indirect.gather [hbm4b:s13+s23], $0x80, s9, s23, $0xb8;
	[tilespmem:$0x1F780] =	vst v63  }
0x145: {  	_ =	swait.ge [sflag:s29], $0x2800  }
0x146: {  	[sflag:s29] =	ssyncset.done $0x0  }
0x147: {  	s17 =	simm.s32 $0x16800;
	[sflag:s29] =	ssyncadd.s32 $0xFFFFD800  }
0x148: {  	[spmem:s2] =	stream.indirect.scatter.add.f32 [tilespmem:s26], [sflag:$0x3], $0x80, s17, s23, $0xb8;
	[tilespmem:$0x1F780] =	vst v63  }
0x149: {  	_ =	swait.ge [sflag:s19], $0x2800  }
0x14a: {  	s6 =	simm.s32 $0x140F0;
	[sflag:s19] =	ssyncset.done $0x0  }
0x14b: {  	s7 =	simm.s32 $0x400;
	s8 =	simm.s32 $0x14190;
	[sflag:s19] =	ssyncadd.s32 $0xFFFFD800  }
.LBB2_10:
0x14c: {  	[tilespmem:s26], [sflag:$0x2] =	stream.indirect.gather [hbm4b:s13+s23], $0x80, s6, s23, $0xb8;
	[tilespmem:$0x1F780] =	vst v63  }
0x14d: {  	s9 =	smov.u32 s7;
	s6 =	smov.u32 s8  }
0x14e: {  	p0 =	sne.s32 s7, $0xF000;
	s7 =	sadd.s32 $0x400, s7;
	_ =	swait.ge [sflag:s28], $0x2800  }
0x14f: {  	s9 =	sshra.s32 s9, $0x2;
	[sflag:s28] =	ssyncset.done $0x0  }
0x150: {  	s17 =	sadd.s32 $0x16780, s9;
	[sflag:s28] =	ssyncadd.s32 $0xFFFFD800  }
0x151: {  	[spmem:s2] =	stream.indirect.scatter.add.f32 [tilespmem:s24], [sflag:$0x3], $0x80, s17, s23, $0xb8;
	[tilespmem:$0x1F780] =	vst v63  }
0x152: {  	_ =	swait.ge [sflag:s19], $0x2800  }
0x153: {  	[sflag:s19] =	ssyncset.done $0x0  }
0x154: {  	s17 =	sadd.s32 $0xFFFFFFB0, s8;
	[sflag:s19] =	ssyncadd.s32 $0xFFFFD800  }
0x155: {  	[tilespmem:s24], [sflag:$0x1] =	stream.indirect.gather [hbm4b:s13+s23], $0x80, s17, s23, $0xb8;
	[tilespmem:$0x1F780] =	vst v63  }
0x156: {  	_ =	swait.ge [sflag:s29], $0x2800  }
0x157: {  	[sflag:s29] =	ssyncset.done $0x0  }
.Ltmp4:
0x158: {  	s9 =	sadd.s32 $0x16800, s9;
	[sflag:s29] =	ssyncadd.s32 $0xFFFFD800;
	(pc) =	sbr.rel @p0 .LBB2_10-.Ltmp4, $4  }
0x159: {  	[spmem:s2] =	stream.indirect.scatter.add.f32 [tilespmem:s26], [sflag:$0x3], $0x80, s9, s23, $0xb8;
	[tilespmem:$0x1F780] =	vst v63  }
0x15a: {  	_ =	swait.ge [sflag:s19], $0x2800  }
0x15b: {  	[sflag:s19] =	ssyncset.done $0x0  }
0x15c: {  	s8 =	sadd.s32 $0xA0, s8;
	[sflag:s19] =	ssyncadd.s32 $0xFFFFD800  }
0x15d: {  	[tilespmem:s26], [sflag:$0x2] =	stream.indirect.gather [hbm4b:s13+s23], $0x80, s6, s23, $0xb8;
	[tilespmem:$0x1F780] =	vst v63  }
0x15e: {  	_ =	swait.ge [sflag:s28], $0x2800  }
0x15f: {  	[sflag:s28] =	ssyncset.done $0x0  }
0x160: {  	[sflag:s28] =	ssyncadd.s32 $0xFFFFD800  }
0x161: {  	[spmem:s2] =	stream.indirect.scatter.add.f32 [tilespmem:s24], [sflag:$0x3], $0x80, s30, s23, $0xb8;
	[tilespmem:$0x1F780] =	vst v63  }
0x162: {  	_ =	swait.ge [sflag:s19], $0x2800  }
0x163: {  	[sflag:s19] =	ssyncset.done $0x0  }
0x164: {  	[sflag:s19] =	ssyncadd.s32 $0xFFFFD800  }
0x165: {  	[tilespmem:s24], [sflag:$0x1] =	stream.indirect.gather [hbm4b:s13+s23], $0x80, s31, s23, $0xb8;
	[tilespmem:$0x1F780] =	vst v63  }
0x166: {  	_ =	swait.ge [sflag:s29], $0x2800  }
0x167: {  	[sflag:s29] =	ssyncset.done $0x0  }
0x168: {  	[sflag:s29] =	ssyncadd.s32 $0xFFFFD800  }
0x169: {  	[spmem:s2] =	stream.indirect.scatter.add.f32 [tilespmem:s26], [sflag:$0x3], $0x80, s0, s23, $0xb8;
	[tilespmem:$0x1F780] =	vst v63  }
0x16a: {  	_ =	swait.ge [sflag:s19], $0x2800  }
0x16b: {  	[sflag:s19] =	ssyncset.done $0x0  }
0x16c: {  	[sflag:s19] =	ssyncadd.s32 $0xFFFFD800  }
0x16d: {  	_ =	swait.ge [sflag:s28], $0x2800  }
0x16e: {  	[sflag:s28] =	ssyncset.done $0x0  }
0x16f: {  	[sflag:s28] =	ssyncadd.s32 $0xFFFFD800  }
0x170: {  	[spmem:s2] =	stream.indirect.scatter.add.f32 [tilespmem:s24], [sflag:$0x3], $0x80, s1, s23, $0xb8;
	[tilespmem:$0x1F780] =	vst v63  }
0x171: {  	_ =	swait.ge [sflag:s19], $0x2800  }
0x172: {  	[sflag:s19] =	ssyncset.done $0x0  }
0x173: {  	[sflag:s19] =	ssyncadd.s32 $0xFFFFD800  }
0x174: {  	s7 =	sadd.s32 $0xA0000, s3;
	[bflag:$0x0] =	sbarrier.arrive $0xFFFF  }
0x175: {  	[hbm:s7], [sflag:s21] =	dma.local [spmem:s22], $0x2800  }
0x176: {  	_ =	swait.ge [sflag:s19], $0x2800  }
0x177: {  	[sflag:s19] =	ssyncset.done $0x0  }
0x178: {  	[sflag:s19] =	ssyncadd.s32 $0xFFFFD800  }
0x179: {  	[bflag:$0x0] =	sbarrier.arrive $0xFFFF  }
0x17a: {  	[spmem:s22], [sflag:s21] =	dma.local [hbm:s5], $0x2800  }
0x17b: {  	_ =	swait.ge [sflag:s19], $0x2800  }
0x17c: {  	[sflag:s19] =	ssyncset.done $0x0  }
0x17d: {  	[sflag:s19] =	ssyncadd.s32 $0xFFFFD800  }
0x17e: {  	[bflag:$0x0] =	sbarrier.arrive $0xFFFF  }
0x17f: {  	[tilespmem:s24], [sflag:$0x1] =	stream.indirect.gather [hbm4b:s14+s23], $0x80, s18, s23, $0xb8;
	[tilespmem:$0x1F780] =	vst v63  }
0x180: {  	_ = 	snop  }
0x181: {  	[tilespmem:s26], [sflag:$0x2] =	stream.indirect.gather [hbm4b:s14+s23], $0x80, s25, s23, $0xb8;
	[tilespmem:$0x1F780] =	vst v63  }
0x182: {  	_ =	swait.ge [sflag:s28], $0x2800  }
0x183: {  	[sflag:s28] =	ssyncset.done $0x0  }
0x184: {  	s8 =	simm.s32 $0x16780;
	[sflag:s28] =	ssyncadd.s32 $0xFFFFD800  }
0x185: {  	[spmem:s2] =	stream.indirect.scatter.add.f32 [tilespmem:s24], [sflag:$0x3], $0x80, s8, s23, $0xb8;
	[tilespmem:$0x1F780] =	vst v63  }
0x186: {  	_ =	swait.ge [sflag:s19], $0x2800  }
0x187: {  	[sflag:s19] =	ssyncset.done $0x0  }
0x188: {  	s9 =	simm.s32 $0x140A0;
	[sflag:s19] =	ssyncadd.s32 $0xFFFFD800  }
0x189: {  	[tilespmem:s24], [sflag:$0x1] =	stream.indirect.gather [hbm4b:s14+s23], $0x80, s9, s23, $0xb8;
	[tilespmem:$0x1F780] =	vst v63  }
0x18a: {  	_ =	swait.ge [sflag:s29], $0x2800  }
0x18b: {  	[sflag:s29] =	ssyncset.done $0x0  }
0x18c: {  	s17 =	simm.s32 $0x16800;
	[sflag:s29] =	ssyncadd.s32 $0xFFFFD800  }
0x18d: {  	[spmem:s2] =	stream.indirect.scatter.add.f32 [tilespmem:s26], [sflag:$0x3], $0x80, s17, s23, $0xb8;
	[tilespmem:$0x1F780] =	vst v63  }
0x18e: {  	_ =	swait.ge [sflag:s19], $0x2800  }
0x18f: {  	s6 =	simm.s32 $0x140F0;
	[sflag:s19] =	ssyncset.done $0x0  }
0x190: {  	s7 =	simm.s32 $0x400;
	s8 =	simm.s32 $0x14190;
	[sflag:s19] =	ssyncadd.s32 $0xFFFFD800  }
.LBB2_12:
0x191: {  	[tilespmem:s26], [sflag:$0x2] =	stream.indirect.gather [hbm4b:s14+s23], $0x80, s6, s23, $0xb8;
	[tilespmem:$0x1F780] =	vst v63  }
0x192: {  	s9 =	smov.u32 s7;
	s6 =	smov.u32 s8  }
0x193: {  	p0 =	sne.s32 s7, $0xF000;
	s7 =	sadd.s32 $0x400, s7;
	_ =	swait.ge [sflag:s28], $0x2800  }
0x194: {  	s9 =	sshra.s32 s9, $0x2;
	[sflag:s28] =	ssyncset.done $0x0  }
0x195: {  	s17 =	sadd.s32 $0x16780, s9;
	[sflag:s28] =	ssyncadd.s32 $0xFFFFD800  }
0x196: {  	[spmem:s2] =	stream.indirect.scatter.add.f32 [tilespmem:s24], [sflag:$0x3], $0x80, s17, s23, $0xb8;
	[tilespmem:$0x1F780] =	vst v63  }
0x197: {  	_ =	swait.ge [sflag:s19], $0x2800  }
0x198: {  	[sflag:s19] =	ssyncset.done $0x0  }
0x199: {  	s17 =	sadd.s32 $0xFFFFFFB0, s8;
	[sflag:s19] =	ssyncadd.s32 $0xFFFFD800  }
0x19a: {  	[tilespmem:s24], [sflag:$0x1] =	stream.indirect.gather [hbm4b:s14+s23], $0x80, s17, s23, $0xb8;
	[tilespmem:$0x1F780] =	vst v63  }
0x19b: {  	_ =	swait.ge [sflag:s29], $0x2800  }
0x19c: {  	[sflag:s29] =	ssyncset.done $0x0  }
.Ltmp5:
0x19d: {  	s9 =	sadd.s32 $0x16800, s9;
	[sflag:s29] =	ssyncadd.s32 $0xFFFFD800;
	(pc) =	sbr.rel @p0 .LBB2_12-.Ltmp5, $4  }
0x19e: {  	[spmem:s2] =	stream.indirect.scatter.add.f32 [tilespmem:s26], [sflag:$0x3], $0x80, s9, s23, $0xb8;
	[tilespmem:$0x1F780] =	vst v63  }
0x19f: {  	_ =	swait.ge [sflag:s19], $0x2800  }
0x1a0: {  	[sflag:s19] =	ssyncset.done $0x0  }
0x1a1: {  	s8 =	sadd.s32 $0xA0, s8;
	[sflag:s19] =	ssyncadd.s32 $0xFFFFD800  }
0x1a2: {  	[tilespmem:s26], [sflag:$0x2] =	stream.indirect.gather [hbm4b:s14+s23], $0x80, s6, s23, $0xb8;
	[tilespmem:$0x1F780] =	vst v63  }
0x1a3: {  	_ =	swait.ge [sflag:s28], $0x2800  }
0x1a4: {  	[sflag:s28] =	ssyncset.done $0x0  }
0x1a5: {  	[sflag:s28] =	ssyncadd.s32 $0xFFFFD800  }
0x1a6: {  	[spmem:s2] =	stream.indirect.scatter.add.f32 [tilespmem:s24], [sflag:$0x3], $0x80, s30, s23, $0xb8;
	[tilespmem:$0x1F780] =	vst v63  }
0x1a7: {  	_ =	swait.ge [sflag:s19], $0x2800  }
0x1a8: {  	[sflag:s19] =	ssyncset.done $0x0  }
0x1a9: {  	[sflag:s19] =	ssyncadd.s32 $0xFFFFD800  }
0x1aa: {  	[tilespmem:s24], [sflag:$0x1] =	stream.indirect.gather [hbm4b:s14+s23], $0x80, s31, s23, $0xb8;
	[tilespmem:$0x1F780] =	vst v63  }
0x1ab: {  	_ =	swait.ge [sflag:s29], $0x2800  }
0x1ac: {  	[sflag:s29] =	ssyncset.done $0x0  }
0x1ad: {  	[sflag:s29] =	ssyncadd.s32 $0xFFFFD800  }
0x1ae: {  	[spmem:s2] =	stream.indirect.scatter.add.f32 [tilespmem:s26], [sflag:$0x3], $0x80, s0, s23, $0xb8;
	[tilespmem:$0x1F780] =	vst v63  }
0x1af: {  	_ =	swait.ge [sflag:s19], $0x2800  }
0x1b0: {  	[sflag:s19] =	ssyncset.done $0x0  }
0x1b1: {  	[sflag:s19] =	ssyncadd.s32 $0xFFFFD800  }
0x1b2: {  	_ =	swait.ge [sflag:s28], $0x2800  }
0x1b3: {  	[sflag:s28] =	ssyncset.done $0x0  }
0x1b4: {  	[sflag:s28] =	ssyncadd.s32 $0xFFFFD800  }
0x1b5: {  	[spmem:s2] =	stream.indirect.scatter.add.f32 [tilespmem:s24], [sflag:$0x3], $0x80, s1, s23, $0xb8;
	[tilespmem:$0x1F780] =	vst v63  }
0x1b6: {  	_ =	swait.ge [sflag:s19], $0x2800  }
0x1b7: {  	[sflag:s19] =	ssyncset.done $0x0  }
0x1b8: {  	[sflag:s19] =	ssyncadd.s32 $0xFFFFD800  }
0x1b9: {  	s7 =	sadd.s32 $0xC8000, s3;
	[bflag:$0x0] =	sbarrier.arrive $0xFFFF  }
0x1ba: {  	[hbm:s7], [sflag:s21] =	dma.local [spmem:s22], $0x2800  }
0x1bb: {  	_ =	swait.ge [sflag:s19], $0x2800  }
0x1bc: {  	[sflag:s19] =	ssyncset.done $0x0  }
0x1bd: {  	[sflag:s19] =	ssyncadd.s32 $0xFFFFD800  }
0x1be: {  	[bflag:$0x0] =	sbarrier.arrive $0xFFFF  }
0x1bf: {  	[spmem:s22], [sflag:s21] =	dma.local [hbm:s5], $0x2800  }
0x1c0: {  	_ =	swait.ge [sflag:s19], $0x2800  }
0x1c1: {  	[sflag:s19] =	ssyncset.done $0x0  }
0x1c2: {  	[sflag:s19] =	ssyncadd.s32 $0xFFFFD800  }
0x1c3: {  	[bflag:$0x0] =	sbarrier.arrive $0xFFFF  }
0x1c4: {  	[tilespmem:s24], [sflag:$0x1] =	stream.indirect.gather [hbm4b:s15+s23], $0x80, s18, s23, $0xb8;
	[tilespmem:$0x1F780] =	vst v63  }
0x1c5: {  	_ = 	snop  }
0x1c6: {  	[tilespmem:s26], [sflag:$0x2] =	stream.indirect.gather [hbm4b:s15+s23], $0x80, s25, s23, $0xb8;
	[tilespmem:$0x1F780] =	vst v63  }
0x1c7: {  	_ =	swait.ge [sflag:s28], $0x2800  }
0x1c8: {  	[sflag:s28] =	ssyncset.done $0x0  }
0x1c9: {  	s8 =	simm.s32 $0x16780;
	[sflag:s28] =	ssyncadd.s32 $0xFFFFD800  }
0x1ca: {  	[spmem:s2] =	stream.indirect.scatter.add.f32 [tilespmem:s24], [sflag:$0x3], $0x80, s8, s23, $0xb8;
	[tilespmem:$0x1F780] =	vst v63  }
0x1cb: {  	_ =	swait.ge [sflag:s19], $0x2800  }
0x1cc: {  	[sflag:s19] =	ssyncset.done $0x0  }
0x1cd: {  	s9 =	simm.s32 $0x140A0;
	[sflag:s19] =	ssyncadd.s32 $0xFFFFD800  }
0x1ce: {  	[tilespmem:s24], [sflag:$0x1] =	stream.indirect.gather [hbm4b:s15+s23], $0x80, s9, s23, $0xb8;
	[tilespmem:$0x1F780] =	vst v63  }
0x1cf: {  	_ =	swait.ge [sflag:s29], $0x2800  }
0x1d0: {  	[sflag:s29] =	ssyncset.done $0x0  }
0x1d1: {  	s17 =	simm.s32 $0x16800;
	[sflag:s29] =	ssyncadd.s32 $0xFFFFD800  }
0x1d2: {  	[spmem:s2] =	stream.indirect.scatter.add.f32 [tilespmem:s26], [sflag:$0x3], $0x80, s17, s23, $0xb8;
	[tilespmem:$0x1F780] =	vst v63  }
0x1d3: {  	_ =	swait.ge [sflag:s19], $0x2800  }
0x1d4: {  	s6 =	simm.s32 $0x140F0;
	[sflag:s19] =	ssyncset.done $0x0  }
0x1d5: {  	s7 =	simm.s32 $0x400;
	s8 =	simm.s32 $0x14190;
	[sflag:s19] =	ssyncadd.s32 $0xFFFFD800  }
.LBB2_14:
0x1d6: {  	[tilespmem:s26], [sflag:$0x2] =	stream.indirect.gather [hbm4b:s15+s23], $0x80, s6, s23, $0xb8;
	[tilespmem:$0x1F780] =	vst v63  }
0x1d7: {  	s9 =	smov.u32 s7;
	s6 =	smov.u32 s8  }
0x1d8: {  	p0 =	sne.s32 s7, $0xF000;
	s7 =	sadd.s32 $0x400, s7;
	_ =	swait.ge [sflag:s28], $0x2800  }
0x1d9: {  	s9 =	sshra.s32 s9, $0x2;
	[sflag:s28] =	ssyncset.done $0x0  }
0x1da: {  	s17 =	sadd.s32 $0x16780, s9;
	[sflag:s28] =	ssyncadd.s32 $0xFFFFD800  }
0x1db: {  	[spmem:s2] =	stream.indirect.scatter.add.f32 [tilespmem:s24], [sflag:$0x3], $0x80, s17, s23, $0xb8;
	[tilespmem:$0x1F780] =	vst v63  }
0x1dc: {  	_ =	swait.ge [sflag:s19], $0x2800  }
0x1dd: {  	[sflag:s19] =	ssyncset.done $0x0  }
0x1de: {  	s17 =	sadd.s32 $0xFFFFFFB0, s8;
	[sflag:s19] =	ssyncadd.s32 $0xFFFFD800  }
0x1df: {  	[tilespmem:s24], [sflag:$0x1] =	stream.indirect.gather [hbm4b:s15+s23], $0x80, s17, s23, $0xb8;
	[tilespmem:$0x1F780] =	vst v63  }
0x1e0: {  	_ =	swait.ge [sflag:s29], $0x2800  }
0x1e1: {  	[sflag:s29] =	ssyncset.done $0x0  }
.Ltmp6:
0x1e2: {  	s9 =	sadd.s32 $0x16800, s9;
	[sflag:s29] =	ssyncadd.s32 $0xFFFFD800;
	(pc) =	sbr.rel @p0 .LBB2_14-.Ltmp6, $4  }
0x1e3: {  	[spmem:s2] =	stream.indirect.scatter.add.f32 [tilespmem:s26], [sflag:$0x3], $0x80, s9, s23, $0xb8;
	[tilespmem:$0x1F780] =	vst v63  }
0x1e4: {  	_ =	swait.ge [sflag:s19], $0x2800  }
0x1e5: {  	[sflag:s19] =	ssyncset.done $0x0  }
0x1e6: {  	s8 =	sadd.s32 $0xA0, s8;
	[sflag:s19] =	ssyncadd.s32 $0xFFFFD800  }
0x1e7: {  	[tilespmem:s26], [sflag:$0x2] =	stream.indirect.gather [hbm4b:s15+s23], $0x80, s6, s23, $0xb8;
	[tilespmem:$0x1F780] =	vst v63  }
0x1e8: {  	_ =	swait.ge [sflag:s28], $0x2800  }
0x1e9: {  	[sflag:s28] =	ssyncset.done $0x0  }
0x1ea: {  	[sflag:s28] =	ssyncadd.s32 $0xFFFFD800  }
0x1eb: {  	[spmem:s2] =	stream.indirect.scatter.add.f32 [tilespmem:s24], [sflag:$0x3], $0x80, s30, s23, $0xb8;
	[tilespmem:$0x1F780] =	vst v63  }
0x1ec: {  	_ =	swait.ge [sflag:s19], $0x2800  }
0x1ed: {  	[sflag:s19] =	ssyncset.done $0x0  }
0x1ee: {  	[sflag:s19] =	ssyncadd.s32 $0xFFFFD800  }
0x1ef: {  	[tilespmem:s24], [sflag:$0x1] =	stream.indirect.gather [hbm4b:s15+s23], $0x80, s31, s23, $0xb8;
	[tilespmem:$0x1F780] =	vst v63  }
0x1f0: {  	_ =	swait.ge [sflag:s29], $0x2800  }
0x1f1: {  	[sflag:s29] =	ssyncset.done $0x0  }
0x1f2: {  	[sflag:s29] =	ssyncadd.s32 $0xFFFFD800  }
0x1f3: {  	[spmem:s2] =	stream.indirect.scatter.add.f32 [tilespmem:s26], [sflag:$0x3], $0x80, s0, s23, $0xb8;
	[tilespmem:$0x1F780] =	vst v63  }
0x1f4: {  	_ =	swait.ge [sflag:s19], $0x2800  }
0x1f5: {  	[sflag:s19] =	ssyncset.done $0x0  }
0x1f6: {  	[sflag:s19] =	ssyncadd.s32 $0xFFFFD800  }
0x1f7: {  	_ =	swait.ge [sflag:s28], $0x2800  }
0x1f8: {  	[sflag:s28] =	ssyncset.done $0x0  }
0x1f9: {  	[sflag:s28] =	ssyncadd.s32 $0xFFFFD800  }
0x1fa: {  	[spmem:s2] =	stream.indirect.scatter.add.f32 [tilespmem:s24], [sflag:$0x3], $0x80, s1, s23, $0xb8;
	[tilespmem:$0x1F780] =	vst v63  }
0x1fb: {  	_ =	swait.ge [sflag:s19], $0x2800  }
0x1fc: {  	[sflag:s19] =	ssyncset.done $0x0  }
0x1fd: {  	[sflag:s19] =	ssyncadd.s32 $0xFFFFD800  }
0x1fe: {  	s7 =	sadd.s32 $0xF0000, s3;
	[bflag:$0x0] =	sbarrier.arrive $0xFFFF  }
0x1ff: {  	[hbm:s7], [sflag:s21] =	dma.local [spmem:s22], $0x2800  }
0x200: {  	_ =	swait.ge [sflag:s19], $0x2800  }
0x201: {  	[sflag:s19] =	ssyncset.done $0x0  }
0x202: {  	[sflag:s19] =	ssyncadd.s32 $0xFFFFD800  }
0x203: {  	[bflag:$0x0] =	sbarrier.arrive $0xFFFF  }
0x204: {  	[spmem:s22], [sflag:s21] =	dma.local [hbm:s5], $0x2800  }
0x205: {  	_ =	swait.ge [sflag:s19], $0x2800  }
0x206: {  	[sflag:s19] =	ssyncset.done $0x0  }
0x207: {  	[sflag:s19] =	ssyncadd.s32 $0xFFFFD800  }
0x208: {  	[bflag:$0x0] =	sbarrier.arrive $0xFFFF  }
0x209: {  	[tilespmem:s24], [sflag:$0x1] =	stream.indirect.gather [hbm4b:s16+s23], $0x80, s18, s23, $0xb8;
	[tilespmem:$0x1F780] =	vst v63  }
0x20a: {  	_ = 	snop  }
0x20b: {  	[tilespmem:s26], [sflag:$0x2] =	stream.indirect.gather [hbm4b:s16+s23], $0x80, s25, s23, $0xb8;
	[tilespmem:$0x1F780] =	vst v63  }
0x20c: {  	_ =	swait.ge [sflag:s28], $0x2800  }
0x20d: {  	[sflag:s28] =	ssyncset.done $0x0  }
0x20e: {  	s8 =	simm.s32 $0x16780;
	[sflag:s28] =	ssyncadd.s32 $0xFFFFD800  }
0x20f: {  	[spmem:s2] =	stream.indirect.scatter.add.f32 [tilespmem:s24], [sflag:$0x3], $0x80, s8, s23, $0xb8;
	[tilespmem:$0x1F780] =	vst v63  }
0x210: {  	_ =	swait.ge [sflag:s19], $0x2800  }
0x211: {  	[sflag:s19] =	ssyncset.done $0x0  }
0x212: {  	s9 =	simm.s32 $0x140A0;
	[sflag:s19] =	ssyncadd.s32 $0xFFFFD800  }
0x213: {  	[tilespmem:s24], [sflag:$0x1] =	stream.indirect.gather [hbm4b:s16+s23], $0x80, s9, s23, $0xb8;
	[tilespmem:$0x1F780] =	vst v63  }
0x214: {  	_ =	swait.ge [sflag:s29], $0x2800  }
0x215: {  	[sflag:s29] =	ssyncset.done $0x0  }
0x216: {  	s17 =	simm.s32 $0x16800;
	[sflag:s29] =	ssyncadd.s32 $0xFFFFD800  }
0x217: {  	[spmem:s2] =	stream.indirect.scatter.add.f32 [tilespmem:s26], [sflag:$0x3], $0x80, s17, s23, $0xb8;
	[tilespmem:$0x1F780] =	vst v63  }
0x218: {  	_ =	swait.ge [sflag:s19], $0x2800  }
0x219: {  	s6 =	simm.s32 $0x140F0;
	[sflag:s19] =	ssyncset.done $0x0  }
0x21a: {  	s7 =	simm.s32 $0x400;
	s8 =	simm.s32 $0x14190;
	[sflag:s19] =	ssyncadd.s32 $0xFFFFD800  }
.LBB2_16:
0x21b: {  	[tilespmem:s26], [sflag:$0x2] =	stream.indirect.gather [hbm4b:s16+s23], $0x80, s6, s23, $0xb8;
	[tilespmem:$0x1F780] =	vst v63  }
0x21c: {  	s9 =	smov.u32 s7;
	s6 =	smov.u32 s8  }
0x21d: {  	p0 =	sne.s32 s7, $0xF000;
	s7 =	sadd.s32 $0x400, s7;
	_ =	swait.ge [sflag:s28], $0x2800  }
0x21e: {  	s9 =	sshra.s32 s9, $0x2;
	[sflag:s28] =	ssyncset.done $0x0  }
0x21f: {  	s17 =	sadd.s32 $0x16780, s9;
	[sflag:s28] =	ssyncadd.s32 $0xFFFFD800  }
0x220: {  	[spmem:s2] =	stream.indirect.scatter.add.f32 [tilespmem:s24], [sflag:$0x3], $0x80, s17, s23, $0xb8;
	[tilespmem:$0x1F780] =	vst v63  }
0x221: {  	_ =	swait.ge [sflag:s19], $0x2800  }
0x222: {  	[sflag:s19] =	ssyncset.done $0x0  }
0x223: {  	s17 =	sadd.s32 $0xFFFFFFB0, s8;
	[sflag:s19] =	ssyncadd.s32 $0xFFFFD800  }
0x224: {  	[tilespmem:s24], [sflag:$0x1] =	stream.indirect.gather [hbm4b:s16+s23], $0x80, s17, s23, $0xb8;
	[tilespmem:$0x1F780] =	vst v63  }
0x225: {  	_ =	swait.ge [sflag:s29], $0x2800  }
0x226: {  	[sflag:s29] =	ssyncset.done $0x0  }
.Ltmp7:
0x227: {  	s9 =	sadd.s32 $0x16800, s9;
	[sflag:s29] =	ssyncadd.s32 $0xFFFFD800;
	(pc) =	sbr.rel @p0 .LBB2_16-.Ltmp7, $4  }
0x228: {  	[spmem:s2] =	stream.indirect.scatter.add.f32 [tilespmem:s26], [sflag:$0x3], $0x80, s9, s23, $0xb8;
	[tilespmem:$0x1F780] =	vst v63  }
0x229: {  	_ =	swait.ge [sflag:s19], $0x2800  }
0x22a: {  	[sflag:s19] =	ssyncset.done $0x0  }
0x22b: {  	s8 =	sadd.s32 $0xA0, s8;
	[sflag:s19] =	ssyncadd.s32 $0xFFFFD800  }
0x22c: {  	[tilespmem:s26], [sflag:$0x2] =	stream.indirect.gather [hbm4b:s16+s23], $0x80, s6, s23, $0xb8;
	[tilespmem:$0x1F780] =	vst v63  }
0x22d: {  	_ =	swait.ge [sflag:s28], $0x2800  }
0x22e: {  	[sflag:s28] =	ssyncset.done $0x0  }
0x22f: {  	[sflag:s28] =	ssyncadd.s32 $0xFFFFD800  }
0x230: {  	[spmem:s2] =	stream.indirect.scatter.add.f32 [tilespmem:s24], [sflag:$0x3], $0x80, s30, s23, $0xb8;
	[tilespmem:$0x1F780] =	vst v63  }
0x231: {  	_ =	swait.ge [sflag:s19], $0x2800  }
0x232: {  	[sflag:s19] =	ssyncset.done $0x0  }
0x233: {  	[sflag:s19] =	ssyncadd.s32 $0xFFFFD800  }
0x234: {  	[tilespmem:s24], [sflag:$0x1] =	stream.indirect.gather [hbm4b:s16+s23], $0x80, s31, s23, $0xb8;
	[tilespmem:$0x1F780] =	vst v63  }
0x235: {  	_ =	swait.ge [sflag:s29], $0x2800  }
0x236: {  	[sflag:s29] =	ssyncset.done $0x0  }
0x237: {  	[sflag:s29] =	ssyncadd.s32 $0xFFFFD800  }
0x238: {  	[spmem:s2] =	stream.indirect.scatter.add.f32 [tilespmem:s26], [sflag:$0x3], $0x80, s0, s23, $0xb8;
	[tilespmem:$0x1F780] =	vst v63  }
0x239: {  	_ =	swait.ge [sflag:s19], $0x2800  }
0x23a: {  	[sflag:s19] =	ssyncset.done $0x0  }
0x23b: {  	[sflag:s19] =	ssyncadd.s32 $0xFFFFD800  }
0x23c: {  	_ =	swait.ge [sflag:s28], $0x2800  }
0x23d: {  	[sflag:s28] =	ssyncset.done $0x0  }
0x23e: {  	[sflag:s28] =	ssyncadd.s32 $0xFFFFD800  }
0x23f: {  	[spmem:s2] =	stream.indirect.scatter.add.f32 [tilespmem:s24], [sflag:$0x3], $0x80, s1, s23, $0xb8;
	[tilespmem:$0x1F780] =	vst v63  }
0x240: {  	_ =	swait.ge [sflag:s19], $0x2800  }
0x241: {  	[sflag:s19] =	ssyncset.done $0x0  }
0x242: {  	[sflag:s19] =	ssyncadd.s32 $0xFFFFD800  }
0x243: {  	s3 =	sadd.s32 $0x118000, s3;
	[bflag:$0x0] =	sbarrier.arrive $0xFFFF  }
0x244: {  	[hbm:s3], [sflag:s21] =	dma.local [spmem:s22], $0x2800  }
0x245: {  	_ =	swait.ge [sflag:s19], $0x2800  }
0x246: {  	s20 =	sadd.s32 $0x1, s20;
	s17 =	rddreg [dreg:$0x7]  }
0x247: {  	p0 =	sne.s32 s20, s17  }
.Ltmp8:
0x248: {  	_ = 	snop;
	(pc) =	sbr.rel @p0 .LBB2_1-.Ltmp8, $3  }
0x249: {  	[sflag:s19] =	ssyncset.done $0x0  }
0x24a: {  	[sflag:s19] =	ssyncadd.s32 $0xFFFFD800  }
0x24b: {  	[bflag:$0x0] =	sbarrier.arrive $0xFFFF;
	_ =	sdelay $0x1  }
0x24c: {  	_ =	sfence.sel $0x180000  }
0x24d: {  	[bflag:$0x0] =	sbarrier.arrive $0xFFFF  }
0x24e: {  	_ =	strace $0x9000004A  }
0x24f: {  	s0 =	stileid.u32;
	[bflag:$0x2] =	sbarrier.arrive $0xFFFF  }
0x250: {  	p0 =	sne.s32 s0, $0x0;
	s0 =	rddreg [dreg:$0x2]  }
0x251: {  	s0 =	sadd.s32 @!p0 $0x100000, s0  }
0x252: {  	[sflag:s0] =	ssyncadd.tile.s32 @!p0 $0x1;
	_ =	shalt  }
.Lfunc_end2:
_tile_overlayer_lowered:
.L_overlay_start_2:
0x253: {  	(tag) =	ssettag $0x2  }
0x254: {  	s0 =	rddreg [dreg:$0x0];
	s2 =	stileid.u32  }
0x255: {  	s1 =	rddreg [dreg:$0x1];
	p0 =	sne.s32 s2, $0x0  }
0x256: {  	s3 =	rddreg [dreg:$0x2];
	[bflag:$0x3] =	sbarrier.arrive $0xFFFF;
	s2 =	simm.s32 @!p0 $0x1C03  }
0x257: {  	[timem:s3], [sflag:s2] =	dma.local @!p0 [hbm:s0], s1  }
0x258: {  	s0 =	simm.s32 @!p0 $0x3  }
0x259: {  	_ =	swait.ge @!p0 [sflag:s0], s1  }
0x25a: {  	s1 =	ssub.s32 @!p0 $0x0, s1;
	[sflag:s0] =	ssyncset.done @!p0 $0x0  }
0x25b: {  	[sflag:s0] =	ssyncadd.s32 @!p0 s1  }
0x25c: {  	[bflag:$0x3] =	sbarrier.arrive $0xFFFF  }
0x25d: {  	_ =	shalt  }

// kernel: kernel.7.cloned.1.call-start
scs
__scs_entry_jumppad:
0x0: {  	(pc) =	sbr.rel $0x88, $3  }
0x1: {  	(tag) =	ssettag $0x0;
	lr =	simm.s32 $0x1  }
0x2: {  	[smem:$0x3F99] =	sst lr;
	_ =	strace $0xD0000000  }
0x3: {  	_ = 	snop  }
0x4: {  	_ = 	snop  }
0x5: {  	_ = 	snop  }
0x6: {  	_ = 	snop  }
0x7: {  	_ = 	snop  }
__scs_overlays_trampoline_lowered:
0x8: {  	[smem:$0x3FA8] =	sst s0  }
0x9: {  	[smem:$0x3FA9] =	sst s1  }
0xa: {  	[smem:$0x3FAA] =	sst s2  }
0xb: {  	[smem:$0x3FAB] =	sst s3  }
0xc: {  	[smem:$0x3FAC] =	sst s4  }
0xd: {  	[smem:$0x3FAD] =	sst s5  }
0xe: {  	[smem:$0x3FAE] =	sst s6  }
0xf: {  	[smem:$0x3FAF] =	sst s7  }
0x10: {  	[smem:$0x3FB0] =	sst s8  }
0x11: {  	[smem:$0x3FB1] =	sst s9;
	s0 =	simm.s32 @!p0 $0x0  }
0x12: {  	s1 =	sld [smem:$0x3F97];
	s0 =	simm.s32 @p0 $0x1  }
0x13: {  	[smem:$0x3FB2] =	sst s0;
	s0 =	simm.s32 @!p1 $0x0  }
0x14: {  	s2 =	sld [smem:$0x3F96];
	s0 =	simm.s32 @p1 $0x1  }
0x15: {  	[smem:$0x3FB3] =	sst s0;
	s0 =	simm.s32 @!p2 $0x0  }
0x16: {  	s3 =	sld [smem:$0x3FDB];
	s0 =	simm.s32 @p2 $0x1  }
0x17: {  	s4 =	simm.s32 $0x1BF5;
	[smem:$0x3FB5] =	sst s0  }
0x18: {  	s0 =	sld [smem:$0x3F98];
	_ =	swait.ge [sflag:s4], $0x0  }
0x19: {  	s7 =	sld [smem:$0x3F99]  }
0x1a: {  	s8 =	sadd.s32 $0xFFFFE003, lr  }
0x1b: {  	s9 =	sadd.s32 $0xFFFFFEF7, lr;
	s5 =	simm.s32 $0xFFFFFFFF;
	p2 =	slt.u32 s8, $0xFFFFF086  }
0x1c: {  	p1 =	slt.u32 s9, $0xF7A;
	s5 =	simm.s32 @!p2 $0x0  }
0x1d: {  	s5 =	simm.s32 @p1 $0x1;
	p0 =	seq.s32 s7, s2  }
0x1e: {  	s7 =	smul.u32 @!p0 $0xF7A, s2;
	p2 =	seq.s32 @!p0 s5, $0x0  }
0x1f: {  	s9 =	smul.u32 $0xF7A, s1;
	s8 =	simm.s32 @!p0 $0x1BF5;
	p2 =	por !p2, p0  }
0x20: {  	[sflag:s8] =	ssyncset.s32 @!p0 $0xFFFFF086;
	s6 =	sadd.s32 @!p0 s3, s7;
	s7 =	simm.s32 @!p0 $0x108  }
0x21: {  	s3 =	sadd.s32 s3, s9;
	s6 =	sadd.s32 @!p0 $0x88, s6;
	s7 =	simm.s32 @p2 $0x1082  }
0x22: {  	[simem:s7], [sflag:s8] =	dma.local @!p0 [hbm:s6], $0xF7A  }
0x23: {  	s9 =	sor.u32 $0xD0000000, s2;
	s6 =	simm.s32 $0x108;
	_ =	swait.ge @!p0 [sflag:s8], $0x0  }
0x24: {  	s3 =	sadd.s32 $0x88, s3;
	s6 =	simm.s32 @!p1 $0x1082;
	[sflag:s4] =	ssyncset.s32 $0xFFFFF086  }
0x25: {  	[simem:s6], [sflag:s4] =	dma.local [hbm:s3], $0xF7A  }
0x26: {  	[smem:$0x3F99] =	sst s1;
	(tag) =	ssettag s2;
	_ =	strace s9  }
0x27: {  	s1 =	sld [smem:$0x3FA9]  }
0x28: {  	s2 =	sld [smem:$0x3FAA]  }
0x29: {  	s4 =	sld [smem:$0x3FAC]  }
0x2a: {  	p0 =	seq.s32 s5, $0x0;
	s5 =	sld [smem:$0x3FAD]  }
0x2b: {  	s6 =	sld [smem:$0x3FAE]  }
0x2c: {  	s7 =	sld [smem:$0x3FAF]  }
0x2d: {  	s3 =	simm.s32 $0x108;
	s8 =	sld [smem:$0x3FB0]  }
0x2e: {  	s3 =	simm.s32 @!p0 $0x1082;
	s9 =	sld [smem:$0x3FB1]  }
0x2f: {  	lr =	sadd.s32 s0, s3;
	s0 =	sld [smem:$0x3FA8]  }
0x30: {  	s3 =	sld [smem:$0x3FAB]  }
0x31: {  	[smem:$0x3FB4] =	sst s10  }
0x32: {  	s10 =	sld [smem:$0x3FB2];
	_ =	sdelay $0x3  }
0x33: {  	p0 =	seq.s32 s10, $0x1;
	s10 =	sld [smem:$0x3FB4];
	_ =	sdelay $0x3  }
0x34: {  	[smem:$0x3FB4] =	sst s10  }
0x35: {  	s10 =	sld [smem:$0x3FB3];
	_ =	sdelay $0x3  }
0x36: {  	p1 =	seq.s32 s10, $0x1;
	s10 =	sld [smem:$0x3FB4];
	_ =	sdelay $0x3  }
0x37: {  	[smem:$0x3FB4] =	sst s10  }
0x38: {  	s10 =	sld [smem:$0x3FB5]  }
0x39: {  	_ = 	snop;
	(pc) =	sbr.ind lr, $3  }
0x3a: {  	_ = 	snop  }
0x3b: {  	_ = 	snop  }
0x3c: {  	p2 =	seq.s32 s10, $0x1;
	s10 =	sld [smem:$0x3FB4]  }
0x3d: {  	_ =	shalt  }
0x3e: {  	_ =	shalt  }
0x3f: {  	_ =	shalt  }
0x40: {  	_ =	shalt  }
0x41: {  	_ =	shalt  }
0x42: {  	_ =	shalt  }
0x43: {  	_ =	shalt  }
0x44: {  	_ =	shalt  }
0x45: {  	_ =	shalt  }
0x46: {  	_ =	shalt  }
0x47: {  	_ =	shalt  }
0x48: {  	_ =	shalt  }
0x49: {  	_ =	shalt  }
0x4a: {  	_ =	shalt  }
0x4b: {  	_ =	shalt  }
0x4c: {  	_ =	shalt  }
0x4d: {  	_ =	shalt  }
0x4e: {  	_ =	shalt  }
0x4f: {  	_ =	shalt  }
0x50: {  	_ =	shalt  }
0x51: {  	_ =	shalt  }
0x52: {  	_ =	shalt  }
0x53: {  	_ =	shalt  }
0x54: {  	_ =	shalt  }
0x55: {  	_ =	shalt  }
0x56: {  	_ =	shalt  }
0x57: {  	_ =	shalt  }
0x58: {  	_ =	shalt  }
0x59: {  	_ =	shalt  }
0x5a: {  	_ =	shalt  }
0x5b: {  	_ =	shalt  }
0x5c: {  	_ =	shalt  }
0x5d: {  	_ =	shalt  }
0x5e: {  	_ =	shalt  }
0x5f: {  	_ =	shalt  }
0x60: {  	_ =	shalt  }
0x61: {  	_ =	shalt  }
0x62: {  	_ =	shalt  }
0x63: {  	_ =	shalt  }
0x64: {  	_ =	shalt  }
0x65: {  	_ =	shalt  }
0x66: {  	_ =	shalt  }
0x67: {  	_ =	shalt  }
0x68: {  	_ =	shalt  }
0x69: {  	_ =	shalt  }
0x6a: {  	_ =	shalt  }
0x6b: {  	_ =	shalt  }
0x6c: {  	_ =	shalt  }
0x6d: {  	_ =	shalt  }
0x6e: {  	_ =	shalt  }
0x6f: {  	_ =	shalt  }
0x70: {  	_ =	shalt  }
0x71: {  	_ =	shalt  }
0x72: {  	_ =	shalt  }
0x73: {  	_ =	shalt  }
0x74: {  	_ =	shalt  }
0x75: {  	_ =	shalt  }
0x76: {  	_ =	shalt  }
0x77: {  	_ =	shalt  }
0x78: {  	_ =	shalt  }
0x79: {  	_ =	shalt  }
0x7a: {  	_ =	shalt  }
0x7b: {  	_ =	shalt  }
0x7c: {  	_ =	shalt  }
0x7d: {  	_ =	shalt  }
0x7e: {  	_ =	shalt  }
0x7f: {  	_ =	shalt  }
0x80: {  	_ =	shalt  }
0x81: {  	_ =	shalt  }
0x82: {  	_ =	shalt  }
0x83: {  	_ =	shalt  }
0x84: {  	_ =	shalt  }
0x85: {  	_ =	shalt  }
0x86: {  	_ =	shalt  }
0x87: {  	_ =	shalt  }
.Lfunc_end0:
.L_simem_size_0:
called_computation_lowered:
.L_overlay_start_0:
0x88: {  	s2 =	sld [smem:$0x3FD9]  }
0x89: {  	s3 =	sld [smem:$0x3FFE];
	_ =	sdelay $0x1  }
0x8a: {  	s1 =	srdreg.scid  }
0x8b: {  	s0 =	sand.u32 $0x1, s1  }
0x8c: {  	s17 =	sshll.u32 s0, $0xA;
	s2 =	sadd.s32 s3, s2  }
0x8d: {  	s2 =	sadd.s32 s2, s17  }
0x8e: {  	[smem:$0x3FC0] =	sst s2  }
0x8f: {  	_ = 	snop  }
0x90: {  	s2 =	sld [smem:$0x3FD0];
	(tm) =	ssettm $0x1  }
0x91: {  	s18 =	sld [smem:$0x3FFB];
	_ =	sdelay $0x3  }
0x92: {  	_ =	strace s18  }
0x93: {  	s3 =	sld [smem:$0x3FFC];
	_ =	sdelay $0x3  }
0x94: {  	_ =	strace s3  }
0x95: {  	s3 =	sld [smem:$0x3FFD];
	_ =	sdelay $0x3  }
0x96: {  	_ =	strace s3  }
0x97: {  	_ =	strace $0x8FFFFFFF  }
0x98: {  	s19 =	sld [smem:$0x3FDB];
	_ =	sdelay $0x1  }
0x99: {  	s4 =	simm.s32 $_scs_section_size  }
0x9a: {  	s5 =	simm.s32 $_size__tile_overlayer_lowered;
	s6 =	simm.s32 $_tile_overlayer_lowered  }
0x9b: {  	s22 =	simm.s32 $0x1BFF;
	s21 =	sshll.u32 s6, $0x1;
	s3 =	sadd.s32 s4, s19  }
0x9c: {  	s7 =	simm.s32 $0x0;
	s20 =	sshll.u32 s5, $0x1;
	s5 =	sadd.s32 s21, s3  }
0x9d: {  	[timem:s7], [sflag:s22] =	dma.local [hbm:s5], s20  }
0x9e: {  	_ =	swait.ge [sflag:s22], s20  }
0x9f: {  	s4 =	ssub.s32 $0x0, s20;
	[sflag:s22] =	ssyncset.done $0x0  }
0xa0: {  	[sflag:s22] =	ssyncadd.s32 s4;
	_ =	sdelay $0x1  }
0xa1: {  	s23 =	simm.s32 $0x1B8B  }
0xa2: {  	_ =	swait.ge [sflag:s23], $0x1  }
0xa3: {  	[sflag:s23] =	ssyncset.done $0x0  }
0xa4: {  	s25 =	simm.s32 $0x1B8E;
	s24 =	sld [smem:$0x3FFE];
	[sflag:s23] =	ssyncadd.s32 $0xFFFFFFFF  }
0xa5: {  	s26 =	simm.s32 $execute0_lowered;
	[smem:$0x3FD2] =	sst s25  }
0xa6: {  	s5 =	sshll.u32 s26, $0x1;
	_ =	strace $0x80000046;
	[dreg:$0x1] =	wrdreg $0xFFFFFFFF  }
0xa7: {  	s28 =	simm.s32 $_size_execute0_lowered;
	s3 =	sadd.s32 s3, s5;
	[dreg:$0x0] =	wrdreg $0x0  }
0xa8: {  	s5 =	sshll.u32 s28, $0x1;
	[dreg:$0x2] =	wrdreg s3  }
0xa9: {  	[dreg:$0x3] =	wrdreg s5  }
0xaa: {  	[dreg:$0x4] =	wrdreg $0xC0  }
0xab: {  	_ =	task [dreg:s7], $0x5FFFF  }
0xac: {  	[dreg:$0x1] =	wrdreg $0xFFFFFFFF  }
0xad: {  	[dreg:$0x0] =	wrdreg $0x60  }
0xae: {  	[dreg:$0x2] =	wrdreg s24  }
0xaf: {  	[dreg:$0x3] =	wrdreg s2  }
0xb0: {  	[dreg:$0x4] =	wrdreg $0x0  }
0xb1: {  	[dreg:$0x5] =	wrdreg $0x9  }
0xb2: {  	_ =	task.clear_ibuf [dreg:s7], $0x6FFFF;
	_ =	strace $0x90000046  }
0xb3: {  	s29 =	simm.s32 $0x9;
	_ =	strace $0x80000048  }
0xb4: {  	_ =	swait.ge [sflag:s29], $0x1  }
0xb5: {  	[sflag:s29] =	ssyncadd.s32 $0xFFFFFFFF  }
0xb6: {  	_ =	strace $0x90000048  }
0xb7: {  	_ =	sfence  }
0xb8: {  	s30 =	sld [smem:$0x0];
	_ =	sdelay $0x2  }
0xb9: {  	s31 =	sshll.u32 s1, $0xD;
	s1 =	sshrl.u32 s1, $0x2  }
0xba: {  	s3 =	sand.u32 $0x4000, s31;
	s1 =	sadd.s32 s1, s30  }
0xbb: {  	s0 =	sor.u32 s3, s0;
	s1 =	sshll.u32 s1, $0x11  }
0xbc: {  	s0 =	sor.u32 s1, s0  }
0xbd: {  	s0 =	sadd.s32 $0x8F2B, s0  }
0xbe: {  	[sflag:s0] =	ssyncadd.remote.s32 $0x1  }
0xbf: {  	_ =	sfence.sel $0xFFFF  }
0xc0: {  	[dreg:$0x0] =	wrdreg $0xFFFFFFFF;
	(pc) =	sbr.abs _section_cstart, $3  }
0xc1: {  	[dreg:$0x1] =	wrdreg $0xFFFFFFFF  }
0xc2: {  	_ =	task.clear_ibuf [dreg:s7], $0x2FFFF;
	_ =	strace $0x9FFFFFFF  }
0xc3: {  	(tm) =	ssettm $0x7FFFFFFF  }
tec
execute0_lowered:
.L_overlay_start_1:
0x0: {  	(tag) =	ssettag $0x1  }
0x1: {  	s7 =	rddreg [dreg:$0x0]  }
0x2: {  	s10 =	rddreg [dreg:$0x1]  }
0x3: {  	s1 =	rddreg [dreg:$0x2]  }
0x4: {  	s2 =	srdreg.scid;
	s3 =	simm.s32 $0x0;
	s0 =	stileid.u32  }
0x5: {  	s16 =	simm.s32 $0x1A780;
	s17 =	simm.s32 $0x14050;
	s18 =	simm.s32 $0x1CF80  }
0x6: {  	s19 =	simm.s32 $0x1;
	s20 =	simm.s32 $0x2;
	s21 =	simm.s32 $0x1A480  }
0x7: {  	s22 =	simm.s32 $0x166C0;
	s26 =	simm.s32 $0x1A580;
	s28 =	simm.s32 $0x0  }
0x8: {  	s8 =	sand.u32 $0x1, s2;
	[smem:$0x7FF] =	sst s3;
	s13 =	smul.u32 $0x50000, s0  }
0x9: {  	s31 =	sshll.u32 s0, $0x6;
	s24 =	smul.u32 $0x2800, s0;
	s4 =	sshll.u32 s8, $0x4  }
0xa: {  	_ =	strace $0x80000047;
	s11 =	smul.u32 $0x28000, s8;
	s8 =	ssub.s32 $0x2, s8  }
0xb: {  	s5 =	sor.u32 s0, s4;
	s4 =	sadd.s32 $0x1D200, s7;
	s30 =	sshrl.u32 s8, $0x1  }
0xc: {  	s13 =	sshrl.u32 s13, $0x2;
	s6 =	smul.u32 $0x4E2, s5;
	s5 =	sshll.u32 s5, $0xB  }
0xd: {  	s14 =	sadd.s32 s11, s7;
	s15 =	ssub.s32 s8, s30;
	s13 =	sadd.s32 s13, s1  }
0xe: {  	s23 =	sadd.s32 s10, s11;
	s12 =	sadd.s32 s5, s7;
	s5 =	sadd.s32 $0x45800, s7  }
0xf: {  	s25 =	sadd.s32 $0x48000, s14;
	s10 =	smax.u32 s15, $0x1;
	s11 =	sshrl.u32 s13, $0x3  }
0x10: {  	s13 =	simm.s32 $0x14000;
	s14 =	simm.s32 $0x16780;
	s15 =	simm.s32 $0x50  }
0x11: {  	s23 =	sadd.s32 s24, s23;
	s9 =	sadd.s32 s6, s7;
	s6 =	sadd.s32 $0x45200, s7  }
0x12: {  	s7 =	sor.u32 $0x1C03, s31;
	s24 =	sadd.s32 s24, s25;
	s25 =	simm.s32 $0x1A500  }
0x13: {  	s8 =	sadd.s32 $0x3400, s9;
	s9 =	sadd.s32 $0xD200, s12;
	s12 =	simm.s32 $0x3  }
.LBB2_1:
0x14: {  	[spmem:s11], [sflag:s7] =	dma.local [hbm:s5], $0x2800  }
0x15: {  	_ =	swait.ge [sflag:s12], $0x2800  }
0x16: {  	[sflag:s12] =	ssyncset.done $0x0  }
0x17: {  	[sflag:s12] =	ssyncadd.s32 $0xFFFFD800  }
0x18: {  	[tilespmem:s13], [sflag:$0x3] =	stream.linear.gather [hbm4b:s8+s3], $0x2710, $0x38;
	[tilespmem:$0x1F780] =	vst v63  }
0x19: {  	_ =	swait.ge [sflag:s12], $0x2710  }
0x1a: {  	[sflag:s12] =	ssyncset.done $0x0  }
0x1b: {  	[sflag:s12] =	ssyncadd.s32 $0xFFFFD8F0  }
0x1c: {  	[tilespmem:s14], [sflag:$0x3] =	stream.linear.gather [hbm4b:s9+s3], $0x3E80, $0x38;
	[tilespmem:$0x1F780] =	vst v63  }
0x1d: {  	_ =	swait.ge [sflag:s12], $0x3E80  }
0x1e: {  	[sflag:s12] =	ssyncset.done $0x0  }
0x1f: {  	[sflag:s12] =	ssyncadd.s32 $0xFFFFC180  }
0x20: {  	[bflag:$0x0] =	sbarrier.arrive $0xFFFF  }
0x21: {  	[tilespmem:s16], [sflag:$0x1] =	stream.indirect.gather [hbm4b:s4+s15], $0x80, s13, s15, $0xb8;
	[tilespmem:$0x1F780] =	vst v63  }
0x22: {  	_ = 	snop  }
0x23: {  	[tilespmem:s18], [sflag:$0x2] =	stream.indirect.gather [hbm4b:s4+s15], $0x80, s17, s15, $0xb8;
	[tilespmem:$0x1F780] =	vst v63  }
0x24: {  	_ =	swait.ge [sflag:s19], $0x2800  }
0x25: {  	[sflag:s19] =	ssyncset.done $0x0  }
0x26: {  	s29 =	simm.s32 $0x16780;
	[sflag:s19] =	ssyncadd.s32 $0xFFFFD800  }
0x27: {  	[spmem:s1] =	stream.indirect.scatter.add.f32 [tilespmem:s16], [sflag:$0x3], $0x80, s29, s15, $0xb8;
	[tilespmem:$0x1F780] =	vst v63  }
0x28: {  	_ =	swait.ge [sflag:s12], $0x2800  }
0x29: {  	[sflag:s12] =	ssyncset.done $0x0  }
0x2a: {  	s29 =	simm.s32 $0x140A0;
	[sflag:s12] =	ssyncadd.s32 $0xFFFFD800  }
0x2b: {  	[tilespmem:s16], [sflag:$0x1] =	stream.indirect.gather [hbm4b:s4+s15], $0x80, s29, s15, $0xb8;
	[tilespmem:$0x1F780] =	vst v63  }
0x2c: {  	_ =	swait.ge [sflag:s20], $0x2800  }
0x2d: {  	[sflag:s20] =	ssyncset.done $0x0  }
0x2e: {  	s29 =	simm.s32 $0x16800;
	[sflag:s20] =	ssyncadd.s32 $0xFFFFD800  }
0x2f: {  	[spmem:s1] =	stream.indirect.scatter.add.f32 [tilespmem:s18], [sflag:$0x3], $0x80, s29, s15, $0xb8;
	[tilespmem:$0x1F780] =	vst v63  }
0x30: {  	_ =	swait.ge [sflag:s12], $0x2800  }
0x31: {  	s30 =	simm.s32 $0x400;
	[sflag:s12] =	ssyncset.done $0x0  }
0x32: {  	s31 =	simm.s32 $0x14190;
	s29 =	simm.s32 $0x140F0;
	[sflag:s12] =	ssyncadd.s32 $0xFFFFD800  }
.LBB2_2:
0x33: {  	[tilespmem:s18], [sflag:$0x2] =	stream.indirect.gather [hbm4b:s4+s15], $0x80, s29, s15, $0xb8;
	[tilespmem:$0x1F780] =	vst v63  }
0x34: {  	s0 =	smov.u32 s30;
	s29 =	smov.u32 s31  }
0x35: {  	p0 =	sne.s32 s30, $0xF000;
	s30 =	sadd.s32 $0x400, s30;
	_ =	swait.ge [sflag:s19], $0x2800  }
0x36: {  	s0 =	sshra.s32 s0, $0x2;
	[sflag:s19] =	ssyncset.done $0x0  }
0x37: {  	s2 =	sadd.s32 $0x16780, s0;
	[sflag:s19] =	ssyncadd.s32 $0xFFFFD800  }
0x38: {  	[spmem:s1] =	stream.indirect.scatter.add.f32 [tilespmem:s16], [sflag:$0x3], $0x80, s2, s15, $0xb8;
	[tilespmem:$0x1F780] =	vst v63  }
0x39: {  	_ =	swait.ge [sflag:s12], $0x2800  }
0x3a: {  	[sflag:s12] =	ssyncset.done $0x0  }
0x3b: {  	s2 =	sadd.s32 $0xFFFFFFB0, s31;
	[sflag:s12] =	ssyncadd.s32 $0xFFFFD800  }
0x3c: {  	[tilespmem:s16], [sflag:$0x1] =	stream.indirect.gather [hbm4b:s4+s15], $0x80, s2, s15, $0xb8;
	[tilespmem:$0x1F780] =	vst v63  }
0x3d: {  	_ =	swait.ge [sflag:s20], $0x2800  }
0x3e: {  	[sflag:s20] =	ssyncset.done $0x0  }
.Ltmp0:
0x3f: {  	s0 =	sadd.s32 $0x16800, s0;
	[sflag:s20] =	ssyncadd.s32 $0xFFFFD800;
	(pc) =	sbr.rel @p0 .LBB2_2-.Ltmp0, $4  }
0x40: {  	[spmem:s1] =	stream.indirect.scatter.add.f32 [tilespmem:s18], [sflag:$0x3], $0x80, s0, s15, $0xb8;
	[tilespmem:$0x1F780] =	vst v63  }
0x41: {  	_ =	swait.ge [sflag:s12], $0x2800  }
0x42: {  	[sflag:s12] =	ssyncset.done $0x0  }
0x43: {  	s31 =	sadd.s32 $0xA0, s31;
	[sflag:s12] =	ssyncadd.s32 $0xFFFFD800  }
0x44: {  	[tilespmem:s18], [sflag:$0x2] =	stream.indirect.gather [hbm4b:s4+s15], $0x80, s29, s15, $0xb8;
	[tilespmem:$0x1F780] =	vst v63  }
0x45: {  	_ =	swait.ge [sflag:s19], $0x2800  }
0x46: {  	[sflag:s19] =	ssyncset.done $0x0  }
0x47: {  	[sflag:s19] =	ssyncadd.s32 $0xFFFFD800  }
0x48: {  	[spmem:s1] =	stream.indirect.scatter.add.f32 [tilespmem:s16], [sflag:$0x3], $0x80, s21, s15, $0xb8;
	[tilespmem:$0x1F780] =	vst v63  }
0x49: {  	_ =	swait.ge [sflag:s12], $0x2800  }
0x4a: {  	[sflag:s12] =	ssyncset.done $0x0  }
0x4b: {  	[sflag:s12] =	ssyncadd.s32 $0xFFFFD800  }
0x4c: {  	[tilespmem:s16], [sflag:$0x1] =	stream.indirect.gather [hbm4b:s4+s15], $0x80, s22, s15, $0xb8;
	[tilespmem:$0x1F780] =	vst v63  }
0x4d: {  	_ =	swait.ge [sflag:s20], $0x2800  }
0x4e: {  	[sflag:s20] =	ssyncset.done $0x0  }
0x4f: {  	[sflag:s20] =	ssyncadd.s32 $0xFFFFD800  }
0x50: {  	[spmem:s1] =	stream.indirect.scatter.add.f32 [tilespmem:s18], [sflag:$0x3], $0x80, s25, s15, $0xb8;
	[tilespmem:$0x1F780] =	vst v63  }
0x51: {  	_ =	swait.ge [sflag:s12], $0x2800  }
0x52: {  	[sflag:s12] =	ssyncset.done $0x0  }
0x53: {  	[sflag:s12] =	ssyncadd.s32 $0xFFFFD800  }
0x54: {  	_ =	swait.ge [sflag:s19], $0x2800  }
0x55: {  	[sflag:s19] =	ssyncset.done $0x0  }
0x56: {  	[sflag:s19] =	ssyncadd.s32 $0xFFFFD800  }
0x57: {  	[spmem:s1] =	stream.indirect.scatter.add.f32 [tilespmem:s16], [sflag:$0x3], $0x80, s26, s15, $0xb8;
	[tilespmem:$0x1F780] =	vst v63  }
0x58: {  	_ =	swait.ge [sflag:s12], $0x2800  }
0x59: {  	[sflag:s12] =	ssyncset.done $0x0  }
0x5a: {  	[sflag:s12] =	ssyncadd.s32 $0xFFFFD800  }
0x5b: {  	[bflag:$0x0] =	sbarrier.arrive $0xFFFF  }
0x5c: {  	[hbm:s23], [sflag:s7] =	dma.local [spmem:s11], $0x2800  }
0x5d: {  	_ =	swait.ge [sflag:s12], $0x2800  }
0x5e: {  	[sflag:s12] =	ssyncset.done $0x0  }
0x5f: {  	[sflag:s12] =	ssyncadd.s32 $0xFFFFD800  }
0x60: {  	[bflag:$0x0] =	sbarrier.arrive $0xFFFF  }
0x61: {  	[spmem:s11], [sflag:s7] =	dma.local [hbm:s5], $0x2800  }
0x62: {  	_ =	swait.ge [sflag:s12], $0x2800  }
0x63: {  	[sflag:s12] =	ssyncset.done $0x0  }
0x64: {  	s0 =	simm.s32 $0x0;
	[sflag:s12] =	ssyncadd.s32 $0xFFFFD800  }
0x65: {  	[tilespmem:s16], [sflag:$0x3] =	stream.linear.gather [hbm4b:s6+s0], $0x2800, $0x38;
	[tilespmem:$0x1F780] =	vst v63  }
0x66: {  	_ =	swait.ge [sflag:s12], $0x2800  }
0x67: {  	[sflag:s12] =	ssyncset.done $0x0  }
0x68: {  	[sflag:s12] =	ssyncadd.s32 $0xFFFFD800  }
0x69: {  	s31 =	simm.s32 $0x16780;
	[bflag:$0x0] =	sbarrier.arrive $0xFFFF  }
0x6a: {  	[spmem:s1] =	stream.indirect.scatter.add.f32 [tilespmem:s16], [sflag:$0x3], $0x80, s31, s15, $0xb8;
	[tilespmem:$0x1F780] =	vst v63  }
0x6b: {  	s29 =	simm.s32 $0x200;
	_ =	swait.ge [sflag:s12], $0x2800  }
.LBB2_4:
0x6c: {  	s0 =	sshra.s32 s29, $0x2;
	[sflag:s12] =	ssyncset.done $0x0;
	p0 =	sne.s32 s29, $0xF800  }
.Ltmp1:
0x6d: {  	s0 =	sadd.s32 $0x16780, s0;
	[sflag:s12] =	ssyncadd.s32 $0xFFFFD800;
	(pc) =	sbr.rel @p0 .LBB2_4-.Ltmp1, $3  }
0x6e: {  	[spmem:s1] =	stream.indirect.scatter.add.f32 [tilespmem:s16], [sflag:$0x3], $0x80, s0, s15, $0xb8;
	[tilespmem:$0x1F780] =	vst v63  }
0x6f: {  	s29 =	sadd.s32 $0x200, s29;
	_ =	sdelay $0x1  }
0x70: {  	_ =	swait.ge [sflag:s12], $0x2800  }
0x71: {  	[sflag:s12] =	ssyncset.done $0x0;
	s28 =	sadd.s32 $0x1, s28  }
0x72: {  	[sflag:s12] =	ssyncadd.s32 $0xFFFFD800;
	p0 =	sne.s32 s28, s10  }
.Ltmp2:
0x73: {  	[bflag:$0x0] =	sbarrier.arrive $0xFFFF;
	(pc) =	sbr.rel @p0 .LBB2_1-.Ltmp2, $4  }
0x74: {  	[hbm:s24], [sflag:s7] =	dma.local [spmem:s11], $0x2800  }
0x75: {  	_ =	swait.ge [sflag:s12], $0x2800  }
0x76: {  	[sflag:s12] =	ssyncset.done $0x0  }
0x77: {  	[sflag:s12] =	ssyncadd.s32 $0xFFFFD800  }
0x78: {  	_ =	sfence.sel $0x180000  }
0x79: {  	[bflag:$0x0] =	sbarrier.arrive $0xFFFF  }
0x7a: {  	_ =	strace $0x90000047  }
0x7b: {  	s0 =	stileid.u32;
	[bflag:$0x2] =	sbarrier.arrive $0xFFFF  }
0x7c: {  	p0 =	sne.s32 s0, $0x0;
	s0 =	rddreg [dreg:$0x3]  }
0x7d: {  	s0 =	sadd.s32 @!p0 $0x100000, s0  }
0x7e: {  	[sflag:s0] =	ssyncadd.tile.s32 @!p0 $0x1;
	_ =	shalt  }
.Lfunc_end2:
_tile_overlayer_lowered:
.L_overlay_start_2:
0x7f: {  	(tag) =	ssettag $0x2  }
0x80: {  	s0 =	rddreg [dreg:$0x0];
	s2 =	stileid.u32  }
0x81: {  	s1 =	rddreg [dreg:$0x1];
	p0 =	sne.s32 s2, $0x0  }
0x82: {  	s3 =	rddreg [dreg:$0x2];
	[bflag:$0x3] =	sbarrier.arrive $0xFFFF;
	s2 =	simm.s32 @!p0 $0x1C03  }
0x83: {  	[timem:s3], [sflag:s2] =	dma.local @!p0 [hbm:s0], s1  }
0x84: {  	s0 =	simm.s32 @!p0 $0x3  }
0x85: {  	_ =	swait.ge @!p0 [sflag:s0], s1  }
0x86: {  	s1 =	ssub.s32 @!p0 $0x0, s1;
	[sflag:s0] =	ssyncset.done @!p0 $0x0  }
0x87: {  	[sflag:s0] =	ssyncadd.s32 @!p0 s1  }
0x88: {  	[bflag:$0x3] =	sbarrier.arrive $0xFFFF  }
0x89: {  	_ =	shalt  }

</sc_bundles>
